<compile_context>
chip_gen: v7x
topology: tpu7x:2x2x1
jax: 0.10.2.dev20260603
libtpu: 0.0.44.dev20260713+nightly
codegen_flags: <defaults>
</compile_context>

<pallas_src>
import functools
import jax
import jax.numpy as jnp
from jax import lax
from jax.experimental import pallas as pl
from jax.experimental.pallas import tpu as pltpu
from jax.experimental.pallas import tpu_sc as plsc

_N = 10000
_E = 320000
_D = 128
_T = 16

_NC = 2
_NS = 16
_NW = _NC * _NS

_EP = 327680
_R = _EP // 128
_RW = _R // _NW
_C1R = 16
_C2R = 2


def _node_tables_body(x_ref, wq_ref, bq_ref, wk_ref, bk_ref, wv_ref, bv_ref,
                      mw_ref, mb_ref, p1_ref, p2_ref, m_ref, s8_ref):
    x = x_ref[...]
    cdim = (((1,), (1,)), ((), ()))
    hk = lax.dot_general(x, wk_ref[...], cdim) + bk_ref[...]
    hq = lax.dot_general(x, wq_ref[...], cdim) + bq_ref[...]
    hv = lax.dot_general(x, wv_ref[...], cdim) + bv_ref[...]
    m_ref[...] = lax.dot_general(hv, mw_ref[...], cdim) + mb_ref[...]
    s8_ref[...] = jnp.dot(hk, p1_ref[...]) + jnp.dot(hq, p2_ref[...])


def _node_tables(x, Wq_w, Wq_b, Wk_w, Wk_b, Wv_w, Wv_b, msg_w, msg_b, p1, p2):
    bn = 1000
    full = lambda s: pl.BlockSpec(s, lambda i: (0, 0))
    return pl.pallas_call(
        _node_tables_body,
        grid=(_N // bn,),
        in_specs=[
            pl.BlockSpec((bn, _D), lambda i: (i, 0)),
            full((_D, _D)), full((1, _D)),
            full((_D, _D)), full((1, _D)),
            full((_D, _D)), full((1, _D)),
            full((_D, _D)), full((1, _D)),
            full((_D, 8)), full((_D, 8)),
        ],
        out_specs=[
            pl.BlockSpec((bn, _D), lambda i: (i, 0)),
            pl.BlockSpec((bn, 8), lambda i: (i, 0)),
        ],
        out_shape=[
            jax.ShapeDtypeStruct((_N, _D), jnp.float32),
            jax.ShapeDtypeStruct((_N, 8), jnp.float32),
        ],
    )(x, Wq_w, Wq_b.reshape(1, _D), Wk_w, Wk_b.reshape(1, _D),
      Wv_w, Wv_b.reshape(1, _D), msg_w, msg_b.reshape(1, _D), p1, p2)


def _edge_mlp_body(ft_ref, w1_ref, b1_ref, w2_ref, b2_ref, gr_ref, grb_ref,
                   out_ref):
    ftb = ft_ref[...]
    c10 = (((1,), (0,)), ((), ()))
    hid = lax.dot_general(w1_ref[...], ftb, c10) + b1_ref[...]
    hid = jnp.maximum(hid, 0.0)
    bT = lax.dot_general(w2_ref[...], hid, c10) + b2_ref[...]
    g1T = lax.dot_general(gr_ref[...], ftb, c10) + grb_ref[...]
    out_ref[...] = jnp.concatenate(
        [bT, g1T, jnp.zeros((6, bT.shape[1]), jnp.float32)], axis=0)


def _edge_mlp(ftp, rule_w1, rule_b1, rule_w2, rule_b2, gr_w, gr_b):
    be = 8192
    full = lambda s: pl.BlockSpec(s, lambda i: (0, 0))
    return pl.pallas_call(
        _edge_mlp_body,
        grid=(_EP // be,),
        in_specs=[
            pl.BlockSpec((4, be), lambda i: (0, i)),
            full((_D, 4)), full((_D, 1)),
            full((1, _D)), full((1, 1)),
            full((1, 4)), full((1, 1)),
        ],
        out_specs=pl.BlockSpec((8, be), lambda i: (0, i)),
        out_shape=jax.ShapeDtypeStruct((8, _EP), jnp.float32),
    )(ftp, rule_w1, rule_b1.reshape(_D, 1), rule_w2, rule_b2.reshape(1, 1),
      gr_w, gr_b.reshape(1, 1))


def _combine_body(o2_ref, sx_ref, den_ref, rel_ref, mw_ref, out_ref):
    r2 = lax.dot_general(rel_ref[...], mw_ref[...],
                         (((1,), (1,)), ((), ())))
    s = sx_ref[...] / (den_ref[...] + 1e-16)
    o2 = o2_ref[...]
    out_ref[...] = o2[0] + o2[1] + jnp.dot(s, r2)


def _combine(out2, sx, den, rel_emb, msg_w):
    bn = 1000
    return pl.pallas_call(
        _combine_body,
        grid=(_N // bn,),
        in_specs=[
            pl.BlockSpec((_NC, bn, _D), lambda i: (0, i, 0)),
            pl.BlockSpec((bn, _T), lambda i: (i, 0)),
            pl.BlockSpec((bn, 1), lambda i: (i, 0)),
            pl.BlockSpec((_T, _D), lambda i: (0, 0)),
            pl.BlockSpec((_D, _D), lambda i: (0, 0)),
        ],
        out_specs=pl.BlockSpec((bn, _D), lambda i: (i, 0)),
        out_shape=jax.ShapeDtypeStruct((_N, _D), jnp.float32),
    )(out2, sx, den, rel_emb, msg_w)


def _sc_mesh():
    return plsc.VectorSubcoreMesh(core_axis_name="c", subcore_axis_name="s",
                                  num_cores=_NC)


@functools.partial(
    pl.kernel,
    mesh=_sc_mesh(),
    compiler_params=pltpu.CompilerParams(needs_layout_passes=False),
    out_type=[
        jax.ShapeDtypeStruct((_R, 128), jnp.float32),
        jax.ShapeDtypeStruct((_R, 128), jnp.float32),
        jax.ShapeDtypeStruct((_NC, _N), jnp.float32),
        jax.ShapeDtypeStruct((_NC, _N * _T), jnp.float32),
    ],
    scratch_types=[
        pltpu.VMEM((_N,), jnp.float32),
        pltpu.VMEM((_N,), jnp.float32),
        pltpu.VMEM((_N,), jnp.float32),
        pltpu.VMEM((_N,), jnp.float32),
        pltpu.VMEM((_T,), jnp.float32),
        pltpu.VMEM((_C1R, 128), jnp.int32),
        pltpu.VMEM((_C1R, 128), jnp.int32),
        pltpu.VMEM((_C1R, 128), jnp.int32),
        pltpu.VMEM((_C1R, 128), jnp.int32),
        pltpu.VMEM((_C1R, 128), jnp.float32),
        pltpu.VMEM((_C1R, 128), jnp.float32),
        pltpu.VMEM((_C1R, 128), jnp.float32),
        pltpu.VMEM((_C1R, 128), jnp.float32),
        pltpu.VMEM((_N,), jnp.float32),
        pltpu.VMEM_SHARED((_N,), jnp.float32),
        pltpu.VMEM_SHARED((_N * _T,), jnp.float32),
        pltpu.SemaphoreType.DMA,
    ],
)
def _sc_pass1(src_h, dst_h, et_h, b_h, g1_h, sk_h, sq_h, tk_h, tq_h, sr_h,
              zeron_h, gam_h, ex_h, den_h, sx2_h,
              sk_v, sq_v, tk_v, tq_v, sr_v, src_v, dst_v, et_v, sxi_v,
              b_v, g1_v, gam_v, ex_v, zn_v, den_sh, sx_sh, sem):
    cid = lax.axis_index("c")
    sid = lax.axis_index("s")
    rbase = (sid * _NC + cid) * _RW

    pltpu.sync_copy(sk_h, sk_v)
    pltpu.sync_copy(sq_h, sq_v)
    pltpu.sync_copy(tk_h, tk_v)
    pltpu.sync_copy(tq_h, tq_v)
    pltpu.sync_copy(sr_h, sr_v)

    @pl.when(sid == 0)
    def _():
        pltpu.sync_copy(zeron_h, zn_v)
        pltpu.sync_copy(zn_v, den_sh)
        for t in range(_T):
            pltpu.sync_copy(zn_v, sx_sh.at[pl.ds(t * _N, _N)])

    plsc.subcore_barrier()

    def chunk(ci, carry):
        roff = rbase + ci * _C1R
        c1 = pltpu.async_copy(src_h.at[pl.ds(roff, _C1R)], src_v, sem)
        c2 = pltpu.async_copy(dst_h.at[pl.ds(roff, _C1R)], dst_v, sem)
        c3 = pltpu.async_copy(et_h.at[pl.ds(roff, _C1R)], et_v, sem)
        c4 = pltpu.async_copy(b_h.at[pl.ds(roff, _C1R)], b_v, sem)
        c5 = pltpu.async_copy(g1_h.at[pl.ds(roff, _C1R)], g1_v, sem)
        c1.wait(); c2.wait(); c3.wait(); c4.wait(); c5.wait()

        def row(r, carry2):
            for k in range(8):
                sl = pl.ds(k * 16, 16)
                sj = src_v[r, sl]
                dj = dst_v[r, sl]
                ej = et_v[r, sl]
                ask = plsc.load_gather(sk_v, [sj])
                asq = plsc.load_gather(sq_v, [dj])
                atk = plsc.load_gather(tk_v, [sj])
                atq = plsc.load_gather(tq_v, [dj])
                asr = plsc.load_gather(sr_v, [ej])
                eb = ask + asq + asr
                eb = jnp.where(eb >= 0.0, eb, 0.2 * eb)
                g = 1.0 / (1.0 + jnp.exp(-(g1_v[r, sl] + atk + atq)))
                ev = eb + g * b_v[r, sl]
                ex = jnp.exp(ev)
                gidx = (roff + r) * 128 + k * 16 + lax.iota(jnp.int32, 16)
                ex = jnp.where(gidx < _E, ex, 0.0)
                gam_v[r, sl] = g
                ex_v[r, sl] = ex
                sxi_v[r, sl] = dj * _T + ej
            return carry2

        lax.fori_loop(0, _C1R, row, 0)

        pltpu.sync_copy(gam_v, gam_h.at[pl.ds(roff, _C1R)])
        pltpu.sync_copy(ex_v, ex_h.at[pl.ds(roff, _C1R)])
        for r in range(_C1R):
            pltpu.sync_copy(ex_v.at[r], den_sh.at[dst_v.at[r]], add=True)
            pltpu.sync_copy(ex_v.at[r], sx_sh.at[sxi_v.at[r]], add=True)
        return carry

    lax.fori_loop(0, _RW // _C1R, chunk, 0)
    plsc.subcore_barrier()

    @pl.when(sid == 0)
    def _():
        pltpu.sync_copy(den_sh, den_h.at[cid])
        pltpu.sync_copy(sx_sh, sx2_h.at[cid])


@functools.partial(
    pl.kernel,
    mesh=_sc_mesh(),
    compiler_params=pltpu.CompilerParams(needs_layout_passes=False),
    out_type=[
        jax.ShapeDtypeStruct((_R, 128), jnp.float32),
        jax.ShapeDtypeStruct((_NC, _N, _D), jnp.float32),
    ],
    scratch_types=[
        pltpu.VMEM((_N,), jnp.float32),
        pltpu.VMEM((_C2R, 128), jnp.int32),
        pltpu.VMEM((_C2R, 128), jnp.int32),
        pltpu.VMEM((_C2R, 128), jnp.float32),
        pltpu.VMEM((_C2R, 128), jnp.float32),
        pltpu.VMEM((_C2R * 128,), jnp.float32),
        pltpu.VMEM((_C2R * 128, _D), jnp.float32),
        pltpu.VMEM_SHARED((_N, _D), jnp.float32),
        pltpu.SemaphoreType.DMA,
    ],
)
def _sc_pass2(src_h, dst_h, exm_h, den_h, m_h,
              al_h, out2_h,
              d_v, src_v, dst_v, ex_v, al_v, alf_v,
              rows_v, out_sh, sem_g):
    cid = lax.axis_index("c")
    sid = lax.axis_index("s")
    pair = _RW * _NC
    w0 = 110
    rbase = sid * pair + cid * w0
    nch = jnp.where(cid == 0, w0 // _C2R, (pair - w0) // _C2R)
    nrow = _N // _NS

    pltpu.sync_copy(den_h.at[0], d_v)

    def zrow(e, c):
        for cc in range(_D // 16):
            rows_v[e, pl.ds(cc * 16, 16)] = jnp.zeros((16,), jnp.float32)
        return c
    lax.fori_loop(0, _C2R * 128, zrow, 0)

    left = nrow
    zoff = 0
    while left > 0:
        cnt = min(left, _C2R * 128)
        pltpu.sync_copy(rows_v.at[pl.ds(0, cnt)],
                        out_sh.at[pl.ds(sid * nrow + zoff, cnt)])
        zoff += cnt
        left -= cnt
    plsc.subcore_barrier()

    def chunk(ci, carry):
        roff = rbase + ci * _C2R
        c1 = pltpu.async_copy(src_h.at[pl.ds(roff, _C2R)], src_v, sem_g)
        c2 = pltpu.async_copy(dst_h.at[pl.ds(roff, _C2R)], dst_v, sem_g)
        c3 = pltpu.async_copy(exm_h.at[pl.ds(roff, _C2R)], ex_v, sem_g)
        c1.wait(); c2.wait(); c3.wait()

        gcs = []
        for r in range(_C2R):
            gcs.append(pltpu.async_copy(
                m_h.at[src_v.at[r]],
                rows_v.at[pl.ds(r * 128, 128)], sem_g))
        for gc in gcs:
            gc.wait()

        for r in range(_C2R):
            for k in range(8):
                sl = pl.ds(k * 16, 16)
                dj = dst_v[r, sl]
                den = plsc.load_gather(d_v, [dj])
                al = ex_v[r, sl] / (den + 1e-16)
                al_v[r, sl] = al
                alf_v[pl.ds(r * 128 + k * 16, 16)] = al

        def escale(e, carry2):
            spl = plsc.load_gather(alf_v,
                                   [jnp.full((16,), 0, jnp.int32) + e])
            for c in range(_D // 16):
                csl = pl.ds(c * 16, 16)
                rows_v[e, csl] = rows_v[e, csl] * spl
            return carry2

        lax.fori_loop(0, _C2R * 128, escale, 0)

        pltpu.sync_copy(al_v, al_h.at[pl.ds(roff, _C2R)])
        for r in range(_C2R):
            pltpu.sync_copy(rows_v.at[pl.ds(r * 128, 128)],
                            out_sh.at[dst_v.at[r]], add=True)
        return carry

    lax.fori_loop(0, nch, chunk, 0)
    plsc.subcore_barrier()

    @pl.when(sid < 10)
    def _copy_out():
        pltpu.sync_copy(out_sh.at[pl.ds(sid * 1000, 1000)],
                        out2_h.at[cid, pl.ds(sid * 1000, 1000)])


def kernel(x, edge_index, edge_type, edge_rule_feat, total_nodes,
           Wq_w, Wq_b, Wk_w, Wk_b, Wv_w, Wv_b, rel_emb, attn_vec,
           rule_w1, rule_b1, rule_w2, rule_b2, gr_w, gr_b, gn_w, gn_b,
           msg_w, msg_b):
    a1 = attn_vec[:_D]
    a2 = attn_vec[_D:2 * _D]
    a3 = attn_vec[2 * _D:]
    gn1 = gn_w[0, :_D]
    gn2 = gn_w[0, _D:]

    zz = jnp.zeros_like(a1)
    p1 = jnp.stack([a1, zz, gn1, zz, zz, zz, zz, zz], axis=1)
    p2 = jnp.stack([zz, a2, zz, gn2, zz, zz, zz, zz], axis=1)

    m_tab, s8 = _node_tables(x, Wq_w, Wq_b, Wk_w, Wk_b, Wv_w, Wv_b,
                             msg_w, msg_b, p1, p2)
    sk = s8[:, 0]
    sq = s8[:, 1]
    tk = s8[:, 2]
    tq = s8[:, 3]
    sr = rel_emb @ a3

    pad = _EP - _E
    pz = jnp.zeros((pad,), jnp.int32)
    src2 = jnp.concatenate([edge_index[0], pz]).reshape(_R, 128)
    dst2 = jnp.concatenate([edge_index[1], pz]).reshape(_R, 128)
    et2 = jnp.concatenate([edge_type, pz]).reshape(_R, 128)
    ftp = jnp.concatenate(
        [edge_rule_feat, jnp.zeros((pad, 4), jnp.float32)]).T

    bg = _edge_mlp(ftp, rule_w1, rule_b1, rule_w2, rule_b2, gr_w, gr_b)
    b_ij_p = bg[0]
    g1_p = bg[1]
    b2d = b_ij_p.reshape(_R, 128)
    g12d = g1_p.reshape(_R, 128)

    zeron = jnp.zeros((_N,), jnp.float32)
    gam2, ex2, den2, sx2 = _sc_pass1(src2, dst2, et2, b2d, g12d,
                                     sk, sq, tk, tq, sr, zeron)

    den_sum = (den2[0] + den2[1]).reshape(1, _N)
    al2, out2 = _sc_pass2(src2, dst2, ex2, den_sum, m_tab)

    sx = (sx2[0] + sx2[1]).reshape(_N, _T)
    den_col = den_sum.reshape(_N, 1)
    out = _combine(out2, sx, den_col, rel_emb, msg_w)

    alpha = al2.reshape(-1)[:_E]
    gamma = gam2.reshape(-1)[:_E]
    b_ij = b_ij_p[:_E]
    return (out, alpha, gamma, b_ij)

# --- scband reference (transcript-rebuilt; emitter-appended) ---
"""Pipeline reference for scband-rgapconv-17995912970446 (READ-ONLY COPY).

The authoritative reference and input builder live on the scoring server;
editing this copy changes nothing except your own understanding.
"""

import jax, jax.numpy as jnp
import numpy as np

N = 10000
E = 320000
D = 128
T = 16
RF = 4


def setup_inputs(seed: int = 0) -> dict:
    key = jax.random.key(seed)
    ks = jax.random.split(key, 24)
    s = 0.05
    inp = {}
    inp['x'] = jax.random.normal(ks[0], (N, D), dtype=jnp.float32)
    inp['edge_index'] = jax.random.randint(ks[1], (2, E), 0, N, dtype=jnp.int32)
    inp['edge_type'] = jax.random.randint(ks[2], (E,), 0, T, dtype=jnp.int32)
    inp['edge_rule_feat'] = jax.random.uniform(ks[3], (E, RF), dtype=jnp.float32)
    inp['total_nodes'] = N
    inp['Wq_w'] = jax.random.normal(ks[4], (D, D), dtype=jnp.float32) * s
    inp['Wq_b'] = jnp.zeros((D,), dtype=jnp.float32)
    inp['Wk_w'] = jax.random.normal(ks[5], (D, D), dtype=jnp.float32) * s
    inp['Wk_b'] = jnp.zeros((D,), dtype=jnp.float32)
    inp['Wv_w'] = jax.random.normal(ks[6], (D, D), dtype=jnp.float32) * s
    inp['Wv_b'] = jnp.zeros((D,), dtype=jnp.float32)
    inp['rel_emb'] = jax.random.normal(ks[7], (T, D), dtype=jnp.float32) * s
    inp['attn_vec'] = jax.random.normal(ks[8], (3 * D,), dtype=jnp.float32)
    inp['rule_w1'] = jax.random.normal(ks[9], (D, RF), dtype=jnp.float32) * s
    inp['rule_b1'] = jnp.zeros((D,), dtype=jnp.float32)
    inp['rule_w2'] = jax.random.normal(ks[10], (1, D), dtype=jnp.float32) * s
    inp['rule_b2'] = jnp.zeros((1,), dtype=jnp.float32)
    inp['gr_w'] = jax.random.normal(ks[11], (1, RF), dtype=jnp.float32) * s
    inp['gr_b'] = jnp.zeros((1,), dtype=jnp.float32)
    inp['gn_w'] = jax.random.normal(ks[12], (1, 2 * D), dtype=jnp.float32) * s
    inp['gn_b'] = jnp.zeros((1,), dtype=jnp.float32)
    inp['msg_w'] = jax.random.normal(ks[13], (D, D), dtype=jnp.float32) * s
    inp['msg_b'] = jnp.zeros((D,), dtype=jnp.float32)
    return inp


def reference(x, edge_index, edge_type, edge_rule_feat, total_nodes, Wq_w, Wq_b, Wk_w, Wk_b, Wv_w, Wv_b, rel_emb, attn_vec, rule_w1, rule_b1, rule_w2, rule_b2, gr_w, gr_b, gn_w, gn_b, msg_w, msg_b):
    src = edge_index[0]
    dst = edge_index[1]
    h_src = x[src] @ Wk_w.T + Wk_b
    h_dst = x[dst] @ Wq_w.T + Wq_b
    rel = rel_emb[edge_type]
    base_in = jnp.concatenate([h_src, h_dst, rel], axis=1)
    e_base = jax.nn.leaky_relu(jnp.sum(base_in * attn_vec, axis=1), negative_slope=0.2)
    hid = jax.nn.relu(edge_rule_feat @ rule_w1.T + rule_b1)
    b_ij = (hid @ rule_w2.T + rule_b2)[:, 0]
    g1 = (edge_rule_feat @ gr_w.T + gr_b)[:, 0]
    g2 = (jnp.concatenate([h_src, h_dst], axis=1) @ gn_w.T + gn_b)[:, 0]
    gamma_ij = jax.nn.sigmoid(g1 + g2)
    e = e_base + gamma_ij * b_ij
    n = x.shape[0]
    dst_seg = dst + jnp.asarray(total_nodes - total_nodes, dtype=dst.dtype)
    m = jax.ops.segment_max(e, dst_seg, num_segments=n)
    ex = jnp.exp(e - m[dst_seg])
    denom = jax.ops.segment_sum(ex, dst_seg, num_segments=n)
    alpha = ex / (denom[dst_seg] + 1e-16)
    msg = ((x[src] @ Wv_w.T + Wv_b + rel) @ msg_w.T + msg_b) * alpha[:, None]
    out = jax.ops.segment_sum(msg, dst_seg, num_segments=n)
    return (out, alpha, gamma_ij, b_ij)

if __name__ == "__main__":
    import jax
    _d = setup_inputs()
    print(jax.jit(kernel)(*tuple(_d.values())))

</pallas_src>

<mosaic_0001>
#map = affine_map<(d0, d1) -> (0, 0)>
#map1 = affine_map<(d0, d1) -> (0)>
module attributes {stable_mosaic.version = 14 : i64} {
  func.func @_sc_pass1(%arg0: i32, %arg1: i32, %arg2: memref<2560x128xi32, #tpu.memory_space<hbm>>, %arg3: memref<2560x128xi32, #tpu.memory_space<hbm>>, %arg4: memref<2560x128xi32, #tpu.memory_space<hbm>>, %arg5: memref<2560x128xf32, #tpu.memory_space<hbm>>, %arg6: memref<2560x128xf32, #tpu.memory_space<hbm>>, %arg7: memref<10000xf32, #tpu.memory_space<hbm>>, %arg8: memref<10000xf32, #tpu.memory_space<hbm>>, %arg9: memref<10000xf32, #tpu.memory_space<hbm>>, %arg10: memref<10000xf32, #tpu.memory_space<hbm>>, %arg11: memref<16xf32, #tpu.memory_space<hbm>>, %arg12: memref<10000xf32, #tpu.memory_space<hbm>>, %arg13: memref<2560x128xf32, #tpu.memory_space<hbm>>, %arg14: memref<2560x128xf32, #tpu.memory_space<hbm>>, %arg15: memref<2x10000xf32, #tpu.memory_space<hbm>>, %arg16: memref<2x160000xf32, #tpu.memory_space<hbm>>, %arg17: memref<10000xf32, #tpu.memory_space<vmem>>, %arg18: memref<10000xf32, #tpu.memory_space<vmem>>, %arg19: memref<10000xf32, #tpu.memory_space<vmem>>, %arg20: memref<10000xf32, #tpu.memory_space<vmem>>, %arg21: memref<16xf32, #tpu.memory_space<vmem>>, %arg22: memref<16x128xi32, #tpu.memory_space<vmem>>, %arg23: memref<16x128xi32, #tpu.memory_space<vmem>>, %arg24: memref<16x128xi32, #tpu.memory_space<vmem>>, %arg25: memref<16x128xi32, #tpu.memory_space<vmem>>, %arg26: memref<16x128xf32, #tpu.memory_space<vmem>>, %arg27: memref<16x128xf32, #tpu.memory_space<vmem>>, %arg28: memref<16x128xf32, #tpu.memory_space<vmem>>, %arg29: memref<16x128xf32, #tpu.memory_space<vmem>>, %arg30: memref<10000xf32, #tpu.memory_space<vmem>>, %arg31: memref<10000xf32, #tpu.memory_space<vmem_shared>>, %arg32: memref<160000xf32, #tpu.memory_space<vmem_shared>>, %arg33: memref<!tpu.dma_semaphore, #tpu.memory_space<semaphore_mem>>) attributes {dimension_semantics = [#tpu.dimension_semantics<core_parallel>, #tpu.dimension_semantics<subcore_parallel>], iteration_bounds = array<i64: 2, 16>, scalar_prefetch = 0 : i64, scratch_operands = 17 : i64, tpu.core_type = #tpu.core_type<sc_vector_subcore>, window_params = [{transform_indices = #map}, {transform_indices = #map}, {transform_indices = #map}, {transform_indices = #map}, {transform_indices = #map}, {transform_indices = #map1}, {transform_indices = #map1}, {transform_indices = #map1}, {transform_indices = #map1}, {transform_indices = #map1}, {transform_indices = #map1}, {transform_indices = #map}, {transform_indices = #map}, {transform_indices = #map}, {transform_indices = #map}]} {
    %mul3A = arith.constant 2 : i32
    %mul3A_0 = arith.muli %arg1, %mul3A : i32
    %add3A = arith.addi %mul3A_0, %arg0 : i32
    %mul3A_1 = arith.constant 80 : i32
    %mul3A_2 = arith.muli %add3A, %mul3A_1 : i32
    "tpu.region"() ({
      %run_scoped3A = tpu.sem_alloc : memref<!tpu.dma_semaphore, #tpu.memory_space<semaphore_mem>>
      tpu.enqueue_dma source(%arg7 : memref<10000xf32, #tpu.memory_space<hbm>>) target(%arg17 : memref<10000xf32, #tpu.memory_space<vmem>>) target_semaphore(%run_scoped3A : memref<!tpu.dma_semaphore, #tpu.memory_space<semaphore_mem>>)
      tpu.wait_dma2 semaphore(%run_scoped3A : memref<!tpu.dma_semaphore, #tpu.memory_space<semaphore_mem>>) src(%arg7 : memref<10000xf32, #tpu.memory_space<hbm>>) dst(%arg17 : memref<10000xf32, #tpu.memory_space<vmem>>)
      tpu.yield
    }) : () -> ()
    "tpu.region"() ({
      %run_scoped3A = tpu.sem_alloc : memref<!tpu.dma_semaphore, #tpu.memory_space<semaphore_mem>>
      tpu.enqueue_dma source(%arg8 : memref<10000xf32, #tpu.memory_space<hbm>>) target(%arg18 : memref<10000xf32, #tpu.memory_space<vmem>>) target_semaphore(%run_scoped3A : memref<!tpu.dma_semaphore, #tpu.memory_space<semaphore_mem>>)
      tpu.wait_dma2 semaphore(%run_scoped3A : memref<!tpu.dma_semaphore, #tpu.memory_space<semaphore_mem>>) src(%arg8 : memref<10000xf32, #tpu.memory_space<hbm>>) dst(%arg18 : memref<10000xf32, #tpu.memory_space<vmem>>)
      tpu.yield
    }) : () -> ()
    "tpu.region"() ({
      %run_scoped3A = tpu.sem_alloc : memref<!tpu.dma_semaphore, #tpu.memory_space<semaphore_mem>>
      tpu.enqueue_dma source(%arg9 : memref<10000xf32, #tpu.memory_space<hbm>>) target(%arg19 : memref<10000xf32, #tpu.memory_space<vmem>>) target_semaphore(%run_scoped3A : memref<!tpu.dma_semaphore, #tpu.memory_space<semaphore_mem>>)
      tpu.wait_dma2 semaphore(%run_scoped3A : memref<!tpu.dma_semaphore, #tpu.memory_space<semaphore_mem>>) src(%arg9 : memref<10000xf32, #tpu.memory_space<hbm>>) dst(%arg19 : memref<10000xf32, #tpu.memory_space<vmem>>)
      tpu.yield
    }) : () -> ()
    "tpu.region"() ({
      %run_scoped3A = tpu.sem_alloc : memref<!tpu.dma_semaphore, #tpu.memory_space<semaphore_mem>>
      tpu.enqueue_dma source(%arg10 : memref<10000xf32, #tpu.memory_space<hbm>>) target(%arg20 : memref<10000xf32, #tpu.memory_space<vmem>>) target_semaphore(%run_scoped3A : memref<!tpu.dma_semaphore, #tpu.memory_space<semaphore_mem>>)
      tpu.wait_dma2 semaphore(%run_scoped3A : memref<!tpu.dma_semaphore, #tpu.memory_space<semaphore_mem>>) src(%arg10 : memref<10000xf32, #tpu.memory_space<hbm>>) dst(%arg20 : memref<10000xf32, #tpu.memory_space<vmem>>)
      tpu.yield
    }) : () -> ()
    "tpu.region"() ({
      %run_scoped3A = tpu.sem_alloc : memref<!tpu.dma_semaphore, #tpu.memory_space<semaphore_mem>>
      tpu.enqueue_dma source(%arg11 : memref<16xf32, #tpu.memory_space<hbm>>) target(%arg21 : memref<16xf32, #tpu.memory_space<vmem>>) target_semaphore(%run_scoped3A : memref<!tpu.dma_semaphore, #tpu.memory_space<semaphore_mem>>)
      tpu.wait_dma2 semaphore(%run_scoped3A : memref<!tpu.dma_semaphore, #tpu.memory_space<semaphore_mem>>) src(%arg11 : memref<16xf32, #tpu.memory_space<hbm>>) dst(%arg21 : memref<16xf32, #tpu.memory_space<vmem>>)
      tpu.yield
    }) : () -> ()
    %eq3A = arith.constant 0 : i32
    %eq3A_3 = arith.cmpi eq, %arg1, %eq3A : i32
    %convert_element_type3A = arith.extui %eq3A_3 : i1 to i32
    %cond3A = arith.constant 0 : i32
    %cond3A_4 = arith.cmpi ne, %convert_element_type3A, %cond3A : i32
    scf.if %cond3A_4 {
      "tpu.region"() ({
        %run_scoped3A = tpu.sem_alloc : memref<!tpu.dma_semaphore, #tpu.memory_space<semaphore_mem>>
        tpu.enqueue_dma source(%arg12 : memref<10000xf32, #tpu.memory_space<hbm>>) target(%arg30 : memref<10000xf32, #tpu.memory_space<vmem>>) target_semaphore(%run_scoped3A : memref<!tpu.dma_semaphore, #tpu.memory_space<semaphore_mem>>)
        tpu.wait_dma2 semaphore(%run_scoped3A : memref<!tpu.dma_semaphore, #tpu.memory_space<semaphore_mem>>) src(%arg12 : memref<10000xf32, #tpu.memory_space<hbm>>) dst(%arg30 : memref<10000xf32, #tpu.memory_space<vmem>>)
        tpu.yield
      }) : () -> ()
      "tpu.region"() ({
        %run_scoped3A = tpu.sem_alloc : memref<!tpu.dma_semaphore, #tpu.memory_space<semaphore_mem>>
        tpu.enqueue_dma source(%arg30 : memref<10000xf32, #tpu.memory_space<vmem>>) target(%arg31 : memref<10000xf32, #tpu.memory_space<vmem_shared>>) target_semaphore(%run_scoped3A : memref<!tpu.dma_semaphore, #tpu.memory_space<semaphore_mem>>)
        tpu.wait_dma2 semaphore(%run_scoped3A : memref<!tpu.dma_semaphore, #tpu.memory_space<semaphore_mem>>) src(%arg30 : memref<10000xf32, #tpu.memory_space<vmem>>) dst(%arg31 : memref<10000xf32, #tpu.memory_space<vmem_shared>>)
        tpu.yield
      }) : () -> ()
      "tpu.region"() ({
        %run_scoped3A = tpu.sem_alloc : memref<!tpu.dma_semaphore, #tpu.memory_space<semaphore_mem>>
        %dma_start3A = arith.constant 0 : i32
        %dma_start3A_16 = tpu.memref_slice %arg32[%dma_start3A] : memref<160000xf32, #tpu.memory_space<vmem_shared>> -> memref<10000xf32, #tpu.memory_space<vmem_shared>>
        %dma_start3A_17 = arith.constant 0 : i32
        %dma_start3A_18 = tpu.memref_slice %arg32[%dma_start3A_17] : memref<160000xf32, #tpu.memory_space<vmem_shared>> -> memref<10000xf32, #tpu.memory_space<vmem_shared>>
        tpu.enqueue_dma source(%arg30 : memref<10000xf32, #tpu.memory_space<vmem>>) target(%dma_start3A_18 : memref<10000xf32, #tpu.memory_space<vmem_shared>>) target_semaphore(%run_scoped3A : memref<!tpu.dma_semaphore, #tpu.memory_space<semaphore_mem>>)
        %dma_wait3A = arith.constant 0 : i32
        %dma_wait3A_19 = tpu.memref_slice %arg32[%dma_wait3A] : memref<160000xf32, #tpu.memory_space<vmem_shared>> -> memref<10000xf32, #tpu.memory_space<vmem_shared>>
        %dma_wait3A_20 = arith.constant 0 : i32
        %dma_wait3A_21 = tpu.memref_slice %arg32[%dma_wait3A_20] : memref<160000xf32, #tpu.memory_space<vmem_shared>> -> memref<10000xf32, #tpu.memory_space<vmem_shared>>
        tpu.wait_dma2 semaphore(%run_scoped3A : memref<!tpu.dma_semaphore, #tpu.memory_space<semaphore_mem>>) src(%arg30 : memref<10000xf32, #tpu.memory_space<vmem>>) dst(%dma_wait3A_21 : memref<10000xf32, #tpu.memory_space<vmem_shared>>)
        tpu.yield
      }) : () -> ()
      "tpu.region"() ({
        %run_scoped3A = tpu.sem_alloc : memref<!tpu.dma_semaphore, #tpu.memory_space<semaphore_mem>>
        %dma_start3A = arith.constant 10000 : i32
        %dma_start3A_16 = tpu.memref_slice %arg32[%dma_start3A] : memref<160000xf32, #tpu.memory_space<vmem_shared>> -> memref<10000xf32, #tpu.memory_space<vmem_shared>>
        %dma_start3A_17 = arith.constant 10000 : i32
        %dma_start3A_18 = tpu.memref_slice %arg32[%dma_start3A_17] : memref<160000xf32, #tpu.memory_space<vmem_shared>> -> memref<10000xf32, #tpu.memory_space<vmem_shared>>
        tpu.enqueue_dma source(%arg30 : memref<10000xf32, #tpu.memory_space<vmem>>) target(%dma_start3A_18 : memref<10000xf32, #tpu.memory_space<vmem_shared>>) target_semaphore(%run_scoped3A : memref<!tpu.dma_semaphore, #tpu.memory_space<semaphore_mem>>)
        %dma_wait3A = arith.constant 10000 : i32
        %dma_wait3A_19 = tpu.memref_slice %arg32[%dma_wait3A] : memref<160000xf32, #tpu.memory_space<vmem_shared>> -> memref<10000xf32, #tpu.memory_space<vmem_shared>>
        %dma_wait3A_20 = arith.constant 10000 : i32
        %dma_wait3A_21 = tpu.memref_slice %arg32[%dma_wait3A_20] : memref<160000xf32, #tpu.memory_space<vmem_shared>> -> memref<10000xf32, #tpu.memory_space<vmem_shared>>
        tpu.wait_dma2 semaphore(%run_scoped3A : memref<!tpu.dma_semaphore, #tpu.memory_space<semaphore_mem>>) src(%arg30 : memref<10000xf32, #tpu.memory_space<vmem>>) dst(%dma_wait3A_21 : memref<10000xf32, #tpu.memory_space<vmem_shared>>)
        tpu.yield
      }) : () -> ()
      "tpu.region"() ({
        %run_scoped3A = tpu.sem_alloc : memref<!tpu.dma_semaphore, #tpu.memory_space<semaphore_mem>>
        %dma_start3A = arith.constant 20000 : i32
        %dma_start3A_16 = tpu.memref_slice %arg32[%dma_start3A] : memref<160000xf32, #tpu.memory_space<vmem_shared>> -> memref<10000xf32, #tpu.memory_space<vmem_shared>>
        %dma_start3A_17 = arith.constant 20000 : i32
        %dma_start3A_18 = tpu.memref_slice %arg32[%dma_start3A_17] : memref<160000xf32, #tpu.memory_space<vmem_shared>> -> memref<10000xf32, #tpu.memory_space<vmem_shared>>
        tpu.enqueue_dma source(%arg30 : memref<10000xf32, #tpu.memory_space<vmem>>) target(%dma_start3A_18 : memref<10000xf32, #tpu.memory_space<vmem_shared>>) target_semaphore(%run_scoped3A : memref<!tpu.dma_semaphore, #tpu.memory_space<semaphore_mem>>)
        %dma_wait3A = arith.constant 20000 : i32
        %dma_wait3A_19 = tpu.memref_slice %arg32[%dma_wait3A] : memref<160000xf32, #tpu.memory_space<vmem_shared>> -> memref<10000xf32, #tpu.memory_space<vmem_shared>>
        %dma_wait3A_20 = arith.constant 20000 : i32
        %dma_wait3A_21 = tpu.memref_slice %arg32[%dma_wait3A_20] : memref<160000xf32, #tpu.memory_space<vmem_shared>> -> memref<10000xf32, #tpu.memory_space<vmem_shared>>
        tpu.wait_dma2 semaphore(%run_scoped3A : memref<!tpu.dma_semaphore, #tpu.memory_space<semaphore_mem>>) src(%arg30 : memref<10000xf32, #tpu.memory_space<vmem>>) dst(%dma_wait3A_21 : memref<10000xf32, #tpu.memory_space<vmem_shared>>)
        tpu.yield
      }) : () -> ()
      "tpu.region"() ({
        %run_scoped3A = tpu.sem_alloc : memref<!tpu.dma_semaphore, #tpu.memory_space<semaphore_mem>>
        %dma_start3A = arith.constant 30000 : i32
        %dma_start3A_16 = tpu.memref_slice %arg32[%dma_start3A] : memref<160000xf32, #tpu.memory_space<vmem_shared>> -> memref<10000xf32, #tpu.memory_space<vmem_shared>>
        %dma_start3A_17 = arith.constant 30000 : i32
        %dma_start3A_18 = tpu.memref_slice %arg32[%dma_start3A_17] : memref<160000xf32, #tpu.memory_space<vmem_shared>> -> memref<10000xf32, #tpu.memory_space<vmem_shared>>
        tpu.enqueue_dma source(%arg30 : memref<10000xf32, #tpu.memory_space<vmem>>) target(%dma_start3A_18 : memref<10000xf32, #tpu.memory_space<vmem_shared>>) target_semaphore(%run_scoped3A : memref<!tpu.dma_semaphore, #tpu.memory_space<semaphore_mem>>)
        %dma_wait3A = arith.constant 30000 : i32
        %dma_wait3A_19 = tpu.memref_slice %arg32[%dma_wait3A] : memref<160000xf32, #tpu.memory_space<vmem_shared>> -> memref<10000xf32, #tpu.memory_space<vmem_shared>>
        %dma_wait3A_20 = arith.constant 30000 : i32
        %dma_wait3A_21 = tpu.memref_slice %arg32[%dma_wait3A_20] : memref<160000xf32, #tpu.memory_space<vmem_shared>> -> memref<10000xf32, #tpu.memory_space<vmem_shared>>
        tpu.wait_dma2 semaphore(%run_scoped3A : memref<!tpu.dma_semaphore, #tpu.memory_space<semaphore_mem>>) src(%arg30 : memref<10000xf32, #tpu.memory_space<vmem>>) dst(%dma_wait3A_21 : memref<10000xf32, #tpu.memory_space<vmem_shared>>)
        tpu.yield
      }) : () -> ()
      "tpu.region"() ({
        %run_scoped3A = tpu.sem_alloc : memref<!tpu.dma_semaphore, #tpu.memory_space<semaphore_mem>>
        %dma_start3A = arith.constant 40000 : i32
        %dma_start3A_16 = tpu.memref_slice %arg32[%dma_start3A] : memref<160000xf32, #tpu.memory_space<vmem_shared>> -> memref<10000xf32, #tpu.memory_space<vmem_shared>>
        %dma_start3A_17 = arith.constant 40000 : i32
        %dma_start3A_18 = tpu.memref_slice %arg32[%dma_start3A_17] : memref<160000xf32, #tpu.memory_space<vmem_shared>> -> memref<10000xf32, #tpu.memory_space<vmem_shared>>
        tpu.enqueue_dma source(%arg30 : memref<10000xf32, #tpu.memory_space<vmem>>) target(%dma_start3A_18 : memref<10000xf32, #tpu.memory_space<vmem_shared>>) target_semaphore(%run_scoped3A : memref<!tpu.dma_semaphore, #tpu.memory_space<semaphore_mem>>)
        %dma_wait3A = arith.constant 40000 : i32
        %dma_wait3A_19 = tpu.memref_slice %arg32[%dma_wait3A] : memref<160000xf32, #tpu.memory_space<vmem_shared>> -> memref<10000xf32, #tpu.memory_space<vmem_shared>>
        %dma_wait3A_20 = arith.constant 40000 : i32
        %dma_wait3A_21 = tpu.memref_slice %arg32[%dma_wait3A_20] : memref<160000xf32, #tpu.memory_space<vmem_shared>> -> memref<10000xf32, #tpu.memory_space<vmem_shared>>
        tpu.wait_dma2 semaphore(%run_scoped3A : memref<!tpu.dma_semaphore, #tpu.memory_space<semaphore_mem>>) src(%arg30 : memref<10000xf32, #tpu.memory_space<vmem>>) dst(%dma_wait3A_21 : memref<10000xf32, #tpu.memory_space<vmem_shared>>)
        tpu.yield
      }) : () -> ()
      "tpu.region"() ({
        %run_scoped3A = tpu.sem_alloc : memref<!tpu.dma_semaphore, #tpu.memory_space<semaphore_mem>>
        %dma_start3A = arith.constant 50000 : i32
        %dma_start3A_16 = tpu.memref_slice %arg32[%dma_start3A] : memref<160000xf32, #tpu.memory_space<vmem_shared>> -> memref<10000xf32, #tpu.memory_space<vmem_shared>>
        %dma_start3A_17 = arith.constant 50000 : i32
        %dma_start3A_18 = tpu.memref_slice %arg32[%dma_start3A_17] : memref<160000xf32, #tpu.memory_space<vmem_shared>> -> memref<10000xf32, #tpu.memory_space<vmem_shared>>
        tpu.enqueue_dma source(%arg30 : memref<10000xf32, #tpu.memory_space<vmem>>) target(%dma_start3A_18 : memref<10000xf32, #tpu.memory_space<vmem_shared>>) target_semaphore(%run_scoped3A : memref<!tpu.dma_semaphore, #tpu.memory_space<semaphore_mem>>)
        %dma_wait3A = arith.constant 50000 : i32
        %dma_wait3A_19 = tpu.memref_slice %arg32[%dma_wait3A] : memref<160000xf32, #tpu.memory_space<vmem_shared>> -> memref<10000xf32, #tpu.memory_space<vmem_shared>>
        %dma_wait3A_20 = arith.constant 50000 : i32
        %dma_wait3A_21 = tpu.memref_slice %arg32[%dma_wait3A_20] : memref<160000xf32, #tpu.memory_space<vmem_shared>> -> memref<10000xf32, #tpu.memory_space<vmem_shared>>
        tpu.wait_dma2 semaphore(%run_scoped3A : memref<!tpu.dma_semaphore, #tpu.memory_space<semaphore_mem>>) src(%arg30 : memref<10000xf32, #tpu.memory_space<vmem>>) dst(%dma_wait3A_21 : memref<10000xf32, #tpu.memory_space<vmem_shared>>)
        tpu.yield
      }) : () -> ()
      "tpu.region"() ({
        %run_scoped3A = tpu.sem_alloc : memref<!tpu.dma_semaphore, #tpu.memory_space<semaphore_mem>>
        %dma_start3A = arith.constant 60000 : i32
        %dma_start3A_16 = tpu.memref_slice %arg32[%dma_start3A] : memref<160000xf32, #tpu.memory_space<vmem_shared>> -> memref<10000xf32, #tpu.memory_space<vmem_shared>>
        %dma_start3A_17 = arith.constant 60000 : i32
        %dma_start3A_18 = tpu.memref_slice %arg32[%dma_start3A_17] : memref<160000xf32, #tpu.memory_space<vmem_shared>> -> memref<10000xf32, #tpu.memory_space<vmem_shared>>
        tpu.enqueue_dma source(%arg30 : memref<10000xf32, #tpu.memory_space<vmem>>) target(%dma_start3A_18 : memref<10000xf32, #tpu.memory_space<vmem_shared>>) target_semaphore(%run_scoped3A : memref<!tpu.dma_semaphore, #tpu.memory_space<semaphore_mem>>)
        %dma_wait3A = arith.constant 60000 : i32
        %dma_wait3A_19 = tpu.memref_slice %arg32[%dma_wait3A] : memref<160000xf32, #tpu.memory_space<vmem_shared>> -> memref<10000xf32, #tpu.memory_space<vmem_shared>>
        %dma_wait3A_20 = arith.constant 60000 : i32
        %dma_wait3A_21 = tpu.memref_slice %arg32[%dma_wait3A_20] : memref<160000xf32, #tpu.memory_space<vmem_shared>> -> memref<10000xf32, #tpu.memory_space<vmem_shared>>
        tpu.wait_dma2 semaphore(%run_scoped3A : memref<!tpu.dma_semaphore, #tpu.memory_space<semaphore_mem>>) src(%arg30 : memref<10000xf32, #tpu.memory_space<vmem>>) dst(%dma_wait3A_21 : memref<10000xf32, #tpu.memory_space<vmem_shared>>)
        tpu.yield
      }) : () -> ()
      "tpu.region"() ({
        %run_scoped3A = tpu.sem_alloc : memref<!tpu.dma_semaphore, #tpu.memory_space<semaphore_mem>>
        %dma_start3A = arith.constant 70000 : i32
        %dma_start3A_16 = tpu.memref_slice %arg32[%dma_start3A] : memref<160000xf32, #tpu.memory_space<vmem_shared>> -> memref<10000xf32, #tpu.memory_space<vmem_shared>>
        %dma_start3A_17 = arith.constant 70000 : i32
        %dma_start3A_18 = tpu.memref_slice %arg32[%dma_start3A_17] : memref<160000xf32, #tpu.memory_space<vmem_shared>> -> memref<10000xf32, #tpu.memory_space<vmem_shared>>
        tpu.enqueue_dma source(%arg30 : memref<10000xf32, #tpu.memory_space<vmem>>) target(%dma_start3A_18 : memref<10000xf32, #tpu.memory_space<vmem_shared>>) target_semaphore(%run_scoped3A : memref<!tpu.dma_semaphore, #tpu.memory_space<semaphore_mem>>)
        %dma_wait3A = arith.constant 70000 : i32
        %dma_wait3A_19 = tpu.memref_slice %arg32[%dma_wait3A] : memref<160000xf32, #tpu.memory_space<vmem_shared>> -> memref<10000xf32, #tpu.memory_space<vmem_shared>>
        %dma_wait3A_20 = arith.constant 70000 : i32
        %dma_wait3A_21 = tpu.memref_slice %arg32[%dma_wait3A_20] : memref<160000xf32, #tpu.memory_space<vmem_shared>> -> memref<10000xf32, #tpu.memory_space<vmem_shared>>
        tpu.wait_dma2 semaphore(%run_scoped3A : memref<!tpu.dma_semaphore, #tpu.memory_space<semaphore_mem>>) src(%arg30 : memref<10000xf32, #tpu.memory_space<vmem>>) dst(%dma_wait3A_21 : memref<10000xf32, #tpu.memory_space<vmem_shared>>)
        tpu.yield
      }) : () -> ()
      "tpu.region"() ({
        %run_scoped3A = tpu.sem_alloc : memref<!tpu.dma_semaphore, #tpu.memory_space<semaphore_mem>>
        %dma_start3A = arith.constant 80000 : i32
        %dma_start3A_16 = tpu.memref_slice %arg32[%dma_start3A] : memref<160000xf32, #tpu.memory_space<vmem_shared>> -> memref<10000xf32, #tpu.memory_space<vmem_shared>>
        %dma_start3A_17 = arith.constant 80000 : i32
        %dma_start3A_18 = tpu.memref_slice %arg32[%dma_start3A_17] : memref<160000xf32, #tpu.memory_space<vmem_shared>> -> memref<10000xf32, #tpu.memory_space<vmem_shared>>
        tpu.enqueue_dma source(%arg30 : memref<10000xf32, #tpu.memory_space<vmem>>) target(%dma_start3A_18 : memref<10000xf32, #tpu.memory_space<vmem_shared>>) target_semaphore(%run_scoped3A : memref<!tpu.dma_semaphore, #tpu.memory_space<semaphore_mem>>)
        %dma_wait3A = arith.constant 80000 : i32
        %dma_wait3A_19 = tpu.memref_slice %arg32[%dma_wait3A] : memref<160000xf32, #tpu.memory_space<vmem_shared>> -> memref<10000xf32, #tpu.memory_space<vmem_shared>>
        %dma_wait3A_20 = arith.constant 80000 : i32
        %dma_wait3A_21 = tpu.memref_slice %arg32[%dma_wait3A_20] : memref<160000xf32, #tpu.memory_space<vmem_shared>> -> memref<10000xf32, #tpu.memory_space<vmem_shared>>
        tpu.wait_dma2 semaphore(%run_scoped3A : memref<!tpu.dma_semaphore, #tpu.memory_space<semaphore_mem>>) src(%arg30 : memref<10000xf32, #tpu.memory_space<vmem>>) dst(%dma_wait3A_21 : memref<10000xf32, #tpu.memory_space<vmem_shared>>)
        tpu.yield
      }) : () -> ()
      "tpu.region"() ({
        %run_scoped3A = tpu.sem_alloc : memref<!tpu.dma_semaphore, #tpu.memory_space<semaphore_mem>>
        %dma_start3A = arith.constant 90000 : i32
        %dma_start3A_16 = tpu.memref_slice %arg32[%dma_start3A] : memref<160000xf32, #tpu.memory_space<vmem_shared>> -> memref<10000xf32, #tpu.memory_space<vmem_shared>>
        %dma_start3A_17 = arith.constant 90000 : i32
        %dma_start3A_18 = tpu.memref_slice %arg32[%dma_start3A_17] : memref<160000xf32, #tpu.memory_space<vmem_shared>> -> memref<10000xf32, #tpu.memory_space<vmem_shared>>
        tpu.enqueue_dma source(%arg30 : memref<10000xf32, #tpu.memory_space<vmem>>) target(%dma_start3A_18 : memref<10000xf32, #tpu.memory_space<vmem_shared>>) target_semaphore(%run_scoped3A : memref<!tpu.dma_semaphore, #tpu.memory_space<semaphore_mem>>)
        %dma_wait3A = arith.constant 90000 : i32
        %dma_wait3A_19 = tpu.memref_slice %arg32[%dma_wait3A] : memref<160000xf32, #tpu.memory_space<vmem_shared>> -> memref<10000xf32, #tpu.memory_space<vmem_shared>>
        %dma_wait3A_20 = arith.constant 90000 : i32
        %dma_wait3A_21 = tpu.memref_slice %arg32[%dma_wait3A_20] : memref<160000xf32, #tpu.memory_space<vmem_shared>> -> memref<10000xf32, #tpu.memory_space<vmem_shared>>
        tpu.wait_dma2 semaphore(%run_scoped3A : memref<!tpu.dma_semaphore, #tpu.memory_space<semaphore_mem>>) src(%arg30 : memref<10000xf32, #tpu.memory_space<vmem>>) dst(%dma_wait3A_21 : memref<10000xf32, #tpu.memory_space<vmem_shared>>)
        tpu.yield
      }) : () -> ()
      "tpu.region"() ({
        %run_scoped3A = tpu.sem_alloc : memref<!tpu.dma_semaphore, #tpu.memory_space<semaphore_mem>>
        %dma_start3A = arith.constant 100000 : i32
        %dma_start3A_16 = tpu.memref_slice %arg32[%dma_start3A] : memref<160000xf32, #tpu.memory_space<vmem_shared>> -> memref<10000xf32, #tpu.memory_space<vmem_shared>>
        %dma_start3A_17 = arith.constant 100000 : i32
        %dma_start3A_18 = tpu.memref_slice %arg32[%dma_start3A_17] : memref<160000xf32, #tpu.memory_space<vmem_shared>> -> memref<10000xf32, #tpu.memory_space<vmem_shared>>
        tpu.enqueue_dma source(%arg30 : memref<10000xf32, #tpu.memory_space<vmem>>) target(%dma_start3A_18 : memref<10000xf32, #tpu.memory_space<vmem_shared>>) target_semaphore(%run_scoped3A : memref<!tpu.dma_semaphore, #tpu.memory_space<semaphore_mem>>)
        %dma_wait3A = arith.constant 100000 : i32
        %dma_wait3A_19 = tpu.memref_slice %arg32[%dma_wait3A] : memref<160000xf32, #tpu.memory_space<vmem_shared>> -> memref<10000xf32, #tpu.memory_space<vmem_shared>>
        %dma_wait3A_20 = arith.constant 100000 : i32
        %dma_wait3A_21 = tpu.memref_slice %arg32[%dma_wait3A_20] : memref<160000xf32, #tpu.memory_space<vmem_shared>> -> memref<10000xf32, #tpu.memory_space<vmem_shared>>
        tpu.wait_dma2 semaphore(%run_scoped3A : memref<!tpu.dma_semaphore, #tpu.memory_space<semaphore_mem>>) src(%arg30 : memref<10000xf32, #tpu.memory_space<vmem>>) dst(%dma_wait3A_21 : memref<10000xf32, #tpu.memory_space<vmem_shared>>)
        tpu.yield
      }) : () -> ()
      "tpu.region"() ({
        %run_scoped3A = tpu.sem_alloc : memref<!tpu.dma_semaphore, #tpu.memory_space<semaphore_mem>>
        %dma_start3A = arith.constant 110000 : i32
        %dma_start3A_16 = tpu.memref_slice %arg32[%dma_start3A] : memref<160000xf32, #tpu.memory_space<vmem_shared>> -> memref<10000xf32, #tpu.memory_space<vmem_shared>>
        %dma_start3A_17 = arith.constant 110000 : i32
        %dma_start3A_18 = tpu.memref_slice %arg32[%dma_start3A_17] : memref<160000xf32, #tpu.memory_space<vmem_shared>> -> memref<10000xf32, #tpu.memory_space<vmem_shared>>
        tpu.enqueue_dma source(%arg30 : memref<10000xf32, #tpu.memory_space<vmem>>) target(%dma_start3A_18 : memref<10000xf32, #tpu.memory_space<vmem_shared>>) target_semaphore(%run_scoped3A : memref<!tpu.dma_semaphore, #tpu.memory_space<semaphore_mem>>)
        %dma_wait3A = arith.constant 110000 : i32
        %dma_wait3A_19 = tpu.memref_slice %arg32[%dma_wait3A] : memref<160000xf32, #tpu.memory_space<vmem_shared>> -> memref<10000xf32, #tpu.memory_space<vmem_shared>>
        %dma_wait3A_20 = arith.constant 110000 : i32
        %dma_wait3A_21 = tpu.memref_slice %arg32[%dma_wait3A_20] : memref<160000xf32, #tpu.memory_space<vmem_shared>> -> memref<10000xf32, #tpu.memory_space<vmem_shared>>
        tpu.wait_dma2 semaphore(%run_scoped3A : memref<!tpu.dma_semaphore, #tpu.memory_space<semaphore_mem>>) src(%arg30 : memref<10000xf32, #tpu.memory_space<vmem>>) dst(%dma_wait3A_21 : memref<10000xf32, #tpu.memory_space<vmem_shared>>)
        tpu.yield
      }) : () -> ()
      "tpu.region"() ({
        %run_scoped3A = tpu.sem_alloc : memref<!tpu.dma_semaphore, #tpu.memory_space<semaphore_mem>>
        %dma_start3A = arith.constant 120000 : i32
        %dma_start3A_16 = tpu.memref_slice %arg32[%dma_start3A] : memref<160000xf32, #tpu.memory_space<vmem_shared>> -> memref<10000xf32, #tpu.memory_space<vmem_shared>>
        %dma_start3A_17 = arith.constant 120000 : i32
        %dma_start3A_18 = tpu.memref_slice %arg32[%dma_start3A_17] : memref<160000xf32, #tpu.memory_space<vmem_shared>> -> memref<10000xf32, #tpu.memory_space<vmem_shared>>
        tpu.enqueue_dma source(%arg30 : memref<10000xf32, #tpu.memory_space<vmem>>) target(%dma_start3A_18 : memref<10000xf32, #tpu.memory_space<vmem_shared>>) target_semaphore(%run_scoped3A : memref<!tpu.dma_semaphore, #tpu.memory_space<semaphore_mem>>)
        %dma_wait3A = arith.constant 120000 : i32
        %dma_wait3A_19 = tpu.memref_slice %arg32[%dma_wait3A] : memref<160000xf32, #tpu.memory_space<vmem_shared>> -> memref<10000xf32, #tpu.memory_space<vmem_shared>>
        %dma_wait3A_20 = arith.constant 120000 : i32
        %dma_wait3A_21 = tpu.memref_slice %arg32[%dma_wait3A_20] : memref<160000xf32, #tpu.memory_space<vmem_shared>> -> memref<10000xf32, #tpu.memory_space<vmem_shared>>
        tpu.wait_dma2 semaphore(%run_scoped3A : memref<!tpu.dma_semaphore, #tpu.memory_space<semaphore_mem>>) src(%arg30 : memref<10000xf32, #tpu.memory_space<vmem>>) dst(%dma_wait3A_21 : memref<10000xf32, #tpu.memory_space<vmem_shared>>)
        tpu.yield
      }) : () -> ()
      "tpu.region"() ({
        %run_scoped3A = tpu.sem_alloc : memref<!tpu.dma_semaphore, #tpu.memory_space<semaphore_mem>>
        %dma_start3A = arith.constant 130000 : i32
        %dma_start3A_16 = tpu.memref_slice %arg32[%dma_start3A] : memref<160000xf32, #tpu.memory_space<vmem_shared>> -> memref<10000xf32, #tpu.memory_space<vmem_shared>>
        %dma_start3A_17 = arith.constant 130000 : i32
        %dma_start3A_18 = tpu.memref_slice %arg32[%dma_start3A_17] : memref<160000xf32, #tpu.memory_space<vmem_shared>> -> memref<10000xf32, #tpu.memory_space<vmem_shared>>
        tpu.enqueue_dma source(%arg30 : memref<10000xf32, #tpu.memory_space<vmem>>) target(%dma_start3A_18 : memref<10000xf32, #tpu.memory_space<vmem_shared>>) target_semaphore(%run_scoped3A : memref<!tpu.dma_semaphore, #tpu.memory_space<semaphore_mem>>)
        %dma_wait3A = arith.constant 130000 : i32
        %dma_wait3A_19 = tpu.memref_slice %arg32[%dma_wait3A] : memref<160000xf32, #tpu.memory_space<vmem_shared>> -> memref<10000xf32, #tpu.memory_space<vmem_shared>>
        %dma_wait3A_20 = arith.constant 130000 : i32
        %dma_wait3A_21 = tpu.memref_slice %arg32[%dma_wait3A_20] : memref<160000xf32, #tpu.memory_space<vmem_shared>> -> memref<10000xf32, #tpu.memory_space<vmem_shared>>
        tpu.wait_dma2 semaphore(%run_scoped3A : memref<!tpu.dma_semaphore, #tpu.memory_space<semaphore_mem>>) src(%arg30 : memref<10000xf32, #tpu.memory_space<vmem>>) dst(%dma_wait3A_21 : memref<10000xf32, #tpu.memory_space<vmem_shared>>)
        tpu.yield
      }) : () -> ()
      "tpu.region"() ({
        %run_scoped3A = tpu.sem_alloc : memref<!tpu.dma_semaphore, #tpu.memory_space<semaphore_mem>>
        %dma_start3A = arith.constant 140000 : i32
        %dma_start3A_16 = tpu.memref_slice %arg32[%dma_start3A] : memref<160000xf32, #tpu.memory_space<vmem_shared>> -> memref<10000xf32, #tpu.memory_space<vmem_shared>>
        %dma_start3A_17 = arith.constant 140000 : i32
        %dma_start3A_18 = tpu.memref_slice %arg32[%dma_start3A_17] : memref<160000xf32, #tpu.memory_space<vmem_shared>> -> memref<10000xf32, #tpu.memory_space<vmem_shared>>
        tpu.enqueue_dma source(%arg30 : memref<10000xf32, #tpu.memory_space<vmem>>) target(%dma_start3A_18 : memref<10000xf32, #tpu.memory_space<vmem_shared>>) target_semaphore(%run_scoped3A : memref<!tpu.dma_semaphore, #tpu.memory_space<semaphore_mem>>)
        %dma_wait3A = arith.constant 140000 : i32
        %dma_wait3A_19 = tpu.memref_slice %arg32[%dma_wait3A] : memref<160000xf32, #tpu.memory_space<vmem_shared>> -> memref<10000xf32, #tpu.memory_space<vmem_shared>>
        %dma_wait3A_20 = arith.constant 140000 : i32
        %dma_wait3A_21 = tpu.memref_slice %arg32[%dma_wait3A_20] : memref<160000xf32, #tpu.memory_space<vmem_shared>> -> memref<10000xf32, #tpu.memory_space<vmem_shared>>
        tpu.wait_dma2 semaphore(%run_scoped3A : memref<!tpu.dma_semaphore, #tpu.memory_space<semaphore_mem>>) src(%arg30 : memref<10000xf32, #tpu.memory_space<vmem>>) dst(%dma_wait3A_21 : memref<10000xf32, #tpu.memory_space<vmem_shared>>)
        tpu.yield
      }) : () -> ()
      "tpu.region"() ({
        %run_scoped3A = tpu.sem_alloc : memref<!tpu.dma_semaphore, #tpu.memory_space<semaphore_mem>>
        %dma_start3A = arith.constant 150000 : i32
        %dma_start3A_16 = tpu.memref_slice %arg32[%dma_start3A] : memref<160000xf32, #tpu.memory_space<vmem_shared>> -> memref<10000xf32, #tpu.memory_space<vmem_shared>>
        %dma_start3A_17 = arith.constant 150000 : i32
        %dma_start3A_18 = tpu.memref_slice %arg32[%dma_start3A_17] : memref<160000xf32, #tpu.memory_space<vmem_shared>> -> memref<10000xf32, #tpu.memory_space<vmem_shared>>
        tpu.enqueue_dma source(%arg30 : memref<10000xf32, #tpu.memory_space<vmem>>) target(%dma_start3A_18 : memref<10000xf32, #tpu.memory_space<vmem_shared>>) target_semaphore(%run_scoped3A : memref<!tpu.dma_semaphore, #tpu.memory_space<semaphore_mem>>)
        %dma_wait3A = arith.constant 150000 : i32
        %dma_wait3A_19 = tpu.memref_slice %arg32[%dma_wait3A] : memref<160000xf32, #tpu.memory_space<vmem_shared>> -> memref<10000xf32, #tpu.memory_space<vmem_shared>>
        %dma_wait3A_20 = arith.constant 150000 : i32
        %dma_wait3A_21 = tpu.memref_slice %arg32[%dma_wait3A_20] : memref<160000xf32, #tpu.memory_space<vmem_shared>> -> memref<10000xf32, #tpu.memory_space<vmem_shared>>
        tpu.wait_dma2 semaphore(%run_scoped3A : memref<!tpu.dma_semaphore, #tpu.memory_space<semaphore_mem>>) src(%arg30 : memref<10000xf32, #tpu.memory_space<vmem>>) dst(%dma_wait3A_21 : memref<10000xf32, #tpu.memory_space<vmem_shared>>)
        tpu.yield
      }) : () -> ()
    } else {
    }
    %barrier3A = arith.constant 0 : index
    tpu.barrier barrier_id(%barrier3A)
    %scan3A = arith.constant 0 : i32
    %scan3A_5 = arith.constant 0 : i32
    %scan3A_6 = arith.constant 5 : i32
    %scan3A_7 = arith.addi %scan3A_5, %scan3A_6 : i32
    %scan3A_8 = arith.constant 1 : i32
    scf.for %scan3A_16 = %scan3A_5 to %scan3A_7 step %scan3A_8  : i32 {
      %mul3A_17 = arith.constant 16 : i32
      %mul3A_18 = arith.muli %scan3A_16, %mul3A_17 : i32
      %add3A_19 = arith.addi %mul3A_2, %mul3A_18 : i32
      %dma_start3A = arith.constant 0 : i32
      %dma_start3A_20 = tpu.memref_slice %arg2[%add3A_19, %dma_start3A] : memref<2560x128xi32, #tpu.memory_space<hbm>> -> memref<16x128xi32, #tpu.memory_space<hbm>>
      %dma_start3A_21 = arith.constant 0 : i32
      %dma_start3A_22 = tpu.memref_slice %arg2[%add3A_19, %dma_start3A_21] : memref<2560x128xi32, #tpu.memory_space<hbm>> -> memref<16x128xi32, #tpu.memory_space<hbm>>
      tpu.enqueue_dma source(%dma_start3A_22 : memref<16x128xi32, #tpu.memory_space<hbm>>) target(%arg22 : memref<16x128xi32, #tpu.memory_space<vmem>>) target_semaphore(%arg33 : memref<!tpu.dma_semaphore, #tpu.memory_space<semaphore_mem>>)
      %dma_start3A_23 = arith.constant 0 : i32
      %dma_start3A_24 = tpu.memref_slice %arg3[%add3A_19, %dma_start3A_23] : memref<2560x128xi32, #tpu.memory_space<hbm>> -> memref<16x128xi32, #tpu.memory_space<hbm>>
      %dma_start3A_25 = arith.constant 0 : i32
      %dma_start3A_26 = tpu.memref_slice %arg3[%add3A_19, %dma_start3A_25] : memref<2560x128xi32, #tpu.memory_space<hbm>> -> memref<16x128xi32, #tpu.memory_space<hbm>>
      tpu.enqueue_dma source(%dma_start3A_26 : memref<16x128xi32, #tpu.memory_space<hbm>>) target(%arg23 : memref<16x128xi32, #tpu.memory_space<vmem>>) target_semaphore(%arg33 : memref<!tpu.dma_semaphore, #tpu.memory_space<semaphore_mem>>)
      %dma_start3A_27 = arith.constant 0 : i32
      %dma_start3A_28 = tpu.memref_slice %arg4[%add3A_19, %dma_start3A_27] : memref<2560x128xi32, #tpu.memory_space<hbm>> -> memref<16x128xi32, #tpu.memory_space<hbm>>
      %dma_start3A_29 = arith.constant 0 : i32
      %dma_start3A_30 = tpu.memref_slice %arg4[%add3A_19, %dma_start3A_29] : memref<2560x128xi32, #tpu.memory_space<hbm>> -> memref<16x128xi32, #tpu.memory_space<hbm>>
      tpu.enqueue_dma source(%dma_start3A_30 : memref<16x128xi32, #tpu.memory_space<hbm>>) target(%arg24 : memref<16x128xi32, #tpu.memory_space<vmem>>) target_semaphore(%arg33 : memref<!tpu.dma_semaphore, #tpu.memory_space<semaphore_mem>>)
      %dma_start3A_31 = arith.constant 0 : i32
      %dma_start3A_32 = tpu.memref_slice %arg5[%add3A_19, %dma_start3A_31] : memref<2560x128xf32, #tpu.memory_space<hbm>> -> memref<16x128xf32, #tpu.memory_space<hbm>>
      %dma_start3A_33 = arith.constant 0 : i32
      %dma_start3A_34 = tpu.memref_slice %arg5[%add3A_19, %dma_start3A_33] : memref<2560x128xf32, #tpu.memory_space<hbm>> -> memref<16x128xf32, #tpu.memory_space<hbm>>
      tpu.enqueue_dma source(%dma_start3A_34 : memref<16x128xf32, #tpu.memory_space<hbm>>) target(%arg26 : memref<16x128xf32, #tpu.memory_space<vmem>>) target_semaphore(%arg33 : memref<!tpu.dma_semaphore, #tpu.memory_space<semaphore_mem>>)
      %dma_start3A_35 = arith.constant 0 : i32
      %dma_start3A_36 = tpu.memref_slice %arg6[%add3A_19, %dma_start3A_35] : memref<2560x128xf32, #tpu.memory_space<hbm>> -> memref<16x128xf32, #tpu.memory_space<hbm>>
      %dma_start3A_37 = arith.constant 0 : i32
      %dma_start3A_38 = tpu.memref_slice %arg6[%add3A_19, %dma_start3A_37] : memref<2560x128xf32, #tpu.memory_space<hbm>> -> memref<16x128xf32, #tpu.memory_space<hbm>>
      tpu.enqueue_dma source(%dma_start3A_38 : memref<16x128xf32, #tpu.memory_space<hbm>>) target(%arg27 : memref<16x128xf32, #tpu.memory_space<vmem>>) target_semaphore(%arg33 : memref<!tpu.dma_semaphore, #tpu.memory_space<semaphore_mem>>)
      %dma_wait3A = arith.constant 0 : i32
      %dma_wait3A_39 = tpu.memref_slice %arg2[%add3A_19, %dma_wait3A] : memref<2560x128xi32, #tpu.memory_space<hbm>> -> memref<16x128xi32, #tpu.memory_space<hbm>>
      %dma_wait3A_40 = arith.constant 0 : i32
      %dma_wait3A_41 = tpu.memref_slice %arg2[%add3A_19, %dma_wait3A_40] : memref<2560x128xi32, #tpu.memory_space<hbm>> -> memref<16x128xi32, #tpu.memory_space<hbm>>
      tpu.wait_dma2 semaphore(%arg33 : memref<!tpu.dma_semaphore, #tpu.memory_space<semaphore_mem>>) src(%dma_wait3A_41 : memref<16x128xi32, #tpu.memory_space<hbm>>) dst(%arg22 : memref<16x128xi32, #tpu.memory_space<vmem>>)
      %dma_wait3A_42 = arith.constant 0 : i32
      %dma_wait3A_43 = tpu.memref_slice %arg3[%add3A_19, %dma_wait3A_42] : memref<2560x128xi32, #tpu.memory_space<hbm>> -> memref<16x128xi32, #tpu.memory_space<hbm>>
      %dma_wait3A_44 = arith.constant 0 : i32
      %dma_wait3A_45 = tpu.memref_slice %arg3[%add3A_19, %dma_wait3A_44] : memref<2560x128xi32, #tpu.memory_space<hbm>> -> memref<16x128xi32, #tpu.memory_space<hbm>>
      tpu.wait_dma2 semaphore(%arg33 : memref<!tpu.dma_semaphore, #tpu.memory_space<semaphore_mem>>) src(%dma_wait3A_45 : memref<16x128xi32, #tpu.memory_space<hbm>>) dst(%arg23 : memref<16x128xi32, #tpu.memory_space<vmem>>)
      %dma_wait3A_46 = arith.constant 0 : i32
      %dma_wait3A_47 = tpu.memref_slice %arg4[%add3A_19, %dma_wait3A_46] : memref<2560x128xi32, #tpu.memory_space<hbm>> -> memref<16x128xi32, #tpu.memory_space<hbm>>
      %dma_wait3A_48 = arith.constant 0 : i32
      %dma_wait3A_49 = tpu.memref_slice %arg4[%add3A_19, %dma_wait3A_48] : memref<2560x128xi32, #tpu.memory_space<hbm>> -> memref<16x128xi32, #tpu.memory_space<hbm>>
      tpu.wait_dma2 semaphore(%arg33 : memref<!tpu.dma_semaphore, #tpu.memory_space<semaphore_mem>>) src(%dma_wait3A_49 : memref<16x128xi32, #tpu.memory_space<hbm>>) dst(%arg24 : memref<16x128xi32, #tpu.memory_space<vmem>>)
      %dma_wait3A_50 = arith.constant 0 : i32
      %dma_wait3A_51 = tpu.memref_slice %arg5[%add3A_19, %dma_wait3A_50] : memref<2560x128xf32, #tpu.memory_space<hbm>> -> memref<16x128xf32, #tpu.memory_space<hbm>>
      %dma_wait3A_52 = arith.constant 0 : i32
      %dma_wait3A_53 = tpu.memref_slice %arg5[%add3A_19, %dma_wait3A_52] : memref<2560x128xf32, #tpu.memory_space<hbm>> -> memref<16x128xf32, #tpu.memory_space<hbm>>
      tpu.wait_dma2 semaphore(%arg33 : memref<!tpu.dma_semaphore, #tpu.memory_space<semaphore_mem>>) src(%dma_wait3A_53 : memref<16x128xf32, #tpu.memory_space<hbm>>) dst(%arg26 : memref<16x128xf32, #tpu.memory_space<vmem>>)
      %dma_wait3A_54 = arith.constant 0 : i32
      %dma_wait3A_55 = tpu.memref_slice %arg6[%add3A_19, %dma_wait3A_54] : memref<2560x128xf32, #tpu.memory_space<hbm>> -> memref<16x128xf32, #tpu.memory_space<hbm>>
      %dma_wait3A_56 = arith.constant 0 : i32
      %dma_wait3A_57 = tpu.memref_slice %arg6[%add3A_19, %dma_wait3A_56] : memref<2560x128xf32, #tpu.memory_space<hbm>> -> memref<16x128xf32, #tpu.memory_space<hbm>>
      tpu.wait_dma2 semaphore(%arg33 : memref<!tpu.dma_semaphore, #tpu.memory_space<semaphore_mem>>) src(%dma_wait3A_57 : memref<16x128xf32, #tpu.memory_space<hbm>>) dst(%arg27 : memref<16x128xf32, #tpu.memory_space<vmem>>)
      %scan3A_58 = arith.constant 0 : i32
      %scan3A_59 = arith.constant 0 : i32
      %scan3A_60 = arith.constant 16 : i32
      %scan3A_61 = arith.addi %scan3A_59, %scan3A_60 : i32
      %scan3A_62 = arith.constant 1 : i32
      scf.for %scan3A_127 = %scan3A_59 to %scan3A_61 step %scan3A_62  : i32 {
        %get3A = arith.index_cast %scan3A_127 : i32 to index
        %get3A_128 = arith.constant 0 : index
        %get3A_129 = tpu.vector_load %arg22[%get3A, %get3A_128] {strides = array<i32>} : memref<16x128xi32, #tpu.memory_space<vmem>>, vector<16xi32>,
        %get3A_130 = arith.index_cast %scan3A_127 : i32 to index
        %get3A_131 = arith.constant 0 : index
        %get3A_132 = tpu.vector_load %arg23[%get3A_130, %get3A_131] {strides = array<i32>} : memref<16x128xi32, #tpu.memory_space<vmem>>, vector<16xi32>,
        %get3A_133 = arith.index_cast %scan3A_127 : i32 to index
        %get3A_134 = arith.constant 0 : index
        %get3A_135 = tpu.vector_load %arg24[%get3A_133, %get3A_134] {strides = array<i32>} : memref<16x128xi32, #tpu.memory_space<vmem>>, vector<16xi32>,
        %gather3A = tpu.vector_load_idx %arg17[%get3A_129] : memref<10000xf32, #tpu.memory_space<vmem>>[vector<16xi32>], vector<16xf32>,
        %gather3A_136 = tpu.vector_load_idx %arg18[%get3A_132] : memref<10000xf32, #tpu.memory_space<vmem>>[vector<16xi32>], vector<16xf32>,
        %gather3A_137 = tpu.vector_load_idx %arg19[%get3A_129] : memref<10000xf32, #tpu.memory_space<vmem>>[vector<16xi32>], vector<16xf32>,
        %gather3A_138 = tpu.vector_load_idx %arg20[%get3A_132] : memref<10000xf32, #tpu.memory_space<vmem>>[vector<16xi32>], vector<16xf32>,
        %gather3A_139 = tpu.vector_load_idx %arg21[%get3A_135] : memref<16xf32, #tpu.memory_space<vmem>>[vector<16xi32>], vector<16xf32>,
        %add3A_140 = arith.addf %gather3A, %gather3A_136 : vector<16xf32>
        %add3A_141 = arith.addf %add3A_140, %gather3A_139 : vector<16xf32>
        %ge3A = arith.constant 0.000000e+00 : f32
        %ge3A_142 = vector.broadcast %ge3A : f32 to vector<16xf32>
        %ge3A_143 = arith.cmpf oge, %add3A_141, %ge3A_142 : vector<16xf32>
        %mul3A_144 = arith.constant 2.000000e-01 : f32
        %mul3A_145 = vector.broadcast %mul3A_144 : f32 to vector<16xf32>
        %mul3A_146 = arith.mulf %mul3A_145, %add3A_141 : vector<16xf32>
        %select_n3A = arith.select %ge3A_143, %add3A_141, %mul3A_146 : vector<16xi1>, vector<16xf32>
        %get3A_147 = arith.index_cast %scan3A_127 : i32 to index
        %get3A_148 = arith.constant 0 : index
        %get3A_149 = tpu.vector_load %arg27[%get3A_147, %get3A_148] {strides = array<i32>} : memref<16x128xf32, #tpu.memory_space<vmem>>, vector<16xf32>,
        %add3A_150 = arith.addf %get3A_149, %gather3A_137 : vector<16xf32>
        %add3A_151 = arith.addf %add3A_150, %gather3A_138 : vector<16xf32>
        %neg3A = arith.constant 0.000000e+00 : f32
        %neg3A_152 = vector.broadcast %neg3A : f32 to vector<16xf32>
        %neg3A_153 = arith.subf %neg3A_152, %add3A_151 : vector<16xf32>
        %exp3A = math.exp %neg3A_153 : vector<16xf32>
        %add3A_154 = arith.constant 1.000000e+00 : f32
        %add3A_155 = vector.broadcast %add3A_154 : f32 to vector<16xf32>
        %add3A_156 = arith.addf %add3A_155, %exp3A : vector<16xf32>
        %div3A = arith.constant 1.000000e+00 : f32
        %div3A_157 = vector.broadcast %div3A : f32 to vector<16xf32>
        %div3A_158 = arith.divf %div3A_157, %add3A_156 : vector<16xf32>
        %get3A_159 = arith.index_cast %scan3A_127 : i32 to index
        %get3A_160 = arith.constant 0 : index
        %get3A_161 = tpu.vector_load %arg26[%get3A_159, %get3A_160] {strides = array<i32>} : memref<16x128xf32, #tpu.memory_space<vmem>>, vector<16xf32>,
        %mul3A_162 = arith.mulf %div3A_158, %get3A_161 : vector<16xf32>
        %add3A_163 = arith.addf %select_n3A, %mul3A_162 : vector<16xf32>
        %exp3A_164 = math.exp %add3A_163 : vector<16xf32>
        %add3A_165 = arith.addi %add3A_19, %scan3A_127 : i32
        %mul3A_166 = arith.constant 128 : i32
        %mul3A_167 = arith.muli %add3A_165, %mul3A_166 : i32
        %add3A_168 = arith.constant 0 : i32
        %add3A_169 = arith.addi %mul3A_167, %add3A_168 : i32
        %iota3A = tpu.iota {dimensions = array<i32: 0>} : vector<16xi32>
        %add3A_170 = vector.broadcast %add3A_169 : i32 to vector<16xi32>
        %add3A_171 = arith.addi %add3A_170, %iota3A : vector<16xi32>
        %lt3A = arith.constant 320000 : i32
        %lt3A_172 = vector.broadcast %lt3A : i32 to vector<16xi32>
        %lt3A_173 = arith.cmpi slt, %add3A_171, %lt3A_172 : vector<16xi32>
        %jit3A = arith.constant 0.000000e+00 : f32
        %broadcast_in_dim3A = vector.broadcast %jit3A : f32 to vector<16xf32>
        %select_n3A_174 = arith.select %lt3A_173, %exp3A_164, %broadcast_in_dim3A : vector<16xi1>, vector<16xf32>
        %swap3A = arith.index_cast %scan3A_127 : i32 to index
        %swap3A_175 = arith.constant 0 : index
        %swap3A_176 = tpu.vector_load %arg28[%swap3A, %swap3A_175] {strides = array<i32>} : memref<16x128xf32, #tpu.memory_space<vmem>>, vector<16xf32>,
        tpu.vector_store %arg28[%swap3A, %swap3A_175], %div3A_158 {strides = array<i32>} : memref<16x128xf32, #tpu.memory_space<vmem>>, vector<16xf32>,
        %swap3A_177 = arith.index_cast %scan3A_127 : i32 to index
        %swap3A_178 = arith.constant 0 : index
        %swap3A_179 = tpu.vector_load %arg29[%swap3A_177, %swap3A_178] {strides = array<i32>} : memref<16x128xf32, #tpu.memory_space<vmem>>, vector<16xf32>,
        tpu.vector_store %arg29[%swap3A_177, %swap3A_178], %select_n3A_174 {strides = array<i32>} : memref<16x128xf32, #tpu.memory_space<vmem>>, vector<16xf32>,
        %mul3A_180 = arith.constant 16 : i32
        %mul3A_181 = vector.broadcast %mul3A_180 : i32 to vector<16xi32>
        %mul3A_182 = arith.muli %get3A_132, %mul3A_181 : vector<16xi32>
        %add3A_183 = arith.addi %mul3A_182, %get3A_135 : vector<16xi32>
        %swap3A_184 = arith.index_cast %scan3A_127 : i32 to index
        %swap3A_185 = arith.constant 0 : index
        %swap3A_186 = tpu.vector_load %arg25[%swap3A_184, %swap3A_185] {strides = array<i32>} : memref<16x128xi32, #tpu.memory_space<vmem>>, vector<16xi32>,
        tpu.vector_store %arg25[%swap3A_184, %swap3A_185], %add3A_183 {strides = array<i32>} : memref<16x128xi32, #tpu.memory_space<vmem>>, vector<16xi32>,
        %get3A_187 = arith.index_cast %scan3A_127 : i32 to index
        %get3A_188 = arith.constant 16 : index
        %get3A_189 = tpu.vector_load %arg22[%get3A_187, %get3A_188] {strides = array<i32>} : memref<16x128xi32, #tpu.memory_space<vmem>>, vector<16xi32>,
        %get3A_190 = arith.index_cast %scan3A_127 : i32 to index
        %get3A_191 = arith.constant 16 : index
        %get3A_192 = tpu.vector_load %arg23[%get3A_190, %get3A_191] {strides = array<i32>} : memref<16x128xi32, #tpu.memory_space<vmem>>, vector<16xi32>,
        %get3A_193 = arith.index_cast %scan3A_127 : i32 to index
        %get3A_194 = arith.constant 16 : index
        %get3A_195 = tpu.vector_load %arg24[%get3A_193, %get3A_194] {strides = array<i32>} : memref<16x128xi32, #tpu.memory_space<vmem>>, vector<16xi32>,
        %gather3A_196 = tpu.vector_load_idx %arg17[%get3A_189] : memref<10000xf32, #tpu.memory_space<vmem>>[vector<16xi32>], vector<16xf32>,
        %gather3A_197 = tpu.vector_load_idx %arg18[%get3A_192] : memref<10000xf32, #tpu.memory_space<vmem>>[vector<16xi32>], vector<16xf32>,
        %gather3A_198 = tpu.vector_load_idx %arg19[%get3A_189] : memref<10000xf32, #tpu.memory_space<vmem>>[vector<16xi32>], vector<16xf32>,
        %gather3A_199 = tpu.vector_load_idx %arg20[%get3A_192] : memref<10000xf32, #tpu.memory_space<vmem>>[vector<16xi32>], vector<16xf32>,
        %gather3A_200 = tpu.vector_load_idx %arg21[%get3A_195] : memref<16xf32, #tpu.memory_space<vmem>>[vector<16xi32>], vector<16xf32>,
        %add3A_201 = arith.addf %gather3A_196, %gather3A_197 : vector<16xf32>
        %add3A_202 = arith.addf %add3A_201, %gather3A_200 : vector<16xf32>
        %ge3A_203 = arith.constant 0.000000e+00 : f32
        %ge3A_204 = vector.broadcast %ge3A_203 : f32 to vector<16xf32>
        %ge3A_205 = arith.cmpf oge, %add3A_202, %ge3A_204 : vector<16xf32>
        %mul3A_206 = arith.constant 2.000000e-01 : f32
        %mul3A_207 = vector.broadcast %mul3A_206 : f32 to vector<16xf32>
        %mul3A_208 = arith.mulf %mul3A_207, %add3A_202 : vector<16xf32>
        %select_n3A_209 = arith.select %ge3A_205, %add3A_202, %mul3A_208 : vector<16xi1>, vector<16xf32>
        %get3A_210 = arith.index_cast %scan3A_127 : i32 to index
        %get3A_211 = arith.constant 16 : index
        %get3A_212 = tpu.vector_load %arg27[%get3A_210, %get3A_211] {strides = array<i32>} : memref<16x128xf32, #tpu.memory_space<vmem>>, vector<16xf32>,
        %add3A_213 = arith.addf %get3A_212, %gather3A_198 : vector<16xf32>
        %add3A_214 = arith.addf %add3A_213, %gather3A_199 : vector<16xf32>
        %neg3A_215 = arith.constant 0.000000e+00 : f32
        %neg3A_216 = vector.broadcast %neg3A_215 : f32 to vector<16xf32>
        %neg3A_217 = arith.subf %neg3A_216, %add3A_214 : vector<16xf32>
        %exp3A_218 = math.exp %neg3A_217 : vector<16xf32>
        %add3A_219 = arith.constant 1.000000e+00 : f32
        %add3A_220 = vector.broadcast %add3A_219 : f32 to vector<16xf32>
        %add3A_221 = arith.addf %add3A_220, %exp3A_218 : vector<16xf32>
        %div3A_222 = arith.constant 1.000000e+00 : f32
        %div3A_223 = vector.broadcast %div3A_222 : f32 to vector<16xf32>
        %div3A_224 = arith.divf %div3A_223, %add3A_221 : vector<16xf32>
        %get3A_225 = arith.index_cast %scan3A_127 : i32 to index
        %get3A_226 = arith.constant 16 : index
        %get3A_227 = tpu.vector_load %arg26[%get3A_225, %get3A_226] {strides = array<i32>} : memref<16x128xf32, #tpu.memory_space<vmem>>, vector<16xf32>,
        %mul3A_228 = arith.mulf %div3A_224, %get3A_227 : vector<16xf32>
        %add3A_229 = arith.addf %select_n3A_209, %mul3A_228 : vector<16xf32>
        %exp3A_230 = math.exp %add3A_229 : vector<16xf32>
        %add3A_231 = arith.addi %add3A_19, %scan3A_127 : i32
        %mul3A_232 = arith.constant 128 : i32
        %mul3A_233 = arith.muli %add3A_231, %mul3A_232 : i32
        %add3A_234 = arith.constant 16 : i32
        %add3A_235 = arith.addi %mul3A_233, %add3A_234 : i32
        %iota3A_236 = tpu.iota {dimensions = array<i32: 0>} : vector<16xi32>
        %add3A_237 = vector.broadcast %add3A_235 : i32 to vector<16xi32>
        %add3A_238 = arith.addi %add3A_237, %iota3A_236 : vector<16xi32>
        %lt3A_239 = arith.constant 320000 : i32
        %lt3A_240 = vector.broadcast %lt3A_239 : i32 to vector<16xi32>
        %lt3A_241 = arith.cmpi slt, %add3A_238, %lt3A_240 : vector<16xi32>
        %jit3A_242 = arith.constant 0.000000e+00 : f32
        %broadcast_in_dim3A_243 = vector.broadcast %jit3A_242 : f32 to vector<16xf32>
        %select_n3A_244 = arith.select %lt3A_241, %exp3A_230, %broadcast_in_dim3A_243 : vector<16xi1>, vector<16xf32>
        %swap3A_245 = arith.index_cast %scan3A_127 : i32 to index
        %swap3A_246 = arith.constant 16 : index
        %swap3A_247 = tpu.vector_load %arg28[%swap3A_245, %swap3A_246] {strides = array<i32>} : memref<16x128xf32, #tpu.memory_space<vmem>>, vector<16xf32>,
        tpu.vector_store %arg28[%swap3A_245, %swap3A_246], %div3A_224 {strides = array<i32>} : memref<16x128xf32, #tpu.memory_space<vmem>>, vector<16xf32>,
        %swap3A_248 = arith.index_cast %scan3A_127 : i32 to index
        %swap3A_249 = arith.constant 16 : index
        %swap3A_250 = tpu.vector_load %arg29[%swap3A_248, %swap3A_249] {strides = array<i32>} : memref<16x128xf32, #tpu.memory_space<vmem>>, vector<16xf32>,
        tpu.vector_store %arg29[%swap3A_248, %swap3A_249], %select_n3A_244 {strides = array<i32>} : memref<16x128xf32, #tpu.memory_space<vmem>>, vector<16xf32>,
        %mul3A_251 = arith.constant 16 : i32
        %mul3A_252 = vector.broadcast %mul3A_251 : i32 to vector<16xi32>
        %mul3A_253 = arith.muli %get3A_192, %mul3A_252 : vector<16xi32>
        %add3A_254 = arith.addi %mul3A_253, %get3A_195 : vector<16xi32>
        %swap3A_255 = arith.index_cast %scan3A_127 : i32 to index
        %swap3A_256 = arith.constant 16 : index
        %swap3A_257 = tpu.vector_load %arg25[%swap3A_255, %swap3A_256] {strides = array<i32>} : memref<16x128xi32, #tpu.memory_space<vmem>>, vector<16xi32>,
        tpu.vector_store %arg25[%swap3A_255, %swap3A_256], %add3A_254 {strides = array<i32>} : memref<16x128xi32, #tpu.memory_space<vmem>>, vector<16xi32>,
        %get3A_258 = arith.index_cast %scan3A_127 : i32 to index
        %get3A_259 = arith.constant 32 : index
        %get3A_260 = tpu.vector_load %arg22[%get3A_258, %get3A_259] {strides = array<i32>} : memref<16x128xi32, #tpu.memory_space<vmem>>, vector<16xi32>,
        %get3A_261 = arith.index_cast %scan3A_127 : i32 to index
        %get3A_262 = arith.constant 32 : index
        %get3A_263 = tpu.vector_load %arg23[%get3A_261, %get3A_262] {strides = array<i32>} : memref<16x128xi32, #tpu.memory_space<vmem>>, vector<16xi32>,
        %get3A_264 = arith.index_cast %scan3A_127 : i32 to index
        %get3A_265 = arith.constant 32 : index
        %get3A_266 = tpu.vector_load %arg24[%get3A_264, %get3A_265] {strides = array<i32>} : memref<16x128xi32, #tpu.memory_space<vmem>>, vector<16xi32>,
        %gather3A_267 = tpu.vector_load_idx %arg17[%get3A_260] : memref<10000xf32, #tpu.memory_space<vmem>>[vector<16xi32>], vector<16xf32>,
        %gather3A_268 = tpu.vector_load_idx %arg18[%get3A_263] : memref<10000xf32, #tpu.memory_space<vmem>>[vector<16xi32>], vector<16xf32>,
        %gather3A_269 = tpu.vector_load_idx %arg19[%get3A_260] : memref<10000xf32, #tpu.memory_space<vmem>>[vector<16xi32>], vector<16xf32>,
        %gather3A_270 = tpu.vector_load_idx %arg20[%get3A_263] : memref<10000xf32, #tpu.memory_space<vmem>>[vector<16xi32>], vector<16xf32>,
        %gather3A_271 = tpu.vector_load_idx %arg21[%get3A_266] : memref<16xf32, #tpu.memory_space<vmem>>[vector<16xi32>], vector<16xf32>,
        %add3A_272 = arith.addf %gather3A_267, %gather3A_268 : vector<16xf32>
        %add3A_273 = arith.addf %add3A_272, %gather3A_271 : vector<16xf32>
        %ge3A_274 = arith.constant 0.000000e+00 : f32
        %ge3A_275 = vector.broadcast %ge3A_274 : f32 to vector<16xf32>
        %ge3A_276 = arith.cmpf oge, %add3A_273, %ge3A_275 : vector<16xf32>
        %mul3A_277 = arith.constant 2.000000e-01 : f32
        %mul3A_278 = vector.broadcast %mul3A_277 : f32 to vector<16xf32>
        %mul3A_279 = arith.mulf %mul3A_278, %add3A_273 : vector<16xf32>
        %select_n3A_280 = arith.select %ge3A_276, %add3A_273, %mul3A_279 : vector<16xi1>, vector<16xf32>
        %get3A_281 = arith.index_cast %scan3A_127 : i32 to index
        %get3A_282 = arith.constant 32 : index
        %get3A_283 = tpu.vector_load %arg27[%get3A_281, %get3A_282] {strides = array<i32>} : memref<16x128xf32, #tpu.memory_space<vmem>>, vector<16xf32>,
        %add3A_284 = arith.addf %get3A_283, %gather3A_269 : vector<16xf32>
        %add3A_285 = arith.addf %add3A_284, %gather3A_270 : vector<16xf32>
        %neg3A_286 = arith.constant 0.000000e+00 : f32
        %neg3A_287 = vector.broadcast %neg3A_286 : f32 to vector<16xf32>
        %neg3A_288 = arith.subf %neg3A_287, %add3A_285 : vector<16xf32>
        %exp3A_289 = math.exp %neg3A_288 : vector<16xf32>
        %add3A_290 = arith.constant 1.000000e+00 : f32
        %add3A_291 = vector.broadcast %add3A_290 : f32 to vector<16xf32>
        %add3A_292 = arith.addf %add3A_291, %exp3A_289 : vector<16xf32>
        %div3A_293 = arith.constant 1.000000e+00 : f32
        %div3A_294 = vector.broadcast %div3A_293 : f32 to vector<16xf32>
        %div3A_295 = arith.divf %div3A_294, %add3A_292 : vector<16xf32>
        %get3A_296 = arith.index_cast %scan3A_127 : i32 to index
        %get3A_297 = arith.constant 32 : index
        %get3A_298 = tpu.vector_load %arg26[%get3A_296, %get3A_297] {strides = array<i32>} : memref<16x128xf32, #tpu.memory_space<vmem>>, vector<16xf32>,
        %mul3A_299 = arith.mulf %div3A_295, %get3A_298 : vector<16xf32>
        %add3A_300 = arith.addf %select_n3A_280, %mul3A_299 : vector<16xf32>
        %exp3A_301 = math.exp %add3A_300 : vector<16xf32>
        %add3A_302 = arith.addi %add3A_19, %scan3A_127 : i32
        %mul3A_303 = arith.constant 128 : i32
        %mul3A_304 = arith.muli %add3A_302, %mul3A_303 : i32
        %add3A_305 = arith.constant 32 : i32
        %add3A_306 = arith.addi %mul3A_304, %add3A_305 : i32
        %iota3A_307 = tpu.iota {dimensions = array<i32: 0>} : vector<16xi32>
        %add3A_308 = vector.broadcast %add3A_306 : i32 to vector<16xi32>
        %add3A_309 = arith.addi %add3A_308, %iota3A_307 : vector<16xi32>
        %lt3A_310 = arith.constant 320000 : i32
        %lt3A_311 = vector.broadcast %lt3A_310 : i32 to vector<16xi32>
        %lt3A_312 = arith.cmpi slt, %add3A_309, %lt3A_311 : vector<16xi32>
        %jit3A_313 = arith.constant 0.000000e+00 : f32
        %broadcast_in_dim3A_314 = vector.broadcast %jit3A_313 : f32 to vector<16xf32>
        %select_n3A_315 = arith.select %lt3A_312, %exp3A_301, %broadcast_in_dim3A_314 : vector<16xi1>, vector<16xf32>
        %swap3A_316 = arith.index_cast %scan3A_127 : i32 to index
        %swap3A_317 = arith.constant 32 : index
        %swap3A_318 = tpu.vector_load %arg28[%swap3A_316, %swap3A_317] {strides = array<i32>} : memref<16x128xf32, #tpu.memory_space<vmem>>, vector<16xf32>,
        tpu.vector_store %arg28[%swap3A_316, %swap3A_317], %div3A_295 {strides = array<i32>} : memref<16x128xf32, #tpu.memory_space<vmem>>, vector<16xf32>,
        %swap3A_319 = arith.index_cast %scan3A_127 : i32 to index
        %swap3A_320 = arith.constant 32 : index
        %swap3A_321 = tpu.vector_load %arg29[%swap3A_319, %swap3A_320] {strides = array<i32>} : memref<16x128xf32, #tpu.memory_space<vmem>>, vector<16xf32>,
        tpu.vector_store %arg29[%swap3A_319, %swap3A_320], %select_n3A_315 {strides = array<i32>} : memref<16x128xf32, #tpu.memory_space<vmem>>, vector<16xf32>,
        %mul3A_322 = arith.constant 16 : i32
        %mul3A_323 = vector.broadcast %mul3A_322 : i32 to vector<16xi32>
        %mul3A_324 = arith.muli %get3A_263, %mul3A_323 : vector<16xi32>
        %add3A_325 = arith.addi %mul3A_324, %get3A_266 : vector<16xi32>
        %swap3A_326 = arith.index_cast %scan3A_127 : i32 to index
        %swap3A_327 = arith.constant 32 : index
        %swap3A_328 = tpu.vector_load %arg25[%swap3A_326, %swap3A_327] {strides = array<i32>} : memref<16x128xi32, #tpu.memory_space<vmem>>, vector<16xi32>,
        tpu.vector_store %arg25[%swap3A_326, %swap3A_327], %add3A_325 {strides = array<i32>} : memref<16x128xi32, #tpu.memory_space<vmem>>, vector<16xi32>,
        %get3A_329 = arith.index_cast %scan3A_127 : i32 to index
        %get3A_330 = arith.constant 48 : index
        %get3A_331 = tpu.vector_load %arg22[%get3A_329, %get3A_330] {strides = array<i32>} : memref<16x128xi32, #tpu.memory_space<vmem>>, vector<16xi32>,
        %get3A_332 = arith.index_cast %scan3A_127 : i32 to index
        %get3A_333 = arith.constant 48 : index
        %get3A_334 = tpu.vector_load %arg23[%get3A_332, %get3A_333] {strides = array<i32>} : memref<16x128xi32, #tpu.memory_space<vmem>>, vector<16xi32>,
        %get3A_335 = arith.index_cast %scan3A_127 : i32 to index
        %get3A_336 = arith.constant 48 : index
        %get3A_337 = tpu.vector_load %arg24[%get3A_335, %get3A_336] {strides = array<i32>} : memref<16x128xi32, #tpu.memory_space<vmem>>, vector<16xi32>,
        %gather3A_338 = tpu.vector_load_idx %arg17[%get3A_331] : memref<10000xf32, #tpu.memory_space<vmem>>[vector<16xi32>], vector<16xf32>,
        %gather3A_339 = tpu.vector_load_idx %arg18[%get3A_334] : memref<10000xf32, #tpu.memory_space<vmem>>[vector<16xi32>], vector<16xf32>,
        %gather3A_340 = tpu.vector_load_idx %arg19[%get3A_331] : memref<10000xf32, #tpu.memory_space<vmem>>[vector<16xi32>], vector<16xf32>,
        %gather3A_341 = tpu.vector_load_idx %arg20[%get3A_334] : memref<10000xf32, #tpu.memory_space<vmem>>[vector<16xi32>], vector<16xf32>,
        %gather3A_342 = tpu.vector_load_idx %arg21[%get3A_337] : memref<16xf32, #tpu.memory_space<vmem>>[vector<16xi32>], vector<16xf32>,
        %add3A_343 = arith.addf %gather3A_338, %gather3A_339 : vector<16xf32>
        %add3A_344 = arith.addf %add3A_343, %gather3A_342 : vector<16xf32>
        %ge3A_345 = arith.constant 0.000000e+00 : f32
        %ge3A_346 = vector.broadcast %ge3A_345 : f32 to vector<16xf32>
        %ge3A_347 = arith.cmpf oge, %add3A_344, %ge3A_346 : vector<16xf32>
        %mul3A_348 = arith.constant 2.000000e-01 : f32
        %mul3A_349 = vector.broadcast %mul3A_348 : f32 to vector<16xf32>
        %mul3A_350 = arith.mulf %mul3A_349, %add3A_344 : vector<16xf32>
        %select_n3A_351 = arith.select %ge3A_347, %add3A_344, %mul3A_350 : vector<16xi1>, vector<16xf32>
        %get3A_352 = arith.index_cast %scan3A_127 : i32 to index
        %get3A_353 = arith.constant 48 : index
        %get3A_354 = tpu.vector_load %arg27[%get3A_352, %get3A_353] {strides = array<i32>} : memref<16x128xf32, #tpu.memory_space<vmem>>, vector<16xf32>,
        %add3A_355 = arith.addf %get3A_354, %gather3A_340 : vector<16xf32>
        %add3A_356 = arith.addf %add3A_355, %gather3A_341 : vector<16xf32>
        %neg3A_357 = arith.constant 0.000000e+00 : f32
        %neg3A_358 = vector.broadcast %neg3A_357 : f32 to vector<16xf32>
        %neg3A_359 = arith.subf %neg3A_358, %add3A_356 : vector<16xf32>
        %exp3A_360 = math.exp %neg3A_359 : vector<16xf32>
        %add3A_361 = arith.constant 1.000000e+00 : f32
        %add3A_362 = vector.broadcast %add3A_361 : f32 to vector<16xf32>
        %add3A_363 = arith.addf %add3A_362, %exp3A_360 : vector<16xf32>
        %div3A_364 = arith.constant 1.000000e+00 : f32
        %div3A_365 = vector.broadcast %div3A_364 : f32 to vector<16xf32>
        %div3A_366 = arith.divf %div3A_365, %add3A_363 : vector<16xf32>
        %get3A_367 = arith.index_cast %scan3A_127 : i32 to index
        %get3A_368 = arith.constant 48 : index
        %get3A_369 = tpu.vector_load %arg26[%get3A_367, %get3A_368] {strides = array<i32>} : memref<16x128xf32, #tpu.memory_space<vmem>>, vector<16xf32>,
        %mul3A_370 = arith.mulf %div3A_366, %get3A_369 : vector<16xf32>
        %add3A_371 = arith.addf %select_n3A_351, %mul3A_370 : vector<16xf32>
        %exp3A_372 = math.exp %add3A_371 : vector<16xf32>
        %add3A_373 = arith.addi %add3A_19, %scan3A_127 : i32
        %mul3A_374 = arith.constant 128 : i32
        %mul3A_375 = arith.muli %add3A_373, %mul3A_374 : i32
        %add3A_376 = arith.constant 48 : i32
        %add3A_377 = arith.addi %mul3A_375, %add3A_376 : i32
        %iota3A_378 = tpu.iota {dimensions = array<i32: 0>} : vector<16xi32>
        %add3A_379 = vector.broadcast %add3A_377 : i32 to vector<16xi32>
        %add3A_380 = arith.addi %add3A_379, %iota3A_378 : vector<16xi32>
        %lt3A_381 = arith.constant 320000 : i32
        %lt3A_382 = vector.broadcast %lt3A_381 : i32 to vector<16xi32>
        %lt3A_383 = arith.cmpi slt, %add3A_380, %lt3A_382 : vector<16xi32>
        %jit3A_384 = arith.constant 0.000000e+00 : f32
        %broadcast_in_dim3A_385 = vector.broadcast %jit3A_384 : f32 to vector<16xf32>
        %select_n3A_386 = arith.select %lt3A_383, %exp3A_372, %broadcast_in_dim3A_385 : vector<16xi1>, vector<16xf32>
        %swap3A_387 = arith.index_cast %scan3A_127 : i32 to index
        %swap3A_388 = arith.constant 48 : index
        %swap3A_389 = tpu.vector_load %arg28[%swap3A_387, %swap3A_388] {strides = array<i32>} : memref<16x128xf32, #tpu.memory_space<vmem>>, vector<16xf32>,
        tpu.vector_store %arg28[%swap3A_387, %swap3A_388], %div3A_366 {strides = array<i32>} : memref<16x128xf32, #tpu.memory_space<vmem>>, vector<16xf32>,
        %swap3A_390 = arith.index_cast %scan3A_127 : i32 to index
        %swap3A_391 = arith.constant 48 : index
        %swap3A_392 = tpu.vector_load %arg29[%swap3A_390, %swap3A_391] {strides = array<i32>} : memref<16x128xf32, #tpu.memory_space<vmem>>, vector<16xf32>,
        tpu.vector_store %arg29[%swap3A_390, %swap3A_391], %select_n3A_386 {strides = array<i32>} : memref<16x128xf32, #tpu.memory_space<vmem>>, vector<16xf32>,
        %mul3A_393 = arith.constant 16 : i32
        %mul3A_394 = vector.broadcast %mul3A_393 : i32 to vector<16xi32>
        %mul3A_395 = arith.muli %get3A_334, %mul3A_394 : vector<16xi32>
        %add3A_396 = arith.addi %mul3A_395, %get3A_337 : vector<16xi32>
        %swap3A_397 = arith.index_cast %scan3A_127 : i32 to index
        %swap3A_398 = arith.constant 48 : index
        %swap3A_399 = tpu.vector_load %arg25[%swap3A_397, %swap3A_398] {strides = array<i32>} : memref<16x128xi32, #tpu.memory_space<vmem>>, vector<16xi32>,
        tpu.vector_store %arg25[%swap3A_397, %swap3A_398], %add3A_396 {strides = array<i32>} : memref<16x128xi32, #tpu.memory_space<vmem>>, vector<16xi32>,
        %get3A_400 = arith.index_cast %scan3A_127 : i32 to index
        %get3A_401 = arith.constant 64 : index
        %get3A_402 = tpu.vector_load %arg22[%get3A_400, %get3A_401] {strides = array<i32>} : memref<16x128xi32, #tpu.memory_space<vmem>>, vector<16xi32>,
        %get3A_403 = arith.index_cast %scan3A_127 : i32 to index
        %get3A_404 = arith.constant 64 : index
        %get3A_405 = tpu.vector_load %arg23[%get3A_403, %get3A_404] {strides = array<i32>} : memref<16x128xi32, #tpu.memory_space<vmem>>, vector<16xi32>,
        %get3A_406 = arith.index_cast %scan3A_127 : i32 to index
        %get3A_407 = arith.constant 64 : index
        %get3A_408 = tpu.vector_load %arg24[%get3A_406, %get3A_407] {strides = array<i32>} : memref<16x128xi32, #tpu.memory_space<vmem>>, vector<16xi32>,
        %gather3A_409 = tpu.vector_load_idx %arg17[%get3A_402] : memref<10000xf32, #tpu.memory_space<vmem>>[vector<16xi32>], vector<16xf32>,
        %gather3A_410 = tpu.vector_load_idx %arg18[%get3A_405] : memref<10000xf32, #tpu.memory_space<vmem>>[vector<16xi32>], vector<16xf32>,
        %gather3A_411 = tpu.vector_load_idx %arg19[%get3A_402] : memref<10000xf32, #tpu.memory_space<vmem>>[vector<16xi32>], vector<16xf32>,
        %gather3A_412 = tpu.vector_load_idx %arg20[%get3A_405] : memref<10000xf32, #tpu.memory_space<vmem>>[vector<16xi32>], vector<16xf32>,
        %gather3A_413 = tpu.vector_load_idx %arg21[%get3A_408] : memref<16xf32, #tpu.memory_space<vmem>>[vector<16xi32>], vector<16xf32>,
        %add3A_414 = arith.addf %gather3A_409, %gather3A_410 : vector<16xf32>
        %add3A_415 = arith.addf %add3A_414, %gather3A_413 : vector<16xf32>
        %ge3A_416 = arith.constant 0.000000e+00 : f32
        %ge3A_417 = vector.broadcast %ge3A_416 : f32 to vector<16xf32>
        %ge3A_418 = arith.cmpf oge, %add3A_415, %ge3A_417 : vector<16xf32>
        %mul3A_419 = arith.constant 2.000000e-01 : f32
        %mul3A_420 = vector.broadcast %mul3A_419 : f32 to vector<16xf32>
        %mul3A_421 = arith.mulf %mul3A_420, %add3A_415 : vector<16xf32>
        %select_n3A_422 = arith.select %ge3A_418, %add3A_415, %mul3A_421 : vector<16xi1>, vector<16xf32>
        %get3A_423 = arith.index_cast %scan3A_127 : i32 to index
        %get3A_424 = arith.constant 64 : index
        %get3A_425 = tpu.vector_load %arg27[%get3A_423, %get3A_424] {strides = array<i32>} : memref<16x128xf32, #tpu.memory_space<vmem>>, vector<16xf32>,
        %add3A_426 = arith.addf %get3A_425, %gather3A_411 : vector<16xf32>
        %add3A_427 = arith.addf %add3A_426, %gather3A_412 : vector<16xf32>
        %neg3A_428 = arith.constant 0.000000e+00 : f32
        %neg3A_429 = vector.broadcast %neg3A_428 : f32 to vector<16xf32>
        %neg3A_430 = arith.subf %neg3A_429, %add3A_427 : vector<16xf32>
        %exp3A_431 = math.exp %neg3A_430 : vector<16xf32>
        %add3A_432 = arith.constant 1.000000e+00 : f32
        %add3A_433 = vector.broadcast %add3A_432 : f32 to vector<16xf32>
        %add3A_434 = arith.addf %add3A_433, %exp3A_431 : vector<16xf32>
        %div3A_435 = arith.constant 1.000000e+00 : f32
        %div3A_436 = vector.broadcast %div3A_435 : f32 to vector<16xf32>
        %div3A_437 = arith.divf %div3A_436, %add3A_434 : vector<16xf32>
        %get3A_438 = arith.index_cast %scan3A_127 : i32 to index
        %get3A_439 = arith.constant 64 : index
        %get3A_440 = tpu.vector_load %arg26[%get3A_438, %get3A_439] {strides = array<i32>} : memref<16x128xf32, #tpu.memory_space<vmem>>, vector<16xf32>,
        %mul3A_441 = arith.mulf %div3A_437, %get3A_440 : vector<16xf32>
        %add3A_442 = arith.addf %select_n3A_422, %mul3A_441 : vector<16xf32>
        %exp3A_443 = math.exp %add3A_442 : vector<16xf32>
        %add3A_444 = arith.addi %add3A_19, %scan3A_127 : i32
        %mul3A_445 = arith.constant 128 : i32
        %mul3A_446 = arith.muli %add3A_444, %mul3A_445 : i32
        %add3A_447 = arith.constant 64 : i32
        %add3A_448 = arith.addi %mul3A_446, %add3A_447 : i32
        %iota3A_449 = tpu.iota {dimensions = array<i32: 0>} : vector<16xi32>
        %add3A_450 = vector.broadcast %add3A_448 : i32 to vector<16xi32>
        %add3A_451 = arith.addi %add3A_450, %iota3A_449 : vector<16xi32>
        %lt3A_452 = arith.constant 320000 : i32
        %lt3A_453 = vector.broadcast %lt3A_452 : i32 to vector<16xi32>
        %lt3A_454 = arith.cmpi slt, %add3A_451, %lt3A_453 : vector<16xi32>
        %jit3A_455 = arith.constant 0.000000e+00 : f32
        %broadcast_in_dim3A_456 = vector.broadcast %jit3A_455 : f32 to vector<16xf32>
        %select_n3A_457 = arith.select %lt3A_454, %exp3A_443, %broadcast_in_dim3A_456 : vector<16xi1>, vector<16xf32>
        %swap3A_458 = arith.index_cast %scan3A_127 : i32 to index
        %swap3A_459 = arith.constant 64 : index
        %swap3A_460 = tpu.vector_load %arg28[%swap3A_458, %swap3A_459] {strides = array<i32>} : memref<16x128xf32, #tpu.memory_space<vmem>>, vector<16xf32>,
        tpu.vector_store %arg28[%swap3A_458, %swap3A_459], %div3A_437 {strides = array<i32>} : memref<16x128xf32, #tpu.memory_space<vmem>>, vector<16xf32>,
        %swap3A_461 = arith.index_cast %scan3A_127 : i32 to index
        %swap3A_462 = arith.constant 64 : index
        %swap3A_463 = tpu.vector_load %arg29[%swap3A_461, %swap3A_462] {strides = array<i32>} : memref<16x128xf32, #tpu.memory_space<vmem>>, vector<16xf32>,
        tpu.vector_store %arg29[%swap3A_461, %swap3A_462], %select_n3A_457 {strides = array<i32>} : memref<16x128xf32, #tpu.memory_space<vmem>>, vector<16xf32>,
        %mul3A_464 = arith.constant 16 : i32
        %mul3A_465 = vector.broadcast %mul3A_464 : i32 to vector<16xi32>
        %mul3A_466 = arith.muli %get3A_405, %mul3A_465 : vector<16xi32>
        %add3A_467 = arith.addi %mul3A_466, %get3A_408 : vector<16xi32>
        %swap3A_468 = arith.index_cast %scan3A_127 : i32 to index
        %swap3A_469 = arith.constant 64 : index
        %swap3A_470 = tpu.vector_load %arg25[%swap3A_468, %swap3A_469] {strides = array<i32>} : memref<16x128xi32, #tpu.memory_space<vmem>>, vector<16xi32>,
        tpu.vector_store %arg25[%swap3A_468, %swap3A_469], %add3A_467 {strides = array<i32>} : memref<16x128xi32, #tpu.memory_space<vmem>>, vector<16xi32>,
        %get3A_471 = arith.index_cast %scan3A_127 : i32 to index
        %get3A_472 = arith.constant 80 : index
        %get3A_473 = tpu.vector_load %arg22[%get3A_471, %get3A_472] {strides = array<i32>} : memref<16x128xi32, #tpu.memory_space<vmem>>, vector<16xi32>,
        %get3A_474 = arith.index_cast %scan3A_127 : i32 to index
        %get3A_475 = arith.constant 80 : index
        %get3A_476 = tpu.vector_load %arg23[%get3A_474, %get3A_475] {strides = array<i32>} : memref<16x128xi32, #tpu.memory_space<vmem>>, vector<16xi32>,
        %get3A_477 = arith.index_cast %scan3A_127 : i32 to index
        %get3A_478 = arith.constant 80 : index
        %get3A_479 = tpu.vector_load %arg24[%get3A_477, %get3A_478] {strides = array<i32>} : memref<16x128xi32, #tpu.memory_space<vmem>>, vector<16xi32>,
        %gather3A_480 = tpu.vector_load_idx %arg17[%get3A_473] : memref<10000xf32, #tpu.memory_space<vmem>>[vector<16xi32>], vector<16xf32>,
        %gather3A_481 = tpu.vector_load_idx %arg18[%get3A_476] : memref<10000xf32, #tpu.memory_space<vmem>>[vector<16xi32>], vector<16xf32>,
        %gather3A_482 = tpu.vector_load_idx %arg19[%get3A_473] : memref<10000xf32, #tpu.memory_space<vmem>>[vector<16xi32>], vector<16xf32>,
        %gather3A_483 = tpu.vector_load_idx %arg20[%get3A_476] : memref<10000xf32, #tpu.memory_space<vmem>>[vector<16xi32>], vector<16xf32>,
        %gather3A_484 = tpu.vector_load_idx %arg21[%get3A_479] : memref<16xf32, #tpu.memory_space<vmem>>[vector<16xi32>], vector<16xf32>,
        %add3A_485 = arith.addf %gather3A_480, %gather3A_481 : vector<16xf32>
        %add3A_486 = arith.addf %add3A_485, %gather3A_484 : vector<16xf32>
        %ge3A_487 = arith.constant 0.000000e+00 : f32
        %ge3A_488 = vector.broadcast %ge3A_487 : f32 to vector<16xf32>
        %ge3A_489 = arith.cmpf oge, %add3A_486, %ge3A_488 : vector<16xf32>
        %mul3A_490 = arith.constant 2.000000e-01 : f32
        %mul3A_491 = vector.broadcast %mul3A_490 : f32 to vector<16xf32>
        %mul3A_492 = arith.mulf %mul3A_491, %add3A_486 : vector<16xf32>
        %select_n3A_493 = arith.select %ge3A_489, %add3A_486, %mul3A_492 : vector<16xi1>, vector<16xf32>
        %get3A_494 = arith.index_cast %scan3A_127 : i32 to index
        %get3A_495 = arith.constant 80 : index
        %get3A_496 = tpu.vector_load %arg27[%get3A_494, %get3A_495] {strides = array<i32>} : memref<16x128xf32, #tpu.memory_space<vmem>>, vector<16xf32>,
        %add3A_497 = arith.addf %get3A_496, %gather3A_482 : vector<16xf32>
        %add3A_498 = arith.addf %add3A_497, %gather3A_483 : vector<16xf32>
        %neg3A_499 = arith.constant 0.000000e+00 : f32
        %neg3A_500 = vector.broadcast %neg3A_499 : f32 to vector<16xf32>
        %neg3A_501 = arith.subf %neg3A_500, %add3A_498 : vector<16xf32>
        %exp3A_502 = math.exp %neg3A_501 : vector<16xf32>
        %add3A_503 = arith.constant 1.000000e+00 : f32
        %add3A_504 = vector.broadcast %add3A_503 : f32 to vector<16xf32>
        %add3A_505 = arith.addf %add3A_504, %exp3A_502 : vector<16xf32>
        %div3A_506 = arith.constant 1.000000e+00 : f32
        %div3A_507 = vector.broadcast %div3A_506 : f32 to vector<16xf32>
        %div3A_508 = arith.divf %div3A_507, %add3A_505 : vector<16xf32>
        %get3A_509 = arith.index_cast %scan3A_127 : i32 to index
        %get3A_510 = arith.constant 80 : index
        %get3A_511 = tpu.vector_load %arg26[%get3A_509, %get3A_510] {strides = array<i32>} : memref<16x128xf32, #tpu.memory_space<vmem>>, vector<16xf32>,
        %mul3A_512 = arith.mulf %div3A_508, %get3A_511 : vector<16xf32>
        %add3A_513 = arith.addf %select_n3A_493, %mul3A_512 : vector<16xf32>
        %exp3A_514 = math.exp %add3A_513 : vector<16xf32>
        %add3A_515 = arith.addi %add3A_19, %scan3A_127 : i32
        %mul3A_516 = arith.constant 128 : i32
        %mul3A_517 = arith.muli %add3A_515, %mul3A_516 : i32
        %add3A_518 = arith.constant 80 : i32
        %add3A_519 = arith.addi %mul3A_517, %add3A_518 : i32
        %iota3A_520 = tpu.iota {dimensions = array<i32: 0>} : vector<16xi32>
        %add3A_521 = vector.broadcast %add3A_519 : i32 to vector<16xi32>
        %add3A_522 = arith.addi %add3A_521, %iota3A_520 : vector<16xi32>
        %lt3A_523 = arith.constant 320000 : i32
        %lt3A_524 = vector.broadcast %lt3A_523 : i32 to vector<16xi32>
        %lt3A_525 = arith.cmpi slt, %add3A_522, %lt3A_524 : vector<16xi32>
        %jit3A_526 = arith.constant 0.000000e+00 : f32
        %broadcast_in_dim3A_527 = vector.broadcast %jit3A_526 : f32 to vector<16xf32>
        %select_n3A_528 = arith.select %lt3A_525, %exp3A_514, %broadcast_in_dim3A_527 : vector<16xi1>, vector<16xf32>
        %swap3A_529 = arith.index_cast %scan3A_127 : i32 to index
        %swap3A_530 = arith.constant 80 : index
        %swap3A_531 = tpu.vector_load %arg28[%swap3A_529, %swap3A_530] {strides = array<i32>} : memref<16x128xf32, #tpu.memory_space<vmem>>, vector<16xf32>,
        tpu.vector_store %arg28[%swap3A_529, %swap3A_530], %div3A_508 {strides = array<i32>} : memref<16x128xf32, #tpu.memory_space<vmem>>, vector<16xf32>,
        %swap3A_532 = arith.index_cast %scan3A_127 : i32 to index
        %swap3A_533 = arith.constant 80 : index
        %swap3A_534 = tpu.vector_load %arg29[%swap3A_532, %swap3A_533] {strides = array<i32>} : memref<16x128xf32, #tpu.memory_space<vmem>>, vector<16xf32>,
        tpu.vector_store %arg29[%swap3A_532, %swap3A_533], %select_n3A_528 {strides = array<i32>} : memref<16x128xf32, #tpu.memory_space<vmem>>, vector<16xf32>,
        %mul3A_535 = arith.constant 16 : i32
        %mul3A_536 = vector.broadcast %mul3A_535 : i32 to vector<16xi32>
        %mul3A_537 = arith.muli %get3A_476, %mul3A_536 : vector<16xi32>
        %add3A_538 = arith.addi %mul3A_537, %get3A_479 : vector<16xi32>
        %swap3A_539 = arith.index_cast %scan3A_127 : i32 to index
        %swap3A_540 = arith.constant 80 : index
        %swap3A_541 = tpu.vector_load %arg25[%swap3A_539, %swap3A_540] {strides = array<i32>} : memref<16x128xi32, #tpu.memory_space<vmem>>, vector<16xi32>,
        tpu.vector_store %arg25[%swap3A_539, %swap3A_540], %add3A_538 {strides = array<i32>} : memref<16x128xi32, #tpu.memory_space<vmem>>, vector<16xi32>,
        %get3A_542 = arith.index_cast %scan3A_127 : i32 to index
        %get3A_543 = arith.constant 96 : index
        %get3A_544 = tpu.vector_load %arg22[%get3A_542, %get3A_543] {strides = array<i32>} : memref<16x128xi32, #tpu.memory_space<vmem>>, vector<16xi32>,
        %get3A_545 = arith.index_cast %scan3A_127 : i32 to index
        %get3A_546 = arith.constant 96 : index
        %get3A_547 = tpu.vector_load %arg23[%get3A_545, %get3A_546] {strides = array<i32>} : memref<16x128xi32, #tpu.memory_space<vmem>>, vector<16xi32>,
        %get3A_548 = arith.index_cast %scan3A_127 : i32 to index
        %get3A_549 = arith.constant 96 : index
        %get3A_550 = tpu.vector_load %arg24[%get3A_548, %get3A_549] {strides = array<i32>} : memref<16x128xi32, #tpu.memory_space<vmem>>, vector<16xi32>,
        %gather3A_551 = tpu.vector_load_idx %arg17[%get3A_544] : memref<10000xf32, #tpu.memory_space<vmem>>[vector<16xi32>], vector<16xf32>,
        %gather3A_552 = tpu.vector_load_idx %arg18[%get3A_547] : memref<10000xf32, #tpu.memory_space<vmem>>[vector<16xi32>], vector<16xf32>,
        %gather3A_553 = tpu.vector_load_idx %arg19[%get3A_544] : memref<10000xf32, #tpu.memory_space<vmem>>[vector<16xi32>], vector<16xf32>,
        %gather3A_554 = tpu.vector_load_idx %arg20[%get3A_547] : memref<10000xf32, #tpu.memory_space<vmem>>[vector<16xi32>], vector<16xf32>,
        %gather3A_555 = tpu.vector_load_idx %arg21[%get3A_550] : memref<16xf32, #tpu.memory_space<vmem>>[vector<16xi32>], vector<16xf32>,
        %add3A_556 = arith.addf %gather3A_551, %gather3A_552 : vector<16xf32>
        %add3A_557 = arith.addf %add3A_556, %gather3A_555 : vector<16xf32>
        %ge3A_558 = arith.constant 0.000000e+00 : f32
        %ge3A_559 = vector.broadcast %ge3A_558 : f32 to vector<16xf32>
        %ge3A_560 = arith.cmpf oge, %add3A_557, %ge3A_559 : vector<16xf32>
        %mul3A_561 = arith.constant 2.000000e-01 : f32
        %mul3A_562 = vector.broadcast %mul3A_561 : f32 to vector<16xf32>
        %mul3A_563 = arith.mulf %mul3A_562, %add3A_557 : vector<16xf32>
        %select_n3A_564 = arith.select %ge3A_560, %add3A_557, %mul3A_563 : vector<16xi1>, vector<16xf32>
        %get3A_565 = arith.index_cast %scan3A_127 : i32 to index
        %get3A_566 = arith.constant 96 : index
        %get3A_567 = tpu.vector_load %arg27[%get3A_565, %get3A_566] {strides = array<i32>} : memref<16x128xf32, #tpu.memory_space<vmem>>, vector<16xf32>,
        %add3A_568 = arith.addf %get3A_567, %gather3A_553 : vector<16xf32>
        %add3A_569 = arith.addf %add3A_568, %gather3A_554 : vector<16xf32>
        %neg3A_570 = arith.constant 0.000000e+00 : f32
        %neg3A_571 = vector.broadcast %neg3A_570 : f32 to vector<16xf32>
        %neg3A_572 = arith.subf %neg3A_571, %add3A_569 : vector<16xf32>
        %exp3A_573 = math.exp %neg3A_572 : vector<16xf32>
        %add3A_574 = arith.constant 1.000000e+00 : f32
        %add3A_575 = vector.broadcast %add3A_574 : f32 to vector<16xf32>
        %add3A_576 = arith.addf %add3A_575, %exp3A_573 : vector<16xf32>
        %div3A_577 = arith.constant 1.000000e+00 : f32
        %div3A_578 = vector.broadcast %div3A_577 : f32 to vector<16xf32>
        %div3A_579 = arith.divf %div3A_578, %add3A_576 : vector<16xf32>
        %get3A_580 = arith.index_cast %scan3A_127 : i32 to index
        %get3A_581 = arith.constant 96 : index
        %get3A_582 = tpu.vector_load %arg26[%get3A_580, %get3A_581] {strides = array<i32>} : memref<16x128xf32, #tpu.memory_space<vmem>>, vector<16xf32>,
        %mul3A_583 = arith.mulf %div3A_579, %get3A_582 : vector<16xf32>
        %add3A_584 = arith.addf %select_n3A_564, %mul3A_583 : vector<16xf32>
        %exp3A_585 = math.exp %add3A_584 : vector<16xf32>
        %add3A_586 = arith.addi %add3A_19, %scan3A_127 : i32
        %mul3A_587 = arith.constant 128 : i32
        %mul3A_588 = arith.muli %add3A_586, %mul3A_587 : i32
        %add3A_589 = arith.constant 96 : i32
        %add3A_590 = arith.addi %mul3A_588, %add3A_589 : i32
        %iota3A_591 = tpu.iota {dimensions = array<i32: 0>} : vector<16xi32>
        %add3A_592 = vector.broadcast %add3A_590 : i32 to vector<16xi32>
        %add3A_593 = arith.addi %add3A_592, %iota3A_591 : vector<16xi32>
        %lt3A_594 = arith.constant 320000 : i32
        %lt3A_595 = vector.broadcast %lt3A_594 : i32 to vector<16xi32>
        %lt3A_596 = arith.cmpi slt, %add3A_593, %lt3A_595 : vector<16xi32>
        %jit3A_597 = arith.constant 0.000000e+00 : f32
        %broadcast_in_dim3A_598 = vector.broadcast %jit3A_597 : f32 to vector<16xf32>
        %select_n3A_599 = arith.select %lt3A_596, %exp3A_585, %broadcast_in_dim3A_598 : vector<16xi1>, vector<16xf32>
        %swap3A_600 = arith.index_cast %scan3A_127 : i32 to index
        %swap3A_601 = arith.constant 96 : index
        %swap3A_602 = tpu.vector_load %arg28[%swap3A_600, %swap3A_601] {strides = array<i32>} : memref<16x128xf32, #tpu.memory_space<vmem>>, vector<16xf32>,
        tpu.vector_store %arg28[%swap3A_600, %swap3A_601], %div3A_579 {strides = array<i32>} : memref<16x128xf32, #tpu.memory_space<vmem>>, vector<16xf32>,
        %swap3A_603 = arith.index_cast %scan3A_127 : i32 to index
        %swap3A_604 = arith.constant 96 : index
        %swap3A_605 = tpu.vector_load %arg29[%swap3A_603, %swap3A_604] {strides = array<i32>} : memref<16x128xf32, #tpu.memory_space<vmem>>, vector<16xf32>,
        tpu.vector_store %arg29[%swap3A_603, %swap3A_604], %select_n3A_599 {strides = array<i32>} : memref<16x128xf32, #tpu.memory_space<vmem>>, vector<16xf32>,
        %mul3A_606 = arith.constant 16 : i32
        %mul3A_607 = vector.broadcast %mul3A_606 : i32 to vector<16xi32>
        %mul3A_608 = arith.muli %get3A_547, %mul3A_607 : vector<16xi32>
        %add3A_609 = arith.addi %mul3A_608, %get3A_550 : vector<16xi32>
        %swap3A_610 = arith.index_cast %scan3A_127 : i32 to index
        %swap3A_611 = arith.constant 96 : index
        %swap3A_612 = tpu.vector_load %arg25[%swap3A_610, %swap3A_611] {strides = array<i32>} : memref<16x128xi32, #tpu.memory_space<vmem>>, vector<16xi32>,
        tpu.vector_store %arg25[%swap3A_610, %swap3A_611], %add3A_609 {strides = array<i32>} : memref<16x128xi32, #tpu.memory_space<vmem>>, vector<16xi32>,
        %get3A_613 = arith.index_cast %scan3A_127 : i32 to index
        %get3A_614 = arith.constant 112 : index
        %get3A_615 = tpu.vector_load %arg22[%get3A_613, %get3A_614] {strides = array<i32>} : memref<16x128xi32, #tpu.memory_space<vmem>>, vector<16xi32>,
        %get3A_616 = arith.index_cast %scan3A_127 : i32 to index
        %get3A_617 = arith.constant 112 : index
        %get3A_618 = tpu.vector_load %arg23[%get3A_616, %get3A_617] {strides = array<i32>} : memref<16x128xi32, #tpu.memory_space<vmem>>, vector<16xi32>,
        %get3A_619 = arith.index_cast %scan3A_127 : i32 to index
        %get3A_620 = arith.constant 112 : index
        %get3A_621 = tpu.vector_load %arg24[%get3A_619, %get3A_620] {strides = array<i32>} : memref<16x128xi32, #tpu.memory_space<vmem>>, vector<16xi32>,
        %gather3A_622 = tpu.vector_load_idx %arg17[%get3A_615] : memref<10000xf32, #tpu.memory_space<vmem>>[vector<16xi32>], vector<16xf32>,
        %gather3A_623 = tpu.vector_load_idx %arg18[%get3A_618] : memref<10000xf32, #tpu.memory_space<vmem>>[vector<16xi32>], vector<16xf32>,
        %gather3A_624 = tpu.vector_load_idx %arg19[%get3A_615] : memref<10000xf32, #tpu.memory_space<vmem>>[vector<16xi32>], vector<16xf32>,
        %gather3A_625 = tpu.vector_load_idx %arg20[%get3A_618] : memref<10000xf32, #tpu.memory_space<vmem>>[vector<16xi32>], vector<16xf32>,
        %gather3A_626 = tpu.vector_load_idx %arg21[%get3A_621] : memref<16xf32, #tpu.memory_space<vmem>>[vector<16xi32>], vector<16xf32>,
        %add3A_627 = arith.addf %gather3A_622, %gather3A_623 : vector<16xf32>
        %add3A_628 = arith.addf %add3A_627, %gather3A_626 : vector<16xf32>
        %ge3A_629 = arith.constant 0.000000e+00 : f32
        %ge3A_630 = vector.broadcast %ge3A_629 : f32 to vector<16xf32>
        %ge3A_631 = arith.cmpf oge, %add3A_628, %ge3A_630 : vector<16xf32>
        %mul3A_632 = arith.constant 2.000000e-01 : f32
        %mul3A_633 = vector.broadcast %mul3A_632 : f32 to vector<16xf32>
        %mul3A_634 = arith.mulf %mul3A_633, %add3A_628 : vector<16xf32>
        %select_n3A_635 = arith.select %ge3A_631, %add3A_628, %mul3A_634 : vector<16xi1>, vector<16xf32>
        %get3A_636 = arith.index_cast %scan3A_127 : i32 to index
        %get3A_637 = arith.constant 112 : index
        %get3A_638 = tpu.vector_load %arg27[%get3A_636, %get3A_637] {strides = array<i32>} : memref<16x128xf32, #tpu.memory_space<vmem>>, vector<16xf32>,
        %add3A_639 = arith.addf %get3A_638, %gather3A_624 : vector<16xf32>
        %add3A_640 = arith.addf %add3A_639, %gather3A_625 : vector<16xf32>
        %neg3A_641 = arith.constant 0.000000e+00 : f32
        %neg3A_642 = vector.broadcast %neg3A_641 : f32 to vector<16xf32>
        %neg3A_643 = arith.subf %neg3A_642, %add3A_640 : vector<16xf32>
        %exp3A_644 = math.exp %neg3A_643 : vector<16xf32>
        %add3A_645 = arith.constant 1.000000e+00 : f32
        %add3A_646 = vector.broadcast %add3A_645 : f32 to vector<16xf32>
        %add3A_647 = arith.addf %add3A_646, %exp3A_644 : vector<16xf32>
        %div3A_648 = arith.constant 1.000000e+00 : f32
        %div3A_649 = vector.broadcast %div3A_648 : f32 to vector<16xf32>
        %div3A_650 = arith.divf %div3A_649, %add3A_647 : vector<16xf32>
        %get3A_651 = arith.index_cast %scan3A_127 : i32 to index
        %get3A_652 = arith.constant 112 : index
        %get3A_653 = tpu.vector_load %arg26[%get3A_651, %get3A_652] {strides = array<i32>} : memref<16x128xf32, #tpu.memory_space<vmem>>, vector<16xf32>,
        %mul3A_654 = arith.mulf %div3A_650, %get3A_653 : vector<16xf32>
        %add3A_655 = arith.addf %select_n3A_635, %mul3A_654 : vector<16xf32>
        %exp3A_656 = math.exp %add3A_655 : vector<16xf32>
        %add3A_657 = arith.addi %add3A_19, %scan3A_127 : i32
        %mul3A_658 = arith.constant 128 : i32
        %mul3A_659 = arith.muli %add3A_657, %mul3A_658 : i32
        %add3A_660 = arith.constant 112 : i32
        %add3A_661 = arith.addi %mul3A_659, %add3A_660 : i32
        %iota3A_662 = tpu.iota {dimensions = array<i32: 0>} : vector<16xi32>
        %add3A_663 = vector.broadcast %add3A_661 : i32 to vector<16xi32>
        %add3A_664 = arith.addi %add3A_663, %iota3A_662 : vector<16xi32>
        %lt3A_665 = arith.constant 320000 : i32
        %lt3A_666 = vector.broadcast %lt3A_665 : i32 to vector<16xi32>
        %lt3A_667 = arith.cmpi slt, %add3A_664, %lt3A_666 : vector<16xi32>
        %jit3A_668 = arith.constant 0.000000e+00 : f32
        %broadcast_in_dim3A_669 = vector.broadcast %jit3A_668 : f32 to vector<16xf32>
        %select_n3A_670 = arith.select %lt3A_667, %exp3A_656, %broadcast_in_dim3A_669 : vector<16xi1>, vector<16xf32>
        %swap3A_671 = arith.index_cast %scan3A_127 : i32 to index
        %swap3A_672 = arith.constant 112 : index
        %swap3A_673 = tpu.vector_load %arg28[%swap3A_671, %swap3A_672] {strides = array<i32>} : memref<16x128xf32, #tpu.memory_space<vmem>>, vector<16xf32>,
        tpu.vector_store %arg28[%swap3A_671, %swap3A_672], %div3A_650 {strides = array<i32>} : memref<16x128xf32, #tpu.memory_space<vmem>>, vector<16xf32>,
        %swap3A_674 = arith.index_cast %scan3A_127 : i32 to index
        %swap3A_675 = arith.constant 112 : index
        %swap3A_676 = tpu.vector_load %arg29[%swap3A_674, %swap3A_675] {strides = array<i32>} : memref<16x128xf32, #tpu.memory_space<vmem>>, vector<16xf32>,
        tpu.vector_store %arg29[%swap3A_674, %swap3A_675], %select_n3A_670 {strides = array<i32>} : memref<16x128xf32, #tpu.memory_space<vmem>>, vector<16xf32>,
        %mul3A_677 = arith.constant 16 : i32
        %mul3A_678 = vector.broadcast %mul3A_677 : i32 to vector<16xi32>
        %mul3A_679 = arith.muli %get3A_618, %mul3A_678 : vector<16xi32>
        %add3A_680 = arith.addi %mul3A_679, %get3A_621 : vector<16xi32>
        %swap3A_681 = arith.index_cast %scan3A_127 : i32 to index
        %swap3A_682 = arith.constant 112 : index
        %swap3A_683 = tpu.vector_load %arg25[%swap3A_681, %swap3A_682] {strides = array<i32>} : memref<16x128xi32, #tpu.memory_space<vmem>>, vector<16xi32>,
        tpu.vector_store %arg25[%swap3A_681, %swap3A_682], %add3A_680 {strides = array<i32>} : memref<16x128xi32, #tpu.memory_space<vmem>>, vector<16xi32>,
      }
      %scan3A_63 = arith.constant 16 : i32
      "tpu.region"() ({
        %run_scoped3A_127 = tpu.sem_alloc : memref<!tpu.dma_semaphore, #tpu.memory_space<semaphore_mem>>
        %dma_start3A_128 = arith.constant 0 : i32
        %dma_start3A_129 = tpu.memref_slice %arg13[%add3A_19, %dma_start3A_128] : memref<2560x128xf32, #tpu.memory_space<hbm>> -> memref<16x128xf32, #tpu.memory_space<hbm>>
        %dma_start3A_130 = arith.constant 0 : i32
        %dma_start3A_131 = tpu.memref_slice %arg13[%add3A_19, %dma_start3A_130] : memref<2560x128xf32, #tpu.memory_space<hbm>> -> memref<16x128xf32, #tpu.memory_space<hbm>>
        tpu.enqueue_dma source(%arg28 : memref<16x128xf32, #tpu.memory_space<vmem>>) target(%dma_start3A_131 : memref<16x128xf32, #tpu.memory_space<hbm>>) target_semaphore(%run_scoped3A_127 : memref<!tpu.dma_semaphore, #tpu.memory_space<semaphore_mem>>)
        %dma_wait3A_132 = arith.constant 0 : i32
        %dma_wait3A_133 = tpu.memref_slice %arg13[%add3A_19, %dma_wait3A_132] : memref<2560x128xf32, #tpu.memory_space<hbm>> -> memref<16x128xf32, #tpu.memory_space<hbm>>
        %dma_wait3A_134 = arith.constant 0 : i32
        %dma_wait3A_135 = tpu.memref_slice %arg13[%add3A_19, %dma_wait3A_134] : memref<2560x128xf32, #tpu.memory_space<hbm>> -> memref<16x128xf32, #tpu.memory_space<hbm>>
        tpu.wait_dma2 semaphore(%run_scoped3A_127 : memref<!tpu.dma_semaphore, #tpu.memory_space<semaphore_mem>>) src(%arg28 : memref<16x128xf32, #tpu.memory_space<vmem>>) dst(%dma_wait3A_135 : memref<16x128xf32, #tpu.memory_space<hbm>>)
        tpu.yield
      }) : () -> ()
      "tpu.region"() ({
        %run_scoped3A_127 = tpu.sem_alloc : memref<!tpu.dma_semaphore, #tpu.memory_space<semaphore_mem>>
        %dma_start3A_128 = arith.constant 0 : i32
        %dma_start3A_129 = tpu.memref_slice %arg14[%add3A_19, %dma_start3A_128] : memref<2560x128xf32, #tpu.memory_space<hbm>> -> memref<16x128xf32, #tpu.memory_space<hbm>>
        %dma_start3A_130 = arith.constant 0 : i32
        %dma_start3A_131 = tpu.memref_slice %arg14[%add3A_19, %dma_start3A_130] : memref<2560x128xf32, #tpu.memory_space<hbm>> -> memref<16x128xf32, #tpu.memory_space<hbm>>
        tpu.enqueue_dma source(%arg29 : memref<16x128xf32, #tpu.memory_space<vmem>>) target(%dma_start3A_131 : memref<16x128xf32, #tpu.memory_space<hbm>>) target_semaphore(%run_scoped3A_127 : memref<!tpu.dma_semaphore, #tpu.memory_space<semaphore_mem>>)
        %dma_wait3A_132 = arith.constant 0 : i32
        %dma_wait3A_133 = tpu.memref_slice %arg14[%add3A_19, %dma_wait3A_132] : memref<2560x128xf32, #tpu.memory_space<hbm>> -> memref<16x128xf32, #tpu.memory_space<hbm>>
        %dma_wait3A_134 = arith.constant 0 : i32
        %dma_wait3A_135 = tpu.memref_slice %arg14[%add3A_19, %dma_wait3A_134] : memref<2560x128xf32, #tpu.memory_space<hbm>> -> memref<16x128xf32, #tpu.memory_space<hbm>>
        tpu.wait_dma2 semaphore(%run_scoped3A_127 : memref<!tpu.dma_semaphore, #tpu.memory_space<semaphore_mem>>) src(%arg29 : memref<16x128xf32, #tpu.memory_space<vmem>>) dst(%dma_wait3A_135 : memref<16x128xf32, #tpu.memory_space<hbm>>)
        tpu.yield
      }) : () -> ()
      %run_scoped3A = arith.constant 0 : i32
      %run_scoped3A_64 = arith.constant 0 : i32
      "tpu.region"() ({
        %run_scoped3A_127 = tpu.sem_alloc : memref<!tpu.dma_semaphore, #tpu.memory_space<semaphore_mem>>
        %dma_start3A_128 = arith.constant 0 : i32
        %dma_start3A_129 = tpu.memref_slice %arg29[%run_scoped3A, %dma_start3A_128] : memref<16x128xf32, #tpu.memory_space<vmem>> -> memref<1x128xf32, #tpu.memory_space<vmem>>
        %dma_start3A_130 = tpu.memref_squeeze %dma_start3A_129 : memref<1x128xf32, #tpu.memory_space<vmem>> -> memref<128xf32, #tpu.memory_space<vmem>>
        %dma_start3A_131 = arith.constant 0 : i32
        %dma_start3A_132 = tpu.memref_slice %arg23[%run_scoped3A_64, %dma_start3A_131] : memref<16x128xi32, #tpu.memory_space<vmem>> -> memref<1x128xi32, #tpu.memory_space<vmem>>
        %dma_start3A_133 = tpu.memref_squeeze %dma_start3A_132 : memref<1x128xi32, #tpu.memory_space<vmem>> -> memref<128xi32, #tpu.memory_space<vmem>>
        %dma_start3A_134 = arith.constant 0 : i32
        %dma_start3A_135 = tpu.memref_slice %arg31[%dma_start3A_134] : memref<10000xf32, #tpu.memory_space<vmem_shared>> -> memref<10000xf32, #tpu.memory_space<vmem_shared>>
        tpu.enqueue_indirect_dma source(%dma_start3A_130 : memref<128xf32, #tpu.memory_space<vmem>>) target(%dma_start3A_135 : memref<10000xf32, #tpu.memory_space<vmem_shared>>) offsets(%dma_start3A_133 : memref<128xi32, #tpu.memory_space<vmem>>) semaphore(%run_scoped3A_127 : memref<!tpu.dma_semaphore, #tpu.memory_space<semaphore_mem>>) {add = true}
        %dma_wait3A_136 = arith.constant 0 : i32
        %dma_wait3A_137 = tpu.memref_slice %arg29[%run_scoped3A, %dma_wait3A_136] : memref<16x128xf32, #tpu.memory_space<vmem>> -> memref<1x128xf32, #tpu.memory_space<vmem>>
        %dma_wait3A_138 = tpu.memref_squeeze %dma_wait3A_137 : memref<1x128xf32, #tpu.memory_space<vmem>> -> memref<128xf32, #tpu.memory_space<vmem>>
        %dma_wait3A_139 = arith.constant 0 : i32
        %dma_wait3A_140 = tpu.memref_slice %arg23[%run_scoped3A_64, %dma_wait3A_139] : memref<16x128xi32, #tpu.memory_space<vmem>> -> memref<1x128xi32, #tpu.memory_space<vmem>>
        %dma_wait3A_141 = tpu.memref_squeeze %dma_wait3A_140 : memref<1x128xi32, #tpu.memory_space<vmem>> -> memref<128xi32, #tpu.memory_space<vmem>>
        %dma_wait3A_142 = arith.constant 0 : i32
        %dma_wait3A_143 = tpu.memref_slice %arg31[%dma_wait3A_142] : memref<10000xf32, #tpu.memory_space<vmem_shared>> -> memref<10000xf32, #tpu.memory_space<vmem_shared>>
        tpu.wait_indirect_dma semaphore(%run_scoped3A_127 : memref<!tpu.dma_semaphore, #tpu.memory_space<semaphore_mem>>) src(%dma_wait3A_138 : memref<128xf32, #tpu.memory_space<vmem>>) dst(%dma_wait3A_143 : memref<10000xf32, #tpu.memory_space<vmem_shared>>)
        tpu.yield
      }) : () -> ()
      %run_scoped3A_65 = arith.constant 0 : i32
      %run_scoped3A_66 = arith.constant 0 : i32
      "tpu.region"() ({
        %run_scoped3A_127 = tpu.sem_alloc : memref<!tpu.dma_semaphore, #tpu.memory_space<semaphore_mem>>
        %dma_start3A_128 = arith.constant 0 : i32
        %dma_start3A_129 = tpu.memref_slice %arg29[%run_scoped3A_65, %dma_start3A_128] : memref<16x128xf32, #tpu.memory_space<vmem>> -> memref<1x128xf32, #tpu.memory_space<vmem>>
        %dma_start3A_130 = tpu.memref_squeeze %dma_start3A_129 : memref<1x128xf32, #tpu.memory_space<vmem>> -> memref<128xf32, #tpu.memory_space<vmem>>
        %dma_start3A_131 = arith.constant 0 : i32
        %dma_start3A_132 = tpu.memref_slice %arg25[%run_scoped3A_66, %dma_start3A_131] : memref<16x128xi32, #tpu.memory_space<vmem>> -> memref<1x128xi32, #tpu.memory_space<vmem>>
        %dma_start3A_133 = tpu.memref_squeeze %dma_start3A_132 : memref<1x128xi32, #tpu.memory_space<vmem>> -> memref<128xi32, #tpu.memory_space<vmem>>
        %dma_start3A_134 = arith.constant 0 : i32
        %dma_start3A_135 = tpu.memref_slice %arg32[%dma_start3A_134] : memref<160000xf32, #tpu.memory_space<vmem_shared>> -> memref<160000xf32, #tpu.memory_space<vmem_shared>>
        tpu.enqueue_indirect_dma source(%dma_start3A_130 : memref<128xf32, #tpu.memory_space<vmem>>) target(%dma_start3A_135 : memref<160000xf32, #tpu.memory_space<vmem_shared>>) offsets(%dma_start3A_133 : memref<128xi32, #tpu.memory_space<vmem>>) semaphore(%run_scoped3A_127 : memref<!tpu.dma_semaphore, #tpu.memory_space<semaphore_mem>>) {add = true}
        %dma_wait3A_136 = arith.constant 0 : i32
        %dma_wait3A_137 = tpu.memref_slice %arg29[%run_scoped3A_65, %dma_wait3A_136] : memref<16x128xf32, #tpu.memory_space<vmem>> -> memref<1x128xf32, #tpu.memory_space<vmem>>
        %dma_wait3A_138 = tpu.memref_squeeze %dma_wait3A_137 : memref<1x128xf32, #tpu.memory_space<vmem>> -> memref<128xf32, #tpu.memory_space<vmem>>
        %dma_wait3A_139 = arith.constant 0 : i32
        %dma_wait3A_140 = tpu.memref_slice %arg25[%run_scoped3A_66, %dma_wait3A_139] : memref<16x128xi32, #tpu.memory_space<vmem>> -> memref<1x128xi32, #tpu.memory_space<vmem>>
        %dma_wait3A_141 = tpu.memref_squeeze %dma_wait3A_140 : memref<1x128xi32, #tpu.memory_space<vmem>> -> memref<128xi32, #tpu.memory_space<vmem>>
        %dma_wait3A_142 = arith.constant 0 : i32
        %dma_wait3A_143 = tpu.memref_slice %arg32[%dma_wait3A_142] : memref<160000xf32, #tpu.memory_space<vmem_shared>> -> memref<160000xf32, #tpu.memory_space<vmem_shared>>
        tpu.wait_indirect_dma semaphore(%run_scoped3A_127 : memref<!tpu.dma_semaphore, #tpu.memory_space<semaphore_mem>>) src(%dma_wait3A_138 : memref<128xf32, #tpu.memory_space<vmem>>) dst(%dma_wait3A_143 : memref<160000xf32, #tpu.memory_space<vmem_shared>>)
        tpu.yield
      }) : () -> ()
      %run_scoped3A_67 = arith.constant 1 : i32
      %run_scoped3A_68 = arith.constant 1 : i32
      "tpu.region"() ({
        %run_scoped3A_127 = tpu.sem_alloc : memref<!tpu.dma_semaphore, #tpu.memory_space<semaphore_mem>>
        %dma_start3A_128 = arith.constant 0 : i32
        %dma_start3A_129 = tpu.memref_slice %arg29[%run_scoped3A_67, %dma_start3A_128] : memref<16x128xf32, #tpu.memory_space<vmem>> -> memref<1x128xf32, #tpu.memory_space<vmem>>
        %dma_start3A_130 = tpu.memref_squeeze %dma_start3A_129 : memref<1x128xf32, #tpu.memory_space<vmem>> -> memref<128xf32, #tpu.memory_space<vmem>>
        %dma_start3A_131 = arith.constant 0 : i32
        %dma_start3A_132 = tpu.memref_slice %arg23[%run_scoped3A_68, %dma_start3A_131] : memref<16x128xi32, #tpu.memory_space<vmem>> -> memref<1x128xi32, #tpu.memory_space<vmem>>
        %dma_start3A_133 = tpu.memref_squeeze %dma_start3A_132 : memref<1x128xi32, #tpu.memory_space<vmem>> -> memref<128xi32, #tpu.memory_space<vmem>>
        %dma_start3A_134 = arith.constant 0 : i32
        %dma_start3A_135 = tpu.memref_slice %arg31[%dma_start3A_134] : memref<10000xf32, #tpu.memory_space<vmem_shared>> -> memref<10000xf32, #tpu.memory_space<vmem_shared>>
        tpu.enqueue_indirect_dma source(%dma_start3A_130 : memref<128xf32, #tpu.memory_space<vmem>>) target(%dma_start3A_135 : memref<10000xf32, #tpu.memory_space<vmem_shared>>) offsets(%dma_start3A_133 : memref<128xi32, #tpu.memory_space<vmem>>) semaphore(%run_scoped3A_127 : memref<!tpu.dma_semaphore, #tpu.memory_space<semaphore_mem>>) {add = true}
        %dma_wait3A_136 = arith.constant 0 : i32
        %dma_wait3A_137 = tpu.memref_slice %arg29[%run_scoped3A_67, %dma_wait3A_136] : memref<16x128xf32, #tpu.memory_space<vmem>> -> memref<1x128xf32, #tpu.memory_space<vmem>>
        %dma_wait3A_138 = tpu.memref_squeeze %dma_wait3A_137 : memref<1x128xf32, #tpu.memory_space<vmem>> -> memref<128xf32, #tpu.memory_space<vmem>>
        %dma_wait3A_139 = arith.constant 0 : i32
        %dma_wait3A_140 = tpu.memref_slice %arg23[%run_scoped3A_68, %dma_wait3A_139] : memref<16x128xi32, #tpu.memory_space<vmem>> -> memref<1x128xi32, #tpu.memory_space<vmem>>
        %dma_wait3A_141 = tpu.memref_squeeze %dma_wait3A_140 : memref<1x128xi32, #tpu.memory_space<vmem>> -> memref<128xi32, #tpu.memory_space<vmem>>
        %dma_wait3A_142 = arith.constant 0 : i32
        %dma_wait3A_143 = tpu.memref_slice %arg31[%dma_wait3A_142] : memref<10000xf32, #tpu.memory_space<vmem_shared>> -> memref<10000xf32, #tpu.memory_space<vmem_shared>>
        tpu.wait_indirect_dma semaphore(%run_scoped3A_127 : memref<!tpu.dma_semaphore, #tpu.memory_space<semaphore_mem>>) src(%dma_wait3A_138 : memref<128xf32, #tpu.memory_space<vmem>>) dst(%dma_wait3A_143 : memref<10000xf32, #tpu.memory_space<vmem_shared>>)
        tpu.yield
      }) : () -> ()
      %run_scoped3A_69 = arith.constant 1 : i32
      %run_scoped3A_70 = arith.constant 1 : i32
      "tpu.region"() ({
        %run_scoped3A_127 = tpu.sem_alloc : memref<!tpu.dma_semaphore, #tpu.memory_space<semaphore_mem>>
        %dma_start3A_128 = arith.constant 0 : i32
        %dma_start3A_129 = tpu.memref_slice %arg29[%run_scoped3A_69, %dma_start3A_128] : memref<16x128xf32, #tpu.memory_space<vmem>> -> memref<1x128xf32, #tpu.memory_space<vmem>>
        %dma_start3A_130 = tpu.memref_squeeze %dma_start3A_129 : memref<1x128xf32, #tpu.memory_space<vmem>> -> memref<128xf32, #tpu.memory_space<vmem>>
        %dma_start3A_131 = arith.constant 0 : i32
        %dma_start3A_132 = tpu.memref_slice %arg25[%run_scoped3A_70, %dma_start3A_131] : memref<16x128xi32, #tpu.memory_space<vmem>> -> memref<1x128xi32, #tpu.memory_space<vmem>>
        %dma_start3A_133 = tpu.memref_squeeze %dma_start3A_132 : memref<1x128xi32, #tpu.memory_space<vmem>> -> memref<128xi32, #tpu.memory_space<vmem>>
        %dma_start3A_134 = arith.constant 0 : i32
        %dma_start3A_135 = tpu.memref_slice %arg32[%dma_start3A_134] : memref<160000xf32, #tpu.memory_space<vmem_shared>> -> memref<160000xf32, #tpu.memory_space<vmem_shared>>
        tpu.enqueue_indirect_dma source(%dma_start3A_130 : memref<128xf32, #tpu.memory_space<vmem>>) target(%dma_start3A_135 : memref<160000xf32, #tpu.memory_space<vmem_shared>>) offsets(%dma_start3A_133 : memref<128xi32, #tpu.memory_space<vmem>>) semaphore(%run_scoped3A_127 : memref<!tpu.dma_semaphore, #tpu.memory_space<semaphore_mem>>) {add = true}
        %dma_wait3A_136 = arith.constant 0 : i32
        %dma_wait3A_137 = tpu.memref_slice %arg29[%run_scoped3A_69, %dma_wait3A_136] : memref<16x128xf32, #tpu.memory_space<vmem>> -> memref<1x128xf32, #tpu.memory_space<vmem>>
        %dma_wait3A_138 = tpu.memref_squeeze %dma_wait3A_137 : memref<1x128xf32, #tpu.memory_space<vmem>> -> memref<128xf32, #tpu.memory_space<vmem>>
        %dma_wait3A_139 = arith.constant 0 : i32
        %dma_wait3A_140 = tpu.memref_slice %arg25[%run_scoped3A_70, %dma_wait3A_139] : memref<16x128xi32, #tpu.memory_space<vmem>> -> memref<1x128xi32, #tpu.memory_space<vmem>>
        %dma_wait3A_141 = tpu.memref_squeeze %dma_wait3A_140 : memref<1x128xi32, #tpu.memory_space<vmem>> -> memref<128xi32, #tpu.memory_space<vmem>>
        %dma_wait3A_142 = arith.constant 0 : i32
        %dma_wait3A_143 = tpu.memref_slice %arg32[%dma_wait3A_142] : memref<160000xf32, #tpu.memory_space<vmem_shared>> -> memref<160000xf32, #tpu.memory_space<vmem_shared>>
        tpu.wait_indirect_dma semaphore(%run_scoped3A_127 : memref<!tpu.dma_semaphore, #tpu.memory_space<semaphore_mem>>) src(%dma_wait3A_138 : memref<128xf32, #tpu.memory_space<vmem>>) dst(%dma_wait3A_143 : memref<160000xf32, #tpu.memory_space<vmem_shared>>)
        tpu.yield
      }) : () -> ()
      %run_scoped3A_71 = arith.constant 2 : i32
      %run_scoped3A_72 = arith.constant 2 : i32
      "tpu.region"() ({
        %run_scoped3A_127 = tpu.sem_alloc : memref<!tpu.dma_semaphore, #tpu.memory_space<semaphore_mem>>
        %dma_start3A_128 = arith.constant 0 : i32
        %dma_start3A_129 = tpu.memref_slice %arg29[%run_scoped3A_71, %dma_start3A_128] : memref<16x128xf32, #tpu.memory_space<vmem>> -> memref<1x128xf32, #tpu.memory_space<vmem>>
        %dma_start3A_130 = tpu.memref_squeeze %dma_start3A_129 : memref<1x128xf32, #tpu.memory_space<vmem>> -> memref<128xf32, #tpu.memory_space<vmem>>
        %dma_start3A_131 = arith.constant 0 : i32
        %dma_start3A_132 = tpu.memref_slice %arg23[%run_scoped3A_72, %dma_start3A_131] : memref<16x128xi32, #tpu.memory_space<vmem>> -> memref<1x128xi32, #tpu.memory_space<vmem>>
        %dma_start3A_133 = tpu.memref_squeeze %dma_start3A_132 : memref<1x128xi32, #tpu.memory_space<vmem>> -> memref<128xi32, #tpu.memory_space<vmem>>
        %dma_start3A_134 = arith.constant 0 : i32
        %dma_start3A_135 = tpu.memref_slice %arg31[%dma_start3A_134] : memref<10000xf32, #tpu.memory_space<vmem_shared>> -> memref<10000xf32, #tpu.memory_space<vmem_shared>>
        tpu.enqueue_indirect_dma source(%dma_start3A_130 : memref<128xf32, #tpu.memory_space<vmem>>) target(%dma_start3A_135 : memref<10000xf32, #tpu.memory_space<vmem_shared>>) offsets(%dma_start3A_133 : memref<128xi32, #tpu.memory_space<vmem>>) semaphore(%run_scoped3A_127 : memref<!tpu.dma_semaphore, #tpu.memory_space<semaphore_mem>>) {add = true}
        %dma_wait3A_136 = arith.constant 0 : i32
        %dma_wait3A_137 = tpu.memref_slice %arg29[%run_scoped3A_71, %dma_wait3A_136] : memref<16x128xf32, #tpu.memory_space<vmem>> -> memref<1x128xf32, #tpu.memory_space<vmem>>
        %dma_wait3A_138 = tpu.memref_squeeze %dma_wait3A_137 : memref<1x128xf32, #tpu.memory_space<vmem>> -> memref<128xf32, #tpu.memory_space<vmem>>
        %dma_wait3A_139 = arith.constant 0 : i32
        %dma_wait3A_140 = tpu.memref_slice %arg23[%run_scoped3A_72, %dma_wait3A_139] : memref<16x128xi32, #tpu.memory_space<vmem>> -> memref<1x128xi32, #tpu.memory_space<vmem>>
        %dma_wait3A_141 = tpu.memref_squeeze %dma_wait3A_140 : memref<1x128xi32, #tpu.memory_space<vmem>> -> memref<128xi32, #tpu.memory_space<vmem>>
        %dma_wait3A_142 = arith.constant 0 : i32
        %dma_wait3A_143 = tpu.memref_slice %arg31[%dma_wait3A_142] : memref<10000xf32, #tpu.memory_space<vmem_shared>> -> memref<10000xf32, #tpu.memory_space<vmem_shared>>
        tpu.wait_indirect_dma semaphore(%run_scoped3A_127 : memref<!tpu.dma_semaphore, #tpu.memory_space<semaphore_mem>>) src(%dma_wait3A_138 : memref<128xf32, #tpu.memory_space<vmem>>) dst(%dma_wait3A_143 : memref<10000xf32, #tpu.memory_space<vmem_shared>>)
        tpu.yield
      }) : () -> ()
      %run_scoped3A_73 = arith.constant 2 : i32
      %run_scoped3A_74 = arith.constant 2 : i32
      "tpu.region"() ({
        %run_scoped3A_127 = tpu.sem_alloc : memref<!tpu.dma_semaphore, #tpu.memory_space<semaphore_mem>>
        %dma_start3A_128 = arith.constant 0 : i32
        %dma_start3A_129 = tpu.memref_slice %arg29[%run_scoped3A_73, %dma_start3A_128] : memref<16x128xf32, #tpu.memory_space<vmem>> -> memref<1x128xf32, #tpu.memory_space<vmem>>
        %dma_start3A_130 = tpu.memref_squeeze %dma_start3A_129 : memref<1x128xf32, #tpu.memory_space<vmem>> -> memref<128xf32, #tpu.memory_space<vmem>>
        %dma_start3A_131 = arith.constant 0 : i32
        %dma_start3A_132 = tpu.memref_slice %arg25[%run_scoped3A_74, %dma_start3A_131] : memref<16x128xi32, #tpu.memory_space<vmem>> -> memref<1x128xi32, #tpu.memory_space<vmem>>
        %dma_start3A_133 = tpu.memref_squeeze %dma_start3A_132 : memref<1x128xi32, #tpu.memory_space<vmem>> -> memref<128xi32, #tpu.memory_space<vmem>>
        %dma_start3A_134 = arith.constant 0 : i32
        %dma_start3A_135 = tpu.memref_slice %arg32[%dma_start3A_134] : memref<160000xf32, #tpu.memory_space<vmem_shared>> -> memref<160000xf32, #tpu.memory_space<vmem_shared>>
        tpu.enqueue_indirect_dma source(%dma_start3A_130 : memref<128xf32, #tpu.memory_space<vmem>>) target(%dma_start3A_135 : memref<160000xf32, #tpu.memory_space<vmem_shared>>) offsets(%dma_start3A_133 : memref<128xi32, #tpu.memory_space<vmem>>) semaphore(%run_scoped3A_127 : memref<!tpu.dma_semaphore, #tpu.memory_space<semaphore_mem>>) {add = true}
        %dma_wait3A_136 = arith.constant 0 : i32
        %dma_wait3A_137 = tpu.memref_slice %arg29[%run_scoped3A_73, %dma_wait3A_136] : memref<16x128xf32, #tpu.memory_space<vmem>> -> memref<1x128xf32, #tpu.memory_space<vmem>>
        %dma_wait3A_138 = tpu.memref_squeeze %dma_wait3A_137 : memref<1x128xf32, #tpu.memory_space<vmem>> -> memref<128xf32, #tpu.memory_space<vmem>>
        %dma_wait3A_139 = arith.constant 0 : i32
        %dma_wait3A_140 = tpu.memref_slice %arg25[%run_scoped3A_74, %dma_wait3A_139] : memref<16x128xi32, #tpu.memory_space<vmem>> -> memref<1x128xi32, #tpu.memory_space<vmem>>
        %dma_wait3A_141 = tpu.memref_squeeze %dma_wait3A_140 : memref<1x128xi32, #tpu.memory_space<vmem>> -> memref<128xi32, #tpu.memory_space<vmem>>
        %dma_wait3A_142 = arith.constant 0 : i32
        %dma_wait3A_143 = tpu.memref_slice %arg32[%dma_wait3A_142] : memref<160000xf32, #tpu.memory_space<vmem_shared>> -> memref<160000xf32, #tpu.memory_space<vmem_shared>>
        tpu.wait_indirect_dma semaphore(%run_scoped3A_127 : memref<!tpu.dma_semaphore, #tpu.memory_space<semaphore_mem>>) src(%dma_wait3A_138 : memref<128xf32, #tpu.memory_space<vmem>>) dst(%dma_wait3A_143 : memref<160000xf32, #tpu.memory_space<vmem_shared>>)
        tpu.yield
      }) : () -> ()
      %run_scoped3A_75 = arith.constant 3 : i32
      %run_scoped3A_76 = arith.constant 3 : i32
      "tpu.region"() ({
        %run_scoped3A_127 = tpu.sem_alloc : memref<!tpu.dma_semaphore, #tpu.memory_space<semaphore_mem>>
        %dma_start3A_128 = arith.constant 0 : i32
        %dma_start3A_129 = tpu.memref_slice %arg29[%run_scoped3A_75, %dma_start3A_128] : memref<16x128xf32, #tpu.memory_space<vmem>> -> memref<1x128xf32, #tpu.memory_space<vmem>>
        %dma_start3A_130 = tpu.memref_squeeze %dma_start3A_129 : memref<1x128xf32, #tpu.memory_space<vmem>> -> memref<128xf32, #tpu.memory_space<vmem>>
        %dma_start3A_131 = arith.constant 0 : i32
        %dma_start3A_132 = tpu.memref_slice %arg23[%run_scoped3A_76, %dma_start3A_131] : memref<16x128xi32, #tpu.memory_space<vmem>> -> memref<1x128xi32, #tpu.memory_space<vmem>>
        %dma_start3A_133 = tpu.memref_squeeze %dma_start3A_132 : memref<1x128xi32, #tpu.memory_space<vmem>> -> memref<128xi32, #tpu.memory_space<vmem>>
        %dma_start3A_134 = arith.constant 0 : i32
        %dma_start3A_135 = tpu.memref_slice %arg31[%dma_start3A_134] : memref<10000xf32, #tpu.memory_space<vmem_shared>> -> memref<10000xf32, #tpu.memory_space<vmem_shared>>
        tpu.enqueue_indirect_dma source(%dma_start3A_130 : memref<128xf32, #tpu.memory_space<vmem>>) target(%dma_start3A_135 : memref<10000xf32, #tpu.memory_space<vmem_shared>>) offsets(%dma_start3A_133 : memref<128xi32, #tpu.memory_space<vmem>>) semaphore(%run_scoped3A_127 : memref<!tpu.dma_semaphore, #tpu.memory_space<semaphore_mem>>) {add = true}
        %dma_wait3A_136 = arith.constant 0 : i32
        %dma_wait3A_137 = tpu.memref_slice %arg29[%run_scoped3A_75, %dma_wait3A_136] : memref<16x128xf32, #tpu.memory_space<vmem>> -> memref<1x128xf32, #tpu.memory_space<vmem>>
        %dma_wait3A_138 = tpu.memref_squeeze %dma_wait3A_137 : memref<1x128xf32, #tpu.memory_space<vmem>> -> memref<128xf32, #tpu.memory_space<vmem>>
        %dma_wait3A_139 = arith.constant 0 : i32
        %dma_wait3A_140 = tpu.memref_slice %arg23[%run_scoped3A_76, %dma_wait3A_139] : memref<16x128xi32, #tpu.memory_space<vmem>> -> memref<1x128xi32, #tpu.memory_space<vmem>>
        %dma_wait3A_141 = tpu.memref_squeeze %dma_wait3A_140 : memref<1x128xi32, #tpu.memory_space<vmem>> -> memref<128xi32, #tpu.memory_space<vmem>>
        %dma_wait3A_142 = arith.constant 0 : i32
        %dma_wait3A_143 = tpu.memref_slice %arg31[%dma_wait3A_142] : memref<10000xf32, #tpu.memory_space<vmem_shared>> -> memref<10000xf32, #tpu.memory_space<vmem_shared>>
        tpu.wait_indirect_dma semaphore(%run_scoped3A_127 : memref<!tpu.dma_semaphore, #tpu.memory_space<semaphore_mem>>) src(%dma_wait3A_138 : memref<128xf32, #tpu.memory_space<vmem>>) dst(%dma_wait3A_143 : memref<10000xf32, #tpu.memory_space<vmem_shared>>)
        tpu.yield
      }) : () -> ()
      %run_scoped3A_77 = arith.constant 3 : i32
      %run_scoped3A_78 = arith.constant 3 : i32
      "tpu.region"() ({
        %run_scoped3A_127 = tpu.sem_alloc : memref<!tpu.dma_semaphore, #tpu.memory_space<semaphore_mem>>
        %dma_start3A_128 = arith.constant 0 : i32
        %dma_start3A_129 = tpu.memref_slice %arg29[%run_scoped3A_77, %dma_start3A_128] : memref<16x128xf32, #tpu.memory_space<vmem>> -> memref<1x128xf32, #tpu.memory_space<vmem>>
        %dma_start3A_130 = tpu.memref_squeeze %dma_start3A_129 : memref<1x128xf32, #tpu.memory_space<vmem>> -> memref<128xf32, #tpu.memory_space<vmem>>
        %dma_start3A_131 = arith.constant 0 : i32
        %dma_start3A_132 = tpu.memref_slice %arg25[%run_scoped3A_78, %dma_start3A_131] : memref<16x128xi32, #tpu.memory_space<vmem>> -> memref<1x128xi32, #tpu.memory_space<vmem>>
        %dma_start3A_133 = tpu.memref_squeeze %dma_start3A_132 : memref<1x128xi32, #tpu.memory_space<vmem>> -> memref<128xi32, #tpu.memory_space<vmem>>
        %dma_start3A_134 = arith.constant 0 : i32
        %dma_start3A_135 = tpu.memref_slice %arg32[%dma_start3A_134] : memref<160000xf32, #tpu.memory_space<vmem_shared>> -> memref<160000xf32, #tpu.memory_space<vmem_shared>>
        tpu.enqueue_indirect_dma source(%dma_start3A_130 : memref<128xf32, #tpu.memory_space<vmem>>) target(%dma_start3A_135 : memref<160000xf32, #tpu.memory_space<vmem_shared>>) offsets(%dma_start3A_133 : memref<128xi32, #tpu.memory_space<vmem>>) semaphore(%run_scoped3A_127 : memref<!tpu.dma_semaphore, #tpu.memory_space<semaphore_mem>>) {add = true}
        %dma_wait3A_136 = arith.constant 0 : i32
        %dma_wait3A_137 = tpu.memref_slice %arg29[%run_scoped3A_77, %dma_wait3A_136] : memref<16x128xf32, #tpu.memory_space<vmem>> -> memref<1x128xf32, #tpu.memory_space<vmem>>
        %dma_wait3A_138 = tpu.memref_squeeze %dma_wait3A_137 : memref<1x128xf32, #tpu.memory_space<vmem>> -> memref<128xf32, #tpu.memory_space<vmem>>
        %dma_wait3A_139 = arith.constant 0 : i32
        %dma_wait3A_140 = tpu.memref_slice %arg25[%run_scoped3A_78, %dma_wait3A_139] : memref<16x128xi32, #tpu.memory_space<vmem>> -> memref<1x128xi32, #tpu.memory_space<vmem>>
        %dma_wait3A_141 = tpu.memref_squeeze %dma_wait3A_140 : memref<1x128xi32, #tpu.memory_space<vmem>> -> memref<128xi32, #tpu.memory_space<vmem>>
        %dma_wait3A_142 = arith.constant 0 : i32
        %dma_wait3A_143 = tpu.memref_slice %arg32[%dma_wait3A_142] : memref<160000xf32, #tpu.memory_space<vmem_shared>> -> memref<160000xf32, #tpu.memory_space<vmem_shared>>
        tpu.wait_indirect_dma semaphore(%run_scoped3A_127 : memref<!tpu.dma_semaphore, #tpu.memory_space<semaphore_mem>>) src(%dma_wait3A_138 : memref<128xf32, #tpu.memory_space<vmem>>) dst(%dma_wait3A_143 : memref<160000xf32, #tpu.memory_space<vmem_shared>>)
        tpu.yield
      }) : () -> ()
      %run_scoped3A_79 = arith.constant 4 : i32
      %run_scoped3A_80 = arith.constant 4 : i32
      "tpu.region"() ({
        %run_scoped3A_127 = tpu.sem_alloc : memref<!tpu.dma_semaphore, #tpu.memory_space<semaphore_mem>>
        %dma_start3A_128 = arith.constant 0 : i32
        %dma_start3A_129 = tpu.memref_slice %arg29[%run_scoped3A_79, %dma_start3A_128] : memref<16x128xf32, #tpu.memory_space<vmem>> -> memref<1x128xf32, #tpu.memory_space<vmem>>
        %dma_start3A_130 = tpu.memref_squeeze %dma_start3A_129 : memref<1x128xf32, #tpu.memory_space<vmem>> -> memref<128xf32, #tpu.memory_space<vmem>>
        %dma_start3A_131 = arith.constant 0 : i32
        %dma_start3A_132 = tpu.memref_slice %arg23[%run_scoped3A_80, %dma_start3A_131] : memref<16x128xi32, #tpu.memory_space<vmem>> -> memref<1x128xi32, #tpu.memory_space<vmem>>
        %dma_start3A_133 = tpu.memref_squeeze %dma_start3A_132 : memref<1x128xi32, #tpu.memory_space<vmem>> -> memref<128xi32, #tpu.memory_space<vmem>>
        %dma_start3A_134 = arith.constant 0 : i32
        %dma_start3A_135 = tpu.memref_slice %arg31[%dma_start3A_134] : memref<10000xf32, #tpu.memory_space<vmem_shared>> -> memref<10000xf32, #tpu.memory_space<vmem_shared>>
        tpu.enqueue_indirect_dma source(%dma_start3A_130 : memref<128xf32, #tpu.memory_space<vmem>>) target(%dma_start3A_135 : memref<10000xf32, #tpu.memory_space<vmem_shared>>) offsets(%dma_start3A_133 : memref<128xi32, #tpu.memory_space<vmem>>) semaphore(%run_scoped3A_127 : memref<!tpu.dma_semaphore, #tpu.memory_space<semaphore_mem>>) {add = true}
        %dma_wait3A_136 = arith.constant 0 : i32
        %dma_wait3A_137 = tpu.memref_slice %arg29[%run_scoped3A_79, %dma_wait3A_136] : memref<16x128xf32, #tpu.memory_space<vmem>> -> memref<1x128xf32, #tpu.memory_space<vmem>>
        %dma_wait3A_138 = tpu.memref_squeeze %dma_wait3A_137 : memref<1x128xf32, #tpu.memory_space<vmem>> -> memref<128xf32, #tpu.memory_space<vmem>>
        %dma_wait3A_139 = arith.constant 0 : i32
        %dma_wait3A_140 = tpu.memref_slice %arg23[%run_scoped3A_80, %dma_wait3A_139] : memref<16x128xi32, #tpu.memory_space<vmem>> -> memref<1x128xi32, #tpu.memory_space<vmem>>
        %dma_wait3A_141 = tpu.memref_squeeze %dma_wait3A_140 : memref<1x128xi32, #tpu.memory_space<vmem>> -> memref<128xi32, #tpu.memory_space<vmem>>
        %dma_wait3A_142 = arith.constant 0 : i32
        %dma_wait3A_143 = tpu.memref_slice %arg31[%dma_wait3A_142] : memref<10000xf32, #tpu.memory_space<vmem_shared>> -> memref<10000xf32, #tpu.memory_space<vmem_shared>>
        tpu.wait_indirect_dma semaphore(%run_scoped3A_127 : memref<!tpu.dma_semaphore, #tpu.memory_space<semaphore_mem>>) src(%dma_wait3A_138 : memref<128xf32, #tpu.memory_space<vmem>>) dst(%dma_wait3A_143 : memref<10000xf32, #tpu.memory_space<vmem_shared>>)
        tpu.yield
      }) : () -> ()
      %run_scoped3A_81 = arith.constant 4 : i32
      %run_scoped3A_82 = arith.constant 4 : i32
      "tpu.region"() ({
        %run_scoped3A_127 = tpu.sem_alloc : memref<!tpu.dma_semaphore, #tpu.memory_space<semaphore_mem>>
        %dma_start3A_128 = arith.constant 0 : i32
        %dma_start3A_129 = tpu.memref_slice %arg29[%run_scoped3A_81, %dma_start3A_128] : memref<16x128xf32, #tpu.memory_space<vmem>> -> memref<1x128xf32, #tpu.memory_space<vmem>>
        %dma_start3A_130 = tpu.memref_squeeze %dma_start3A_129 : memref<1x128xf32, #tpu.memory_space<vmem>> -> memref<128xf32, #tpu.memory_space<vmem>>
        %dma_start3A_131 = arith.constant 0 : i32
        %dma_start3A_132 = tpu.memref_slice %arg25[%run_scoped3A_82, %dma_start3A_131] : memref<16x128xi32, #tpu.memory_space<vmem>> -> memref<1x128xi32, #tpu.memory_space<vmem>>
        %dma_start3A_133 = tpu.memref_squeeze %dma_start3A_132 : memref<1x128xi32, #tpu.memory_space<vmem>> -> memref<128xi32, #tpu.memory_space<vmem>>
        %dma_start3A_134 = arith.constant 0 : i32
        %dma_start3A_135 = tpu.memref_slice %arg32[%dma_start3A_134] : memref<160000xf32, #tpu.memory_space<vmem_shared>> -> memref<160000xf32, #tpu.memory_space<vmem_shared>>
        tpu.enqueue_indirect_dma source(%dma_start3A_130 : memref<128xf32, #tpu.memory_space<vmem>>) target(%dma_start3A_135 : memref<160000xf32, #tpu.memory_space<vmem_shared>>) offsets(%dma_start3A_133 : memref<128xi32, #tpu.memory_space<vmem>>) semaphore(%run_scoped3A_127 : memref<!tpu.dma_semaphore, #tpu.memory_space<semaphore_mem>>) {add = true}
        %dma_wait3A_136 = arith.constant 0 : i32
        %dma_wait3A_137 = tpu.memref_slice %arg29[%run_scoped3A_81, %dma_wait3A_136] : memref<16x128xf32, #tpu.memory_space<vmem>> -> memref<1x128xf32, #tpu.memory_space<vmem>>
        %dma_wait3A_138 = tpu.memref_squeeze %dma_wait3A_137 : memref<1x128xf32, #tpu.memory_space<vmem>> -> memref<128xf32, #tpu.memory_space<vmem>>
        %dma_wait3A_139 = arith.constant 0 : i32
        %dma_wait3A_140 = tpu.memref_slice %arg25[%run_scoped3A_82, %dma_wait3A_139] : memref<16x128xi32, #tpu.memory_space<vmem>> -> memref<1x128xi32, #tpu.memory_space<vmem>>
        %dma_wait3A_141 = tpu.memref_squeeze %dma_wait3A_140 : memref<1x128xi32, #tpu.memory_space<vmem>> -> memref<128xi32, #tpu.memory_space<vmem>>
        %dma_wait3A_142 = arith.constant 0 : i32
        %dma_wait3A_143 = tpu.memref_slice %arg32[%dma_wait3A_142] : memref<160000xf32, #tpu.memory_space<vmem_shared>> -> memref<160000xf32, #tpu.memory_space<vmem_shared>>
        tpu.wait_indirect_dma semaphore(%run_scoped3A_127 : memref<!tpu.dma_semaphore, #tpu.memory_space<semaphore_mem>>) src(%dma_wait3A_138 : memref<128xf32, #tpu.memory_space<vmem>>) dst(%dma_wait3A_143 : memref<160000xf32, #tpu.memory_space<vmem_shared>>)
        tpu.yield
      }) : () -> ()
      %run_scoped3A_83 = arith.constant 5 : i32
      %run_scoped3A_84 = arith.constant 5 : i32
      "tpu.region"() ({
        %run_scoped3A_127 = tpu.sem_alloc : memref<!tpu.dma_semaphore, #tpu.memory_space<semaphore_mem>>
        %dma_start3A_128 = arith.constant 0 : i32
        %dma_start3A_129 = tpu.memref_slice %arg29[%run_scoped3A_83, %dma_start3A_128] : memref<16x128xf32, #tpu.memory_space<vmem>> -> memref<1x128xf32, #tpu.memory_space<vmem>>
        %dma_start3A_130 = tpu.memref_squeeze %dma_start3A_129 : memref<1x128xf32, #tpu.memory_space<vmem>> -> memref<128xf32, #tpu.memory_space<vmem>>
        %dma_start3A_131 = arith.constant 0 : i32
        %dma_start3A_132 = tpu.memref_slice %arg23[%run_scoped3A_84, %dma_start3A_131] : memref<16x128xi32, #tpu.memory_space<vmem>> -> memref<1x128xi32, #tpu.memory_space<vmem>>
        %dma_start3A_133 = tpu.memref_squeeze %dma_start3A_132 : memref<1x128xi32, #tpu.memory_space<vmem>> -> memref<128xi32, #tpu.memory_space<vmem>>
        %dma_start3A_134 = arith.constant 0 : i32
        %dma_start3A_135 = tpu.memref_slice %arg31[%dma_start3A_134] : memref<10000xf32, #tpu.memory_space<vmem_shared>> -> memref<10000xf32, #tpu.memory_space<vmem_shared>>
        tpu.enqueue_indirect_dma source(%dma_start3A_130 : memref<128xf32, #tpu.memory_space<vmem>>) target(%dma_start3A_135 : memref<10000xf32, #tpu.memory_space<vmem_shared>>) offsets(%dma_start3A_133 : memref<128xi32, #tpu.memory_space<vmem>>) semaphore(%run_scoped3A_127 : memref<!tpu.dma_semaphore, #tpu.memory_space<semaphore_mem>>) {add = true}
        %dma_wait3A_136 = arith.constant 0 : i32
        %dma_wait3A_137 = tpu.memref_slice %arg29[%run_scoped3A_83, %dma_wait3A_136] : memref<16x128xf32, #tpu.memory_space<vmem>> -> memref<1x128xf32, #tpu.memory_space<vmem>>
        %dma_wait3A_138 = tpu.memref_squeeze %dma_wait3A_137 : memref<1x128xf32, #tpu.memory_space<vmem>> -> memref<128xf32, #tpu.memory_space<vmem>>
        %dma_wait3A_139 = arith.constant 0 : i32
        %dma_wait3A_140 = tpu.memref_slice %arg23[%run_scoped3A_84, %dma_wait3A_139] : memref<16x128xi32, #tpu.memory_space<vmem>> -> memref<1x128xi32, #tpu.memory_space<vmem>>
        %dma_wait3A_141 = tpu.memref_squeeze %dma_wait3A_140 : memref<1x128xi32, #tpu.memory_space<vmem>> -> memref<128xi32, #tpu.memory_space<vmem>>
        %dma_wait3A_142 = arith.constant 0 : i32
        %dma_wait3A_143 = tpu.memref_slice %arg31[%dma_wait3A_142] : memref<10000xf32, #tpu.memory_space<vmem_shared>> -> memref<10000xf32, #tpu.memory_space<vmem_shared>>
        tpu.wait_indirect_dma semaphore(%run_scoped3A_127 : memref<!tpu.dma_semaphore, #tpu.memory_space<semaphore_mem>>) src(%dma_wait3A_138 : memref<128xf32, #tpu.memory_space<vmem>>) dst(%dma_wait3A_143 : memref<10000xf32, #tpu.memory_space<vmem_shared>>)
        tpu.yield
      }) : () -> ()
      %run_scoped3A_85 = arith.constant 5 : i32
      %run_scoped3A_86 = arith.constant 5 : i32
      "tpu.region"() ({
        %run_scoped3A_127 = tpu.sem_alloc : memref<!tpu.dma_semaphore, #tpu.memory_space<semaphore_mem>>
        %dma_start3A_128 = arith.constant 0 : i32
        %dma_start3A_129 = tpu.memref_slice %arg29[%run_scoped3A_85, %dma_start3A_128] : memref<16x128xf32, #tpu.memory_space<vmem>> -> memref<1x128xf32, #tpu.memory_space<vmem>>
        %dma_start3A_130 = tpu.memref_squeeze %dma_start3A_129 : memref<1x128xf32, #tpu.memory_space<vmem>> -> memref<128xf32, #tpu.memory_space<vmem>>
        %dma_start3A_131 = arith.constant 0 : i32
        %dma_start3A_132 = tpu.memref_slice %arg25[%run_scoped3A_86, %dma_start3A_131] : memref<16x128xi32, #tpu.memory_space<vmem>> -> memref<1x128xi32, #tpu.memory_space<vmem>>
        %dma_start3A_133 = tpu.memref_squeeze %dma_start3A_132 : memref<1x128xi32, #tpu.memory_space<vmem>> -> memref<128xi32, #tpu.memory_space<vmem>>
        %dma_start3A_134 = arith.constant 0 : i32
        %dma_start3A_135 = tpu.memref_slice %arg32[%dma_start3A_134] : memref<160000xf32, #tpu.memory_space<vmem_shared>> -> memref<160000xf32, #tpu.memory_space<vmem_shared>>
        tpu.enqueue_indirect_dma source(%dma_start3A_130 : memref<128xf32, #tpu.memory_space<vmem>>) target(%dma_start3A_135 : memref<160000xf32, #tpu.memory_space<vmem_shared>>) offsets(%dma_start3A_133 : memref<128xi32, #tpu.memory_space<vmem>>) semaphore(%run_scoped3A_127 : memref<!tpu.dma_semaphore, #tpu.memory_space<semaphore_mem>>) {add = true}
        %dma_wait3A_136 = arith.constant 0 : i32
        %dma_wait3A_137 = tpu.memref_slice %arg29[%run_scoped3A_85, %dma_wait3A_136] : memref<16x128xf32, #tpu.memory_space<vmem>> -> memref<1x128xf32, #tpu.memory_space<vmem>>
        %dma_wait3A_138 = tpu.memref_squeeze %dma_wait3A_137 : memref<1x128xf32, #tpu.memory_space<vmem>> -> memref<128xf32, #tpu.memory_space<vmem>>
        %dma_wait3A_139 = arith.constant 0 : i32
        %dma_wait3A_140 = tpu.memref_slice %arg25[%run_scoped3A_86, %dma_wait3A_139] : memref<16x128xi32, #tpu.memory_space<vmem>> -> memref<1x128xi32, #tpu.memory_space<vmem>>
        %dma_wait3A_141 = tpu.memref_squeeze %dma_wait3A_140 : memref<1x128xi32, #tpu.memory_space<vmem>> -> memref<128xi32, #tpu.memory_space<vmem>>
        %dma_wait3A_142 = arith.constant 0 : i32
        %dma_wait3A_143 = tpu.memref_slice %arg32[%dma_wait3A_142] : memref<160000xf32, #tpu.memory_space<vmem_shared>> -> memref<160000xf32, #tpu.memory_space<vmem_shared>>
        tpu.wait_indirect_dma semaphore(%run_scoped3A_127 : memref<!tpu.dma_semaphore, #tpu.memory_space<semaphore_mem>>) src(%dma_wait3A_138 : memref<128xf32, #tpu.memory_space<vmem>>) dst(%dma_wait3A_143 : memref<160000xf32, #tpu.memory_space<vmem_shared>>)
        tpu.yield
      }) : () -> ()
      %run_scoped3A_87 = arith.constant 6 : i32
      %run_scoped3A_88 = arith.constant 6 : i32
      "tpu.region"() ({
        %run_scoped3A_127 = tpu.sem_alloc : memref<!tpu.dma_semaphore, #tpu.memory_space<semaphore_mem>>
        %dma_start3A_128 = arith.constant 0 : i32
        %dma_start3A_129 = tpu.memref_slice %arg29[%run_scoped3A_87, %dma_start3A_128] : memref<16x128xf32, #tpu.memory_space<vmem>> -> memref<1x128xf32, #tpu.memory_space<vmem>>
        %dma_start3A_130 = tpu.memref_squeeze %dma_start3A_129 : memref<1x128xf32, #tpu.memory_space<vmem>> -> memref<128xf32, #tpu.memory_space<vmem>>
        %dma_start3A_131 = arith.constant 0 : i32
        %dma_start3A_132 = tpu.memref_slice %arg23[%run_scoped3A_88, %dma_start3A_131] : memref<16x128xi32, #tpu.memory_space<vmem>> -> memref<1x128xi32, #tpu.memory_space<vmem>>
        %dma_start3A_133 = tpu.memref_squeeze %dma_start3A_132 : memref<1x128xi32, #tpu.memory_space<vmem>> -> memref<128xi32, #tpu.memory_space<vmem>>
        %dma_start3A_134 = arith.constant 0 : i32
        %dma_start3A_135 = tpu.memref_slice %arg31[%dma_start3A_134] : memref<10000xf32, #tpu.memory_space<vmem_shared>> -> memref<10000xf32, #tpu.memory_space<vmem_shared>>
        tpu.enqueue_indirect_dma source(%dma_start3A_130 : memref<128xf32, #tpu.memory_space<vmem>>) target(%dma_start3A_135 : memref<10000xf32, #tpu.memory_space<vmem_shared>>) offsets(%dma_start3A_133 : memref<128xi32, #tpu.memory_space<vmem>>) semaphore(%run_scoped3A_127 : memref<!tpu.dma_semaphore, #tpu.memory_space<semaphore_mem>>) {add = true}
        %dma_wait3A_136 = arith.constant 0 : i32
        %dma_wait3A_137 = tpu.memref_slice %arg29[%run_scoped3A_87, %dma_wait3A_136] : memref<16x128xf32, #tpu.memory_space<vmem>> -> memref<1x128xf32, #tpu.memory_space<vmem>>
        %dma_wait3A_138 = tpu.memref_squeeze %dma_wait3A_137 : memref<1x128xf32, #tpu.memory_space<vmem>> -> memref<128xf32, #tpu.memory_space<vmem>>
        %dma_wait3A_139 = arith.constant 0 : i32
        %dma_wait3A_140 = tpu.memref_slice %arg23[%run_scoped3A_88, %dma_wait3A_139] : memref<16x128xi32, #tpu.memory_space<vmem>> -> memref<1x128xi32, #tpu.memory_space<vmem>>
        %dma_wait3A_141 = tpu.memref_squeeze %dma_wait3A_140 : memref<1x128xi32, #tpu.memory_space<vmem>> -> memref<128xi32, #tpu.memory_space<vmem>>
        %dma_wait3A_142 = arith.constant 0 : i32
        %dma_wait3A_143 = tpu.memref_slice %arg31[%dma_wait3A_142] : memref<10000xf32, #tpu.memory_space<vmem_shared>> -> memref<10000xf32, #tpu.memory_space<vmem_shared>>
        tpu.wait_indirect_dma semaphore(%run_scoped3A_127 : memref<!tpu.dma_semaphore, #tpu.memory_space<semaphore_mem>>) src(%dma_wait3A_138 : memref<128xf32, #tpu.memory_space<vmem>>) dst(%dma_wait3A_143 : memref<10000xf32, #tpu.memory_space<vmem_shared>>)
        tpu.yield
      }) : () -> ()
      %run_scoped3A_89 = arith.constant 6 : i32
      %run_scoped3A_90 = arith.constant 6 : i32
      "tpu.region"() ({
        %run_scoped3A_127 = tpu.sem_alloc : memref<!tpu.dma_semaphore, #tpu.memory_space<semaphore_mem>>
        %dma_start3A_128 = arith.constant 0 : i32
        %dma_start3A_129 = tpu.memref_slice %arg29[%run_scoped3A_89, %dma_start3A_128] : memref<16x128xf32, #tpu.memory_space<vmem>> -> memref<1x128xf32, #tpu.memory_space<vmem>>
        %dma_start3A_130 = tpu.memref_squeeze %dma_start3A_129 : memref<1x128xf32, #tpu.memory_space<vmem>> -> memref<128xf32, #tpu.memory_space<vmem>>
        %dma_start3A_131 = arith.constant 0 : i32
        %dma_start3A_132 = tpu.memref_slice %arg25[%run_scoped3A_90, %dma_start3A_131] : memref<16x128xi32, #tpu.memory_space<vmem>> -> memref<1x128xi32, #tpu.memory_space<vmem>>
        %dma_start3A_133 = tpu.memref_squeeze %dma_start3A_132 : memref<1x128xi32, #tpu.memory_space<vmem>> -> memref<128xi32, #tpu.memory_space<vmem>>
        %dma_start3A_134 = arith.constant 0 : i32
        %dma_start3A_135 = tpu.memref_slice %arg32[%dma_start3A_134] : memref<160000xf32, #tpu.memory_space<vmem_shared>> -> memref<160000xf32, #tpu.memory_space<vmem_shared>>
        tpu.enqueue_indirect_dma source(%dma_start3A_130 : memref<128xf32, #tpu.memory_space<vmem>>) target(%dma_start3A_135 : memref<160000xf32, #tpu.memory_space<vmem_shared>>) offsets(%dma_start3A_133 : memref<128xi32, #tpu.memory_space<vmem>>) semaphore(%run_scoped3A_127 : memref<!tpu.dma_semaphore, #tpu.memory_space<semaphore_mem>>) {add = true}
        %dma_wait3A_136 = arith.constant 0 : i32
        %dma_wait3A_137 = tpu.memref_slice %arg29[%run_scoped3A_89, %dma_wait3A_136] : memref<16x128xf32, #tpu.memory_space<vmem>> -> memref<1x128xf32, #tpu.memory_space<vmem>>
        %dma_wait3A_138 = tpu.memref_squeeze %dma_wait3A_137 : memref<1x128xf32, #tpu.memory_space<vmem>> -> memref<128xf32, #tpu.memory_space<vmem>>
        %dma_wait3A_139 = arith.constant 0 : i32
        %dma_wait3A_140 = tpu.memref_slice %arg25[%run_scoped3A_90, %dma_wait3A_139] : memref<16x128xi32, #tpu.memory_space<vmem>> -> memref<1x128xi32, #tpu.memory_space<vmem>>
        %dma_wait3A_141 = tpu.memref_squeeze %dma_wait3A_140 : memref<1x128xi32, #tpu.memory_space<vmem>> -> memref<128xi32, #tpu.memory_space<vmem>>
        %dma_wait3A_142 = arith.constant 0 : i32
        %dma_wait3A_143 = tpu.memref_slice %arg32[%dma_wait3A_142] : memref<160000xf32, #tpu.memory_space<vmem_shared>> -> memref<160000xf32, #tpu.memory_space<vmem_shared>>
        tpu.wait_indirect_dma semaphore(%run_scoped3A_127 : memref<!tpu.dma_semaphore, #tpu.memory_space<semaphore_mem>>) src(%dma_wait3A_138 : memref<128xf32, #tpu.memory_space<vmem>>) dst(%dma_wait3A_143 : memref<160000xf32, #tpu.memory_space<vmem_shared>>)
        tpu.yield
      }) : () -> ()
      %run_scoped3A_91 = arith.constant 7 : i32
      %run_scoped3A_92 = arith.constant 7 : i32
      "tpu.region"() ({
        %run_scoped3A_127 = tpu.sem_alloc : memref<!tpu.dma_semaphore, #tpu.memory_space<semaphore_mem>>
        %dma_start3A_128 = arith.constant 0 : i32
        %dma_start3A_129 = tpu.memref_slice %arg29[%run_scoped3A_91, %dma_start3A_128] : memref<16x128xf32, #tpu.memory_space<vmem>> -> memref<1x128xf32, #tpu.memory_space<vmem>>
        %dma_start3A_130 = tpu.memref_squeeze %dma_start3A_129 : memref<1x128xf32, #tpu.memory_space<vmem>> -> memref<128xf32, #tpu.memory_space<vmem>>
        %dma_start3A_131 = arith.constant 0 : i32
        %dma_start3A_132 = tpu.memref_slice %arg23[%run_scoped3A_92, %dma_start3A_131] : memref<16x128xi32, #tpu.memory_space<vmem>> -> memref<1x128xi32, #tpu.memory_space<vmem>>
        %dma_start3A_133 = tpu.memref_squeeze %dma_start3A_132 : memref<1x128xi32, #tpu.memory_space<vmem>> -> memref<128xi32, #tpu.memory_space<vmem>>
        %dma_start3A_134 = arith.constant 0 : i32
        %dma_start3A_135 = tpu.memref_slice %arg31[%dma_start3A_134] : memref<10000xf32, #tpu.memory_space<vmem_shared>> -> memref<10000xf32, #tpu.memory_space<vmem_shared>>
        tpu.enqueue_indirect_dma source(%dma_start3A_130 : memref<128xf32, #tpu.memory_space<vmem>>) target(%dma_start3A_135 : memref<10000xf32, #tpu.memory_space<vmem_shared>>) offsets(%dma_start3A_133 : memref<128xi32, #tpu.memory_space<vmem>>) semaphore(%run_scoped3A_127 : memref<!tpu.dma_semaphore, #tpu.memory_space<semaphore_mem>>) {add = true}
        %dma_wait3A_136 = arith.constant 0 : i32
        %dma_wait3A_137 = tpu.memref_slice %arg29[%run_scoped3A_91, %dma_wait3A_136] : memref<16x128xf32, #tpu.memory_space<vmem>> -> memref<1x128xf32, #tpu.memory_space<vmem>>
        %dma_wait3A_138 = tpu.memref_squeeze %dma_wait3A_137 : memref<1x128xf32, #tpu.memory_space<vmem>> -> memref<128xf32, #tpu.memory_space<vmem>>
        %dma_wait3A_139 = arith.constant 0 : i32
        %dma_wait3A_140 = tpu.memref_slice %arg23[%run_scoped3A_92, %dma_wait3A_139] : memref<16x128xi32, #tpu.memory_space<vmem>> -> memref<1x128xi32, #tpu.memory_space<vmem>>
        %dma_wait3A_141 = tpu.memref_squeeze %dma_wait3A_140 : memref<1x128xi32, #tpu.memory_space<vmem>> -> memref<128xi32, #tpu.memory_space<vmem>>
        %dma_wait3A_142 = arith.constant 0 : i32
        %dma_wait3A_143 = tpu.memref_slice %arg31[%dma_wait3A_142] : memref<10000xf32, #tpu.memory_space<vmem_shared>> -> memref<10000xf32, #tpu.memory_space<vmem_shared>>
        tpu.wait_indirect_dma semaphore(%run_scoped3A_127 : memref<!tpu.dma_semaphore, #tpu.memory_space<semaphore_mem>>) src(%dma_wait3A_138 : memref<128xf32, #tpu.memory_space<vmem>>) dst(%dma_wait3A_143 : memref<10000xf32, #tpu.memory_space<vmem_shared>>)
        tpu.yield
      }) : () -> ()
      %run_scoped3A_93 = arith.constant 7 : i32
      %run_scoped3A_94 = arith.constant 7 : i32
      "tpu.region"() ({
        %run_scoped3A_127 = tpu.sem_alloc : memref<!tpu.dma_semaphore, #tpu.memory_space<semaphore_mem>>
        %dma_start3A_128 = arith.constant 0 : i32
        %dma_start3A_129 = tpu.memref_slice %arg29[%run_scoped3A_93, %dma_start3A_128] : memref<16x128xf32, #tpu.memory_space<vmem>> -> memref<1x128xf32, #tpu.memory_space<vmem>>
        %dma_start3A_130 = tpu.memref_squeeze %dma_start3A_129 : memref<1x128xf32, #tpu.memory_space<vmem>> -> memref<128xf32, #tpu.memory_space<vmem>>
        %dma_start3A_131 = arith.constant 0 : i32
        %dma_start3A_132 = tpu.memref_slice %arg25[%run_scoped3A_94, %dma_start3A_131] : memref<16x128xi32, #tpu.memory_space<vmem>> -> memref<1x128xi32, #tpu.memory_space<vmem>>
        %dma_start3A_133 = tpu.memref_squeeze %dma_start3A_132 : memref<1x128xi32, #tpu.memory_space<vmem>> -> memref<128xi32, #tpu.memory_space<vmem>>
        %dma_start3A_134 = arith.constant 0 : i32
        %dma_start3A_135 = tpu.memref_slice %arg32[%dma_start3A_134] : memref<160000xf32, #tpu.memory_space<vmem_shared>> -> memref<160000xf32, #tpu.memory_space<vmem_shared>>
        tpu.enqueue_indirect_dma source(%dma_start3A_130 : memref<128xf32, #tpu.memory_space<vmem>>) target(%dma_start3A_135 : memref<160000xf32, #tpu.memory_space<vmem_shared>>) offsets(%dma_start3A_133 : memref<128xi32, #tpu.memory_space<vmem>>) semaphore(%run_scoped3A_127 : memref<!tpu.dma_semaphore, #tpu.memory_space<semaphore_mem>>) {add = true}
        %dma_wait3A_136 = arith.constant 0 : i32
        %dma_wait3A_137 = tpu.memref_slice %arg29[%run_scoped3A_93, %dma_wait3A_136] : memref<16x128xf32, #tpu.memory_space<vmem>> -> memref<1x128xf32, #tpu.memory_space<vmem>>
        %dma_wait3A_138 = tpu.memref_squeeze %dma_wait3A_137 : memref<1x128xf32, #tpu.memory_space<vmem>> -> memref<128xf32, #tpu.memory_space<vmem>>
        %dma_wait3A_139 = arith.constant 0 : i32
        %dma_wait3A_140 = tpu.memref_slice %arg25[%run_scoped3A_94, %dma_wait3A_139] : memref<16x128xi32, #tpu.memory_space<vmem>> -> memref<1x128xi32, #tpu.memory_space<vmem>>
        %dma_wait3A_141 = tpu.memref_squeeze %dma_wait3A_140 : memref<1x128xi32, #tpu.memory_space<vmem>> -> memref<128xi32, #tpu.memory_space<vmem>>
        %dma_wait3A_142 = arith.constant 0 : i32
        %dma_wait3A_143 = tpu.memref_slice %arg32[%dma_wait3A_142] : memref<160000xf32, #tpu.memory_space<vmem_shared>> -> memref<160000xf32, #tpu.memory_space<vmem_shared>>
        tpu.wait_indirect_dma semaphore(%run_scoped3A_127 : memref<!tpu.dma_semaphore, #tpu.memory_space<semaphore_mem>>) src(%dma_wait3A_138 : memref<128xf32, #tpu.memory_space<vmem>>) dst(%dma_wait3A_143 : memref<160000xf32, #tpu.memory_space<vmem_shared>>)
        tpu.yield
      }) : () -> ()
      %run_scoped3A_95 = arith.constant 8 : i32
      %run_scoped3A_96 = arith.constant 8 : i32
      "tpu.region"() ({
        %run_scoped3A_127 = tpu.sem_alloc : memref<!tpu.dma_semaphore, #tpu.memory_space<semaphore_mem>>
        %dma_start3A_128 = arith.constant 0 : i32
        %dma_start3A_129 = tpu.memref_slice %arg29[%run_scoped3A_95, %dma_start3A_128] : memref<16x128xf32, #tpu.memory_space<vmem>> -> memref<1x128xf32, #tpu.memory_space<vmem>>
        %dma_start3A_130 = tpu.memref_squeeze %dma_start3A_129 : memref<1x128xf32, #tpu.memory_space<vmem>> -> memref<128xf32, #tpu.memory_space<vmem>>
        %dma_start3A_131 = arith.constant 0 : i32
        %dma_start3A_132 = tpu.memref_slice %arg23[%run_scoped3A_96, %dma_start3A_131] : memref<16x128xi32, #tpu.memory_space<vmem>> -> memref<1x128xi32, #tpu.memory_space<vmem>>
        %dma_start3A_133 = tpu.memref_squeeze %dma_start3A_132 : memref<1x128xi32, #tpu.memory_space<vmem>> -> memref<128xi32, #tpu.memory_space<vmem>>
        %dma_start3A_134 = arith.constant 0 : i32
        %dma_start3A_135 = tpu.memref_slice %arg31[%dma_start3A_134] : memref<10000xf32, #tpu.memory_space<vmem_shared>> -> memref<10000xf32, #tpu.memory_space<vmem_shared>>
        tpu.enqueue_indirect_dma source(%dma_start3A_130 : memref<128xf32, #tpu.memory_space<vmem>>) target(%dma_start3A_135 : memref<10000xf32, #tpu.memory_space<vmem_shared>>) offsets(%dma_start3A_133 : memref<128xi32, #tpu.memory_space<vmem>>) semaphore(%run_scoped3A_127 : memref<!tpu.dma_semaphore, #tpu.memory_space<semaphore_mem>>) {add = true}
        %dma_wait3A_136 = arith.constant 0 : i32
        %dma_wait3A_137 = tpu.memref_slice %arg29[%run_scoped3A_95, %dma_wait3A_136] : memref<16x128xf32, #tpu.memory_space<vmem>> -> memref<1x128xf32, #tpu.memory_space<vmem>>
        %dma_wait3A_138 = tpu.memref_squeeze %dma_wait3A_137 : memref<1x128xf32, #tpu.memory_space<vmem>> -> memref<128xf32, #tpu.memory_space<vmem>>
        %dma_wait3A_139 = arith.constant 0 : i32
        %dma_wait3A_140 = tpu.memref_slice %arg23[%run_scoped3A_96, %dma_wait3A_139] : memref<16x128xi32, #tpu.memory_space<vmem>> -> memref<1x128xi32, #tpu.memory_space<vmem>>
        %dma_wait3A_141 = tpu.memref_squeeze %dma_wait3A_140 : memref<1x128xi32, #tpu.memory_space<vmem>> -> memref<128xi32, #tpu.memory_space<vmem>>
        %dma_wait3A_142 = arith.constant 0 : i32
        %dma_wait3A_143 = tpu.memref_slice %arg31[%dma_wait3A_142] : memref<10000xf32, #tpu.memory_space<vmem_shared>> -> memref<10000xf32, #tpu.memory_space<vmem_shared>>
        tpu.wait_indirect_dma semaphore(%run_scoped3A_127 : memref<!tpu.dma_semaphore, #tpu.memory_space<semaphore_mem>>) src(%dma_wait3A_138 : memref<128xf32, #tpu.memory_space<vmem>>) dst(%dma_wait3A_143 : memref<10000xf32, #tpu.memory_space<vmem_shared>>)
        tpu.yield
      }) : () -> ()
      %run_scoped3A_97 = arith.constant 8 : i32
      %run_scoped3A_98 = arith.constant 8 : i32
      "tpu.region"() ({
        %run_scoped3A_127 = tpu.sem_alloc : memref<!tpu.dma_semaphore, #tpu.memory_space<semaphore_mem>>
        %dma_start3A_128 = arith.constant 0 : i32
        %dma_start3A_129 = tpu.memref_slice %arg29[%run_scoped3A_97, %dma_start3A_128] : memref<16x128xf32, #tpu.memory_space<vmem>> -> memref<1x128xf32, #tpu.memory_space<vmem>>
        %dma_start3A_130 = tpu.memref_squeeze %dma_start3A_129 : memref<1x128xf32, #tpu.memory_space<vmem>> -> memref<128xf32, #tpu.memory_space<vmem>>
        %dma_start3A_131 = arith.constant 0 : i32
        %dma_start3A_132 = tpu.memref_slice %arg25[%run_scoped3A_98, %dma_start3A_131] : memref<16x128xi32, #tpu.memory_space<vmem>> -> memref<1x128xi32, #tpu.memory_space<vmem>>
        %dma_start3A_133 = tpu.memref_squeeze %dma_start3A_132 : memref<1x128xi32, #tpu.memory_space<vmem>> -> memref<128xi32, #tpu.memory_space<vmem>>
        %dma_start3A_134 = arith.constant 0 : i32
        %dma_start3A_135 = tpu.memref_slice %arg32[%dma_start3A_134] : memref<160000xf32, #tpu.memory_space<vmem_shared>> -> memref<160000xf32, #tpu.memory_space<vmem_shared>>
        tpu.enqueue_indirect_dma source(%dma_start3A_130 : memref<128xf32, #tpu.memory_space<vmem>>) target(%dma_start3A_135 : memref<160000xf32, #tpu.memory_space<vmem_shared>>) offsets(%dma_start3A_133 : memref<128xi32, #tpu.memory_space<vmem>>) semaphore(%run_scoped3A_127 : memref<!tpu.dma_semaphore, #tpu.memory_space<semaphore_mem>>) {add = true}
        %dma_wait3A_136 = arith.constant 0 : i32
        %dma_wait3A_137 = tpu.memref_slice %arg29[%run_scoped3A_97, %dma_wait3A_136] : memref<16x128xf32, #tpu.memory_space<vmem>> -> memref<1x128xf32, #tpu.memory_space<vmem>>
        %dma_wait3A_138 = tpu.memref_squeeze %dma_wait3A_137 : memref<1x128xf32, #tpu.memory_space<vmem>> -> memref<128xf32, #tpu.memory_space<vmem>>
        %dma_wait3A_139 = arith.constant 0 : i32
        %dma_wait3A_140 = tpu.memref_slice %arg25[%run_scoped3A_98, %dma_wait3A_139] : memref<16x128xi32, #tpu.memory_space<vmem>> -> memref<1x128xi32, #tpu.memory_space<vmem>>
        %dma_wait3A_141 = tpu.memref_squeeze %dma_wait3A_140 : memref<1x128xi32, #tpu.memory_space<vmem>> -> memref<128xi32, #tpu.memory_space<vmem>>
        %dma_wait3A_142 = arith.constant 0 : i32
        %dma_wait3A_143 = tpu.memref_slice %arg32[%dma_wait3A_142] : memref<160000xf32, #tpu.memory_space<vmem_shared>> -> memref<160000xf32, #tpu.memory_space<vmem_shared>>
        tpu.wait_indirect_dma semaphore(%run_scoped3A_127 : memref<!tpu.dma_semaphore, #tpu.memory_space<semaphore_mem>>) src(%dma_wait3A_138 : memref<128xf32, #tpu.memory_space<vmem>>) dst(%dma_wait3A_143 : memref<160000xf32, #tpu.memory_space<vmem_shared>>)
        tpu.yield
      }) : () -> ()
      %run_scoped3A_99 = arith.constant 9 : i32
      %run_scoped3A_100 = arith.constant 9 : i32
      "tpu.region"() ({
        %run_scoped3A_127 = tpu.sem_alloc : memref<!tpu.dma_semaphore, #tpu.memory_space<semaphore_mem>>
        %dma_start3A_128 = arith.constant 0 : i32
        %dma_start3A_129 = tpu.memref_slice %arg29[%run_scoped3A_99, %dma_start3A_128] : memref<16x128xf32, #tpu.memory_space<vmem>> -> memref<1x128xf32, #tpu.memory_space<vmem>>
        %dma_start3A_130 = tpu.memref_squeeze %dma_start3A_129 : memref<1x128xf32, #tpu.memory_space<vmem>> -> memref<128xf32, #tpu.memory_space<vmem>>
        %dma_start3A_131 = arith.constant 0 : i32
        %dma_start3A_132 = tpu.memref_slice %arg23[%run_scoped3A_100, %dma_start3A_131] : memref<16x128xi32, #tpu.memory_space<vmem>> -> memref<1x128xi32, #tpu.memory_space<vmem>>
        %dma_start3A_133 = tpu.memref_squeeze %dma_start3A_132 : memref<1x128xi32, #tpu.memory_space<vmem>> -> memref<128xi32, #tpu.memory_space<vmem>>
        %dma_start3A_134 = arith.constant 0 : i32
        %dma_start3A_135 = tpu.memref_slice %arg31[%dma_start3A_134] : memref<10000xf32, #tpu.memory_space<vmem_shared>> -> memref<10000xf32, #tpu.memory_space<vmem_shared>>
        tpu.enqueue_indirect_dma source(%dma_start3A_130 : memref<128xf32, #tpu.memory_space<vmem>>) target(%dma_start3A_135 : memref<10000xf32, #tpu.memory_space<vmem_shared>>) offsets(%dma_start3A_133 : memref<128xi32, #tpu.memory_space<vmem>>) semaphore(%run_scoped3A_127 : memref<!tpu.dma_semaphore, #tpu.memory_space<semaphore_mem>>) {add = true}
        %dma_wait3A_136 = arith.constant 0 : i32
        %dma_wait3A_137 = tpu.memref_slice %arg29[%run_scoped3A_99, %dma_wait3A_136] : memref<16x128xf32, #tpu.memory_space<vmem>> -> memref<1x128xf32, #tpu.memory_space<vmem>>
        %dma_wait3A_138 = tpu.memref_squeeze %dma_wait3A_137 : memref<1x128xf32, #tpu.memory_space<vmem>> -> memref<128xf32, #tpu.memory_space<vmem>>
        %dma_wait3A_139 = arith.constant 0 : i32
        %dma_wait3A_140 = tpu.memref_slice %arg23[%run_scoped3A_100, %dma_wait3A_139] : memref<16x128xi32, #tpu.memory_space<vmem>> -> memref<1x128xi32, #tpu.memory_space<vmem>>
        %dma_wait3A_141 = tpu.memref_squeeze %dma_wait3A_140 : memref<1x128xi32, #tpu.memory_space<vmem>> -> memref<128xi32, #tpu.memory_space<vmem>>
        %dma_wait3A_142 = arith.constant 0 : i32
        %dma_wait3A_143 = tpu.memref_slice %arg31[%dma_wait3A_142] : memref<10000xf32, #tpu.memory_space<vmem_shared>> -> memref<10000xf32, #tpu.memory_space<vmem_shared>>
        tpu.wait_indirect_dma semaphore(%run_scoped3A_127 : memref<!tpu.dma_semaphore, #tpu.memory_space<semaphore_mem>>) src(%dma_wait3A_138 : memref<128xf32, #tpu.memory_space<vmem>>) dst(%dma_wait3A_143 : memref<10000xf32, #tpu.memory_space<vmem_shared>>)
        tpu.yield
      }) : () -> ()
      %run_scoped3A_101 = arith.constant 9 : i32
      %run_scoped3A_102 = arith.constant 9 : i32
      "tpu.region"() ({
        %run_scoped3A_127 = tpu.sem_alloc : memref<!tpu.dma_semaphore, #tpu.memory_space<semaphore_mem>>
        %dma_start3A_128 = arith.constant 0 : i32
        %dma_start3A_129 = tpu.memref_slice %arg29[%run_scoped3A_101, %dma_start3A_128] : memref<16x128xf32, #tpu.memory_space<vmem>> -> memref<1x128xf32, #tpu.memory_space<vmem>>
        %dma_start3A_130 = tpu.memref_squeeze %dma_start3A_129 : memref<1x128xf32, #tpu.memory_space<vmem>> -> memref<128xf32, #tpu.memory_space<vmem>>
        %dma_start3A_131 = arith.constant 0 : i32
        %dma_start3A_132 = tpu.memref_slice %arg25[%run_scoped3A_102, %dma_start3A_131] : memref<16x128xi32, #tpu.memory_space<vmem>> -> memref<1x128xi32, #tpu.memory_space<vmem>>
        %dma_start3A_133 = tpu.memref_squeeze %dma_start3A_132 : memref<1x128xi32, #tpu.memory_space<vmem>> -> memref<128xi32, #tpu.memory_space<vmem>>
        %dma_start3A_134 = arith.constant 0 : i32
        %dma_start3A_135 = tpu.memref_slice %arg32[%dma_start3A_134] : memref<160000xf32, #tpu.memory_space<vmem_shared>> -> memref<160000xf32, #tpu.memory_space<vmem_shared>>
        tpu.enqueue_indirect_dma source(%dma_start3A_130 : memref<128xf32, #tpu.memory_space<vmem>>) target(%dma_start3A_135 : memref<160000xf32, #tpu.memory_space<vmem_shared>>) offsets(%dma_start3A_133 : memref<128xi32, #tpu.memory_space<vmem>>) semaphore(%run_scoped3A_127 : memref<!tpu.dma_semaphore, #tpu.memory_space<semaphore_mem>>) {add = true}
        %dma_wait3A_136 = arith.constant 0 : i32
        %dma_wait3A_137 = tpu.memref_slice %arg29[%run_scoped3A_101, %dma_wait3A_136] : memref<16x128xf32, #tpu.memory_space<vmem>> -> memref<1x128xf32, #tpu.memory_space<vmem>>
        %dma_wait3A_138 = tpu.memref_squeeze %dma_wait3A_137 : memref<1x128xf32, #tpu.memory_space<vmem>> -> memref<128xf32, #tpu.memory_space<vmem>>
        %dma_wait3A_139 = arith.constant 0 : i32
        %dma_wait3A_140 = tpu.memref_slice %arg25[%run_scoped3A_102, %dma_wait3A_139] : memref<16x128xi32, #tpu.memory_space<vmem>> -> memref<1x128xi32, #tpu.memory_space<vmem>>
        %dma_wait3A_141 = tpu.memref_squeeze %dma_wait3A_140 : memref<1x128xi32, #tpu.memory_space<vmem>> -> memref<128xi32, #tpu.memory_space<vmem>>
        %dma_wait3A_142 = arith.constant 0 : i32
        %dma_wait3A_143 = tpu.memref_slice %arg32[%dma_wait3A_142] : memref<160000xf32, #tpu.memory_space<vmem_shared>> -> memref<160000xf32, #tpu.memory_space<vmem_shared>>
        tpu.wait_indirect_dma semaphore(%run_scoped3A_127 : memref<!tpu.dma_semaphore, #tpu.memory_space<semaphore_mem>>) src(%dma_wait3A_138 : memref<128xf32, #tpu.memory_space<vmem>>) dst(%dma_wait3A_143 : memref<160000xf32, #tpu.memory_space<vmem_shared>>)
        tpu.yield
      }) : () -> ()
      %run_scoped3A_103 = arith.constant 10 : i32
      %run_scoped3A_104 = arith.constant 10 : i32
      "tpu.region"() ({
        %run_scoped3A_127 = tpu.sem_alloc : memref<!tpu.dma_semaphore, #tpu.memory_space<semaphore_mem>>
        %dma_start3A_128 = arith.constant 0 : i32
        %dma_start3A_129 = tpu.memref_slice %arg29[%run_scoped3A_103, %dma_start3A_128] : memref<16x128xf32, #tpu.memory_space<vmem>> -> memref<1x128xf32, #tpu.memory_space<vmem>>
        %dma_start3A_130 = tpu.memref_squeeze %dma_start3A_129 : memref<1x128xf32, #tpu.memory_space<vmem>> -> memref<128xf32, #tpu.memory_space<vmem>>
        %dma_start3A_131 = arith.constant 0 : i32
        %dma_start3A_132 = tpu.memref_slice %arg23[%run_scoped3A_104, %dma_start3A_131] : memref<16x128xi32, #tpu.memory_space<vmem>> -> memref<1x128xi32, #tpu.memory_space<vmem>>
        %dma_start3A_133 = tpu.memref_squeeze %dma_start3A_132 : memref<1x128xi32, #tpu.memory_space<vmem>> -> memref<128xi32, #tpu.memory_space<vmem>>
        %dma_start3A_134 = arith.constant 0 : i32
        %dma_start3A_135 = tpu.memref_slice %arg31[%dma_start3A_134] : memref<10000xf32, #tpu.memory_space<vmem_shared>> -> memref<10000xf32, #tpu.memory_space<vmem_shared>>
        tpu.enqueue_indirect_dma source(%dma_start3A_130 : memref<128xf32, #tpu.memory_space<vmem>>) target(%dma_start3A_135 : memref<10000xf32, #tpu.memory_space<vmem_shared>>) offsets(%dma_start3A_133 : memref<128xi32, #tpu.memory_space<vmem>>) semaphore(%run_scoped3A_127 : memref<!tpu.dma_semaphore, #tpu.memory_space<semaphore_mem>>) {add = true}
        %dma_wait3A_136 = arith.constant 0 : i32
        %dma_wait3A_137 = tpu.memref_slice %arg29[%run_scoped3A_103, %dma_wait3A_136] : memref<16x128xf32, #tpu.memory_space<vmem>> -> memref<1x128xf32, #tpu.memory_space<vmem>>
        %dma_wait3A_138 = tpu.memref_squeeze %dma_wait3A_137 : memref<1x128xf32, #tpu.memory_space<vmem>> -> memref<128xf32, #tpu.memory_space<vmem>>
        %dma_wait3A_139 = arith.constant 0 : i32
        %dma_wait3A_140 = tpu.memref_slice %arg23[%run_scoped3A_104, %dma_wait3A_139] : memref<16x128xi32, #tpu.memory_space<vmem>> -> memref<1x128xi32, #tpu.memory_space<vmem>>
        %dma_wait3A_141 = tpu.memref_squeeze %dma_wait3A_140 : memref<1x128xi32, #tpu.memory_space<vmem>> -> memref<128xi32, #tpu.memory_space<vmem>>
        %dma_wait3A_142 = arith.constant 0 : i32
        %dma_wait3A_143 = tpu.memref_slice %arg31[%dma_wait3A_142] : memref<10000xf32, #tpu.memory_space<vmem_shared>> -> memref<10000xf32, #tpu.memory_space<vmem_shared>>
        tpu.wait_indirect_dma semaphore(%run_scoped3A_127 : memref<!tpu.dma_semaphore, #tpu.memory_space<semaphore_mem>>) src(%dma_wait3A_138 : memref<128xf32, #tpu.memory_space<vmem>>) dst(%dma_wait3A_143 : memref<10000xf32, #tpu.memory_space<vmem_shared>>)
        tpu.yield
      }) : () -> ()
      %run_scoped3A_105 = arith.constant 10 : i32
      %run_scoped3A_106 = arith.constant 10 : i32
      "tpu.region"() ({
        %run_scoped3A_127 = tpu.sem_alloc : memref<!tpu.dma_semaphore, #tpu.memory_space<semaphore_mem>>
        %dma_start3A_128 = arith.constant 0 : i32
        %dma_start3A_129 = tpu.memref_slice %arg29[%run_scoped3A_105, %dma_start3A_128] : memref<16x128xf32, #tpu.memory_space<vmem>> -> memref<1x128xf32, #tpu.memory_space<vmem>>
        %dma_start3A_130 = tpu.memref_squeeze %dma_start3A_129 : memref<1x128xf32, #tpu.memory_space<vmem>> -> memref<128xf32, #tpu.memory_space<vmem>>
        %dma_start3A_131 = arith.constant 0 : i32
        %dma_start3A_132 = tpu.memref_slice %arg25[%run_scoped3A_106, %dma_start3A_131] : memref<16x128xi32, #tpu.memory_space<vmem>> -> memref<1x128xi32, #tpu.memory_space<vmem>>
        %dma_start3A_133 = tpu.memref_squeeze %dma_start3A_132 : memref<1x128xi32, #tpu.memory_space<vmem>> -> memref<128xi32, #tpu.memory_space<vmem>>
        %dma_start3A_134 = arith.constant 0 : i32
        %dma_start3A_135 = tpu.memref_slice %arg32[%dma_start3A_134] : memref<160000xf32, #tpu.memory_space<vmem_shared>> -> memref<160000xf32, #tpu.memory_space<vmem_shared>>
        tpu.enqueue_indirect_dma source(%dma_start3A_130 : memref<128xf32, #tpu.memory_space<vmem>>) target(%dma_start3A_135 : memref<160000xf32, #tpu.memory_space<vmem_shared>>) offsets(%dma_start3A_133 : memref<128xi32, #tpu.memory_space<vmem>>) semaphore(%run_scoped3A_127 : memref<!tpu.dma_semaphore, #tpu.memory_space<semaphore_mem>>) {add = true}
        %dma_wait3A_136 = arith.constant 0 : i32
        %dma_wait3A_137 = tpu.memref_slice %arg29[%run_scoped3A_105, %dma_wait3A_136] : memref<16x128xf32, #tpu.memory_space<vmem>> -> memref<1x128xf32, #tpu.memory_space<vmem>>
        %dma_wait3A_138 = tpu.memref_squeeze %dma_wait3A_137 : memref<1x128xf32, #tpu.memory_space<vmem>> -> memref<128xf32, #tpu.memory_space<vmem>>
        %dma_wait3A_139 = arith.constant 0 : i32
        %dma_wait3A_140 = tpu.memref_slice %arg25[%run_scoped3A_106, %dma_wait3A_139] : memref<16x128xi32, #tpu.memory_space<vmem>> -> memref<1x128xi32, #tpu.memory_space<vmem>>
        %dma_wait3A_141 = tpu.memref_squeeze %dma_wait3A_140 : memref<1x128xi32, #tpu.memory_space<vmem>> -> memref<128xi32, #tpu.memory_space<vmem>>
        %dma_wait3A_142 = arith.constant 0 : i32
        %dma_wait3A_143 = tpu.memref_slice %arg32[%dma_wait3A_142] : memref<160000xf32, #tpu.memory_space<vmem_shared>> -> memref<160000xf32, #tpu.memory_space<vmem_shared>>
        tpu.wait_indirect_dma semaphore(%run_scoped3A_127 : memref<!tpu.dma_semaphore, #tpu.memory_space<semaphore_mem>>) src(%dma_wait3A_138 : memref<128xf32, #tpu.memory_space<vmem>>) dst(%dma_wait3A_143 : memref<160000xf32, #tpu.memory_space<vmem_shared>>)
        tpu.yield
      }) : () -> ()
      %run_scoped3A_107 = arith.constant 11 : i32
      %run_scoped3A_108 = arith.constant 11 : i32
      "tpu.region"() ({
        %run_scoped3A_127 = tpu.sem_alloc : memref<!tpu.dma_semaphore, #tpu.memory_space<semaphore_mem>>
        %dma_start3A_128 = arith.constant 0 : i32
        %dma_start3A_129 = tpu.memref_slice %arg29[%run_scoped3A_107, %dma_start3A_128] : memref<16x128xf32, #tpu.memory_space<vmem>> -> memref<1x128xf32, #tpu.memory_space<vmem>>
        %dma_start3A_130 = tpu.memref_squeeze %dma_start3A_129 : memref<1x128xf32, #tpu.memory_space<vmem>> -> memref<128xf32, #tpu.memory_space<vmem>>
        %dma_start3A_131 = arith.constant 0 : i32
        %dma_start3A_132 = tpu.memref_slice %arg23[%run_scoped3A_108, %dma_start3A_131] : memref<16x128xi32, #tpu.memory_space<vmem>> -> memref<1x128xi32, #tpu.memory_space<vmem>>
        %dma_start3A_133 = tpu.memref_squeeze %dma_start3A_132 : memref<1x128xi32, #tpu.memory_space<vmem>> -> memref<128xi32, #tpu.memory_space<vmem>>
        %dma_start3A_134 = arith.constant 0 : i32
        %dma_start3A_135 = tpu.memref_slice %arg31[%dma_start3A_134] : memref<10000xf32, #tpu.memory_space<vmem_shared>> -> memref<10000xf32, #tpu.memory_space<vmem_shared>>
        tpu.enqueue_indirect_dma source(%dma_start3A_130 : memref<128xf32, #tpu.memory_space<vmem>>) target(%dma_start3A_135 : memref<10000xf32, #tpu.memory_space<vmem_shared>>) offsets(%dma_start3A_133 : memref<128xi32, #tpu.memory_space<vmem>>) semaphore(%run_scoped3A_127 : memref<!tpu.dma_semaphore, #tpu.memory_space<semaphore_mem>>) {add = true}
        %dma_wait3A_136 = arith.constant 0 : i32
        %dma_wait3A_137 = tpu.memref_slice %arg29[%run_scoped3A_107, %dma_wait3A_136] : memref<16x128xf32, #tpu.memory_space<vmem>> -> memref<1x128xf32, #tpu.memory_space<vmem>>
        %dma_wait3A_138 = tpu.memref_squeeze %dma_wait3A_137 : memref<1x128xf32, #tpu.memory_space<vmem>> -> memref<128xf32, #tpu.memory_space<vmem>>
        %dma_wait3A_139 = arith.constant 0 : i32
        %dma_wait3A_140 = tpu.memref_slice %arg23[%run_scoped3A_108, %dma_wait3A_139] : memref<16x128xi32, #tpu.memory_space<vmem>> -> memref<1x128xi32, #tpu.memory_space<vmem>>
        %dma_wait3A_141 = tpu.memref_squeeze %dma_wait3A_140 : memref<1x128xi32, #tpu.memory_space<vmem>> -> memref<128xi32, #tpu.memory_space<vmem>>
        %dma_wait3A_142 = arith.constant 0 : i32
        %dma_wait3A_143 = tpu.memref_slice %arg31[%dma_wait3A_142] : memref<10000xf32, #tpu.memory_space<vmem_shared>> -> memref<10000xf32, #tpu.memory_space<vmem_shared>>
        tpu.wait_indirect_dma semaphore(%run_scoped3A_127 : memref<!tpu.dma_semaphore, #tpu.memory_space<semaphore_mem>>) src(%dma_wait3A_138 : memref<128xf32, #tpu.memory_space<vmem>>) dst(%dma_wait3A_143 : memref<10000xf32, #tpu.memory_space<vmem_shared>>)
        tpu.yield
      }) : () -> ()
      %run_scoped3A_109 = arith.constant 11 : i32
      %run_scoped3A_110 = arith.constant 11 : i32
      "tpu.region"() ({
        %run_scoped3A_127 = tpu.sem_alloc : memref<!tpu.dma_semaphore, #tpu.memory_space<semaphore_mem>>
        %dma_start3A_128 = arith.constant 0 : i32
        %dma_start3A_129 = tpu.memref_slice %arg29[%run_scoped3A_109, %dma_start3A_128] : memref<16x128xf32, #tpu.memory_space<vmem>> -> memref<1x128xf32, #tpu.memory_space<vmem>>
        %dma_start3A_130 = tpu.memref_squeeze %dma_start3A_129 : memref<1x128xf32, #tpu.memory_space<vmem>> -> memref<128xf32, #tpu.memory_space<vmem>>
        %dma_start3A_131 = arith.constant 0 : i32
        %dma_start3A_132 = tpu.memref_slice %arg25[%run_scoped3A_110, %dma_start3A_131] : memref<16x128xi32, #tpu.memory_space<vmem>> -> memref<1x128xi32, #tpu.memory_space<vmem>>
        %dma_start3A_133 = tpu.memref_squeeze %dma_start3A_132 : memref<1x128xi32, #tpu.memory_space<vmem>> -> memref<128xi32, #tpu.memory_space<vmem>>
        %dma_start3A_134 = arith.constant 0 : i32
        %dma_start3A_135 = tpu.memref_slice %arg32[%dma_start3A_134] : memref<160000xf32, #tpu.memory_space<vmem_shared>> -> memref<160000xf32, #tpu.memory_space<vmem_shared>>
        tpu.enqueue_indirect_dma source(%dma_start3A_130 : memref<128xf32, #tpu.memory_space<vmem>>) target(%dma_start3A_135 : memref<160000xf32, #tpu.memory_space<vmem_shared>>) offsets(%dma_start3A_133 : memref<128xi32, #tpu.memory_space<vmem>>) semaphore(%run_scoped3A_127 : memref<!tpu.dma_semaphore, #tpu.memory_space<semaphore_mem>>) {add = true}
        %dma_wait3A_136 = arith.constant 0 : i32
        %dma_wait3A_137 = tpu.memref_slice %arg29[%run_scoped3A_109, %dma_wait3A_136] : memref<16x128xf32, #tpu.memory_space<vmem>> -> memref<1x128xf32, #tpu.memory_space<vmem>>
        %dma_wait3A_138 = tpu.memref_squeeze %dma_wait3A_137 : memref<1x128xf32, #tpu.memory_space<vmem>> -> memref<128xf32, #tpu.memory_space<vmem>>
        %dma_wait3A_139 = arith.constant 0 : i32
        %dma_wait3A_140 = tpu.memref_slice %arg25[%run_scoped3A_110, %dma_wait3A_139] : memref<16x128xi32, #tpu.memory_space<vmem>> -> memref<1x128xi32, #tpu.memory_space<vmem>>
        %dma_wait3A_141 = tpu.memref_squeeze %dma_wait3A_140 : memref<1x128xi32, #tpu.memory_space<vmem>> -> memref<128xi32, #tpu.memory_space<vmem>>
        %dma_wait3A_142 = arith.constant 0 : i32
        %dma_wait3A_143 = tpu.memref_slice %arg32[%dma_wait3A_142] : memref<160000xf32, #tpu.memory_space<vmem_shared>> -> memref<160000xf32, #tpu.memory_space<vmem_shared>>
        tpu.wait_indirect_dma semaphore(%run_scoped3A_127 : memref<!tpu.dma_semaphore, #tpu.memory_space<semaphore_mem>>) src(%dma_wait3A_138 : memref<128xf32, #tpu.memory_space<vmem>>) dst(%dma_wait3A_143 : memref<160000xf32, #tpu.memory_space<vmem_shared>>)
        tpu.yield
      }) : () -> ()
      %run_scoped3A_111 = arith.constant 12 : i32
      %run_scoped3A_112 = arith.constant 12 : i32
      "tpu.region"() ({
        %run_scoped3A_127 = tpu.sem_alloc : memref<!tpu.dma_semaphore, #tpu.memory_space<semaphore_mem>>
        %dma_start3A_128 = arith.constant 0 : i32
        %dma_start3A_129 = tpu.memref_slice %arg29[%run_scoped3A_111, %dma_start3A_128] : memref<16x128xf32, #tpu.memory_space<vmem>> -> memref<1x128xf32, #tpu.memory_space<vmem>>
        %dma_start3A_130 = tpu.memref_squeeze %dma_start3A_129 : memref<1x128xf32, #tpu.memory_space<vmem>> -> memref<128xf32, #tpu.memory_space<vmem>>
        %dma_start3A_131 = arith.constant 0 : i32
        %dma_start3A_132 = tpu.memref_slice %arg23[%run_scoped3A_112, %dma_start3A_131] : memref<16x128xi32, #tpu.memory_space<vmem>> -> memref<1x128xi32, #tpu.memory_space<vmem>>
        %dma_start3A_133 = tpu.memref_squeeze %dma_start3A_132 : memref<1x128xi32, #tpu.memory_space<vmem>> -> memref<128xi32, #tpu.memory_space<vmem>>
        %dma_start3A_134 = arith.constant 0 : i32
        %dma_start3A_135 = tpu.memref_slice %arg31[%dma_start3A_134] : memref<10000xf32, #tpu.memory_space<vmem_shared>> -> memref<10000xf32, #tpu.memory_space<vmem_shared>>
        tpu.enqueue_indirect_dma source(%dma_start3A_130 : memref<128xf32, #tpu.memory_space<vmem>>) target(%dma_start3A_135 : memref<10000xf32, #tpu.memory_space<vmem_shared>>) offsets(%dma_start3A_133 : memref<128xi32, #tpu.memory_space<vmem>>) semaphore(%run_scoped3A_127 : memref<!tpu.dma_semaphore, #tpu.memory_space<semaphore_mem>>) {add = true}
        %dma_wait3A_136 = arith.constant 0 : i32
        %dma_wait3A_137 = tpu.memref_slice %arg29[%run_scoped3A_111, %dma_wait3A_136] : memref<16x128xf32, #tpu.memory_space<vmem>> -> memref<1x128xf32, #tpu.memory_space<vmem>>
        %dma_wait3A_138 = tpu.memref_squeeze %dma_wait3A_137 : memref<1x128xf32, #tpu.memory_space<vmem>> -> memref<128xf32, #tpu.memory_space<vmem>>
        %dma_wait3A_139 = arith.constant 0 : i32
        %dma_wait3A_140 = tpu.memref_slice %arg23[%run_scoped3A_112, %dma_wait3A_139] : memref<16x128xi32, #tpu.memory_space<vmem>> -> memref<1x128xi32, #tpu.memory_space<vmem>>
        %dma_wait3A_141 = tpu.memref_squeeze %dma_wait3A_140 : memref<1x128xi32, #tpu.memory_space<vmem>> -> memref<128xi32, #tpu.memory_space<vmem>>
        %dma_wait3A_142 = arith.constant 0 : i32
        %dma_wait3A_143 = tpu.memref_slice %arg31[%dma_wait3A_142] : memref<10000xf32, #tpu.memory_space<vmem_shared>> -> memref<10000xf32, #tpu.memory_space<vmem_shared>>
        tpu.wait_indirect_dma semaphore(%run_scoped3A_127 : memref<!tpu.dma_semaphore, #tpu.memory_space<semaphore_mem>>) src(%dma_wait3A_138 : memref<128xf32, #tpu.memory_space<vmem>>) dst(%dma_wait3A_143 : memref<10000xf32, #tpu.memory_space<vmem_shared>>)
        tpu.yield
      }) : () -> ()
      %run_scoped3A_113 = arith.constant 12 : i32
      %run_scoped3A_114 = arith.constant 12 : i32
      "tpu.region"() ({
        %run_scoped3A_127 = tpu.sem_alloc : memref<!tpu.dma_semaphore, #tpu.memory_space<semaphore_mem>>
        %dma_start3A_128 = arith.constant 0 : i32
        %dma_start3A_129 = tpu.memref_slice %arg29[%run_scoped3A_113, %dma_start3A_128] : memref<16x128xf32, #tpu.memory_space<vmem>> -> memref<1x128xf32, #tpu.memory_space<vmem>>
        %dma_start3A_130 = tpu.memref_squeeze %dma_start3A_129 : memref<1x128xf32, #tpu.memory_space<vmem>> -> memref<128xf32, #tpu.memory_space<vmem>>
        %dma_start3A_131 = arith.constant 0 : i32
        %dma_start3A_132 = tpu.memref_slice %arg25[%run_scoped3A_114, %dma_start3A_131] : memref<16x128xi32, #tpu.memory_space<vmem>> -> memref<1x128xi32, #tpu.memory_space<vmem>>
        %dma_start3A_133 = tpu.memref_squeeze %dma_start3A_132 : memref<1x128xi32, #tpu.memory_space<vmem>> -> memref<128xi32, #tpu.memory_space<vmem>>
        %dma_start3A_134 = arith.constant 0 : i32
        %dma_start3A_135 = tpu.memref_slice %arg32[%dma_start3A_134] : memref<160000xf32, #tpu.memory_space<vmem_shared>> -> memref<160000xf32, #tpu.memory_space<vmem_shared>>
        tpu.enqueue_indirect_dma source(%dma_start3A_130 : memref<128xf32, #tpu.memory_space<vmem>>) target(%dma_start3A_135 : memref<160000xf32, #tpu.memory_space<vmem_shared>>) offsets(%dma_start3A_133 : memref<128xi32, #tpu.memory_space<vmem>>) semaphore(%run_scoped3A_127 : memref<!tpu.dma_semaphore, #tpu.memory_space<semaphore_mem>>) {add = true}
        %dma_wait3A_136 = arith.constant 0 : i32
        %dma_wait3A_137 = tpu.memref_slice %arg29[%run_scoped3A_113, %dma_wait3A_136] : memref<16x128xf32, #tpu.memory_space<vmem>> -> memref<1x128xf32, #tpu.memory_space<vmem>>
        %dma_wait3A_138 = tpu.memref_squeeze %dma_wait3A_137 : memref<1x128xf32, #tpu.memory_space<vmem>> -> memref<128xf32, #tpu.memory_space<vmem>>
        %dma_wait3A_139 = arith.constant 0 : i32
        %dma_wait3A_140 = tpu.memref_slice %arg25[%run_scoped3A_114, %dma_wait3A_139] : memref<16x128xi32, #tpu.memory_space<vmem>> -> memref<1x128xi32, #tpu.memory_space<vmem>>
        %dma_wait3A_141 = tpu.memref_squeeze %dma_wait3A_140 : memref<1x128xi32, #tpu.memory_space<vmem>> -> memref<128xi32, #tpu.memory_space<vmem>>
        %dma_wait3A_142 = arith.constant 0 : i32
        %dma_wait3A_143 = tpu.memref_slice %arg32[%dma_wait3A_142] : memref<160000xf32, #tpu.memory_space<vmem_shared>> -> memref<160000xf32, #tpu.memory_space<vmem_shared>>
        tpu.wait_indirect_dma semaphore(%run_scoped3A_127 : memref<!tpu.dma_semaphore, #tpu.memory_space<semaphore_mem>>) src(%dma_wait3A_138 : memref<128xf32, #tpu.memory_space<vmem>>) dst(%dma_wait3A_143 : memref<160000xf32, #tpu.memory_space<vmem_shared>>)
        tpu.yield
      }) : () -> ()
      %run_scoped3A_115 = arith.constant 13 : i32
      %run_scoped3A_116 = arith.constant 13 : i32
      "tpu.region"() ({
        %run_scoped3A_127 = tpu.sem_alloc : memref<!tpu.dma_semaphore, #tpu.memory_space<semaphore_mem>>
        %dma_start3A_128 = arith.constant 0 : i32
        %dma_start3A_129 = tpu.memref_slice %arg29[%run_scoped3A_115, %dma_start3A_128] : memref<16x128xf32, #tpu.memory_space<vmem>> -> memref<1x128xf32, #tpu.memory_space<vmem>>
        %dma_start3A_130 = tpu.memref_squeeze %dma_start3A_129 : memref<1x128xf32, #tpu.memory_space<vmem>> -> memref<128xf32, #tpu.memory_space<vmem>>
        %dma_start3A_131 = arith.constant 0 : i32
        %dma_start3A_132 = tpu.memref_slice %arg23[%run_scoped3A_116, %dma_start3A_131] : memref<16x128xi32, #tpu.memory_space<vmem>> -> memref<1x128xi32, #tpu.memory_space<vmem>>
        %dma_start3A_133 = tpu.memref_squeeze %dma_start3A_132 : memref<1x128xi32, #tpu.memory_space<vmem>> -> memref<128xi32, #tpu.memory_space<vmem>>
        %dma_start3A_134 = arith.constant 0 : i32
        %dma_start3A_135 = tpu.memref_slice %arg31[%dma_start3A_134] : memref<10000xf32, #tpu.memory_space<vmem_shared>> -> memref<10000xf32, #tpu.memory_space<vmem_shared>>
        tpu.enqueue_indirect_dma source(%dma_start3A_130 : memref<128xf32, #tpu.memory_space<vmem>>) target(%dma_start3A_135 : memref<10000xf32, #tpu.memory_space<vmem_shared>>) offsets(%dma_start3A_133 : memref<128xi32, #tpu.memory_space<vmem>>) semaphore(%run_scoped3A_127 : memref<!tpu.dma_semaphore, #tpu.memory_space<semaphore_mem>>) {add = true}
        %dma_wait3A_136 = arith.constant 0 : i32
        %dma_wait3A_137 = tpu.memref_slice %arg29[%run_scoped3A_115, %dma_wait3A_136] : memref<16x128xf32, #tpu.memory_space<vmem>> -> memref<1x128xf32, #tpu.memory_space<vmem>>
        %dma_wait3A_138 = tpu.memref_squeeze %dma_wait3A_137 : memref<1x128xf32, #tpu.memory_space<vmem>> -> memref<128xf32, #tpu.memory_space<vmem>>
        %dma_wait3A_139 = arith.constant 0 : i32
        %dma_wait3A_140 = tpu.memref_slice %arg23[%run_scoped3A_116, %dma_wait3A_139] : memref<16x128xi32, #tpu.memory_space<vmem>> -> memref<1x128xi32, #tpu.memory_space<vmem>>
        %dma_wait3A_141 = tpu.memref_squeeze %dma_wait3A_140 : memref<1x128xi32, #tpu.memory_space<vmem>> -> memref<128xi32, #tpu.memory_space<vmem>>
        %dma_wait3A_142 = arith.constant 0 : i32
        %dma_wait3A_143 = tpu.memref_slice %arg31[%dma_wait3A_142] : memref<10000xf32, #tpu.memory_space<vmem_shared>> -> memref<10000xf32, #tpu.memory_space<vmem_shared>>
        tpu.wait_indirect_dma semaphore(%run_scoped3A_127 : memref<!tpu.dma_semaphore, #tpu.memory_space<semaphore_mem>>) src(%dma_wait3A_138 : memref<128xf32, #tpu.memory_space<vmem>>) dst(%dma_wait3A_143 : memref<10000xf32, #tpu.memory_space<vmem_shared>>)
        tpu.yield
      }) : () -> ()
      %run_scoped3A_117 = arith.constant 13 : i32
      %run_scoped3A_118 = arith.constant 13 : i32
      "tpu.region"() ({
        %run_scoped3A_127 = tpu.sem_alloc : memref<!tpu.dma_semaphore, #tpu.memory_space<semaphore_mem>>
        %dma_start3A_128 = arith.constant 0 : i32
        %dma_start3A_129 = tpu.memref_slice %arg29[%run_scoped3A_117, %dma_start3A_128] : memref<16x128xf32, #tpu.memory_space<vmem>> -> memref<1x128xf32, #tpu.memory_space<vmem>>
        %dma_start3A_130 = tpu.memref_squeeze %dma_start3A_129 : memref<1x128xf32, #tpu.memory_space<vmem>> -> memref<128xf32, #tpu.memory_space<vmem>>
        %dma_start3A_131 = arith.constant 0 : i32
        %dma_start3A_132 = tpu.memref_slice %arg25[%run_scoped3A_118, %dma_start3A_131] : memref<16x128xi32, #tpu.memory_space<vmem>> -> memref<1x128xi32, #tpu.memory_space<vmem>>
        %dma_start3A_133 = tpu.memref_squeeze %dma_start3A_132 : memref<1x128xi32, #tpu.memory_space<vmem>> -> memref<128xi32, #tpu.memory_space<vmem>>
        %dma_start3A_134 = arith.constant 0 : i32
        %dma_start3A_135 = tpu.memref_slice %arg32[%dma_start3A_134] : memref<160000xf32, #tpu.memory_space<vmem_shared>> -> memref<160000xf32, #tpu.memory_space<vmem_shared>>
        tpu.enqueue_indirect_dma source(%dma_start3A_130 : memref<128xf32, #tpu.memory_space<vmem>>) target(%dma_start3A_135 : memref<160000xf32, #tpu.memory_space<vmem_shared>>) offsets(%dma_start3A_133 : memref<128xi32, #tpu.memory_space<vmem>>) semaphore(%run_scoped3A_127 : memref<!tpu.dma_semaphore, #tpu.memory_space<semaphore_mem>>) {add = true}
        %dma_wait3A_136 = arith.constant 0 : i32
        %dma_wait3A_137 = tpu.memref_slice %arg29[%run_scoped3A_117, %dma_wait3A_136] : memref<16x128xf32, #tpu.memory_space<vmem>> -> memref<1x128xf32, #tpu.memory_space<vmem>>
        %dma_wait3A_138 = tpu.memref_squeeze %dma_wait3A_137 : memref<1x128xf32, #tpu.memory_space<vmem>> -> memref<128xf32, #tpu.memory_space<vmem>>
        %dma_wait3A_139 = arith.constant 0 : i32
        %dma_wait3A_140 = tpu.memref_slice %arg25[%run_scoped3A_118, %dma_wait3A_139] : memref<16x128xi32, #tpu.memory_space<vmem>> -> memref<1x128xi32, #tpu.memory_space<vmem>>
        %dma_wait3A_141 = tpu.memref_squeeze %dma_wait3A_140 : memref<1x128xi32, #tpu.memory_space<vmem>> -> memref<128xi32, #tpu.memory_space<vmem>>
        %dma_wait3A_142 = arith.constant 0 : i32
        %dma_wait3A_143 = tpu.memref_slice %arg32[%dma_wait3A_142] : memref<160000xf32, #tpu.memory_space<vmem_shared>> -> memref<160000xf32, #tpu.memory_space<vmem_shared>>
        tpu.wait_indirect_dma semaphore(%run_scoped3A_127 : memref<!tpu.dma_semaphore, #tpu.memory_space<semaphore_mem>>) src(%dma_wait3A_138 : memref<128xf32, #tpu.memory_space<vmem>>) dst(%dma_wait3A_143 : memref<160000xf32, #tpu.memory_space<vmem_shared>>)
        tpu.yield
      }) : () -> ()
      %run_scoped3A_119 = arith.constant 14 : i32
      %run_scoped3A_120 = arith.constant 14 : i32
      "tpu.region"() ({
        %run_scoped3A_127 = tpu.sem_alloc : memref<!tpu.dma_semaphore, #tpu.memory_space<semaphore_mem>>
        %dma_start3A_128 = arith.constant 0 : i32
        %dma_start3A_129 = tpu.memref_slice %arg29[%run_scoped3A_119, %dma_start3A_128] : memref<16x128xf32, #tpu.memory_space<vmem>> -> memref<1x128xf32, #tpu.memory_space<vmem>>
        %dma_start3A_130 = tpu.memref_squeeze %dma_start3A_129 : memref<1x128xf32, #tpu.memory_space<vmem>> -> memref<128xf32, #tpu.memory_space<vmem>>
        %dma_start3A_131 = arith.constant 0 : i32
        %dma_start3A_132 = tpu.memref_slice %arg23[%run_scoped3A_120, %dma_start3A_131] : memref<16x128xi32, #tpu.memory_space<vmem>> -> memref<1x128xi32, #tpu.memory_space<vmem>>
        %dma_start3A_133 = tpu.memref_squeeze %dma_start3A_132 : memref<1x128xi32, #tpu.memory_space<vmem>> -> memref<128xi32, #tpu.memory_space<vmem>>
        %dma_start3A_134 = arith.constant 0 : i32
        %dma_start3A_135 = tpu.memref_slice %arg31[%dma_start3A_134] : memref<10000xf32, #tpu.memory_space<vmem_shared>> -> memref<10000xf32, #tpu.memory_space<vmem_shared>>
        tpu.enqueue_indirect_dma source(%dma_start3A_130 : memref<128xf32, #tpu.memory_space<vmem>>) target(%dma_start3A_135 : memref<10000xf32, #tpu.memory_space<vmem_shared>>) offsets(%dma_start3A_133 : memref<128xi32, #tpu.memory_space<vmem>>) semaphore(%run_scoped3A_127 : memref<!tpu.dma_semaphore, #tpu.memory_space<semaphore_mem>>) {add = true}
        %dma_wait3A_136 = arith.constant 0 : i32
        %dma_wait3A_137 = tpu.memref_slice %arg29[%run_scoped3A_119, %dma_wait3A_136] : memref<16x128xf32, #tpu.memory_space<vmem>> -> memref<1x128xf32, #tpu.memory_space<vmem>>
        %dma_wait3A_138 = tpu.memref_squeeze %dma_wait3A_137 : memref<1x128xf32, #tpu.memory_space<vmem>> -> memref<128xf32, #tpu.memory_space<vmem>>
        %dma_wait3A_139 = arith.constant 0 : i32
        %dma_wait3A_140 = tpu.memref_slice %arg23[%run_scoped3A_120, %dma_wait3A_139] : memref<16x128xi32, #tpu.memory_space<vmem>> -> memref<1x128xi32, #tpu.memory_space<vmem>>
        %dma_wait3A_141 = tpu.memref_squeeze %dma_wait3A_140 : memref<1x128xi32, #tpu.memory_space<vmem>> -> memref<128xi32, #tpu.memory_space<vmem>>
        %dma_wait3A_142 = arith.constant 0 : i32
        %dma_wait3A_143 = tpu.memref_slice %arg31[%dma_wait3A_142] : memref<10000xf32, #tpu.memory_space<vmem_shared>> -> memref<10000xf32, #tpu.memory_space<vmem_shared>>
        tpu.wait_indirect_dma semaphore(%run_scoped3A_127 : memref<!tpu.dma_semaphore, #tpu.memory_space<semaphore_mem>>) src(%dma_wait3A_138 : memref<128xf32, #tpu.memory_space<vmem>>) dst(%dma_wait3A_143 : memref<10000xf32, #tpu.memory_space<vmem_shared>>)
        tpu.yield
      }) : () -> ()
      %run_scoped3A_121 = arith.constant 14 : i32
      %run_scoped3A_122 = arith.constant 14 : i32
      "tpu.region"() ({
        %run_scoped3A_127 = tpu.sem_alloc : memref<!tpu.dma_semaphore, #tpu.memory_space<semaphore_mem>>
        %dma_start3A_128 = arith.constant 0 : i32
        %dma_start3A_129 = tpu.memref_slice %arg29[%run_scoped3A_121, %dma_start3A_128] : memref<16x128xf32, #tpu.memory_space<vmem>> -> memref<1x128xf32, #tpu.memory_space<vmem>>
        %dma_start3A_130 = tpu.memref_squeeze %dma_start3A_129 : memref<1x128xf32, #tpu.memory_space<vmem>> -> memref<128xf32, #tpu.memory_space<vmem>>
        %dma_start3A_131 = arith.constant 0 : i32
        %dma_start3A_132 = tpu.memref_slice %arg25[%run_scoped3A_122, %dma_start3A_131] : memref<16x128xi32, #tpu.memory_space<vmem>> -> memref<1x128xi32, #tpu.memory_space<vmem>>
        %dma_start3A_133 = tpu.memref_squeeze %dma_start3A_132 : memref<1x128xi32, #tpu.memory_space<vmem>> -> memref<128xi32, #tpu.memory_space<vmem>>
        %dma_start3A_134 = arith.constant 0 : i32
        %dma_start3A_135 = tpu.memref_slice %arg32[%dma_start3A_134] : memref<160000xf32, #tpu.memory_space<vmem_shared>> -> memref<160000xf32, #tpu.memory_space<vmem_shared>>
        tpu.enqueue_indirect_dma source(%dma_start3A_130 : memref<128xf32, #tpu.memory_space<vmem>>) target(%dma_start3A_135 : memref<160000xf32, #tpu.memory_space<vmem_shared>>) offsets(%dma_start3A_133 : memref<128xi32, #tpu.memory_space<vmem>>) semaphore(%run_scoped3A_127 : memref<!tpu.dma_semaphore, #tpu.memory_space<semaphore_mem>>) {add = true}
        %dma_wait3A_136 = arith.constant 0 : i32
        %dma_wait3A_137 = tpu.memref_slice %arg29[%run_scoped3A_121, %dma_wait3A_136] : memref<16x128xf32, #tpu.memory_space<vmem>> -> memref<1x128xf32, #tpu.memory_space<vmem>>
        %dma_wait3A_138 = tpu.memref_squeeze %dma_wait3A_137 : memref<1x128xf32, #tpu.memory_space<vmem>> -> memref<128xf32, #tpu.memory_space<vmem>>
        %dma_wait3A_139 = arith.constant 0 : i32
        %dma_wait3A_140 = tpu.memref_slice %arg25[%run_scoped3A_122, %dma_wait3A_139] : memref<16x128xi32, #tpu.memory_space<vmem>> -> memref<1x128xi32, #tpu.memory_space<vmem>>
        %dma_wait3A_141 = tpu.memref_squeeze %dma_wait3A_140 : memref<1x128xi32, #tpu.memory_space<vmem>> -> memref<128xi32, #tpu.memory_space<vmem>>
        %dma_wait3A_142 = arith.constant 0 : i32
        %dma_wait3A_143 = tpu.memref_slice %arg32[%dma_wait3A_142] : memref<160000xf32, #tpu.memory_space<vmem_shared>> -> memref<160000xf32, #tpu.memory_space<vmem_shared>>
        tpu.wait_indirect_dma semaphore(%run_scoped3A_127 : memref<!tpu.dma_semaphore, #tpu.memory_space<semaphore_mem>>) src(%dma_wait3A_138 : memref<128xf32, #tpu.memory_space<vmem>>) dst(%dma_wait3A_143 : memref<160000xf32, #tpu.memory_space<vmem_shared>>)
        tpu.yield
      }) : () -> ()
      %run_scoped3A_123 = arith.constant 15 : i32
      %run_scoped3A_124 = arith.constant 15 : i32
      "tpu.region"() ({
        %run_scoped3A_127 = tpu.sem_alloc : memref<!tpu.dma_semaphore, #tpu.memory_space<semaphore_mem>>
        %dma_start3A_128 = arith.constant 0 : i32
        %dma_start3A_129 = tpu.memref_slice %arg29[%run_scoped3A_123, %dma_start3A_128] : memref<16x128xf32, #tpu.memory_space<vmem>> -> memref<1x128xf32, #tpu.memory_space<vmem>>
        %dma_start3A_130 = tpu.memref_squeeze %dma_start3A_129 : memref<1x128xf32, #tpu.memory_space<vmem>> -> memref<128xf32, #tpu.memory_space<vmem>>
        %dma_start3A_131 = arith.constant 0 : i32
        %dma_start3A_132 = tpu.memref_slice %arg23[%run_scoped3A_124, %dma_start3A_131] : memref<16x128xi32, #tpu.memory_space<vmem>> -> memref<1x128xi32, #tpu.memory_space<vmem>>
        %dma_start3A_133 = tpu.memref_squeeze %dma_start3A_132 : memref<1x128xi32, #tpu.memory_space<vmem>> -> memref<128xi32, #tpu.memory_space<vmem>>
        %dma_start3A_134 = arith.constant 0 : i32
        %dma_start3A_135 = tpu.memref_slice %arg31[%dma_start3A_134] : memref<10000xf32, #tpu.memory_space<vmem_shared>> -> memref<10000xf32, #tpu.memory_space<vmem_shared>>
        tpu.enqueue_indirect_dma source(%dma_start3A_130 : memref<128xf32, #tpu.memory_space<vmem>>) target(%dma_start3A_135 : memref<10000xf32, #tpu.memory_space<vmem_shared>>) offsets(%dma_start3A_133 : memref<128xi32, #tpu.memory_space<vmem>>) semaphore(%run_scoped3A_127 : memref<!tpu.dma_semaphore, #tpu.memory_space<semaphore_mem>>) {add = true}
        %dma_wait3A_136 = arith.constant 0 : i32
        %dma_wait3A_137 = tpu.memref_slice %arg29[%run_scoped3A_123, %dma_wait3A_136] : memref<16x128xf32, #tpu.memory_space<vmem>> -> memref<1x128xf32, #tpu.memory_space<vmem>>
        %dma_wait3A_138 = tpu.memref_squeeze %dma_wait3A_137 : memref<1x128xf32, #tpu.memory_space<vmem>> -> memref<128xf32, #tpu.memory_space<vmem>>
        %dma_wait3A_139 = arith.constant 0 : i32
        %dma_wait3A_140 = tpu.memref_slice %arg23[%run_scoped3A_124, %dma_wait3A_139] : memref<16x128xi32, #tpu.memory_space<vmem>> -> memref<1x128xi32, #tpu.memory_space<vmem>>
        %dma_wait3A_141 = tpu.memref_squeeze %dma_wait3A_140 : memref<1x128xi32, #tpu.memory_space<vmem>> -> memref<128xi32, #tpu.memory_space<vmem>>
        %dma_wait3A_142 = arith.constant 0 : i32
        %dma_wait3A_143 = tpu.memref_slice %arg31[%dma_wait3A_142] : memref<10000xf32, #tpu.memory_space<vmem_shared>> -> memref<10000xf32, #tpu.memory_space<vmem_shared>>
        tpu.wait_indirect_dma semaphore(%run_scoped3A_127 : memref<!tpu.dma_semaphore, #tpu.memory_space<semaphore_mem>>) src(%dma_wait3A_138 : memref<128xf32, #tpu.memory_space<vmem>>) dst(%dma_wait3A_143 : memref<10000xf32, #tpu.memory_space<vmem_shared>>)
        tpu.yield
      }) : () -> ()
      %run_scoped3A_125 = arith.constant 15 : i32
      %run_scoped3A_126 = arith.constant 15 : i32
      "tpu.region"() ({
        %run_scoped3A_127 = tpu.sem_alloc : memref<!tpu.dma_semaphore, #tpu.memory_space<semaphore_mem>>
        %dma_start3A_128 = arith.constant 0 : i32
        %dma_start3A_129 = tpu.memref_slice %arg29[%run_scoped3A_125, %dma_start3A_128] : memref<16x128xf32, #tpu.memory_space<vmem>> -> memref<1x128xf32, #tpu.memory_space<vmem>>
        %dma_start3A_130 = tpu.memref_squeeze %dma_start3A_129 : memref<1x128xf32, #tpu.memory_space<vmem>> -> memref<128xf32, #tpu.memory_space<vmem>>
        %dma_start3A_131 = arith.constant 0 : i32
        %dma_start3A_132 = tpu.memref_slice %arg25[%run_scoped3A_126, %dma_start3A_131] : memref<16x128xi32, #tpu.memory_space<vmem>> -> memref<1x128xi32, #tpu.memory_space<vmem>>
        %dma_start3A_133 = tpu.memref_squeeze %dma_start3A_132 : memref<1x128xi32, #tpu.memory_space<vmem>> -> memref<128xi32, #tpu.memory_space<vmem>>
        %dma_start3A_134 = arith.constant 0 : i32
        %dma_start3A_135 = tpu.memref_slice %arg32[%dma_start3A_134] : memref<160000xf32, #tpu.memory_space<vmem_shared>> -> memref<160000xf32, #tpu.memory_space<vmem_shared>>
        tpu.enqueue_indirect_dma source(%dma_start3A_130 : memref<128xf32, #tpu.memory_space<vmem>>) target(%dma_start3A_135 : memref<160000xf32, #tpu.memory_space<vmem_shared>>) offsets(%dma_start3A_133 : memref<128xi32, #tpu.memory_space<vmem>>) semaphore(%run_scoped3A_127 : memref<!tpu.dma_semaphore, #tpu.memory_space<semaphore_mem>>) {add = true}
        %dma_wait3A_136 = arith.constant 0 : i32
        %dma_wait3A_137 = tpu.memref_slice %arg29[%run_scoped3A_125, %dma_wait3A_136] : memref<16x128xf32, #tpu.memory_space<vmem>> -> memref<1x128xf32, #tpu.memory_space<vmem>>
        %dma_wait3A_138 = tpu.memref_squeeze %dma_wait3A_137 : memref<1x128xf32, #tpu.memory_space<vmem>> -> memref<128xf32, #tpu.memory_space<vmem>>
        %dma_wait3A_139 = arith.constant 0 : i32
        %dma_wait3A_140 = tpu.memref_slice %arg25[%run_scoped3A_126, %dma_wait3A_139] : memref<16x128xi32, #tpu.memory_space<vmem>> -> memref<1x128xi32, #tpu.memory_space<vmem>>
        %dma_wait3A_141 = tpu.memref_squeeze %dma_wait3A_140 : memref<1x128xi32, #tpu.memory_space<vmem>> -> memref<128xi32, #tpu.memory_space<vmem>>
        %dma_wait3A_142 = arith.constant 0 : i32
        %dma_wait3A_143 = tpu.memref_slice %arg32[%dma_wait3A_142] : memref<160000xf32, #tpu.memory_space<vmem_shared>> -> memref<160000xf32, #tpu.memory_space<vmem_shared>>
        tpu.wait_indirect_dma semaphore(%run_scoped3A_127 : memref<!tpu.dma_semaphore, #tpu.memory_space<semaphore_mem>>) src(%dma_wait3A_138 : memref<128xf32, #tpu.memory_space<vmem>>) dst(%dma_wait3A_143 : memref<160000xf32, #tpu.memory_space<vmem_shared>>)
        tpu.yield
      }) : () -> ()
    }
    %scan3A_9 = arith.constant 5 : i32
    %barrier3A_10 = arith.constant 0 : index
    tpu.barrier barrier_id(%barrier3A_10)
    %eq3A_11 = arith.constant 0 : i32
    %eq3A_12 = arith.cmpi eq, %arg1, %eq3A_11 : i32
    %convert_element_type3A_13 = arith.extui %eq3A_12 : i1 to i32
    %cond3A_14 = arith.constant 0 : i32
    %cond3A_15 = arith.cmpi ne, %convert_element_type3A_13, %cond3A_14 : i32
    scf.if %cond3A_15 {
      "tpu.region"() ({
        %run_scoped3A = tpu.sem_alloc : memref<!tpu.dma_semaphore, #tpu.memory_space<semaphore_mem>>
        %dma_start3A = arith.constant 0 : i32
        %dma_start3A_16 = tpu.memref_slice %arg15[%arg0, %dma_start3A] : memref<2x10000xf32, #tpu.memory_space<hbm>> -> memref<1x10000xf32, #tpu.memory_space<hbm>>
        %dma_start3A_17 = tpu.memref_squeeze %dma_start3A_16 : memref<1x10000xf32, #tpu.memory_space<hbm>> -> memref<10000xf32, #tpu.memory_space<hbm>>
        tpu.enqueue_dma source(%arg31 : memref<10000xf32, #tpu.memory_space<vmem_shared>>) target(%dma_start3A_17 : memref<10000xf32, #tpu.memory_space<hbm>>) target_semaphore(%run_scoped3A : memref<!tpu.dma_semaphore, #tpu.memory_space<semaphore_mem>>)
        %dma_wait3A = arith.constant 0 : i32
        %dma_wait3A_18 = tpu.memref_slice %arg15[%arg0, %dma_wait3A] : memref<2x10000xf32, #tpu.memory_space<hbm>> -> memref<1x10000xf32, #tpu.memory_space<hbm>>
        %dma_wait3A_19 = tpu.memref_squeeze %dma_wait3A_18 : memref<1x10000xf32, #tpu.memory_space<hbm>> -> memref<10000xf32, #tpu.memory_space<hbm>>
        tpu.wait_dma2 semaphore(%run_scoped3A : memref<!tpu.dma_semaphore, #tpu.memory_space<semaphore_mem>>) src(%arg31 : memref<10000xf32, #tpu.memory_space<vmem_shared>>) dst(%dma_wait3A_19 : memref<10000xf32, #tpu.memory_space<hbm>>)
        tpu.yield
      }) : () -> ()
      "tpu.region"() ({
        %run_scoped3A = tpu.sem_alloc : memref<!tpu.dma_semaphore, #tpu.memory_space<semaphore_mem>>
        %dma_start3A = arith.constant 0 : i32
        %dma_start3A_16 = tpu.memref_slice %arg16[%arg0, %dma_start3A] : memref<2x160000xf32, #tpu.memory_space<hbm>> -> memref<1x160000xf32, #tpu.memory_space<hbm>>
        %dma_start3A_17 = tpu.memref_squeeze %dma_start3A_16 : memref<1x160000xf32, #tpu.memory_space<hbm>> -> memref<160000xf32, #tpu.memory_space<hbm>>
        tpu.enqueue_dma source(%arg32 : memref<160000xf32, #tpu.memory_space<vmem_shared>>) target(%dma_start3A_17 : memref<160000xf32, #tpu.memory_space<hbm>>) target_semaphore(%run_scoped3A : memref<!tpu.dma_semaphore, #tpu.memory_space<semaphore_mem>>)
        %dma_wait3A = arith.constant 0 : i32
        %dma_wait3A_18 = tpu.memref_slice %arg16[%arg0, %dma_wait3A] : memref<2x160000xf32, #tpu.memory_space<hbm>> -> memref<1x160000xf32, #tpu.memory_space<hbm>>
        %dma_wait3A_19 = tpu.memref_squeeze %dma_wait3A_18 : memref<1x160000xf32, #tpu.memory_space<hbm>> -> memref<160000xf32, #tpu.memory_space<hbm>>
        tpu.wait_dma2 semaphore(%run_scoped3A : memref<!tpu.dma_semaphore, #tpu.memory_space<semaphore_mem>>) src(%arg32 : memref<160000xf32, #tpu.memory_space<vmem_shared>>) dst(%dma_wait3A_19 : memref<160000xf32, #tpu.memory_space<hbm>>)
        tpu.yield
      }) : () -> ()
    } else {
    }
    return
  }
}

#map = affine_map<(d0, d1) -> (0, 0)>
#map1 = affine_map<(d0, d1) -> (0, 0, 0)>
module attributes {stable_mosaic.version = 14 : i64} {
  func.func @_sc_pass2(%arg0: i32, %arg1: i32, %arg2: memref<2560x128xi32, #tpu.memory_space<hbm>>, %arg3: memref<2560x128xi32, #tpu.memory_space<hbm>>, %arg4: memref<2560x128xf32, #tpu.memory_space<hbm>>, %arg5: memref<1x10000xf32, #tpu.memory_space<hbm>>, %arg6: memref<10000x128xf32, #tpu.memory_space<hbm>>, %arg7: memref<2560x128xf32, #tpu.memory_space<hbm>>, %arg8: memref<2x10000x128xf32, #tpu.memory_space<hbm>>, %arg9: memref<10000xf32, #tpu.memory_space<vmem>>, %arg10: memref<2x128xi32, #tpu.memory_space<vmem>>, %arg11: memref<2x128xi32, #tpu.memory_space<vmem>>, %arg12: memref<2x128xf32, #tpu.memory_space<vmem>>, %arg13: memref<2x128xf32, #tpu.memory_space<vmem>>, %arg14: memref<256xf32, #tpu.memory_space<vmem>>, %arg15: memref<256x128xf32, #tpu.memory_space<vmem>>, %arg16: memref<10000x128xf32, #tpu.memory_space<vmem_shared>>, %arg17: memref<!tpu.dma_semaphore, #tpu.memory_space<semaphore_mem>>) attributes {dimension_semantics = [#tpu.dimension_semantics<core_parallel>, #tpu.dimension_semantics<subcore_parallel>], iteration_bounds = array<i64: 2, 16>, scalar_prefetch = 0 : i64, scratch_operands = 9 : i64, tpu.core_type = #tpu.core_type<sc_vector_subcore>, window_params = [{transform_indices = #map}, {transform_indices = #map}, {transform_indices = #map}, {transform_indices = #map}, {transform_indices = #map}, {transform_indices = #map}, {transform_indices = #map1}]} {
    %mul3A = arith.constant 160 : i32
    %mul3A_0 = arith.muli %arg1, %mul3A : i32
    %mul3A_1 = arith.constant 110 : i32
    %mul3A_2 = arith.muli %arg0, %mul3A_1 : i32
    %add3A = arith.addi %mul3A_0, %mul3A_2 : i32
    %eq3A = arith.constant 0 : i32
    %eq3A_3 = arith.cmpi eq, %arg0, %eq3A : i32
    %jit3A = arith.constant 55 : i32
    %jit3A_4 = arith.constant 25 : i32
    %select_n3A = arith.select %eq3A_3, %jit3A, %jit3A_4 : i32
    %run_scoped3A = arith.constant 0 : i32
    "tpu.region"() ({
      %run_scoped3A_34 = tpu.sem_alloc : memref<!tpu.dma_semaphore, #tpu.memory_space<semaphore_mem>>
      %dma_start3A = arith.constant 0 : i32
      %dma_start3A_35 = tpu.memref_slice %arg5[%run_scoped3A, %dma_start3A] : memref<1x10000xf32, #tpu.memory_space<hbm>> -> memref<1x10000xf32, #tpu.memory_space<hbm>>
      %dma_start3A_36 = tpu.memref_squeeze %dma_start3A_35 : memref<1x10000xf32, #tpu.memory_space<hbm>> -> memref<10000xf32, #tpu.memory_space<hbm>>
      %dma_start3A_37 = arith.constant 0 : i32
      %dma_start3A_38 = tpu.memref_slice %arg5[%run_scoped3A, %dma_start3A_37] : memref<1x10000xf32, #tpu.memory_space<hbm>> -> memref<1x10000xf32, #tpu.memory_space<hbm>>
      %dma_start3A_39 = tpu.memref_squeeze %dma_start3A_38 : memref<1x10000xf32, #tpu.memory_space<hbm>> -> memref<10000xf32, #tpu.memory_space<hbm>>
      tpu.enqueue_dma source(%dma_start3A_39 : memref<10000xf32, #tpu.memory_space<hbm>>) target(%arg9 : memref<10000xf32, #tpu.memory_space<vmem>>) target_semaphore(%run_scoped3A_34 : memref<!tpu.dma_semaphore, #tpu.memory_space<semaphore_mem>>)
      %dma_wait3A = arith.constant 0 : i32
      %dma_wait3A_40 = tpu.memref_slice %arg5[%run_scoped3A, %dma_wait3A] : memref<1x10000xf32, #tpu.memory_space<hbm>> -> memref<1x10000xf32, #tpu.memory_space<hbm>>
      %dma_wait3A_41 = tpu.memref_squeeze %dma_wait3A_40 : memref<1x10000xf32, #tpu.memory_space<hbm>> -> memref<10000xf32, #tpu.memory_space<hbm>>
      %dma_wait3A_42 = arith.constant 0 : i32
      %dma_wait3A_43 = tpu.memref_slice %arg5[%run_scoped3A, %dma_wait3A_42] : memref<1x10000xf32, #tpu.memory_space<hbm>> -> memref<1x10000xf32, #tpu.memory_space<hbm>>
      %dma_wait3A_44 = tpu.memref_squeeze %dma_wait3A_43 : memref<1x10000xf32, #tpu.memory_space<hbm>> -> memref<10000xf32, #tpu.memory_space<hbm>>
      tpu.wait_dma2 semaphore(%run_scoped3A_34 : memref<!tpu.dma_semaphore, #tpu.memory_space<semaphore_mem>>) src(%dma_wait3A_44 : memref<10000xf32, #tpu.memory_space<hbm>>) dst(%arg9 : memref<10000xf32, #tpu.memory_space<vmem>>)
      tpu.yield
    }) : () -> ()
    %scan3A = arith.constant 0 : i32
    %scan3A_5 = arith.constant 0 : i32
    %scan3A_6 = arith.constant 256 : i32
    %scan3A_7 = arith.addi %scan3A_5, %scan3A_6 : i32
    %scan3A_8 = arith.constant 1 : i32
    scf.for %scan3A_34 = %scan3A_5 to %scan3A_7 step %scan3A_8  : i32 {
      %broadcast_in_dim3A = arith.constant 0.000000e+00 : f32
      %broadcast_in_dim3A_35 = vector.broadcast %broadcast_in_dim3A : f32 to vector<16xf32>
      %swap3A = arith.index_cast %scan3A_34 : i32 to index
      %swap3A_36 = arith.constant 0 : index
      %swap3A_37 = tpu.vector_load %arg15[%swap3A, %swap3A_36] {strides = array<i32>} : memref<256x128xf32, #tpu.memory_space<vmem>>, vector<16xf32>,
      tpu.vector_store %arg15[%swap3A, %swap3A_36], %broadcast_in_dim3A_35 {strides = array<i32>} : memref<256x128xf32, #tpu.memory_space<vmem>>, vector<16xf32>,
      %broadcast_in_dim3A_38 = arith.constant 0.000000e+00 : f32
      %broadcast_in_dim3A_39 = vector.broadcast %broadcast_in_dim3A_38 : f32 to vector<16xf32>
      %swap3A_40 = arith.index_cast %scan3A_34 : i32 to index
      %swap3A_41 = arith.constant 16 : index
      %swap3A_42 = tpu.vector_load %arg15[%swap3A_40, %swap3A_41] {strides = array<i32>} : memref<256x128xf32, #tpu.memory_space<vmem>>, vector<16xf32>,
      tpu.vector_store %arg15[%swap3A_40, %swap3A_41], %broadcast_in_dim3A_39 {strides = array<i32>} : memref<256x128xf32, #tpu.memory_space<vmem>>, vector<16xf32>,
      %broadcast_in_dim3A_43 = arith.constant 0.000000e+00 : f32
      %broadcast_in_dim3A_44 = vector.broadcast %broadcast_in_dim3A_43 : f32 to vector<16xf32>
      %swap3A_45 = arith.index_cast %scan3A_34 : i32 to index
      %swap3A_46 = arith.constant 32 : index
      %swap3A_47 = tpu.vector_load %arg15[%swap3A_45, %swap3A_46] {strides = array<i32>} : memref<256x128xf32, #tpu.memory_space<vmem>>, vector<16xf32>,
      tpu.vector_store %arg15[%swap3A_45, %swap3A_46], %broadcast_in_dim3A_44 {strides = array<i32>} : memref<256x128xf32, #tpu.memory_space<vmem>>, vector<16xf32>,
      %broadcast_in_dim3A_48 = arith.constant 0.000000e+00 : f32
      %broadcast_in_dim3A_49 = vector.broadcast %broadcast_in_dim3A_48 : f32 to vector<16xf32>
      %swap3A_50 = arith.index_cast %scan3A_34 : i32 to index
      %swap3A_51 = arith.constant 48 : index
      %swap3A_52 = tpu.vector_load %arg15[%swap3A_50, %swap3A_51] {strides = array<i32>} : memref<256x128xf32, #tpu.memory_space<vmem>>, vector<16xf32>,
      tpu.vector_store %arg15[%swap3A_50, %swap3A_51], %broadcast_in_dim3A_49 {strides = array<i32>} : memref<256x128xf32, #tpu.memory_space<vmem>>, vector<16xf32>,
      %broadcast_in_dim3A_53 = arith.constant 0.000000e+00 : f32
      %broadcast_in_dim3A_54 = vector.broadcast %broadcast_in_dim3A_53 : f32 to vector<16xf32>
      %swap3A_55 = arith.index_cast %scan3A_34 : i32 to index
      %swap3A_56 = arith.constant 64 : index
      %swap3A_57 = tpu.vector_load %arg15[%swap3A_55, %swap3A_56] {strides = array<i32>} : memref<256x128xf32, #tpu.memory_space<vmem>>, vector<16xf32>,
      tpu.vector_store %arg15[%swap3A_55, %swap3A_56], %broadcast_in_dim3A_54 {strides = array<i32>} : memref<256x128xf32, #tpu.memory_space<vmem>>, vector<16xf32>,
      %broadcast_in_dim3A_58 = arith.constant 0.000000e+00 : f32
      %broadcast_in_dim3A_59 = vector.broadcast %broadcast_in_dim3A_58 : f32 to vector<16xf32>
      %swap3A_60 = arith.index_cast %scan3A_34 : i32 to index
      %swap3A_61 = arith.constant 80 : index
      %swap3A_62 = tpu.vector_load %arg15[%swap3A_60, %swap3A_61] {strides = array<i32>} : memref<256x128xf32, #tpu.memory_space<vmem>>, vector<16xf32>,
      tpu.vector_store %arg15[%swap3A_60, %swap3A_61], %broadcast_in_dim3A_59 {strides = array<i32>} : memref<256x128xf32, #tpu.memory_space<vmem>>, vector<16xf32>,
      %broadcast_in_dim3A_63 = arith.constant 0.000000e+00 : f32
      %broadcast_in_dim3A_64 = vector.broadcast %broadcast_in_dim3A_63 : f32 to vector<16xf32>
      %swap3A_65 = arith.index_cast %scan3A_34 : i32 to index
      %swap3A_66 = arith.constant 96 : index
      %swap3A_67 = tpu.vector_load %arg15[%swap3A_65, %swap3A_66] {strides = array<i32>} : memref<256x128xf32, #tpu.memory_space<vmem>>, vector<16xf32>,
      tpu.vector_store %arg15[%swap3A_65, %swap3A_66], %broadcast_in_dim3A_64 {strides = array<i32>} : memref<256x128xf32, #tpu.memory_space<vmem>>, vector<16xf32>,
      %broadcast_in_dim3A_68 = arith.constant 0.000000e+00 : f32
      %broadcast_in_dim3A_69 = vector.broadcast %broadcast_in_dim3A_68 : f32 to vector<16xf32>
      %swap3A_70 = arith.index_cast %scan3A_34 : i32 to index
      %swap3A_71 = arith.constant 112 : index
      %swap3A_72 = tpu.vector_load %arg15[%swap3A_70, %swap3A_71] {strides = array<i32>} : memref<256x128xf32, #tpu.memory_space<vmem>>, vector<16xf32>,
      tpu.vector_store %arg15[%swap3A_70, %swap3A_71], %broadcast_in_dim3A_69 {strides = array<i32>} : memref<256x128xf32, #tpu.memory_space<vmem>>, vector<16xf32>,
    }
    %scan3A_9 = arith.constant 256 : i32
    %mul3A_10 = arith.constant 625 : i32
    %mul3A_11 = arith.muli %arg1, %mul3A_10 : i32
    %add3A_12 = arith.constant 0 : i32
    %add3A_13 = arith.addi %mul3A_11, %add3A_12 : i32
    "tpu.region"() ({
      %run_scoped3A_34 = tpu.sem_alloc : memref<!tpu.dma_semaphore, #tpu.memory_space<semaphore_mem>>
      %dma_start3A = arith.constant 0 : i32
      %dma_start3A_35 = arith.constant 0 : i32
      %dma_start3A_36 = tpu.memref_slice %arg15[%dma_start3A, %dma_start3A_35] : memref<256x128xf32, #tpu.memory_space<vmem>> -> memref<256x128xf32, #tpu.memory_space<vmem>>
      %dma_start3A_37 = arith.constant 0 : i32
      %dma_start3A_38 = tpu.memref_slice %arg16[%add3A_13, %dma_start3A_37] : memref<10000x128xf32, #tpu.memory_space<vmem_shared>> -> memref<256x128xf32, #tpu.memory_space<vmem_shared>>
      %dma_start3A_39 = arith.constant 0 : i32
      %dma_start3A_40 = tpu.memref_slice %arg16[%add3A_13, %dma_start3A_39] : memref<10000x128xf32, #tpu.memory_space<vmem_shared>> -> memref<256x128xf32, #tpu.memory_space<vmem_shared>>
      %dma_start3A_41 = arith.constant 0 : i32
      %dma_start3A_42 = arith.constant 0 : i32
      %dma_start3A_43 = tpu.memref_slice %arg15[%dma_start3A_41, %dma_start3A_42] : memref<256x128xf32, #tpu.memory_space<vmem>> -> memref<256x128xf32, #tpu.memory_space<vmem>>
      tpu.enqueue_dma source(%dma_start3A_43 : memref<256x128xf32, #tpu.memory_space<vmem>>) target(%dma_start3A_40 : memref<256x128xf32, #tpu.memory_space<vmem_shared>>) target_semaphore(%run_scoped3A_34 : memref<!tpu.dma_semaphore, #tpu.memory_space<semaphore_mem>>)
      %dma_wait3A = arith.constant 0 : i32
      %dma_wait3A_44 = arith.constant 0 : i32
      %dma_wait3A_45 = tpu.memref_slice %arg15[%dma_wait3A, %dma_wait3A_44] : memref<256x128xf32, #tpu.memory_space<vmem>> -> memref<256x128xf32, #tpu.memory_space<vmem>>
      %dma_wait3A_46 = arith.constant 0 : i32
      %dma_wait3A_47 = tpu.memref_slice %arg16[%add3A_13, %dma_wait3A_46] : memref<10000x128xf32, #tpu.memory_space<vmem_shared>> -> memref<256x128xf32, #tpu.memory_space<vmem_shared>>
      %dma_wait3A_48 = arith.constant 0 : i32
      %dma_wait3A_49 = tpu.memref_slice %arg16[%add3A_13, %dma_wait3A_48] : memref<10000x128xf32, #tpu.memory_space<vmem_shared>> -> memref<256x128xf32, #tpu.memory_space<vmem_shared>>
      %dma_wait3A_50 = arith.constant 0 : i32
      %dma_wait3A_51 = arith.constant 0 : i32
      %dma_wait3A_52 = tpu.memref_slice %arg15[%dma_wait3A_50, %dma_wait3A_51] : memref<256x128xf32, #tpu.memory_space<vmem>> -> memref<256x128xf32, #tpu.memory_space<vmem>>
      tpu.wait_dma2 semaphore(%run_scoped3A_34 : memref<!tpu.dma_semaphore, #tpu.memory_space<semaphore_mem>>) src(%dma_wait3A_52 : memref<256x128xf32, #tpu.memory_space<vmem>>) dst(%dma_wait3A_49 : memref<256x128xf32, #tpu.memory_space<vmem_shared>>)
      tpu.yield
    }) : () -> ()
    %mul3A_14 = arith.constant 625 : i32
    %mul3A_15 = arith.muli %arg1, %mul3A_14 : i32
    %add3A_16 = arith.constant 256 : i32
    %add3A_17 = arith.addi %mul3A_15, %add3A_16 : i32
    "tpu.region"() ({
      %run_scoped3A_34 = tpu.sem_alloc : memref<!tpu.dma_semaphore, #tpu.memory_space<semaphore_mem>>
      %dma_start3A = arith.constant 0 : i32
      %dma_start3A_35 = arith.constant 0 : i32
      %dma_start3A_36 = tpu.memref_slice %arg15[%dma_start3A, %dma_start3A_35] : memref<256x128xf32, #tpu.memory_space<vmem>> -> memref<256x128xf32, #tpu.memory_space<vmem>>
      %dma_start3A_37 = arith.constant 0 : i32
      %dma_start3A_38 = tpu.memref_slice %arg16[%add3A_17, %dma_start3A_37] : memref<10000x128xf32, #tpu.memory_space<vmem_shared>> -> memref<256x128xf32, #tpu.memory_space<vmem_shared>>
      %dma_start3A_39 = arith.constant 0 : i32
      %dma_start3A_40 = tpu.memref_slice %arg16[%add3A_17, %dma_start3A_39] : memref<10000x128xf32, #tpu.memory_space<vmem_shared>> -> memref<256x128xf32, #tpu.memory_space<vmem_shared>>
      %dma_start3A_41 = arith.constant 0 : i32
      %dma_start3A_42 = arith.constant 0 : i32
      %dma_start3A_43 = tpu.memref_slice %arg15[%dma_start3A_41, %dma_start3A_42] : memref<256x128xf32, #tpu.memory_space<vmem>> -> memref<256x128xf32, #tpu.memory_space<vmem>>
      tpu.enqueue_dma source(%dma_start3A_43 : memref<256x128xf32, #tpu.memory_space<vmem>>) target(%dma_start3A_40 : memref<256x128xf32, #tpu.memory_space<vmem_shared>>) target_semaphore(%run_scoped3A_34 : memref<!tpu.dma_semaphore, #tpu.memory_space<semaphore_mem>>)
      %dma_wait3A = arith.constant 0 : i32
      %dma_wait3A_44 = arith.constant 0 : i32
      %dma_wait3A_45 = tpu.memref_slice %arg15[%dma_wait3A, %dma_wait3A_44] : memref<256x128xf32, #tpu.memory_space<vmem>> -> memref<256x128xf32, #tpu.memory_space<vmem>>
      %dma_wait3A_46 = arith.constant 0 : i32
      %dma_wait3A_47 = tpu.memref_slice %arg16[%add3A_17, %dma_wait3A_46] : memref<10000x128xf32, #tpu.memory_space<vmem_shared>> -> memref<256x128xf32, #tpu.memory_space<vmem_shared>>
      %dma_wait3A_48 = arith.constant 0 : i32
      %dma_wait3A_49 = tpu.memref_slice %arg16[%add3A_17, %dma_wait3A_48] : memref<10000x128xf32, #tpu.memory_space<vmem_shared>> -> memref<256x128xf32, #tpu.memory_space<vmem_shared>>
      %dma_wait3A_50 = arith.constant 0 : i32
      %dma_wait3A_51 = arith.constant 0 : i32
      %dma_wait3A_52 = tpu.memref_slice %arg15[%dma_wait3A_50, %dma_wait3A_51] : memref<256x128xf32, #tpu.memory_space<vmem>> -> memref<256x128xf32, #tpu.memory_space<vmem>>
      tpu.wait_dma2 semaphore(%run_scoped3A_34 : memref<!tpu.dma_semaphore, #tpu.memory_space<semaphore_mem>>) src(%dma_wait3A_52 : memref<256x128xf32, #tpu.memory_space<vmem>>) dst(%dma_wait3A_49 : memref<256x128xf32, #tpu.memory_space<vmem_shared>>)
      tpu.yield
    }) : () -> ()
    %mul3A_18 = arith.constant 625 : i32
    %mul3A_19 = arith.muli %arg1, %mul3A_18 : i32
    %add3A_20 = arith.constant 512 : i32
    %add3A_21 = arith.addi %mul3A_19, %add3A_20 : i32
    "tpu.region"() ({
      %run_scoped3A_34 = tpu.sem_alloc : memref<!tpu.dma_semaphore, #tpu.memory_space<semaphore_mem>>
      %dma_start3A = arith.constant 0 : i32
      %dma_start3A_35 = arith.constant 0 : i32
      %dma_start3A_36 = tpu.memref_slice %arg15[%dma_start3A, %dma_start3A_35] : memref<256x128xf32, #tpu.memory_space<vmem>> -> memref<113x128xf32, #tpu.memory_space<vmem>>
      %dma_start3A_37 = arith.constant 0 : i32
      %dma_start3A_38 = tpu.memref_slice %arg16[%add3A_21, %dma_start3A_37] : memref<10000x128xf32, #tpu.memory_space<vmem_shared>> -> memref<113x128xf32, #tpu.memory_space<vmem_shared>>
      %dma_start3A_39 = arith.constant 0 : i32
      %dma_start3A_40 = tpu.memref_slice %arg16[%add3A_21, %dma_start3A_39] : memref<10000x128xf32, #tpu.memory_space<vmem_shared>> -> memref<113x128xf32, #tpu.memory_space<vmem_shared>>
      %dma_start3A_41 = arith.constant 0 : i32
      %dma_start3A_42 = arith.constant 0 : i32
      %dma_start3A_43 = tpu.memref_slice %arg15[%dma_start3A_41, %dma_start3A_42] : memref<256x128xf32, #tpu.memory_space<vmem>> -> memref<113x128xf32, #tpu.memory_space<vmem>>
      tpu.enqueue_dma source(%dma_start3A_43 : memref<113x128xf32, #tpu.memory_space<vmem>>) target(%dma_start3A_40 : memref<113x128xf32, #tpu.memory_space<vmem_shared>>) target_semaphore(%run_scoped3A_34 : memref<!tpu.dma_semaphore, #tpu.memory_space<semaphore_mem>>)
      %dma_wait3A = arith.constant 0 : i32
      %dma_wait3A_44 = arith.constant 0 : i32
      %dma_wait3A_45 = tpu.memref_slice %arg15[%dma_wait3A, %dma_wait3A_44] : memref<256x128xf32, #tpu.memory_space<vmem>> -> memref<113x128xf32, #tpu.memory_space<vmem>>
      %dma_wait3A_46 = arith.constant 0 : i32
      %dma_wait3A_47 = tpu.memref_slice %arg16[%add3A_21, %dma_wait3A_46] : memref<10000x128xf32, #tpu.memory_space<vmem_shared>> -> memref<113x128xf32, #tpu.memory_space<vmem_shared>>
      %dma_wait3A_48 = arith.constant 0 : i32
      %dma_wait3A_49 = tpu.memref_slice %arg16[%add3A_21, %dma_wait3A_48] : memref<10000x128xf32, #tpu.memory_space<vmem_shared>> -> memref<113x128xf32, #tpu.memory_space<vmem_shared>>
      %dma_wait3A_50 = arith.constant 0 : i32
      %dma_wait3A_51 = arith.constant 0 : i32
      %dma_wait3A_52 = tpu.memref_slice %arg15[%dma_wait3A_50, %dma_wait3A_51] : memref<256x128xf32, #tpu.memory_space<vmem>> -> memref<113x128xf32, #tpu.memory_space<vmem>>
      tpu.wait_dma2 semaphore(%run_scoped3A_34 : memref<!tpu.dma_semaphore, #tpu.memory_space<semaphore_mem>>) src(%dma_wait3A_52 : memref<113x128xf32, #tpu.memory_space<vmem>>) dst(%dma_wait3A_49 : memref<113x128xf32, #tpu.memory_space<vmem_shared>>)
      tpu.yield
    }) : () -> ()
    %barrier3A = arith.constant 0 : index
    tpu.barrier barrier_id(%barrier3A)
    %while3A = arith.constant 0 : i32
    %while3A_22 = arith.constant 0 : i32
    %while3A_23 = arith.subi %select_n3A, %while3A_22 : i32
    %while3A_24 = arith.addi %while3A_22, %while3A_23 : i32
    %while3A_25 = arith.constant 1 : i32
    %while3A_26 = arith.divsi %while3A_23, %while3A_25 : i32
    %while3A_27 = arith.muli %while3A_26, %while3A_25 : i32
    %while3A_28 = arith.addi %while3A_22, %while3A_27 : i32
    %while3A_29 = arith.constant 1 : i32
    scf.for %while3A_34 = %while3A_22 to %while3A_28 step %while3A_29  : i32 {
      %mul3A_35 = arith.constant 2 : i32
      %mul3A_36 = arith.muli %while3A_34, %mul3A_35 : i32
      %add3A_37 = arith.addi %add3A, %mul3A_36 : i32
      %dma_start3A = arith.constant 0 : i32
      %dma_start3A_38 = tpu.memref_slice %arg2[%add3A_37, %dma_start3A] : memref<2560x128xi32, #tpu.memory_space<hbm>> -> memref<2x128xi32, #tpu.memory_space<hbm>>
      %dma_start3A_39 = arith.constant 0 : i32
      %dma_start3A_40 = tpu.memref_slice %arg2[%add3A_37, %dma_start3A_39] : memref<2560x128xi32, #tpu.memory_space<hbm>> -> memref<2x128xi32, #tpu.memory_space<hbm>>
      tpu.enqueue_dma source(%dma_start3A_40 : memref<2x128xi32, #tpu.memory_space<hbm>>) target(%arg10 : memref<2x128xi32, #tpu.memory_space<vmem>>) target_semaphore(%arg17 : memref<!tpu.dma_semaphore, #tpu.memory_space<semaphore_mem>>)
      %dma_start3A_41 = arith.constant 0 : i32
      %dma_start3A_42 = tpu.memref_slice %arg3[%add3A_37, %dma_start3A_41] : memref<2560x128xi32, #tpu.memory_space<hbm>> -> memref<2x128xi32, #tpu.memory_space<hbm>>
      %dma_start3A_43 = arith.constant 0 : i32
      %dma_start3A_44 = tpu.memref_slice %arg3[%add3A_37, %dma_start3A_43] : memref<2560x128xi32, #tpu.memory_space<hbm>> -> memref<2x128xi32, #tpu.memory_space<hbm>>
      tpu.enqueue_dma source(%dma_start3A_44 : memref<2x128xi32, #tpu.memory_space<hbm>>) target(%arg11 : memref<2x128xi32, #tpu.memory_space<vmem>>) target_semaphore(%arg17 : memref<!tpu.dma_semaphore, #tpu.memory_space<semaphore_mem>>)
      %dma_start3A_45 = arith.constant 0 : i32
      %dma_start3A_46 = tpu.memref_slice %arg4[%add3A_37, %dma_start3A_45] : memref<2560x128xf32, #tpu.memory_space<hbm>> -> memref<2x128xf32, #tpu.memory_space<hbm>>
      %dma_start3A_47 = arith.constant 0 : i32
      %dma_start3A_48 = tpu.memref_slice %arg4[%add3A_37, %dma_start3A_47] : memref<2560x128xf32, #tpu.memory_space<hbm>> -> memref<2x128xf32, #tpu.memory_space<hbm>>
      tpu.enqueue_dma source(%dma_start3A_48 : memref<2x128xf32, #tpu.memory_space<hbm>>) target(%arg12 : memref<2x128xf32, #tpu.memory_space<vmem>>) target_semaphore(%arg17 : memref<!tpu.dma_semaphore, #tpu.memory_space<semaphore_mem>>)
      %dma_wait3A = arith.constant 0 : i32
      %dma_wait3A_49 = tpu.memref_slice %arg2[%add3A_37, %dma_wait3A] : memref<2560x128xi32, #tpu.memory_space<hbm>> -> memref<2x128xi32, #tpu.memory_space<hbm>>
      %dma_wait3A_50 = arith.constant 0 : i32
      %dma_wait3A_51 = tpu.memref_slice %arg2[%add3A_37, %dma_wait3A_50] : memref<2560x128xi32, #tpu.memory_space<hbm>> -> memref<2x128xi32, #tpu.memory_space<hbm>>
      tpu.wait_dma2 semaphore(%arg17 : memref<!tpu.dma_semaphore, #tpu.memory_space<semaphore_mem>>) src(%dma_wait3A_51 : memref<2x128xi32, #tpu.memory_space<hbm>>) dst(%arg10 : memref<2x128xi32, #tpu.memory_space<vmem>>)
      %dma_wait3A_52 = arith.constant 0 : i32
      %dma_wait3A_53 = tpu.memref_slice %arg3[%add3A_37, %dma_wait3A_52] : memref<2560x128xi32, #tpu.memory_space<hbm>> -> memref<2x128xi32, #tpu.memory_space<hbm>>
      %dma_wait3A_54 = arith.constant 0 : i32
      %dma_wait3A_55 = tpu.memref_slice %arg3[%add3A_37, %dma_wait3A_54] : memref<2560x128xi32, #tpu.memory_space<hbm>> -> memref<2x128xi32, #tpu.memory_space<hbm>>
      tpu.wait_dma2 semaphore(%arg17 : memref<!tpu.dma_semaphore, #tpu.memory_space<semaphore_mem>>) src(%dma_wait3A_55 : memref<2x128xi32, #tpu.memory_space<hbm>>) dst(%arg11 : memref<2x128xi32, #tpu.memory_space<vmem>>)
      %dma_wait3A_56 = arith.constant 0 : i32
      %dma_wait3A_57 = tpu.memref_slice %arg4[%add3A_37, %dma_wait3A_56] : memref<2560x128xf32, #tpu.memory_space<hbm>> -> memref<2x128xf32, #tpu.memory_space<hbm>>
      %dma_wait3A_58 = arith.constant 0 : i32
      %dma_wait3A_59 = tpu.memref_slice %arg4[%add3A_37, %dma_wait3A_58] : memref<2560x128xf32, #tpu.memory_space<hbm>> -> memref<2x128xf32, #tpu.memory_space<hbm>>
      tpu.wait_dma2 semaphore(%arg17 : memref<!tpu.dma_semaphore, #tpu.memory_space<semaphore_mem>>) src(%dma_wait3A_59 : memref<2x128xf32, #tpu.memory_space<hbm>>) dst(%arg12 : memref<2x128xf32, #tpu.memory_space<vmem>>)
      %dma_start3A_60 = arith.constant 0 : i32
      %dma_start3A_61 = arith.constant 0 : i32
      %dma_start3A_62 = arith.constant 0 : i32
      %dma_start3A_63 = tpu.memref_slice %arg15[%dma_start3A_61, %dma_start3A_62] : memref<256x128xf32, #tpu.memory_space<vmem>> -> memref<128x128xf32, #tpu.memory_space<vmem>>
      %dma_start3A_64 = arith.constant 0 : i32
      %dma_start3A_65 = tpu.memref_slice %arg10[%dma_start3A_60, %dma_start3A_64] : memref<2x128xi32, #tpu.memory_space<vmem>> -> memref<1x128xi32, #tpu.memory_space<vmem>>
      %dma_start3A_66 = tpu.memref_squeeze %dma_start3A_65 : memref<1x128xi32, #tpu.memory_space<vmem>> -> memref<128xi32, #tpu.memory_space<vmem>>
      %dma_start3A_67 = arith.constant 0 : i32
      %dma_start3A_68 = arith.constant 0 : i32
      %dma_start3A_69 = tpu.memref_slice %arg6[%dma_start3A_67, %dma_start3A_68] : memref<10000x128xf32, #tpu.memory_space<hbm>> -> memref<10000x128xf32, #tpu.memory_space<hbm>>
      tpu.enqueue_indirect_dma source(%dma_start3A_69 : memref<10000x128xf32, #tpu.memory_space<hbm>>) target(%dma_start3A_63 : memref<128x128xf32, #tpu.memory_space<vmem>>) offsets(%dma_start3A_66 : memref<128xi32, #tpu.memory_space<vmem>>) semaphore(%arg17 : memref<!tpu.dma_semaphore, #tpu.memory_space<semaphore_mem>>)
      %dma_start3A_70 = arith.constant 1 : i32
      %dma_start3A_71 = arith.constant 128 : i32
      %dma_start3A_72 = arith.constant 0 : i32
      %dma_start3A_73 = tpu.memref_slice %arg15[%dma_start3A_71, %dma_start3A_72] : memref<256x128xf32, #tpu.memory_space<vmem>> -> memref<128x128xf32, #tpu.memory_space<vmem>>
      %dma_start3A_74 = arith.constant 0 : i32
      %dma_start3A_75 = tpu.memref_slice %arg10[%dma_start3A_70, %dma_start3A_74] : memref<2x128xi32, #tpu.memory_space<vmem>> -> memref<1x128xi32, #tpu.memory_space<vmem>>
      %dma_start3A_76 = tpu.memref_squeeze %dma_start3A_75 : memref<1x128xi32, #tpu.memory_space<vmem>> -> memref<128xi32, #tpu.memory_space<vmem>>
      %dma_start3A_77 = arith.constant 0 : i32
      %dma_start3A_78 = arith.constant 0 : i32
      %dma_start3A_79 = tpu.memref_slice %arg6[%dma_start3A_77, %dma_start3A_78] : memref<10000x128xf32, #tpu.memory_space<hbm>> -> memref<10000x128xf32, #tpu.memory_space<hbm>>
      tpu.enqueue_indirect_dma source(%dma_start3A_79 : memref<10000x128xf32, #tpu.memory_space<hbm>>) target(%dma_start3A_73 : memref<128x128xf32, #tpu.memory_space<vmem>>) offsets(%dma_start3A_76 : memref<128xi32, #tpu.memory_space<vmem>>) semaphore(%arg17 : memref<!tpu.dma_semaphore, #tpu.memory_space<semaphore_mem>>)
      %dma_wait3A_80 = arith.constant 0 : i32
      %dma_wait3A_81 = arith.constant 0 : i32
      %dma_wait3A_82 = arith.constant 0 : i32
      %dma_wait3A_83 = tpu.memref_slice %arg15[%dma_wait3A_81, %dma_wait3A_82] : memref<256x128xf32, #tpu.memory_space<vmem>> -> memref<128x128xf32, #tpu.memory_space<vmem>>
      %dma_wait3A_84 = arith.constant 0 : i32
      %dma_wait3A_85 = tpu.memref_slice %arg10[%dma_wait3A_80, %dma_wait3A_84] : memref<2x128xi32, #tpu.memory_space<vmem>> -> memref<1x128xi32, #tpu.memory_space<vmem>>
      %dma_wait3A_86 = tpu.memref_squeeze %dma_wait3A_85 : memref<1x128xi32, #tpu.memory_space<vmem>> -> memref<128xi32, #tpu.memory_space<vmem>>
      %dma_wait3A_87 = arith.constant 0 : i32
      %dma_wait3A_88 = arith.constant 0 : i32
      %dma_wait3A_89 = tpu.memref_slice %arg6[%dma_wait3A_87, %dma_wait3A_88] : memref<10000x128xf32, #tpu.memory_space<hbm>> -> memref<10000x128xf32, #tpu.memory_space<hbm>>
      tpu.wait_indirect_dma semaphore(%arg17 : memref<!tpu.dma_semaphore, #tpu.memory_space<semaphore_mem>>) src(%dma_wait3A_89 : memref<10000x128xf32, #tpu.memory_space<hbm>>) dst(%dma_wait3A_83 : memref<128x128xf32, #tpu.memory_space<vmem>>)
      %dma_wait3A_90 = arith.constant 1 : i32
      %dma_wait3A_91 = arith.constant 128 : i32
      %dma_wait3A_92 = arith.constant 0 : i32
      %dma_wait3A_93 = tpu.memref_slice %arg15[%dma_wait3A_91, %dma_wait3A_92] : memref<256x128xf32, #tpu.memory_space<vmem>> -> memref<128x128xf32, #tpu.memory_space<vmem>>
      %dma_wait3A_94 = arith.constant 0 : i32
      %dma_wait3A_95 = tpu.memref_slice %arg10[%dma_wait3A_90, %dma_wait3A_94] : memref<2x128xi32, #tpu.memory_space<vmem>> -> memref<1x128xi32, #tpu.memory_space<vmem>>
      %dma_wait3A_96 = tpu.memref_squeeze %dma_wait3A_95 : memref<1x128xi32, #tpu.memory_space<vmem>> -> memref<128xi32, #tpu.memory_space<vmem>>
      %dma_wait3A_97 = arith.constant 0 : i32
      %dma_wait3A_98 = arith.constant 0 : i32
      %dma_wait3A_99 = tpu.memref_slice %arg6[%dma_wait3A_97, %dma_wait3A_98] : memref<10000x128xf32, #tpu.memory_space<hbm>> -> memref<10000x128xf32, #tpu.memory_space<hbm>>
      tpu.wait_indirect_dma semaphore(%arg17 : memref<!tpu.dma_semaphore, #tpu.memory_space<semaphore_mem>>) src(%dma_wait3A_99 : memref<10000x128xf32, #tpu.memory_space<hbm>>) dst(%dma_wait3A_93 : memref<128x128xf32, #tpu.memory_space<vmem>>)
      %get3A = arith.constant 0 : i32
      %get3A_100 = arith.index_cast %get3A : i32 to index
      %get3A_101 = arith.constant 0 : index
      %get3A_102 = tpu.vector_load %arg11[%get3A_100, %get3A_101] {strides = array<i32>} : memref<2x128xi32, #tpu.memory_space<vmem>>, vector<16xi32>,
      %gather3A = tpu.vector_load_idx %arg9[%get3A_102] : memref<10000xf32, #tpu.memory_space<vmem>>[vector<16xi32>], vector<16xf32>,
      %get3A_103 = arith.constant 0 : i32
      %get3A_104 = arith.index_cast %get3A_103 : i32 to index
      %get3A_105 = arith.constant 0 : index
      %get3A_106 = tpu.vector_load %arg12[%get3A_104, %get3A_105] {strides = array<i32>} : memref<2x128xf32, #tpu.memory_space<vmem>>, vector<16xf32>,
      %add3A_107 = arith.constant 1.000000e-16 : f32
      %add3A_108 = vector.broadcast %add3A_107 : f32 to vector<16xf32>
      %add3A_109 = arith.addf %gather3A, %add3A_108 : vector<16xf32>
      %div3A = arith.divf %get3A_106, %add3A_109 : vector<16xf32>
      %swap3A = arith.constant 0 : i32
      %swap3A_110 = arith.index_cast %swap3A : i32 to index
      %swap3A_111 = arith.constant 0 : index
      %swap3A_112 = tpu.vector_load %arg13[%swap3A_110, %swap3A_111] {strides = array<i32>} : memref<2x128xf32, #tpu.memory_space<vmem>>, vector<16xf32>,
      tpu.vector_store %arg13[%swap3A_110, %swap3A_111], %div3A {strides = array<i32>} : memref<2x128xf32, #tpu.memory_space<vmem>>, vector<16xf32>,
      %swap3A_113 = arith.constant 0 : index
      %swap3A_114 = tpu.vector_load %arg14[%swap3A_113] {strides = array<i32>} : memref<256xf32, #tpu.memory_space<vmem>>, vector<16xf32>,
      tpu.vector_store %arg14[%swap3A_113], %div3A {strides = array<i32>} : memref<256xf32, #tpu.memory_space<vmem>>, vector<16xf32>,
      %get3A_115 = arith.constant 0 : i32
      %get3A_116 = arith.index_cast %get3A_115 : i32 to index
      %get3A_117 = arith.constant 16 : index
      %get3A_118 = tpu.vector_load %arg11[%get3A_116, %get3A_117] {strides = array<i32>} : memref<2x128xi32, #tpu.memory_space<vmem>>, vector<16xi32>,
      %gather3A_119 = tpu.vector_load_idx %arg9[%get3A_118] : memref<10000xf32, #tpu.memory_space<vmem>>[vector<16xi32>], vector<16xf32>,
      %get3A_120 = arith.constant 0 : i32
      %get3A_121 = arith.index_cast %get3A_120 : i32 to index
      %get3A_122 = arith.constant 16 : index
      %get3A_123 = tpu.vector_load %arg12[%get3A_121, %get3A_122] {strides = array<i32>} : memref<2x128xf32, #tpu.memory_space<vmem>>, vector<16xf32>,
      %add3A_124 = arith.constant 1.000000e-16 : f32
      %add3A_125 = vector.broadcast %add3A_124 : f32 to vector<16xf32>
      %add3A_126 = arith.addf %gather3A_119, %add3A_125 : vector<16xf32>
      %div3A_127 = arith.divf %get3A_123, %add3A_126 : vector<16xf32>
      %swap3A_128 = arith.constant 0 : i32
      %swap3A_129 = arith.index_cast %swap3A_128 : i32 to index
      %swap3A_130 = arith.constant 16 : index
      %swap3A_131 = tpu.vector_load %arg13[%swap3A_129, %swap3A_130] {strides = array<i32>} : memref<2x128xf32, #tpu.memory_space<vmem>>, vector<16xf32>,
      tpu.vector_store %arg13[%swap3A_129, %swap3A_130], %div3A_127 {strides = array<i32>} : memref<2x128xf32, #tpu.memory_space<vmem>>, vector<16xf32>,
      %swap3A_132 = arith.constant 16 : index
      %swap3A_133 = tpu.vector_load %arg14[%swap3A_132] {strides = array<i32>} : memref<256xf32, #tpu.memory_space<vmem>>, vector<16xf32>,
      tpu.vector_store %arg14[%swap3A_132], %div3A_127 {strides = array<i32>} : memref<256xf32, #tpu.memory_space<vmem>>, vector<16xf32>,
      %get3A_134 = arith.constant 0 : i32
      %get3A_135 = arith.index_cast %get3A_134 : i32 to index
      %get3A_136 = arith.constant 32 : index
      %get3A_137 = tpu.vector_load %arg11[%get3A_135, %get3A_136] {strides = array<i32>} : memref<2x128xi32, #tpu.memory_space<vmem>>, vector<16xi32>,
      %gather3A_138 = tpu.vector_load_idx %arg9[%get3A_137] : memref<10000xf32, #tpu.memory_space<vmem>>[vector<16xi32>], vector<16xf32>,
      %get3A_139 = arith.constant 0 : i32
      %get3A_140 = arith.index_cast %get3A_139 : i32 to index
      %get3A_141 = arith.constant 32 : index
      %get3A_142 = tpu.vector_load %arg12[%get3A_140, %get3A_141] {strides = array<i32>} : memref<2x128xf32, #tpu.memory_space<vmem>>, vector<16xf32>,
      %add3A_143 = arith.constant 1.000000e-16 : f32
      %add3A_144 = vector.broadcast %add3A_143 : f32 to vector<16xf32>
      %add3A_145 = arith.addf %gather3A_138, %add3A_144 : vector<16xf32>
      %div3A_146 = arith.divf %get3A_142, %add3A_145 : vector<16xf32>
      %swap3A_147 = arith.constant 0 : i32
      %swap3A_148 = arith.index_cast %swap3A_147 : i32 to index
      %swap3A_149 = arith.constant 32 : index
      %swap3A_150 = tpu.vector_load %arg13[%swap3A_148, %swap3A_149] {strides = array<i32>} : memref<2x128xf32, #tpu.memory_space<vmem>>, vector<16xf32>,
      tpu.vector_store %arg13[%swap3A_148, %swap3A_149], %div3A_146 {strides = array<i32>} : memref<2x128xf32, #tpu.memory_space<vmem>>, vector<16xf32>,
      %swap3A_151 = arith.constant 32 : index
      %swap3A_152 = tpu.vector_load %arg14[%swap3A_151] {strides = array<i32>} : memref<256xf32, #tpu.memory_space<vmem>>, vector<16xf32>,
      tpu.vector_store %arg14[%swap3A_151], %div3A_146 {strides = array<i32>} : memref<256xf32, #tpu.memory_space<vmem>>, vector<16xf32>,
      %get3A_153 = arith.constant 0 : i32
      %get3A_154 = arith.index_cast %get3A_153 : i32 to index
      %get3A_155 = arith.constant 48 : index
      %get3A_156 = tpu.vector_load %arg11[%get3A_154, %get3A_155] {strides = array<i32>} : memref<2x128xi32, #tpu.memory_space<vmem>>, vector<16xi32>,
      %gather3A_157 = tpu.vector_load_idx %arg9[%get3A_156] : memref<10000xf32, #tpu.memory_space<vmem>>[vector<16xi32>], vector<16xf32>,
      %get3A_158 = arith.constant 0 : i32
      %get3A_159 = arith.index_cast %get3A_158 : i32 to index
      %get3A_160 = arith.constant 48 : index
      %get3A_161 = tpu.vector_load %arg12[%get3A_159, %get3A_160] {strides = array<i32>} : memref<2x128xf32, #tpu.memory_space<vmem>>, vector<16xf32>,
      %add3A_162 = arith.constant 1.000000e-16 : f32
      %add3A_163 = vector.broadcast %add3A_162 : f32 to vector<16xf32>
      %add3A_164 = arith.addf %gather3A_157, %add3A_163 : vector<16xf32>
      %div3A_165 = arith.divf %get3A_161, %add3A_164 : vector<16xf32>
      %swap3A_166 = arith.constant 0 : i32
      %swap3A_167 = arith.index_cast %swap3A_166 : i32 to index
      %swap3A_168 = arith.constant 48 : index
      %swap3A_169 = tpu.vector_load %arg13[%swap3A_167, %swap3A_168] {strides = array<i32>} : memref<2x128xf32, #tpu.memory_space<vmem>>, vector<16xf32>,
      tpu.vector_store %arg13[%swap3A_167, %swap3A_168], %div3A_165 {strides = array<i32>} : memref<2x128xf32, #tpu.memory_space<vmem>>, vector<16xf32>,
      %swap3A_170 = arith.constant 48 : index
      %swap3A_171 = tpu.vector_load %arg14[%swap3A_170] {strides = array<i32>} : memref<256xf32, #tpu.memory_space<vmem>>, vector<16xf32>,
      tpu.vector_store %arg14[%swap3A_170], %div3A_165 {strides = array<i32>} : memref<256xf32, #tpu.memory_space<vmem>>, vector<16xf32>,
      %get3A_172 = arith.constant 0 : i32
      %get3A_173 = arith.index_cast %get3A_172 : i32 to index
      %get3A_174 = arith.constant 64 : index
      %get3A_175 = tpu.vector_load %arg11[%get3A_173, %get3A_174] {strides = array<i32>} : memref<2x128xi32, #tpu.memory_space<vmem>>, vector<16xi32>,
      %gather3A_176 = tpu.vector_load_idx %arg9[%get3A_175] : memref<10000xf32, #tpu.memory_space<vmem>>[vector<16xi32>], vector<16xf32>,
      %get3A_177 = arith.constant 0 : i32
      %get3A_178 = arith.index_cast %get3A_177 : i32 to index
      %get3A_179 = arith.constant 64 : index
      %get3A_180 = tpu.vector_load %arg12[%get3A_178, %get3A_179] {strides = array<i32>} : memref<2x128xf32, #tpu.memory_space<vmem>>, vector<16xf32>,
      %add3A_181 = arith.constant 1.000000e-16 : f32
      %add3A_182 = vector.broadcast %add3A_181 : f32 to vector<16xf32>
      %add3A_183 = arith.addf %gather3A_176, %add3A_182 : vector<16xf32>
      %div3A_184 = arith.divf %get3A_180, %add3A_183 : vector<16xf32>
      %swap3A_185 = arith.constant 0 : i32
      %swap3A_186 = arith.index_cast %swap3A_185 : i32 to index
      %swap3A_187 = arith.constant 64 : index
      %swap3A_188 = tpu.vector_load %arg13[%swap3A_186, %swap3A_187] {strides = array<i32>} : memref<2x128xf32, #tpu.memory_space<vmem>>, vector<16xf32>,
      tpu.vector_store %arg13[%swap3A_186, %swap3A_187], %div3A_184 {strides = array<i32>} : memref<2x128xf32, #tpu.memory_space<vmem>>, vector<16xf32>,
      %swap3A_189 = arith.constant 64 : index
      %swap3A_190 = tpu.vector_load %arg14[%swap3A_189] {strides = array<i32>} : memref<256xf32, #tpu.memory_space<vmem>>, vector<16xf32>,
      tpu.vector_store %arg14[%swap3A_189], %div3A_184 {strides = array<i32>} : memref<256xf32, #tpu.memory_space<vmem>>, vector<16xf32>,
      %get3A_191 = arith.constant 0 : i32
      %get3A_192 = arith.index_cast %get3A_191 : i32 to index
      %get3A_193 = arith.constant 80 : index
      %get3A_194 = tpu.vector_load %arg11[%get3A_192, %get3A_193] {strides = array<i32>} : memref<2x128xi32, #tpu.memory_space<vmem>>, vector<16xi32>,
      %gather3A_195 = tpu.vector_load_idx %arg9[%get3A_194] : memref<10000xf32, #tpu.memory_space<vmem>>[vector<16xi32>], vector<16xf32>,
      %get3A_196 = arith.constant 0 : i32
      %get3A_197 = arith.index_cast %get3A_196 : i32 to index
      %get3A_198 = arith.constant 80 : index
      %get3A_199 = tpu.vector_load %arg12[%get3A_197, %get3A_198] {strides = array<i32>} : memref<2x128xf32, #tpu.memory_space<vmem>>, vector<16xf32>,
      %add3A_200 = arith.constant 1.000000e-16 : f32
      %add3A_201 = vector.broadcast %add3A_200 : f32 to vector<16xf32>
      %add3A_202 = arith.addf %gather3A_195, %add3A_201 : vector<16xf32>
      %div3A_203 = arith.divf %get3A_199, %add3A_202 : vector<16xf32>
      %swap3A_204 = arith.constant 0 : i32
      %swap3A_205 = arith.index_cast %swap3A_204 : i32 to index
      %swap3A_206 = arith.constant 80 : index
      %swap3A_207 = tpu.vector_load %arg13[%swap3A_205, %swap3A_206] {strides = array<i32>} : memref<2x128xf32, #tpu.memory_space<vmem>>, vector<16xf32>,
      tpu.vector_store %arg13[%swap3A_205, %swap3A_206], %div3A_203 {strides = array<i32>} : memref<2x128xf32, #tpu.memory_space<vmem>>, vector<16xf32>,
      %swap3A_208 = arith.constant 80 : index
      %swap3A_209 = tpu.vector_load %arg14[%swap3A_208] {strides = array<i32>} : memref<256xf32, #tpu.memory_space<vmem>>, vector<16xf32>,
      tpu.vector_store %arg14[%swap3A_208], %div3A_203 {strides = array<i32>} : memref<256xf32, #tpu.memory_space<vmem>>, vector<16xf32>,
      %get3A_210 = arith.constant 0 : i32
      %get3A_211 = arith.index_cast %get3A_210 : i32 to index
      %get3A_212 = arith.constant 96 : index
      %get3A_213 = tpu.vector_load %arg11[%get3A_211, %get3A_212] {strides = array<i32>} : memref<2x128xi32, #tpu.memory_space<vmem>>, vector<16xi32>,
      %gather3A_214 = tpu.vector_load_idx %arg9[%get3A_213] : memref<10000xf32, #tpu.memory_space<vmem>>[vector<16xi32>], vector<16xf32>,
      %get3A_215 = arith.constant 0 : i32
      %get3A_216 = arith.index_cast %get3A_215 : i32 to index
      %get3A_217 = arith.constant 96 : index
      %get3A_218 = tpu.vector_load %arg12[%get3A_216, %get3A_217] {strides = array<i32>} : memref<2x128xf32, #tpu.memory_space<vmem>>, vector<16xf32>,
      %add3A_219 = arith.constant 1.000000e-16 : f32
      %add3A_220 = vector.broadcast %add3A_219 : f32 to vector<16xf32>
      %add3A_221 = arith.addf %gather3A_214, %add3A_220 : vector<16xf32>
      %div3A_222 = arith.divf %get3A_218, %add3A_221 : vector<16xf32>
      %swap3A_223 = arith.constant 0 : i32
      %swap3A_224 = arith.index_cast %swap3A_223 : i32 to index
      %swap3A_225 = arith.constant 96 : index
      %swap3A_226 = tpu.vector_load %arg13[%swap3A_224, %swap3A_225] {strides = array<i32>} : memref<2x128xf32, #tpu.memory_space<vmem>>, vector<16xf32>,
      tpu.vector_store %arg13[%swap3A_224, %swap3A_225], %div3A_222 {strides = array<i32>} : memref<2x128xf32, #tpu.memory_space<vmem>>, vector<16xf32>,
      %swap3A_227 = arith.constant 96 : index
      %swap3A_228 = tpu.vector_load %arg14[%swap3A_227] {strides = array<i32>} : memref<256xf32, #tpu.memory_space<vmem>>, vector<16xf32>,
      tpu.vector_store %arg14[%swap3A_227], %div3A_222 {strides = array<i32>} : memref<256xf32, #tpu.memory_space<vmem>>, vector<16xf32>,
      %get3A_229 = arith.constant 0 : i32
      %get3A_230 = arith.index_cast %get3A_229 : i32 to index
      %get3A_231 = arith.constant 112 : index
      %get3A_232 = tpu.vector_load %arg11[%get3A_230, %get3A_231] {strides = array<i32>} : memref<2x128xi32, #tpu.memory_space<vmem>>, vector<16xi32>,
      %gather3A_233 = tpu.vector_load_idx %arg9[%get3A_232] : memref<10000xf32, #tpu.memory_space<vmem>>[vector<16xi32>], vector<16xf32>,
      %get3A_234 = arith.constant 0 : i32
      %get3A_235 = arith.index_cast %get3A_234 : i32 to index
      %get3A_236 = arith.constant 112 : index
      %get3A_237 = tpu.vector_load %arg12[%get3A_235, %get3A_236] {strides = array<i32>} : memref<2x128xf32, #tpu.memory_space<vmem>>, vector<16xf32>,
      %add3A_238 = arith.constant 1.000000e-16 : f32
      %add3A_239 = vector.broadcast %add3A_238 : f32 to vector<16xf32>
      %add3A_240 = arith.addf %gather3A_233, %add3A_239 : vector<16xf32>
      %div3A_241 = arith.divf %get3A_237, %add3A_240 : vector<16xf32>
      %swap3A_242 = arith.constant 0 : i32
      %swap3A_243 = arith.index_cast %swap3A_242 : i32 to index
      %swap3A_244 = arith.constant 112 : index
      %swap3A_245 = tpu.vector_load %arg13[%swap3A_243, %swap3A_244] {strides = array<i32>} : memref<2x128xf32, #tpu.memory_space<vmem>>, vector<16xf32>,
      tpu.vector_store %arg13[%swap3A_243, %swap3A_244], %div3A_241 {strides = array<i32>} : memref<2x128xf32, #tpu.memory_space<vmem>>, vector<16xf32>,
      %swap3A_246 = arith.constant 112 : index
      %swap3A_247 = tpu.vector_load %arg14[%swap3A_246] {strides = array<i32>} : memref<256xf32, #tpu.memory_space<vmem>>, vector<16xf32>,
      tpu.vector_store %arg14[%swap3A_246], %div3A_241 {strides = array<i32>} : memref<256xf32, #tpu.memory_space<vmem>>, vector<16xf32>,
      %get3A_248 = arith.constant 1 : i32
      %get3A_249 = arith.index_cast %get3A_248 : i32 to index
      %get3A_250 = arith.constant 0 : index
      %get3A_251 = tpu.vector_load %arg11[%get3A_249, %get3A_250] {strides = array<i32>} : memref<2x128xi32, #tpu.memory_space<vmem>>, vector<16xi32>,
      %gather3A_252 = tpu.vector_load_idx %arg9[%get3A_251] : memref<10000xf32, #tpu.memory_space<vmem>>[vector<16xi32>], vector<16xf32>,
      %get3A_253 = arith.constant 1 : i32
      %get3A_254 = arith.index_cast %get3A_253 : i32 to index
      %get3A_255 = arith.constant 0 : index
      %get3A_256 = tpu.vector_load %arg12[%get3A_254, %get3A_255] {strides = array<i32>} : memref<2x128xf32, #tpu.memory_space<vmem>>, vector<16xf32>,
      %add3A_257 = arith.constant 1.000000e-16 : f32
      %add3A_258 = vector.broadcast %add3A_257 : f32 to vector<16xf32>
      %add3A_259 = arith.addf %gather3A_252, %add3A_258 : vector<16xf32>
      %div3A_260 = arith.divf %get3A_256, %add3A_259 : vector<16xf32>
      %swap3A_261 = arith.constant 1 : i32
      %swap3A_262 = arith.index_cast %swap3A_261 : i32 to index
      %swap3A_263 = arith.constant 0 : index
      %swap3A_264 = tpu.vector_load %arg13[%swap3A_262, %swap3A_263] {strides = array<i32>} : memref<2x128xf32, #tpu.memory_space<vmem>>, vector<16xf32>,
      tpu.vector_store %arg13[%swap3A_262, %swap3A_263], %div3A_260 {strides = array<i32>} : memref<2x128xf32, #tpu.memory_space<vmem>>, vector<16xf32>,
      %swap3A_265 = arith.constant 128 : index
      %swap3A_266 = tpu.vector_load %arg14[%swap3A_265] {strides = array<i32>} : memref<256xf32, #tpu.memory_space<vmem>>, vector<16xf32>,
      tpu.vector_store %arg14[%swap3A_265], %div3A_260 {strides = array<i32>} : memref<256xf32, #tpu.memory_space<vmem>>, vector<16xf32>,
      %get3A_267 = arith.constant 1 : i32
      %get3A_268 = arith.index_cast %get3A_267 : i32 to index
      %get3A_269 = arith.constant 16 : index
      %get3A_270 = tpu.vector_load %arg11[%get3A_268, %get3A_269] {strides = array<i32>} : memref<2x128xi32, #tpu.memory_space<vmem>>, vector<16xi32>,
      %gather3A_271 = tpu.vector_load_idx %arg9[%get3A_270] : memref<10000xf32, #tpu.memory_space<vmem>>[vector<16xi32>], vector<16xf32>,
      %get3A_272 = arith.constant 1 : i32
      %get3A_273 = arith.index_cast %get3A_272 : i32 to index
      %get3A_274 = arith.constant 16 : index
      %get3A_275 = tpu.vector_load %arg12[%get3A_273, %get3A_274] {strides = array<i32>} : memref<2x128xf32, #tpu.memory_space<vmem>>, vector<16xf32>,
      %add3A_276 = arith.constant 1.000000e-16 : f32
      %add3A_277 = vector.broadcast %add3A_276 : f32 to vector<16xf32>
      %add3A_278 = arith.addf %gather3A_271, %add3A_277 : vector<16xf32>
      %div3A_279 = arith.divf %get3A_275, %add3A_278 : vector<16xf32>
      %swap3A_280 = arith.constant 1 : i32
      %swap3A_281 = arith.index_cast %swap3A_280 : i32 to index
      %swap3A_282 = arith.constant 16 : index
      %swap3A_283 = tpu.vector_load %arg13[%swap3A_281, %swap3A_282] {strides = array<i32>} : memref<2x128xf32, #tpu.memory_space<vmem>>, vector<16xf32>,
      tpu.vector_store %arg13[%swap3A_281, %swap3A_282], %div3A_279 {strides = array<i32>} : memref<2x128xf32, #tpu.memory_space<vmem>>, vector<16xf32>,
      %swap3A_284 = arith.constant 144 : index
      %swap3A_285 = tpu.vector_load %arg14[%swap3A_284] {strides = array<i32>} : memref<256xf32, #tpu.memory_space<vmem>>, vector<16xf32>,
      tpu.vector_store %arg14[%swap3A_284], %div3A_279 {strides = array<i32>} : memref<256xf32, #tpu.memory_space<vmem>>, vector<16xf32>,
      %get3A_286 = arith.constant 1 : i32
      %get3A_287 = arith.index_cast %get3A_286 : i32 to index
      %get3A_288 = arith.constant 32 : index
      %get3A_289 = tpu.vector_load %arg11[%get3A_287, %get3A_288] {strides = array<i32>} : memref<2x128xi32, #tpu.memory_space<vmem>>, vector<16xi32>,
      %gather3A_290 = tpu.vector_load_idx %arg9[%get3A_289] : memref<10000xf32, #tpu.memory_space<vmem>>[vector<16xi32>], vector<16xf32>,
      %get3A_291 = arith.constant 1 : i32
      %get3A_292 = arith.index_cast %get3A_291 : i32 to index
      %get3A_293 = arith.constant 32 : index
      %get3A_294 = tpu.vector_load %arg12[%get3A_292, %get3A_293] {strides = array<i32>} : memref<2x128xf32, #tpu.memory_space<vmem>>, vector<16xf32>,
      %add3A_295 = arith.constant 1.000000e-16 : f32
      %add3A_296 = vector.broadcast %add3A_295 : f32 to vector<16xf32>
      %add3A_297 = arith.addf %gather3A_290, %add3A_296 : vector<16xf32>
      %div3A_298 = arith.divf %get3A_294, %add3A_297 : vector<16xf32>
      %swap3A_299 = arith.constant 1 : i32
      %swap3A_300 = arith.index_cast %swap3A_299 : i32 to index
      %swap3A_301 = arith.constant 32 : index
      %swap3A_302 = tpu.vector_load %arg13[%swap3A_300, %swap3A_301] {strides = array<i32>} : memref<2x128xf32, #tpu.memory_space<vmem>>, vector<16xf32>,
      tpu.vector_store %arg13[%swap3A_300, %swap3A_301], %div3A_298 {strides = array<i32>} : memref<2x128xf32, #tpu.memory_space<vmem>>, vector<16xf32>,
      %swap3A_303 = arith.constant 160 : index
      %swap3A_304 = tpu.vector_load %arg14[%swap3A_303] {strides = array<i32>} : memref<256xf32, #tpu.memory_space<vmem>>, vector<16xf32>,
      tpu.vector_store %arg14[%swap3A_303], %div3A_298 {strides = array<i32>} : memref<256xf32, #tpu.memory_space<vmem>>, vector<16xf32>,
      %get3A_305 = arith.constant 1 : i32
      %get3A_306 = arith.index_cast %get3A_305 : i32 to index
      %get3A_307 = arith.constant 48 : index
      %get3A_308 = tpu.vector_load %arg11[%get3A_306, %get3A_307] {strides = array<i32>} : memref<2x128xi32, #tpu.memory_space<vmem>>, vector<16xi32>,
      %gather3A_309 = tpu.vector_load_idx %arg9[%get3A_308] : memref<10000xf32, #tpu.memory_space<vmem>>[vector<16xi32>], vector<16xf32>,
      %get3A_310 = arith.constant 1 : i32
      %get3A_311 = arith.index_cast %get3A_310 : i32 to index
      %get3A_312 = arith.constant 48 : index
      %get3A_313 = tpu.vector_load %arg12[%get3A_311, %get3A_312] {strides = array<i32>} : memref<2x128xf32, #tpu.memory_space<vmem>>, vector<16xf32>,
      %add3A_314 = arith.constant 1.000000e-16 : f32
      %add3A_315 = vector.broadcast %add3A_314 : f32 to vector<16xf32>
      %add3A_316 = arith.addf %gather3A_309, %add3A_315 : vector<16xf32>
      %div3A_317 = arith.divf %get3A_313, %add3A_316 : vector<16xf32>
      %swap3A_318 = arith.constant 1 : i32
      %swap3A_319 = arith.index_cast %swap3A_318 : i32 to index
      %swap3A_320 = arith.constant 48 : index
      %swap3A_321 = tpu.vector_load %arg13[%swap3A_319, %swap3A_320] {strides = array<i32>} : memref<2x128xf32, #tpu.memory_space<vmem>>, vector<16xf32>,
      tpu.vector_store %arg13[%swap3A_319, %swap3A_320], %div3A_317 {strides = array<i32>} : memref<2x128xf32, #tpu.memory_space<vmem>>, vector<16xf32>,
      %swap3A_322 = arith.constant 176 : index
      %swap3A_323 = tpu.vector_load %arg14[%swap3A_322] {strides = array<i32>} : memref<256xf32, #tpu.memory_space<vmem>>, vector<16xf32>,
      tpu.vector_store %arg14[%swap3A_322], %div3A_317 {strides = array<i32>} : memref<256xf32, #tpu.memory_space<vmem>>, vector<16xf32>,
      %get3A_324 = arith.constant 1 : i32
      %get3A_325 = arith.index_cast %get3A_324 : i32 to index
      %get3A_326 = arith.constant 64 : index
      %get3A_327 = tpu.vector_load %arg11[%get3A_325, %get3A_326] {strides = array<i32>} : memref<2x128xi32, #tpu.memory_space<vmem>>, vector<16xi32>,
      %gather3A_328 = tpu.vector_load_idx %arg9[%get3A_327] : memref<10000xf32, #tpu.memory_space<vmem>>[vector<16xi32>], vector<16xf32>,
      %get3A_329 = arith.constant 1 : i32
      %get3A_330 = arith.index_cast %get3A_329 : i32 to index
      %get3A_331 = arith.constant 64 : index
      %get3A_332 = tpu.vector_load %arg12[%get3A_330, %get3A_331] {strides = array<i32>} : memref<2x128xf32, #tpu.memory_space<vmem>>, vector<16xf32>,
      %add3A_333 = arith.constant 1.000000e-16 : f32
      %add3A_334 = vector.broadcast %add3A_333 : f32 to vector<16xf32>
      %add3A_335 = arith.addf %gather3A_328, %add3A_334 : vector<16xf32>
      %div3A_336 = arith.divf %get3A_332, %add3A_335 : vector<16xf32>
      %swap3A_337 = arith.constant 1 : i32
      %swap3A_338 = arith.index_cast %swap3A_337 : i32 to index
      %swap3A_339 = arith.constant 64 : index
      %swap3A_340 = tpu.vector_load %arg13[%swap3A_338, %swap3A_339] {strides = array<i32>} : memref<2x128xf32, #tpu.memory_space<vmem>>, vector<16xf32>,
      tpu.vector_store %arg13[%swap3A_338, %swap3A_339], %div3A_336 {strides = array<i32>} : memref<2x128xf32, #tpu.memory_space<vmem>>, vector<16xf32>,
      %swap3A_341 = arith.constant 192 : index
      %swap3A_342 = tpu.vector_load %arg14[%swap3A_341] {strides = array<i32>} : memref<256xf32, #tpu.memory_space<vmem>>, vector<16xf32>,
      tpu.vector_store %arg14[%swap3A_341], %div3A_336 {strides = array<i32>} : memref<256xf32, #tpu.memory_space<vmem>>, vector<16xf32>,
      %get3A_343 = arith.constant 1 : i32
      %get3A_344 = arith.index_cast %get3A_343 : i32 to index
      %get3A_345 = arith.constant 80 : index
      %get3A_346 = tpu.vector_load %arg11[%get3A_344, %get3A_345] {strides = array<i32>} : memref<2x128xi32, #tpu.memory_space<vmem>>, vector<16xi32>,
      %gather3A_347 = tpu.vector_load_idx %arg9[%get3A_346] : memref<10000xf32, #tpu.memory_space<vmem>>[vector<16xi32>], vector<16xf32>,
      %get3A_348 = arith.constant 1 : i32
      %get3A_349 = arith.index_cast %get3A_348 : i32 to index
      %get3A_350 = arith.constant 80 : index
      %get3A_351 = tpu.vector_load %arg12[%get3A_349, %get3A_350] {strides = array<i32>} : memref<2x128xf32, #tpu.memory_space<vmem>>, vector<16xf32>,
      %add3A_352 = arith.constant 1.000000e-16 : f32
      %add3A_353 = vector.broadcast %add3A_352 : f32 to vector<16xf32>
      %add3A_354 = arith.addf %gather3A_347, %add3A_353 : vector<16xf32>
      %div3A_355 = arith.divf %get3A_351, %add3A_354 : vector<16xf32>
      %swap3A_356 = arith.constant 1 : i32
      %swap3A_357 = arith.index_cast %swap3A_356 : i32 to index
      %swap3A_358 = arith.constant 80 : index
      %swap3A_359 = tpu.vector_load %arg13[%swap3A_357, %swap3A_358] {strides = array<i32>} : memref<2x128xf32, #tpu.memory_space<vmem>>, vector<16xf32>,
      tpu.vector_store %arg13[%swap3A_357, %swap3A_358], %div3A_355 {strides = array<i32>} : memref<2x128xf32, #tpu.memory_space<vmem>>, vector<16xf32>,
      %swap3A_360 = arith.constant 208 : index
      %swap3A_361 = tpu.vector_load %arg14[%swap3A_360] {strides = array<i32>} : memref<256xf32, #tpu.memory_space<vmem>>, vector<16xf32>,
      tpu.vector_store %arg14[%swap3A_360], %div3A_355 {strides = array<i32>} : memref<256xf32, #tpu.memory_space<vmem>>, vector<16xf32>,
      %get3A_362 = arith.constant 1 : i32
      %get3A_363 = arith.index_cast %get3A_362 : i32 to index
      %get3A_364 = arith.constant 96 : index
      %get3A_365 = tpu.vector_load %arg11[%get3A_363, %get3A_364] {strides = array<i32>} : memref<2x128xi32, #tpu.memory_space<vmem>>, vector<16xi32>,
      %gather3A_366 = tpu.vector_load_idx %arg9[%get3A_365] : memref<10000xf32, #tpu.memory_space<vmem>>[vector<16xi32>], vector<16xf32>,
      %get3A_367 = arith.constant 1 : i32
      %get3A_368 = arith.index_cast %get3A_367 : i32 to index
      %get3A_369 = arith.constant 96 : index
      %get3A_370 = tpu.vector_load %arg12[%get3A_368, %get3A_369] {strides = array<i32>} : memref<2x128xf32, #tpu.memory_space<vmem>>, vector<16xf32>,
      %add3A_371 = arith.constant 1.000000e-16 : f32
      %add3A_372 = vector.broadcast %add3A_371 : f32 to vector<16xf32>
      %add3A_373 = arith.addf %gather3A_366, %add3A_372 : vector<16xf32>
      %div3A_374 = arith.divf %get3A_370, %add3A_373 : vector<16xf32>
      %swap3A_375 = arith.constant 1 : i32
      %swap3A_376 = arith.index_cast %swap3A_375 : i32 to index
      %swap3A_377 = arith.constant 96 : index
      %swap3A_378 = tpu.vector_load %arg13[%swap3A_376, %swap3A_377] {strides = array<i32>} : memref<2x128xf32, #tpu.memory_space<vmem>>, vector<16xf32>,
      tpu.vector_store %arg13[%swap3A_376, %swap3A_377], %div3A_374 {strides = array<i32>} : memref<2x128xf32, #tpu.memory_space<vmem>>, vector<16xf32>,
      %swap3A_379 = arith.constant 224 : index
      %swap3A_380 = tpu.vector_load %arg14[%swap3A_379] {strides = array<i32>} : memref<256xf32, #tpu.memory_space<vmem>>, vector<16xf32>,
      tpu.vector_store %arg14[%swap3A_379], %div3A_374 {strides = array<i32>} : memref<256xf32, #tpu.memory_space<vmem>>, vector<16xf32>,
      %get3A_381 = arith.constant 1 : i32
      %get3A_382 = arith.index_cast %get3A_381 : i32 to index
      %get3A_383 = arith.constant 112 : index
      %get3A_384 = tpu.vector_load %arg11[%get3A_382, %get3A_383] {strides = array<i32>} : memref<2x128xi32, #tpu.memory_space<vmem>>, vector<16xi32>,
      %gather3A_385 = tpu.vector_load_idx %arg9[%get3A_384] : memref<10000xf32, #tpu.memory_space<vmem>>[vector<16xi32>], vector<16xf32>,
      %get3A_386 = arith.constant 1 : i32
      %get3A_387 = arith.index_cast %get3A_386 : i32 to index
      %get3A_388 = arith.constant 112 : index
      %get3A_389 = tpu.vector_load %arg12[%get3A_387, %get3A_388] {strides = array<i32>} : memref<2x128xf32, #tpu.memory_space<vmem>>, vector<16xf32>,
      %add3A_390 = arith.constant 1.000000e-16 : f32
      %add3A_391 = vector.broadcast %add3A_390 : f32 to vector<16xf32>
      %add3A_392 = arith.addf %gather3A_385, %add3A_391 : vector<16xf32>
      %div3A_393 = arith.divf %get3A_389, %add3A_392 : vector<16xf32>
      %swap3A_394 = arith.constant 1 : i32
      %swap3A_395 = arith.index_cast %swap3A_394 : i32 to index
      %swap3A_396 = arith.constant 112 : index
      %swap3A_397 = tpu.vector_load %arg13[%swap3A_395, %swap3A_396] {strides = array<i32>} : memref<2x128xf32, #tpu.memory_space<vmem>>, vector<16xf32>,
      tpu.vector_store %arg13[%swap3A_395, %swap3A_396], %div3A_393 {strides = array<i32>} : memref<2x128xf32, #tpu.memory_space<vmem>>, vector<16xf32>,
      %swap3A_398 = arith.constant 240 : index
      %swap3A_399 = tpu.vector_load %arg14[%swap3A_398] {strides = array<i32>} : memref<256xf32, #tpu.memory_space<vmem>>, vector<16xf32>,
      tpu.vector_store %arg14[%swap3A_398], %div3A_393 {strides = array<i32>} : memref<256xf32, #tpu.memory_space<vmem>>, vector<16xf32>,
      %scan3A_400 = arith.constant 0 : i32
      %scan3A_401 = arith.constant 0 : i32
      %scan3A_402 = arith.constant 256 : i32
      %scan3A_403 = arith.addi %scan3A_401, %scan3A_402 : i32
      %scan3A_404 = arith.constant 1 : i32
      scf.for %scan3A_408 = %scan3A_401 to %scan3A_403 step %scan3A_404  : i32 {
        %broadcast_in_dim3A = arith.constant 0 : i32
        %broadcast_in_dim3A_409 = vector.broadcast %broadcast_in_dim3A : i32 to vector<16xi32>
        %add3A_410 = vector.broadcast %scan3A_408 : i32 to vector<16xi32>
        %add3A_411 = arith.addi %broadcast_in_dim3A_409, %add3A_410 : vector<16xi32>
        %gather3A_412 = tpu.vector_load_idx %arg14[%add3A_411] : memref<256xf32, #tpu.memory_space<vmem>>[vector<16xi32>], vector<16xf32>,
        %get3A_413 = arith.index_cast %scan3A_408 : i32 to index
        %get3A_414 = arith.constant 0 : index
        %get3A_415 = tpu.vector_load %arg15[%get3A_413, %get3A_414] {strides = array<i32>} : memref<256x128xf32, #tpu.memory_space<vmem>>, vector<16xf32>,
        %mul3A_416 = arith.mulf %get3A_415, %gather3A_412 : vector<16xf32>
        %swap3A_417 = arith.index_cast %scan3A_408 : i32 to index
        %swap3A_418 = arith.constant 0 : index
        %swap3A_419 = tpu.vector_load %arg15[%swap3A_417, %swap3A_418] {strides = array<i32>} : memref<256x128xf32, #tpu.memory_space<vmem>>, vector<16xf32>,
        tpu.vector_store %arg15[%swap3A_417, %swap3A_418], %mul3A_416 {strides = array<i32>} : memref<256x128xf32, #tpu.memory_space<vmem>>, vector<16xf32>,
        %get3A_420 = arith.index_cast %scan3A_408 : i32 to index
        %get3A_421 = arith.constant 16 : index
        %get3A_422 = tpu.vector_load %arg15[%get3A_420, %get3A_421] {strides = array<i32>} : memref<256x128xf32, #tpu.memory_space<vmem>>, vector<16xf32>,
        %mul3A_423 = arith.mulf %get3A_422, %gather3A_412 : vector<16xf32>
        %swap3A_424 = arith.index_cast %scan3A_408 : i32 to index
        %swap3A_425 = arith.constant 16 : index
        %swap3A_426 = tpu.vector_load %arg15[%swap3A_424, %swap3A_425] {strides = array<i32>} : memref<256x128xf32, #tpu.memory_space<vmem>>, vector<16xf32>,
        tpu.vector_store %arg15[%swap3A_424, %swap3A_425], %mul3A_423 {strides = array<i32>} : memref<256x128xf32, #tpu.memory_space<vmem>>, vector<16xf32>,
        %get3A_427 = arith.index_cast %scan3A_408 : i32 to index
        %get3A_428 = arith.constant 32 : index
        %get3A_429 = tpu.vector_load %arg15[%get3A_427, %get3A_428] {strides = array<i32>} : memref<256x128xf32, #tpu.memory_space<vmem>>, vector<16xf32>,
        %mul3A_430 = arith.mulf %get3A_429, %gather3A_412 : vector<16xf32>
        %swap3A_431 = arith.index_cast %scan3A_408 : i32 to index
        %swap3A_432 = arith.constant 32 : index
        %swap3A_433 = tpu.vector_load %arg15[%swap3A_431, %swap3A_432] {strides = array<i32>} : memref<256x128xf32, #tpu.memory_space<vmem>>, vector<16xf32>,
        tpu.vector_store %arg15[%swap3A_431, %swap3A_432], %mul3A_430 {strides = array<i32>} : memref<256x128xf32, #tpu.memory_space<vmem>>, vector<16xf32>,
        %get3A_434 = arith.index_cast %scan3A_408 : i32 to index
        %get3A_435 = arith.constant 48 : index
        %get3A_436 = tpu.vector_load %arg15[%get3A_434, %get3A_435] {strides = array<i32>} : memref<256x128xf32, #tpu.memory_space<vmem>>, vector<16xf32>,
        %mul3A_437 = arith.mulf %get3A_436, %gather3A_412 : vector<16xf32>
        %swap3A_438 = arith.index_cast %scan3A_408 : i32 to index
        %swap3A_439 = arith.constant 48 : index
        %swap3A_440 = tpu.vector_load %arg15[%swap3A_438, %swap3A_439] {strides = array<i32>} : memref<256x128xf32, #tpu.memory_space<vmem>>, vector<16xf32>,
        tpu.vector_store %arg15[%swap3A_438, %swap3A_439], %mul3A_437 {strides = array<i32>} : memref<256x128xf32, #tpu.memory_space<vmem>>, vector<16xf32>,
        %get3A_441 = arith.index_cast %scan3A_408 : i32 to index
        %get3A_442 = arith.constant 64 : index
        %get3A_443 = tpu.vector_load %arg15[%get3A_441, %get3A_442] {strides = array<i32>} : memref<256x128xf32, #tpu.memory_space<vmem>>, vector<16xf32>,
        %mul3A_444 = arith.mulf %get3A_443, %gather3A_412 : vector<16xf32>
        %swap3A_445 = arith.index_cast %scan3A_408 : i32 to index
        %swap3A_446 = arith.constant 64 : index
        %swap3A_447 = tpu.vector_load %arg15[%swap3A_445, %swap3A_446] {strides = array<i32>} : memref<256x128xf32, #tpu.memory_space<vmem>>, vector<16xf32>,
        tpu.vector_store %arg15[%swap3A_445, %swap3A_446], %mul3A_444 {strides = array<i32>} : memref<256x128xf32, #tpu.memory_space<vmem>>, vector<16xf32>,
        %get3A_448 = arith.index_cast %scan3A_408 : i32 to index
        %get3A_449 = arith.constant 80 : index
        %get3A_450 = tpu.vector_load %arg15[%get3A_448, %get3A_449] {strides = array<i32>} : memref<256x128xf32, #tpu.memory_space<vmem>>, vector<16xf32>,
        %mul3A_451 = arith.mulf %get3A_450, %gather3A_412 : vector<16xf32>
        %swap3A_452 = arith.index_cast %scan3A_408 : i32 to index
        %swap3A_453 = arith.constant 80 : index
        %swap3A_454 = tpu.vector_load %arg15[%swap3A_452, %swap3A_453] {strides = array<i32>} : memref<256x128xf32, #tpu.memory_space<vmem>>, vector<16xf32>,
        tpu.vector_store %arg15[%swap3A_452, %swap3A_453], %mul3A_451 {strides = array<i32>} : memref<256x128xf32, #tpu.memory_space<vmem>>, vector<16xf32>,
        %get3A_455 = arith.index_cast %scan3A_408 : i32 to index
        %get3A_456 = arith.constant 96 : index
        %get3A_457 = tpu.vector_load %arg15[%get3A_455, %get3A_456] {strides = array<i32>} : memref<256x128xf32, #tpu.memory_space<vmem>>, vector<16xf32>,
        %mul3A_458 = arith.mulf %get3A_457, %gather3A_412 : vector<16xf32>
        %swap3A_459 = arith.index_cast %scan3A_408 : i32 to index
        %swap3A_460 = arith.constant 96 : index
        %swap3A_461 = tpu.vector_load %arg15[%swap3A_459, %swap3A_460] {strides = array<i32>} : memref<256x128xf32, #tpu.memory_space<vmem>>, vector<16xf32>,
        tpu.vector_store %arg15[%swap3A_459, %swap3A_460], %mul3A_458 {strides = array<i32>} : memref<256x128xf32, #tpu.memory_space<vmem>>, vector<16xf32>,
        %get3A_462 = arith.index_cast %scan3A_408 : i32 to index
        %get3A_463 = arith.constant 112 : index
        %get3A_464 = tpu.vector_load %arg15[%get3A_462, %get3A_463] {strides = array<i32>} : memref<256x128xf32, #tpu.memory_space<vmem>>, vector<16xf32>,
        %mul3A_465 = arith.mulf %get3A_464, %gather3A_412 : vector<16xf32>
        %swap3A_466 = arith.index_cast %scan3A_408 : i32 to index
        %swap3A_467 = arith.constant 112 : index
        %swap3A_468 = tpu.vector_load %arg15[%swap3A_466, %swap3A_467] {strides = array<i32>} : memref<256x128xf32, #tpu.memory_space<vmem>>, vector<16xf32>,
        tpu.vector_store %arg15[%swap3A_466, %swap3A_467], %mul3A_465 {strides = array<i32>} : memref<256x128xf32, #tpu.memory_space<vmem>>, vector<16xf32>,
      }
      %scan3A_405 = arith.constant 256 : i32
      "tpu.region"() ({
        %run_scoped3A_408 = tpu.sem_alloc : memref<!tpu.dma_semaphore, #tpu.memory_space<semaphore_mem>>
        %dma_start3A_409 = arith.constant 0 : i32
        %dma_start3A_410 = tpu.memref_slice %arg7[%add3A_37, %dma_start3A_409] : memref<2560x128xf32, #tpu.memory_space<hbm>> -> memref<2x128xf32, #tpu.memory_space<hbm>>
        %dma_start3A_411 = arith.constant 0 : i32
        %dma_start3A_412 = tpu.memref_slice %arg7[%add3A_37, %dma_start3A_411] : memref<2560x128xf32, #tpu.memory_space<hbm>> -> memref<2x128xf32, #tpu.memory_space<hbm>>
        tpu.enqueue_dma source(%arg13 : memref<2x128xf32, #tpu.memory_space<vmem>>) target(%dma_start3A_412 : memref<2x128xf32, #tpu.memory_space<hbm>>) target_semaphore(%run_scoped3A_408 : memref<!tpu.dma_semaphore, #tpu.memory_space<semaphore_mem>>)
        %dma_wait3A_413 = arith.constant 0 : i32
        %dma_wait3A_414 = tpu.memref_slice %arg7[%add3A_37, %dma_wait3A_413] : memref<2560x128xf32, #tpu.memory_space<hbm>> -> memref<2x128xf32, #tpu.memory_space<hbm>>
        %dma_wait3A_415 = arith.constant 0 : i32
        %dma_wait3A_416 = tpu.memref_slice %arg7[%add3A_37, %dma_wait3A_415] : memref<2560x128xf32, #tpu.memory_space<hbm>> -> memref<2x128xf32, #tpu.memory_space<hbm>>
        tpu.wait_dma2 semaphore(%run_scoped3A_408 : memref<!tpu.dma_semaphore, #tpu.memory_space<semaphore_mem>>) src(%arg13 : memref<2x128xf32, #tpu.memory_space<vmem>>) dst(%dma_wait3A_416 : memref<2x128xf32, #tpu.memory_space<hbm>>)
        tpu.yield
      }) : () -> ()
      %run_scoped3A_406 = arith.constant 0 : i32
      "tpu.region"() ({
        %run_scoped3A_408 = tpu.sem_alloc : memref<!tpu.dma_semaphore, #tpu.memory_space<semaphore_mem>>
        %dma_start3A_409 = arith.constant 0 : i32
        %dma_start3A_410 = arith.constant 0 : i32
        %dma_start3A_411 = tpu.memref_slice %arg15[%dma_start3A_409, %dma_start3A_410] : memref<256x128xf32, #tpu.memory_space<vmem>> -> memref<128x128xf32, #tpu.memory_space<vmem>>
        %dma_start3A_412 = arith.constant 0 : i32
        %dma_start3A_413 = tpu.memref_slice %arg11[%run_scoped3A_406, %dma_start3A_412] : memref<2x128xi32, #tpu.memory_space<vmem>> -> memref<1x128xi32, #tpu.memory_space<vmem>>
        %dma_start3A_414 = tpu.memref_squeeze %dma_start3A_413 : memref<1x128xi32, #tpu.memory_space<vmem>> -> memref<128xi32, #tpu.memory_space<vmem>>
        %dma_start3A_415 = arith.constant 0 : i32
        %dma_start3A_416 = arith.constant 0 : i32
        %dma_start3A_417 = tpu.memref_slice %arg16[%dma_start3A_415, %dma_start3A_416] : memref<10000x128xf32, #tpu.memory_space<vmem_shared>> -> memref<10000x128xf32, #tpu.memory_space<vmem_shared>>
        tpu.enqueue_indirect_dma source(%dma_start3A_411 : memref<128x128xf32, #tpu.memory_space<vmem>>) target(%dma_start3A_417 : memref<10000x128xf32, #tpu.memory_space<vmem_shared>>) offsets(%dma_start3A_414 : memref<128xi32, #tpu.memory_space<vmem>>) semaphore(%run_scoped3A_408 : memref<!tpu.dma_semaphore, #tpu.memory_space<semaphore_mem>>) {add = true}
        %dma_wait3A_418 = arith.constant 0 : i32
        %dma_wait3A_419 = arith.constant 0 : i32
        %dma_wait3A_420 = tpu.memref_slice %arg15[%dma_wait3A_418, %dma_wait3A_419] : memref<256x128xf32, #tpu.memory_space<vmem>> -> memref<128x128xf32, #tpu.memory_space<vmem>>
        %dma_wait3A_421 = arith.constant 0 : i32
        %dma_wait3A_422 = tpu.memref_slice %arg11[%run_scoped3A_406, %dma_wait3A_421] : memref<2x128xi32, #tpu.memory_space<vmem>> -> memref<1x128xi32, #tpu.memory_space<vmem>>
        %dma_wait3A_423 = tpu.memref_squeeze %dma_wait3A_422 : memref<1x128xi32, #tpu.memory_space<vmem>> -> memref<128xi32, #tpu.memory_space<vmem>>
        %dma_wait3A_424 = arith.constant 0 : i32
        %dma_wait3A_425 = arith.constant 0 : i32
        %dma_wait3A_426 = tpu.memref_slice %arg16[%dma_wait3A_424, %dma_wait3A_425] : memref<10000x128xf32, #tpu.memory_space<vmem_shared>> -> memref<10000x128xf32, #tpu.memory_space<vmem_shared>>
        tpu.wait_indirect_dma semaphore(%run_scoped3A_408 : memref<!tpu.dma_semaphore, #tpu.memory_space<semaphore_mem>>) src(%dma_wait3A_420 : memref<128x128xf32, #tpu.memory_space<vmem>>) dst(%dma_wait3A_426 : memref<10000x128xf32, #tpu.memory_space<vmem_shared>>)
        tpu.yield
      }) : () -> ()
      %run_scoped3A_407 = arith.constant 1 : i32
      "tpu.region"() ({
        %run_scoped3A_408 = tpu.sem_alloc : memref<!tpu.dma_semaphore, #tpu.memory_space<semaphore_mem>>
        %dma_start3A_409 = arith.constant 128 : i32
        %dma_start3A_410 = arith.constant 0 : i32
        %dma_start3A_411 = tpu.memref_slice %arg15[%dma_start3A_409, %dma_start3A_410] : memref<256x128xf32, #tpu.memory_space<vmem>> -> memref<128x128xf32, #tpu.memory_space<vmem>>
        %dma_start3A_412 = arith.constant 0 : i32
        %dma_start3A_413 = tpu.memref_slice %arg11[%run_scoped3A_407, %dma_start3A_412] : memref<2x128xi32, #tpu.memory_space<vmem>> -> memref<1x128xi32, #tpu.memory_space<vmem>>
        %dma_start3A_414 = tpu.memref_squeeze %dma_start3A_413 : memref<1x128xi32, #tpu.memory_space<vmem>> -> memref<128xi32, #tpu.memory_space<vmem>>
        %dma_start3A_415 = arith.constant 0 : i32
        %dma_start3A_416 = arith.constant 0 : i32
        %dma_start3A_417 = tpu.memref_slice %arg16[%dma_start3A_415, %dma_start3A_416] : memref<10000x128xf32, #tpu.memory_space<vmem_shared>> -> memref<10000x128xf32, #tpu.memory_space<vmem_shared>>
        tpu.enqueue_indirect_dma source(%dma_start3A_411 : memref<128x128xf32, #tpu.memory_space<vmem>>) target(%dma_start3A_417 : memref<10000x128xf32, #tpu.memory_space<vmem_shared>>) offsets(%dma_start3A_414 : memref<128xi32, #tpu.memory_space<vmem>>) semaphore(%run_scoped3A_408 : memref<!tpu.dma_semaphore, #tpu.memory_space<semaphore_mem>>) {add = true}
        %dma_wait3A_418 = arith.constant 128 : i32
        %dma_wait3A_419 = arith.constant 0 : i32
        %dma_wait3A_420 = tpu.memref_slice %arg15[%dma_wait3A_418, %dma_wait3A_419] : memref<256x128xf32, #tpu.memory_space<vmem>> -> memref<128x128xf32, #tpu.memory_space<vmem>>
        %dma_wait3A_421 = arith.constant 0 : i32
        %dma_wait3A_422 = tpu.memref_slice %arg11[%run_scoped3A_407, %dma_wait3A_421] : memref<2x128xi32, #tpu.memory_space<vmem>> -> memref<1x128xi32, #tpu.memory_space<vmem>>
        %dma_wait3A_423 = tpu.memref_squeeze %dma_wait3A_422 : memref<1x128xi32, #tpu.memory_space<vmem>> -> memref<128xi32, #tpu.memory_space<vmem>>
        %dma_wait3A_424 = arith.constant 0 : i32
        %dma_wait3A_425 = arith.constant 0 : i32
        %dma_wait3A_426 = tpu.memref_slice %arg16[%dma_wait3A_424, %dma_wait3A_425] : memref<10000x128xf32, #tpu.memory_space<vmem_shared>> -> memref<10000x128xf32, #tpu.memory_space<vmem_shared>>
        tpu.wait_indirect_dma semaphore(%run_scoped3A_408 : memref<!tpu.dma_semaphore, #tpu.memory_space<semaphore_mem>>) src(%dma_wait3A_420 : memref<128x128xf32, #tpu.memory_space<vmem>>) dst(%dma_wait3A_426 : memref<10000x128xf32, #tpu.memory_space<vmem_shared>>)
        tpu.yield
      }) : () -> ()
    }
    %while3A_30 = arith.constant 1 : i32
    scf.for %while3A_34 = %while3A_28 to %while3A_24 step %while3A_30  : i32 {
      %mul3A_35 = arith.constant 2 : i32
      %mul3A_36 = arith.muli %while3A_34, %mul3A_35 : i32
      %add3A_37 = arith.addi %add3A, %mul3A_36 : i32
      %dma_start3A = arith.constant 0 : i32
      %dma_start3A_38 = tpu.memref_slice %arg2[%add3A_37, %dma_start3A] : memref<2560x128xi32, #tpu.memory_space<hbm>> -> memref<2x128xi32, #tpu.memory_space<hbm>>
      %dma_start3A_39 = arith.constant 0 : i32
      %dma_start3A_40 = tpu.memref_slice %arg2[%add3A_37, %dma_start3A_39] : memref<2560x128xi32, #tpu.memory_space<hbm>> -> memref<2x128xi32, #tpu.memory_space<hbm>>
      tpu.enqueue_dma source(%dma_start3A_40 : memref<2x128xi32, #tpu.memory_space<hbm>>) target(%arg10 : memref<2x128xi32, #tpu.memory_space<vmem>>) target_semaphore(%arg17 : memref<!tpu.dma_semaphore, #tpu.memory_space<semaphore_mem>>)
      %dma_start3A_41 = arith.constant 0 : i32
      %dma_start3A_42 = tpu.memref_slice %arg3[%add3A_37, %dma_start3A_41] : memref<2560x128xi32, #tpu.memory_space<hbm>> -> memref<2x128xi32, #tpu.memory_space<hbm>>
      %dma_start3A_43 = arith.constant 0 : i32
      %dma_start3A_44 = tpu.memref_slice %arg3[%add3A_37, %dma_start3A_43] : memref<2560x128xi32, #tpu.memory_space<hbm>> -> memref<2x128xi32, #tpu.memory_space<hbm>>
      tpu.enqueue_dma source(%dma_start3A_44 : memref<2x128xi32, #tpu.memory_space<hbm>>) target(%arg11 : memref<2x128xi32, #tpu.memory_space<vmem>>) target_semaphore(%arg17 : memref<!tpu.dma_semaphore, #tpu.memory_space<semaphore_mem>>)
      %dma_start3A_45 = arith.constant 0 : i32
      %dma_start3A_46 = tpu.memref_slice %arg4[%add3A_37, %dma_start3A_45] : memref<2560x128xf32, #tpu.memory_space<hbm>> -> memref<2x128xf32, #tpu.memory_space<hbm>>
      %dma_start3A_47 = arith.constant 0 : i32
      %dma_start3A_48 = tpu.memref_slice %arg4[%add3A_37, %dma_start3A_47] : memref<2560x128xf32, #tpu.memory_space<hbm>> -> memref<2x128xf32, #tpu.memory_space<hbm>>
      tpu.enqueue_dma source(%dma_start3A_48 : memref<2x128xf32, #tpu.memory_space<hbm>>) target(%arg12 : memref<2x128xf32, #tpu.memory_space<vmem>>) target_semaphore(%arg17 : memref<!tpu.dma_semaphore, #tpu.memory_space<semaphore_mem>>)
      %dma_wait3A = arith.constant 0 : i32
      %dma_wait3A_49 = tpu.memref_slice %arg2[%add3A_37, %dma_wait3A] : memref<2560x128xi32, #tpu.memory_space<hbm>> -> memref<2x128xi32, #tpu.memory_space<hbm>>
      %dma_wait3A_50 = arith.constant 0 : i32
      %dma_wait3A_51 = tpu.memref_slice %arg2[%add3A_37, %dma_wait3A_50] : memref<2560x128xi32, #tpu.memory_space<hbm>> -> memref<2x128xi32, #tpu.memory_space<hbm>>
      tpu.wait_dma2 semaphore(%arg17 : memref<!tpu.dma_semaphore, #tpu.memory_space<semaphore_mem>>) src(%dma_wait3A_51 : memref<2x128xi32, #tpu.memory_space<hbm>>) dst(%arg10 : memref<2x128xi32, #tpu.memory_space<vmem>>)
      %dma_wait3A_52 = arith.constant 0 : i32
      %dma_wait3A_53 = tpu.memref_slice %arg3[%add3A_37, %dma_wait3A_52] : memref<2560x128xi32, #tpu.memory_space<hbm>> -> memref<2x128xi32, #tpu.memory_space<hbm>>
      %dma_wait3A_54 = arith.constant 0 : i32
      %dma_wait3A_55 = tpu.memref_slice %arg3[%add3A_37, %dma_wait3A_54] : memref<2560x128xi32, #tpu.memory_space<hbm>> -> memref<2x128xi32, #tpu.memory_space<hbm>>
      tpu.wait_dma2 semaphore(%arg17 : memref<!tpu.dma_semaphore, #tpu.memory_space<semaphore_mem>>) src(%dma_wait3A_55 : memref<2x128xi32, #tpu.memory_space<hbm>>) dst(%arg11 : memref<2x128xi32, #tpu.memory_space<vmem>>)
      %dma_wait3A_56 = arith.constant 0 : i32
      %dma_wait3A_57 = tpu.memref_slice %arg4[%add3A_37, %dma_wait3A_56] : memref<2560x128xf32, #tpu.memory_space<hbm>> -> memref<2x128xf32, #tpu.memory_space<hbm>>
      %dma_wait3A_58 = arith.constant 0 : i32
      %dma_wait3A_59 = tpu.memref_slice %arg4[%add3A_37, %dma_wait3A_58] : memref<2560x128xf32, #tpu.memory_space<hbm>> -> memref<2x128xf32, #tpu.memory_space<hbm>>
      tpu.wait_dma2 semaphore(%arg17 : memref<!tpu.dma_semaphore, #tpu.memory_space<semaphore_mem>>) src(%dma_wait3A_59 : memref<2x128xf32, #tpu.memory_space<hbm>>) dst(%arg12 : memref<2x128xf32, #tpu.memory_space<vmem>>)
      %dma_start3A_60 = arith.constant 0 : i32
      %dma_start3A_61 = arith.constant 0 : i32
      %dma_start3A_62 = arith.constant 0 : i32
      %dma_start3A_63 = tpu.memref_slice %arg15[%dma_start3A_61, %dma_start3A_62] : memref<256x128xf32, #tpu.memory_space<vmem>> -> memref<128x128xf32, #tpu.memory_space<vmem>>
      %dma_start3A_64 = arith.constant 0 : i32
      %dma_start3A_65 = tpu.memref_slice %arg10[%dma_start3A_60, %dma_start3A_64] : memref<2x128xi32, #tpu.memory_space<vmem>> -> memref<1x128xi32, #tpu.memory_space<vmem>>
      %dma_start3A_66 = tpu.memref_squeeze %dma_start3A_65 : memref<1x128xi32, #tpu.memory_space<vmem>> -> memref<128xi32, #tpu.memory_space<vmem>>
      %dma_start3A_67 = arith.constant 0 : i32
      %dma_start3A_68 = arith.constant 0 : i32
      %dma_start3A_69 = tpu.memref_slice %arg6[%dma_start3A_67, %dma_start3A_68] : memref<10000x128xf32, #tpu.memory_space<hbm>> -> memref<10000x128xf32, #tpu.memory_space<hbm>>
      tpu.enqueue_indirect_dma source(%dma_start3A_69 : memref<10000x128xf32, #tpu.memory_space<hbm>>) target(%dma_start3A_63 : memref<128x128xf32, #tpu.memory_space<vmem>>) offsets(%dma_start3A_66 : memref<128xi32, #tpu.memory_space<vmem>>) semaphore(%arg17 : memref<!tpu.dma_semaphore, #tpu.memory_space<semaphore_mem>>)
      %dma_start3A_70 = arith.constant 1 : i32
      %dma_start3A_71 = arith.constant 128 : i32
      %dma_start3A_72 = arith.constant 0 : i32
      %dma_start3A_73 = tpu.memref_slice %arg15[%dma_start3A_71, %dma_start3A_72] : memref<256x128xf32, #tpu.memory_space<vmem>> -> memref<128x128xf32, #tpu.memory_space<vmem>>
      %dma_start3A_74 = arith.constant 0 : i32
      %dma_start3A_75 = tpu.memref_slice %arg10[%dma_start3A_70, %dma_start3A_74] : memref<2x128xi32, #tpu.memory_space<vmem>> -> memref<1x128xi32, #tpu.memory_space<vmem>>
      %dma_start3A_76 = tpu.memref_squeeze %dma_start3A_75 : memref<1x128xi32, #tpu.memory_space<vmem>> -> memref<128xi32, #tpu.memory_space<vmem>>
      %dma_start3A_77 = arith.constant 0 : i32
      %dma_start3A_78 = arith.constant 0 : i32
      %dma_start3A_79 = tpu.memref_slice %arg6[%dma_start3A_77, %dma_start3A_78] : memref<10000x128xf32, #tpu.memory_space<hbm>> -> memref<10000x128xf32, #tpu.memory_space<hbm>>
      tpu.enqueue_indirect_dma source(%dma_start3A_79 : memref<10000x128xf32, #tpu.memory_space<hbm>>) target(%dma_start3A_73 : memref<128x128xf32, #tpu.memory_space<vmem>>) offsets(%dma_start3A_76 : memref<128xi32, #tpu.memory_space<vmem>>) semaphore(%arg17 : memref<!tpu.dma_semaphore, #tpu.memory_space<semaphore_mem>>)
      %dma_wait3A_80 = arith.constant 0 : i32
      %dma_wait3A_81 = arith.constant 0 : i32
      %dma_wait3A_82 = arith.constant 0 : i32
      %dma_wait3A_83 = tpu.memref_slice %arg15[%dma_wait3A_81, %dma_wait3A_82] : memref<256x128xf32, #tpu.memory_space<vmem>> -> memref<128x128xf32, #tpu.memory_space<vmem>>
      %dma_wait3A_84 = arith.constant 0 : i32
      %dma_wait3A_85 = tpu.memref_slice %arg10[%dma_wait3A_80, %dma_wait3A_84] : memref<2x128xi32, #tpu.memory_space<vmem>> -> memref<1x128xi32, #tpu.memory_space<vmem>>
      %dma_wait3A_86 = tpu.memref_squeeze %dma_wait3A_85 : memref<1x128xi32, #tpu.memory_space<vmem>> -> memref<128xi32, #tpu.memory_space<vmem>>
      %dma_wait3A_87 = arith.constant 0 : i32
      %dma_wait3A_88 = arith.constant 0 : i32
      %dma_wait3A_89 = tpu.memref_slice %arg6[%dma_wait3A_87, %dma_wait3A_88] : memref<10000x128xf32, #tpu.memory_space<hbm>> -> memref<10000x128xf32, #tpu.memory_space<hbm>>
      tpu.wait_indirect_dma semaphore(%arg17 : memref<!tpu.dma_semaphore, #tpu.memory_space<semaphore_mem>>) src(%dma_wait3A_89 : memref<10000x128xf32, #tpu.memory_space<hbm>>) dst(%dma_wait3A_83 : memref<128x128xf32, #tpu.memory_space<vmem>>)
      %dma_wait3A_90 = arith.constant 1 : i32
      %dma_wait3A_91 = arith.constant 128 : i32
      %dma_wait3A_92 = arith.constant 0 : i32
      %dma_wait3A_93 = tpu.memref_slice %arg15[%dma_wait3A_91, %dma_wait3A_92] : memref<256x128xf32, #tpu.memory_space<vmem>> -> memref<128x128xf32, #tpu.memory_space<vmem>>
      %dma_wait3A_94 = arith.constant 0 : i32
      %dma_wait3A_95 = tpu.memref_slice %arg10[%dma_wait3A_90, %dma_wait3A_94] : memref<2x128xi32, #tpu.memory_space<vmem>> -> memref<1x128xi32, #tpu.memory_space<vmem>>
      %dma_wait3A_96 = tpu.memref_squeeze %dma_wait3A_95 : memref<1x128xi32, #tpu.memory_space<vmem>> -> memref<128xi32, #tpu.memory_space<vmem>>
      %dma_wait3A_97 = arith.constant 0 : i32
      %dma_wait3A_98 = arith.constant 0 : i32
      %dma_wait3A_99 = tpu.memref_slice %arg6[%dma_wait3A_97, %dma_wait3A_98] : memref<10000x128xf32, #tpu.memory_space<hbm>> -> memref<10000x128xf32, #tpu.memory_space<hbm>>
      tpu.wait_indirect_dma semaphore(%arg17 : memref<!tpu.dma_semaphore, #tpu.memory_space<semaphore_mem>>) src(%dma_wait3A_99 : memref<10000x128xf32, #tpu.memory_space<hbm>>) dst(%dma_wait3A_93 : memref<128x128xf32, #tpu.memory_space<vmem>>)
      %get3A = arith.constant 0 : i32
      %get3A_100 = arith.index_cast %get3A : i32 to index
      %get3A_101 = arith.constant 0 : index
      %get3A_102 = tpu.vector_load %arg11[%get3A_100, %get3A_101] {strides = array<i32>} : memref<2x128xi32, #tpu.memory_space<vmem>>, vector<16xi32>,
      %gather3A = tpu.vector_load_idx %arg9[%get3A_102] : memref<10000xf32, #tpu.memory_space<vmem>>[vector<16xi32>], vector<16xf32>,
      %get3A_103 = arith.constant 0 : i32
      %get3A_104 = arith.index_cast %get3A_103 : i32 to index
      %get3A_105 = arith.constant 0 : index
      %get3A_106 = tpu.vector_load %arg12[%get3A_104, %get3A_105] {strides = array<i32>} : memref<2x128xf32, #tpu.memory_space<vmem>>, vector<16xf32>,
      %add3A_107 = arith.constant 1.000000e-16 : f32
      %add3A_108 = vector.broadcast %add3A_107 : f32 to vector<16xf32>
      %add3A_109 = arith.addf %gather3A, %add3A_108 : vector<16xf32>
      %div3A = arith.divf %get3A_106, %add3A_109 : vector<16xf32>
      %swap3A = arith.constant 0 : i32
      %swap3A_110 = arith.index_cast %swap3A : i32 to index
      %swap3A_111 = arith.constant 0 : index
      %swap3A_112 = tpu.vector_load %arg13[%swap3A_110, %swap3A_111] {strides = array<i32>} : memref<2x128xf32, #tpu.memory_space<vmem>>, vector<16xf32>,
      tpu.vector_store %arg13[%swap3A_110, %swap3A_111], %div3A {strides = array<i32>} : memref<2x128xf32, #tpu.memory_space<vmem>>, vector<16xf32>,
      %swap3A_113 = arith.constant 0 : index
      %swap3A_114 = tpu.vector_load %arg14[%swap3A_113] {strides = array<i32>} : memref<256xf32, #tpu.memory_space<vmem>>, vector<16xf32>,
      tpu.vector_store %arg14[%swap3A_113], %div3A {strides = array<i32>} : memref<256xf32, #tpu.memory_space<vmem>>, vector<16xf32>,
      %get3A_115 = arith.constant 0 : i32
      %get3A_116 = arith.index_cast %get3A_115 : i32 to index
      %get3A_117 = arith.constant 16 : index
      %get3A_118 = tpu.vector_load %arg11[%get3A_116, %get3A_117] {strides = array<i32>} : memref<2x128xi32, #tpu.memory_space<vmem>>, vector<16xi32>,
      %gather3A_119 = tpu.vector_load_idx %arg9[%get3A_118] : memref<10000xf32, #tpu.memory_space<vmem>>[vector<16xi32>], vector<16xf32>,
      %get3A_120 = arith.constant 0 : i32
      %get3A_121 = arith.index_cast %get3A_120 : i32 to index
      %get3A_122 = arith.constant 16 : index
      %get3A_123 = tpu.vector_load %arg12[%get3A_121, %get3A_122] {strides = array<i32>} : memref<2x128xf32, #tpu.memory_space<vmem>>, vector<16xf32>,
      %add3A_124 = arith.constant 1.000000e-16 : f32
      %add3A_125 = vector.broadcast %add3A_124 : f32 to vector<16xf32>
      %add3A_126 = arith.addf %gather3A_119, %add3A_125 : vector<16xf32>
      %div3A_127 = arith.divf %get3A_123, %add3A_126 : vector<16xf32>
      %swap3A_128 = arith.constant 0 : i32
      %swap3A_129 = arith.index_cast %swap3A_128 : i32 to index
      %swap3A_130 = arith.constant 16 : index
      %swap3A_131 = tpu.vector_load %arg13[%swap3A_129, %swap3A_130] {strides = array<i32>} : memref<2x128xf32, #tpu.memory_space<vmem>>, vector<16xf32>,
      tpu.vector_store %arg13[%swap3A_129, %swap3A_130], %div3A_127 {strides = array<i32>} : memref<2x128xf32, #tpu.memory_space<vmem>>, vector<16xf32>,
      %swap3A_132 = arith.constant 16 : index
      %swap3A_133 = tpu.vector_load %arg14[%swap3A_132] {strides = array<i32>} : memref<256xf32, #tpu.memory_space<vmem>>, vector<16xf32>,
      tpu.vector_store %arg14[%swap3A_132], %div3A_127 {strides = array<i32>} : memref<256xf32, #tpu.memory_space<vmem>>, vector<16xf32>,
      %get3A_134 = arith.constant 0 : i32
      %get3A_135 = arith.index_cast %get3A_134 : i32 to index
      %get3A_136 = arith.constant 32 : index
      %get3A_137 = tpu.vector_load %arg11[%get3A_135, %get3A_136] {strides = array<i32>} : memref<2x128xi32, #tpu.memory_space<vmem>>, vector<16xi32>,
      %gather3A_138 = tpu.vector_load_idx %arg9[%get3A_137] : memref<10000xf32, #tpu.memory_space<vmem>>[vector<16xi32>], vector<16xf32>,
      %get3A_139 = arith.constant 0 : i32
      %get3A_140 = arith.index_cast %get3A_139 : i32 to index
      %get3A_141 = arith.constant 32 : index
      %get3A_142 = tpu.vector_load %arg12[%get3A_140, %get3A_141] {strides = array<i32>} : memref<2x128xf32, #tpu.memory_space<vmem>>, vector<16xf32>,
      %add3A_143 = arith.constant 1.000000e-16 : f32
      %add3A_144 = vector.broadcast %add3A_143 : f32 to vector<16xf32>
      %add3A_145 = arith.addf %gather3A_138, %add3A_144 : vector<16xf32>
      %div3A_146 = arith.divf %get3A_142, %add3A_145 : vector<16xf32>
      %swap3A_147 = arith.constant 0 : i32
      %swap3A_148 = arith.index_cast %swap3A_147 : i32 to index
      %swap3A_149 = arith.constant 32 : index
      %swap3A_150 = tpu.vector_load %arg13[%swap3A_148, %swap3A_149] {strides = array<i32>} : memref<2x128xf32, #tpu.memory_space<vmem>>, vector<16xf32>,
      tpu.vector_store %arg13[%swap3A_148, %swap3A_149], %div3A_146 {strides = array<i32>} : memref<2x128xf32, #tpu.memory_space<vmem>>, vector<16xf32>,
      %swap3A_151 = arith.constant 32 : index
      %swap3A_152 = tpu.vector_load %arg14[%swap3A_151] {strides = array<i32>} : memref<256xf32, #tpu.memory_space<vmem>>, vector<16xf32>,
      tpu.vector_store %arg14[%swap3A_151], %div3A_146 {strides = array<i32>} : memref<256xf32, #tpu.memory_space<vmem>>, vector<16xf32>,
      %get3A_153 = arith.constant 0 : i32
      %get3A_154 = arith.index_cast %get3A_153 : i32 to index
      %get3A_155 = arith.constant 48 : index
      %get3A_156 = tpu.vector_load %arg11[%get3A_154, %get3A_155] {strides = array<i32>} : memref<2x128xi32, #tpu.memory_space<vmem>>, vector<16xi32>,
      %gather3A_157 = tpu.vector_load_idx %arg9[%get3A_156] : memref<10000xf32, #tpu.memory_space<vmem>>[vector<16xi32>], vector<16xf32>,
      %get3A_158 = arith.constant 0 : i32
      %get3A_159 = arith.index_cast %get3A_158 : i32 to index
      %get3A_160 = arith.constant 48 : index
      %get3A_161 = tpu.vector_load %arg12[%get3A_159, %get3A_160] {strides = array<i32>} : memref<2x128xf32, #tpu.memory_space<vmem>>, vector<16xf32>,
      %add3A_162 = arith.constant 1.000000e-16 : f32
      %add3A_163 = vector.broadcast %add3A_162 : f32 to vector<16xf32>
      %add3A_164 = arith.addf %gather3A_157, %add3A_163 : vector<16xf32>
      %div3A_165 = arith.divf %get3A_161, %add3A_164 : vector<16xf32>
      %swap3A_166 = arith.constant 0 : i32
      %swap3A_167 = arith.index_cast %swap3A_166 : i32 to index
      %swap3A_168 = arith.constant 48 : index
      %swap3A_169 = tpu.vector_load %arg13[%swap3A_167, %swap3A_168] {strides = array<i32>} : memref<2x128xf32, #tpu.memory_space<vmem>>, vector<16xf32>,
      tpu.vector_store %arg13[%swap3A_167, %swap3A_168], %div3A_165 {strides = array<i32>} : memref<2x128xf32, #tpu.memory_space<vmem>>, vector<16xf32>,
      %swap3A_170 = arith.constant 48 : index
      %swap3A_171 = tpu.vector_load %arg14[%swap3A_170] {strides = array<i32>} : memref<256xf32, #tpu.memory_space<vmem>>, vector<16xf32>,
      tpu.vector_store %arg14[%swap3A_170], %div3A_165 {strides = array<i32>} : memref<256xf32, #tpu.memory_space<vmem>>, vector<16xf32>,
      %get3A_172 = arith.constant 0 : i32
      %get3A_173 = arith.index_cast %get3A_172 : i32 to index
      %get3A_174 = arith.constant 64 : index
      %get3A_175 = tpu.vector_load %arg11[%get3A_173, %get3A_174] {strides = array<i32>} : memref<2x128xi32, #tpu.memory_space<vmem>>, vector<16xi32>,
      %gather3A_176 = tpu.vector_load_idx %arg9[%get3A_175] : memref<10000xf32, #tpu.memory_space<vmem>>[vector<16xi32>], vector<16xf32>,
      %get3A_177 = arith.constant 0 : i32
      %get3A_178 = arith.index_cast %get3A_177 : i32 to index
      %get3A_179 = arith.constant 64 : index
      %get3A_180 = tpu.vector_load %arg12[%get3A_178, %get3A_179] {strides = array<i32>} : memref<2x128xf32, #tpu.memory_space<vmem>>, vector<16xf32>,
      %add3A_181 = arith.constant 1.000000e-16 : f32
      %add3A_182 = vector.broadcast %add3A_181 : f32 to vector<16xf32>
      %add3A_183 = arith.addf %gather3A_176, %add3A_182 : vector<16xf32>
      %div3A_184 = arith.divf %get3A_180, %add3A_183 : vector<16xf32>
      %swap3A_185 = arith.constant 0 : i32
      %swap3A_186 = arith.index_cast %swap3A_185 : i32 to index
      %swap3A_187 = arith.constant 64 : index
      %swap3A_188 = tpu.vector_load %arg13[%swap3A_186, %swap3A_187] {strides = array<i32>} : memref<2x128xf32, #tpu.memory_space<vmem>>, vector<16xf32>,
      tpu.vector_store %arg13[%swap3A_186, %swap3A_187], %div3A_184 {strides = array<i32>} : memref<2x128xf32, #tpu.memory_space<vmem>>, vector<16xf32>,
      %swap3A_189 = arith.constant 64 : index
      %swap3A_190 = tpu.vector_load %arg14[%swap3A_189] {strides = array<i32>} : memref<256xf32, #tpu.memory_space<vmem>>, vector<16xf32>,
      tpu.vector_store %arg14[%swap3A_189], %div3A_184 {strides = array<i32>} : memref<256xf32, #tpu.memory_space<vmem>>, vector<16xf32>,
      %get3A_191 = arith.constant 0 : i32
      %get3A_192 = arith.index_cast %get3A_191 : i32 to index
      %get3A_193 = arith.constant 80 : index
      %get3A_194 = tpu.vector_load %arg11[%get3A_192, %get3A_193] {strides = array<i32>} : memref<2x128xi32, #tpu.memory_space<vmem>>, vector<16xi32>,
      %gather3A_195 = tpu.vector_load_idx %arg9[%get3A_194] : memref<10000xf32, #tpu.memory_space<vmem>>[vector<16xi32>], vector<16xf32>,
      %get3A_196 = arith.constant 0 : i32
      %get3A_197 = arith.index_cast %get3A_196 : i32 to index
      %get3A_198 = arith.constant 80 : index
      %get3A_199 = tpu.vector_load %arg12[%get3A_197, %get3A_198] {strides = array<i32>} : memref<2x128xf32, #tpu.memory_space<vmem>>, vector<16xf32>,
      %add3A_200 = arith.constant 1.000000e-16 : f32
      %add3A_201 = vector.broadcast %add3A_200 : f32 to vector<16xf32>
      %add3A_202 = arith.addf %gather3A_195, %add3A_201 : vector<16xf32>
      %div3A_203 = arith.divf %get3A_199, %add3A_202 : vector<16xf32>
      %swap3A_204 = arith.constant 0 : i32
      %swap3A_205 = arith.index_cast %swap3A_204 : i32 to index
      %swap3A_206 = arith.constant 80 : index
      %swap3A_207 = tpu.vector_load %arg13[%swap3A_205, %swap3A_206] {strides = array<i32>} : memref<2x128xf32, #tpu.memory_space<vmem>>, vector<16xf32>,
      tpu.vector_store %arg13[%swap3A_205, %swap3A_206], %div3A_203 {strides = array<i32>} : memref<2x128xf32, #tpu.memory_space<vmem>>, vector<16xf32>,
      %swap3A_208 = arith.constant 80 : index
      %swap3A_209 = tpu.vector_load %arg14[%swap3A_208] {strides = array<i32>} : memref<256xf32, #tpu.memory_space<vmem>>, vector<16xf32>,
      tpu.vector_store %arg14[%swap3A_208], %div3A_203 {strides = array<i32>} : memref<256xf32, #tpu.memory_space<vmem>>, vector<16xf32>,
      %get3A_210 = arith.constant 0 : i32
      %get3A_211 = arith.index_cast %get3A_210 : i32 to index
      %get3A_212 = arith.constant 96 : index
      %get3A_213 = tpu.vector_load %arg11[%get3A_211, %get3A_212] {strides = array<i32>} : memref<2x128xi32, #tpu.memory_space<vmem>>, vector<16xi32>,
      %gather3A_214 = tpu.vector_load_idx %arg9[%get3A_213] : memref<10000xf32, #tpu.memory_space<vmem>>[vector<16xi32>], vector<16xf32>,
      %get3A_215 = arith.constant 0 : i32
      %get3A_216 = arith.index_cast %get3A_215 : i32 to index
      %get3A_217 = arith.constant 96 : index
      %get3A_218 = tpu.vector_load %arg12[%get3A_216, %get3A_217] {strides = array<i32>} : memref<2x128xf32, #tpu.memory_space<vmem>>, vector<16xf32>,
      %add3A_219 = arith.constant 1.000000e-16 : f32
      %add3A_220 = vector.broadcast %add3A_219 : f32 to vector<16xf32>
      %add3A_221 = arith.addf %gather3A_214, %add3A_220 : vector<16xf32>
      %div3A_222 = arith.divf %get3A_218, %add3A_221 : vector<16xf32>
      %swap3A_223 = arith.constant 0 : i32
      %swap3A_224 = arith.index_cast %swap3A_223 : i32 to index
      %swap3A_225 = arith.constant 96 : index
      %swap3A_226 = tpu.vector_load %arg13[%swap3A_224, %swap3A_225] {strides = array<i32>} : memref<2x128xf32, #tpu.memory_space<vmem>>, vector<16xf32>,
      tpu.vector_store %arg13[%swap3A_224, %swap3A_225], %div3A_222 {strides = array<i32>} : memref<2x128xf32, #tpu.memory_space<vmem>>, vector<16xf32>,
      %swap3A_227 = arith.constant 96 : index
      %swap3A_228 = tpu.vector_load %arg14[%swap3A_227] {strides = array<i32>} : memref<256xf32, #tpu.memory_space<vmem>>, vector<16xf32>,
      tpu.vector_store %arg14[%swap3A_227], %div3A_222 {strides = array<i32>} : memref<256xf32, #tpu.memory_space<vmem>>, vector<16xf32>,
      %get3A_229 = arith.constant 0 : i32
      %get3A_230 = arith.index_cast %get3A_229 : i32 to index
      %get3A_231 = arith.constant 112 : index
      %get3A_232 = tpu.vector_load %arg11[%get3A_230, %get3A_231] {strides = array<i32>} : memref<2x128xi32, #tpu.memory_space<vmem>>, vector<16xi32>,
      %gather3A_233 = tpu.vector_load_idx %arg9[%get3A_232] : memref<10000xf32, #tpu.memory_space<vmem>>[vector<16xi32>], vector<16xf32>,
      %get3A_234 = arith.constant 0 : i32
      %get3A_235 = arith.index_cast %get3A_234 : i32 to index
      %get3A_236 = arith.constant 112 : index
      %get3A_237 = tpu.vector_load %arg12[%get3A_235, %get3A_236] {strides = array<i32>} : memref<2x128xf32, #tpu.memory_space<vmem>>, vector<16xf32>,
      %add3A_238 = arith.constant 1.000000e-16 : f32
      %add3A_239 = vector.broadcast %add3A_238 : f32 to vector<16xf32>
      %add3A_240 = arith.addf %gather3A_233, %add3A_239 : vector<16xf32>
      %div3A_241 = arith.divf %get3A_237, %add3A_240 : vector<16xf32>
      %swap3A_242 = arith.constant 0 : i32
      %swap3A_243 = arith.index_cast %swap3A_242 : i32 to index
      %swap3A_244 = arith.constant 112 : index
      %swap3A_245 = tpu.vector_load %arg13[%swap3A_243, %swap3A_244] {strides = array<i32>} : memref<2x128xf32, #tpu.memory_space<vmem>>, vector<16xf32>,
      tpu.vector_store %arg13[%swap3A_243, %swap3A_244], %div3A_241 {strides = array<i32>} : memref<2x128xf32, #tpu.memory_space<vmem>>, vector<16xf32>,
      %swap3A_246 = arith.constant 112 : index
      %swap3A_247 = tpu.vector_load %arg14[%swap3A_246] {strides = array<i32>} : memref<256xf32, #tpu.memory_space<vmem>>, vector<16xf32>,
      tpu.vector_store %arg14[%swap3A_246], %div3A_241 {strides = array<i32>} : memref<256xf32, #tpu.memory_space<vmem>>, vector<16xf32>,
      %get3A_248 = arith.constant 1 : i32
      %get3A_249 = arith.index_cast %get3A_248 : i32 to index
      %get3A_250 = arith.constant 0 : index
      %get3A_251 = tpu.vector_load %arg11[%get3A_249, %get3A_250] {strides = array<i32>} : memref<2x128xi32, #tpu.memory_space<vmem>>, vector<16xi32>,
      %gather3A_252 = tpu.vector_load_idx %arg9[%get3A_251] : memref<10000xf32, #tpu.memory_space<vmem>>[vector<16xi32>], vector<16xf32>,
      %get3A_253 = arith.constant 1 : i32
      %get3A_254 = arith.index_cast %get3A_253 : i32 to index
      %get3A_255 = arith.constant 0 : index
      %get3A_256 = tpu.vector_load %arg12[%get3A_254, %get3A_255] {strides = array<i32>} : memref<2x128xf32, #tpu.memory_space<vmem>>, vector<16xf32>,
      %add3A_257 = arith.constant 1.000000e-16 : f32
      %add3A_258 = vector.broadcast %add3A_257 : f32 to vector<16xf32>
      %add3A_259 = arith.addf %gather3A_252, %add3A_258 : vector<16xf32>
      %div3A_260 = arith.divf %get3A_256, %add3A_259 : vector<16xf32>
      %swap3A_261 = arith.constant 1 : i32
      %swap3A_262 = arith.index_cast %swap3A_261 : i32 to index
      %swap3A_263 = arith.constant 0 : index
      %swap3A_264 = tpu.vector_load %arg13[%swap3A_262, %swap3A_263] {strides = array<i32>} : memref<2x128xf32, #tpu.memory_space<vmem>>, vector<16xf32>,
      tpu.vector_store %arg13[%swap3A_262, %swap3A_263], %div3A_260 {strides = array<i32>} : memref<2x128xf32, #tpu.memory_space<vmem>>, vector<16xf32>,
      %swap3A_265 = arith.constant 128 : index
      %swap3A_266 = tpu.vector_load %arg14[%swap3A_265] {strides = array<i32>} : memref<256xf32, #tpu.memory_space<vmem>>, vector<16xf32>,
      tpu.vector_store %arg14[%swap3A_265], %div3A_260 {strides = array<i32>} : memref<256xf32, #tpu.memory_space<vmem>>, vector<16xf32>,
      %get3A_267 = arith.constant 1 : i32
      %get3A_268 = arith.index_cast %get3A_267 : i32 to index
      %get3A_269 = arith.constant 16 : index
      %get3A_270 = tpu.vector_load %arg11[%get3A_268, %get3A_269] {strides = array<i32>} : memref<2x128xi32, #tpu.memory_space<vmem>>, vector<16xi32>,
      %gather3A_271 = tpu.vector_load_idx %arg9[%get3A_270] : memref<10000xf32, #tpu.memory_space<vmem>>[vector<16xi32>], vector<16xf32>,
      %get3A_272 = arith.constant 1 : i32
      %get3A_273 = arith.index_cast %get3A_272 : i32 to index
      %get3A_274 = arith.constant 16 : index
      %get3A_275 = tpu.vector_load %arg12[%get3A_273, %get3A_274] {strides = array<i32>} : memref<2x128xf32, #tpu.memory_space<vmem>>, vector<16xf32>,
      %add3A_276 = arith.constant 1.000000e-16 : f32
      %add3A_277 = vector.broadcast %add3A_276 : f32 to vector<16xf32>
      %add3A_278 = arith.addf %gather3A_271, %add3A_277 : vector<16xf32>
      %div3A_279 = arith.divf %get3A_275, %add3A_278 : vector<16xf32>
      %swap3A_280 = arith.constant 1 : i32
      %swap3A_281 = arith.index_cast %swap3A_280 : i32 to index
      %swap3A_282 = arith.constant 16 : index
      %swap3A_283 = tpu.vector_load %arg13[%swap3A_281, %swap3A_282] {strides = array<i32>} : memref<2x128xf32, #tpu.memory_space<vmem>>, vector<16xf32>,
      tpu.vector_store %arg13[%swap3A_281, %swap3A_282], %div3A_279 {strides = array<i32>} : memref<2x128xf32, #tpu.memory_space<vmem>>, vector<16xf32>,
      %swap3A_284 = arith.constant 144 : index
      %swap3A_285 = tpu.vector_load %arg14[%swap3A_284] {strides = array<i32>} : memref<256xf32, #tpu.memory_space<vmem>>, vector<16xf32>,
      tpu.vector_store %arg14[%swap3A_284], %div3A_279 {strides = array<i32>} : memref<256xf32, #tpu.memory_space<vmem>>, vector<16xf32>,
      %get3A_286 = arith.constant 1 : i32
      %get3A_287 = arith.index_cast %get3A_286 : i32 to index
      %get3A_288 = arith.constant 32 : index
      %get3A_289 = tpu.vector_load %arg11[%get3A_287, %get3A_288] {strides = array<i32>} : memref<2x128xi32, #tpu.memory_space<vmem>>, vector<16xi32>,
      %gather3A_290 = tpu.vector_load_idx %arg9[%get3A_289] : memref<10000xf32, #tpu.memory_space<vmem>>[vector<16xi32>], vector<16xf32>,
      %get3A_291 = arith.constant 1 : i32
      %get3A_292 = arith.index_cast %get3A_291 : i32 to index
      %get3A_293 = arith.constant 32 : index
      %get3A_294 = tpu.vector_load %arg12[%get3A_292, %get3A_293] {strides = array<i32>} : memref<2x128xf32, #tpu.memory_space<vmem>>, vector<16xf32>,
      %add3A_295 = arith.constant 1.000000e-16 : f32
      %add3A_296 = vector.broadcast %add3A_295 : f32 to vector<16xf32>
      %add3A_297 = arith.addf %gather3A_290, %add3A_296 : vector<16xf32>
      %div3A_298 = arith.divf %get3A_294, %add3A_297 : vector<16xf32>
      %swap3A_299 = arith.constant 1 : i32
      %swap3A_300 = arith.index_cast %swap3A_299 : i32 to index
      %swap3A_301 = arith.constant 32 : index
      %swap3A_302 = tpu.vector_load %arg13[%swap3A_300, %swap3A_301] {strides = array<i32>} : memref<2x128xf32, #tpu.memory_space<vmem>>, vector<16xf32>,
      tpu.vector_store %arg13[%swap3A_300, %swap3A_301], %div3A_298 {strides = array<i32>} : memref<2x128xf32, #tpu.memory_space<vmem>>, vector<16xf32>,
      %swap3A_303 = arith.constant 160 : index
      %swap3A_304 = tpu.vector_load %arg14[%swap3A_303] {strides = array<i32>} : memref<256xf32, #tpu.memory_space<vmem>>, vector<16xf32>,
      tpu.vector_store %arg14[%swap3A_303], %div3A_298 {strides = array<i32>} : memref<256xf32, #tpu.memory_space<vmem>>, vector<16xf32>,
      %get3A_305 = arith.constant 1 : i32
      %get3A_306 = arith.index_cast %get3A_305 : i32 to index
      %get3A_307 = arith.constant 48 : index
      %get3A_308 = tpu.vector_load %arg11[%get3A_306, %get3A_307] {strides = array<i32>} : memref<2x128xi32, #tpu.memory_space<vmem>>, vector<16xi32>,
      %gather3A_309 = tpu.vector_load_idx %arg9[%get3A_308] : memref<10000xf32, #tpu.memory_space<vmem>>[vector<16xi32>], vector<16xf32>,
      %get3A_310 = arith.constant 1 : i32
      %get3A_311 = arith.index_cast %get3A_310 : i32 to index
      %get3A_312 = arith.constant 48 : index
      %get3A_313 = tpu.vector_load %arg12[%get3A_311, %get3A_312] {strides = array<i32>} : memref<2x128xf32, #tpu.memory_space<vmem>>, vector<16xf32>,
      %add3A_314 = arith.constant 1.000000e-16 : f32
      %add3A_315 = vector.broadcast %add3A_314 : f32 to vector<16xf32>
      %add3A_316 = arith.addf %gather3A_309, %add3A_315 : vector<16xf32>
      %div3A_317 = arith.divf %get3A_313, %add3A_316 : vector<16xf32>
      %swap3A_318 = arith.constant 1 : i32
      %swap3A_319 = arith.index_cast %swap3A_318 : i32 to index
      %swap3A_320 = arith.constant 48 : index
      %swap3A_321 = tpu.vector_load %arg13[%swap3A_319, %swap3A_320] {strides = array<i32>} : memref<2x128xf32, #tpu.memory_space<vmem>>, vector<16xf32>,
      tpu.vector_store %arg13[%swap3A_319, %swap3A_320], %div3A_317 {strides = array<i32>} : memref<2x128xf32, #tpu.memory_space<vmem>>, vector<16xf32>,
      %swap3A_322 = arith.constant 176 : index
      %swap3A_323 = tpu.vector_load %arg14[%swap3A_322] {strides = array<i32>} : memref<256xf32, #tpu.memory_space<vmem>>, vector<16xf32>,
      tpu.vector_store %arg14[%swap3A_322], %div3A_317 {strides = array<i32>} : memref<256xf32, #tpu.memory_space<vmem>>, vector<16xf32>,
      %get3A_324 = arith.constant 1 : i32
      %get3A_325 = arith.index_cast %get3A_324 : i32 to index
      %get3A_326 = arith.constant 64 : index
      %get3A_327 = tpu.vector_load %arg11[%get3A_325, %get3A_326] {strides = array<i32>} : memref<2x128xi32, #tpu.memory_space<vmem>>, vector<16xi32>,
      %gather3A_328 = tpu.vector_load_idx %arg9[%get3A_327] : memref<10000xf32, #tpu.memory_space<vmem>>[vector<16xi32>], vector<16xf32>,
      %get3A_329 = arith.constant 1 : i32
      %get3A_330 = arith.index_cast %get3A_329 : i32 to index
      %get3A_331 = arith.constant 64 : index
      %get3A_332 = tpu.vector_load %arg12[%get3A_330, %get3A_331] {strides = array<i32>} : memref<2x128xf32, #tpu.memory_space<vmem>>, vector<16xf32>,
      %add3A_333 = arith.constant 1.000000e-16 : f32
      %add3A_334 = vector.broadcast %add3A_333 : f32 to vector<16xf32>
      %add3A_335 = arith.addf %gather3A_328, %add3A_334 : vector<16xf32>
      %div3A_336 = arith.divf %get3A_332, %add3A_335 : vector<16xf32>
      %swap3A_337 = arith.constant 1 : i32
      %swap3A_338 = arith.index_cast %swap3A_337 : i32 to index
      %swap3A_339 = arith.constant 64 : index
      %swap3A_340 = tpu.vector_load %arg13[%swap3A_338, %swap3A_339] {strides = array<i32>} : memref<2x128xf32, #tpu.memory_space<vmem>>, vector<16xf32>,
      tpu.vector_store %arg13[%swap3A_338, %swap3A_339], %div3A_336 {strides = array<i32>} : memref<2x128xf32, #tpu.memory_space<vmem>>, vector<16xf32>,
      %swap3A_341 = arith.constant 192 : index
      %swap3A_342 = tpu.vector_load %arg14[%swap3A_341] {strides = array<i32>} : memref<256xf32, #tpu.memory_space<vmem>>, vector<16xf32>,
      tpu.vector_store %arg14[%swap3A_341], %div3A_336 {strides = array<i32>} : memref<256xf32, #tpu.memory_space<vmem>>, vector<16xf32>,
      %get3A_343 = arith.constant 1 : i32
      %get3A_344 = arith.index_cast %get3A_343 : i32 to index
      %get3A_345 = arith.constant 80 : index
      %get3A_346 = tpu.vector_load %arg11[%get3A_344, %get3A_345] {strides = array<i32>} : memref<2x128xi32, #tpu.memory_space<vmem>>, vector<16xi32>,
      %gather3A_347 = tpu.vector_load_idx %arg9[%get3A_346] : memref<10000xf32, #tpu.memory_space<vmem>>[vector<16xi32>], vector<16xf32>,
      %get3A_348 = arith.constant 1 : i32
      %get3A_349 = arith.index_cast %get3A_348 : i32 to index
      %get3A_350 = arith.constant 80 : index
      %get3A_351 = tpu.vector_load %arg12[%get3A_349, %get3A_350] {strides = array<i32>} : memref<2x128xf32, #tpu.memory_space<vmem>>, vector<16xf32>,
      %add3A_352 = arith.constant 1.000000e-16 : f32
      %add3A_353 = vector.broadcast %add3A_352 : f32 to vector<16xf32>
      %add3A_354 = arith.addf %gather3A_347, %add3A_353 : vector<16xf32>
      %div3A_355 = arith.divf %get3A_351, %add3A_354 : vector<16xf32>
      %swap3A_356 = arith.constant 1 : i32
      %swap3A_357 = arith.index_cast %swap3A_356 : i32 to index
      %swap3A_358 = arith.constant 80 : index
      %swap3A_359 = tpu.vector_load %arg13[%swap3A_357, %swap3A_358] {strides = array<i32>} : memref<2x128xf32, #tpu.memory_space<vmem>>, vector<16xf32>,
      tpu.vector_store %arg13[%swap3A_357, %swap3A_358], %div3A_355 {strides = array<i32>} : memref<2x128xf32, #tpu.memory_space<vmem>>, vector<16xf32>,
      %swap3A_360 = arith.constant 208 : index
      %swap3A_361 = tpu.vector_load %arg14[%swap3A_360] {strides = array<i32>} : memref<256xf32, #tpu.memory_space<vmem>>, vector<16xf32>,
      tpu.vector_store %arg14[%swap3A_360], %div3A_355 {strides = array<i32>} : memref<256xf32, #tpu.memory_space<vmem>>, vector<16xf32>,
      %get3A_362 = arith.constant 1 : i32
      %get3A_363 = arith.index_cast %get3A_362 : i32 to index
      %get3A_364 = arith.constant 96 : index
      %get3A_365 = tpu.vector_load %arg11[%get3A_363, %get3A_364] {strides = array<i32>} : memref<2x128xi32, #tpu.memory_space<vmem>>, vector<16xi32>,
      %gather3A_366 = tpu.vector_load_idx %arg9[%get3A_365] : memref<10000xf32, #tpu.memory_space<vmem>>[vector<16xi32>], vector<16xf32>,
      %get3A_367 = arith.constant 1 : i32
      %get3A_368 = arith.index_cast %get3A_367 : i32 to index
      %get3A_369 = arith.constant 96 : index
      %get3A_370 = tpu.vector_load %arg12[%get3A_368, %get3A_369] {strides = array<i32>} : memref<2x128xf32, #tpu.memory_space<vmem>>, vector<16xf32>,
      %add3A_371 = arith.constant 1.000000e-16 : f32
      %add3A_372 = vector.broadcast %add3A_371 : f32 to vector<16xf32>
      %add3A_373 = arith.addf %gather3A_366, %add3A_372 : vector<16xf32>
      %div3A_374 = arith.divf %get3A_370, %add3A_373 : vector<16xf32>
      %swap3A_375 = arith.constant 1 : i32
      %swap3A_376 = arith.index_cast %swap3A_375 : i32 to index
      %swap3A_377 = arith.constant 96 : index
      %swap3A_378 = tpu.vector_load %arg13[%swap3A_376, %swap3A_377] {strides = array<i32>} : memref<2x128xf32, #tpu.memory_space<vmem>>, vector<16xf32>,
      tpu.vector_store %arg13[%swap3A_376, %swap3A_377], %div3A_374 {strides = array<i32>} : memref<2x128xf32, #tpu.memory_space<vmem>>, vector<16xf32>,
      %swap3A_379 = arith.constant 224 : index
      %swap3A_380 = tpu.vector_load %arg14[%swap3A_379] {strides = array<i32>} : memref<256xf32, #tpu.memory_space<vmem>>, vector<16xf32>,
      tpu.vector_store %arg14[%swap3A_379], %div3A_374 {strides = array<i32>} : memref<256xf32, #tpu.memory_space<vmem>>, vector<16xf32>,
      %get3A_381 = arith.constant 1 : i32
      %get3A_382 = arith.index_cast %get3A_381 : i32 to index
      %get3A_383 = arith.constant 112 : index
      %get3A_384 = tpu.vector_load %arg11[%get3A_382, %get3A_383] {strides = array<i32>} : memref<2x128xi32, #tpu.memory_space<vmem>>, vector<16xi32>,
      %gather3A_385 = tpu.vector_load_idx %arg9[%get3A_384] : memref<10000xf32, #tpu.memory_space<vmem>>[vector<16xi32>], vector<16xf32>,
      %get3A_386 = arith.constant 1 : i32
      %get3A_387 = arith.index_cast %get3A_386 : i32 to index
      %get3A_388 = arith.constant 112 : index
      %get3A_389 = tpu.vector_load %arg12[%get3A_387, %get3A_388] {strides = array<i32>} : memref<2x128xf32, #tpu.memory_space<vmem>>, vector<16xf32>,
      %add3A_390 = arith.constant 1.000000e-16 : f32
      %add3A_391 = vector.broadcast %add3A_390 : f32 to vector<16xf32>
      %add3A_392 = arith.addf %gather3A_385, %add3A_391 : vector<16xf32>
      %div3A_393 = arith.divf %get3A_389, %add3A_392 : vector<16xf32>
      %swap3A_394 = arith.constant 1 : i32
      %swap3A_395 = arith.index_cast %swap3A_394 : i32 to index
      %swap3A_396 = arith.constant 112 : index
      %swap3A_397 = tpu.vector_load %arg13[%swap3A_395, %swap3A_396] {strides = array<i32>} : memref<2x128xf32, #tpu.memory_space<vmem>>, vector<16xf32>,
      tpu.vector_store %arg13[%swap3A_395, %swap3A_396], %div3A_393 {strides = array<i32>} : memref<2x128xf32, #tpu.memory_space<vmem>>, vector<16xf32>,
      %swap3A_398 = arith.constant 240 : index
      %swap3A_399 = tpu.vector_load %arg14[%swap3A_398] {strides = array<i32>} : memref<256xf32, #tpu.memory_space<vmem>>, vector<16xf32>,
      tpu.vector_store %arg14[%swap3A_398], %div3A_393 {strides = array<i32>} : memref<256xf32, #tpu.memory_space<vmem>>, vector<16xf32>,
      %scan3A_400 = arith.constant 0 : i32
      %scan3A_401 = arith.constant 0 : i32
      %scan3A_402 = arith.constant 256 : i32
      %scan3A_403 = arith.addi %scan3A_401, %scan3A_402 : i32
      %scan3A_404 = arith.constant 1 : i32
      scf.for %scan3A_408 = %scan3A_401 to %scan3A_403 step %scan3A_404  : i32 {
        %broadcast_in_dim3A = arith.constant 0 : i32
        %broadcast_in_dim3A_409 = vector.broadcast %broadcast_in_dim3A : i32 to vector<16xi32>
        %add3A_410 = vector.broadcast %scan3A_408 : i32 to vector<16xi32>
        %add3A_411 = arith.addi %broadcast_in_dim3A_409, %add3A_410 : vector<16xi32>
        %gather3A_412 = tpu.vector_load_idx %arg14[%add3A_411] : memref<256xf32, #tpu.memory_space<vmem>>[vector<16xi32>], vector<16xf32>,
        %get3A_413 = arith.index_cast %scan3A_408 : i32 to index
        %get3A_414 = arith.constant 0 : index
        %get3A_415 = tpu.vector_load %arg15[%get3A_413, %get3A_414] {strides = array<i32>} : memref<256x128xf32, #tpu.memory_space<vmem>>, vector<16xf32>,
        %mul3A_416 = arith.mulf %get3A_415, %gather3A_412 : vector<16xf32>
        %swap3A_417 = arith.index_cast %scan3A_408 : i32 to index
        %swap3A_418 = arith.constant 0 : index
        %swap3A_419 = tpu.vector_load %arg15[%swap3A_417, %swap3A_418] {strides = array<i32>} : memref<256x128xf32, #tpu.memory_space<vmem>>, vector<16xf32>,
        tpu.vector_store %arg15[%swap3A_417, %swap3A_418], %mul3A_416 {strides = array<i32>} : memref<256x128xf32, #tpu.memory_space<vmem>>, vector<16xf32>,
        %get3A_420 = arith.index_cast %scan3A_408 : i32 to index
        %get3A_421 = arith.constant 16 : index
        %get3A_422 = tpu.vector_load %arg15[%get3A_420, %get3A_421] {strides = array<i32>} : memref<256x128xf32, #tpu.memory_space<vmem>>, vector<16xf32>,
        %mul3A_423 = arith.mulf %get3A_422, %gather3A_412 : vector<16xf32>
        %swap3A_424 = arith.index_cast %scan3A_408 : i32 to index
        %swap3A_425 = arith.constant 16 : index
        %swap3A_426 = tpu.vector_load %arg15[%swap3A_424, %swap3A_425] {strides = array<i32>} : memref<256x128xf32, #tpu.memory_space<vmem>>, vector<16xf32>,
        tpu.vector_store %arg15[%swap3A_424, %swap3A_425], %mul3A_423 {strides = array<i32>} : memref<256x128xf32, #tpu.memory_space<vmem>>, vector<16xf32>,
        %get3A_427 = arith.index_cast %scan3A_408 : i32 to index
        %get3A_428 = arith.constant 32 : index
        %get3A_429 = tpu.vector_load %arg15[%get3A_427, %get3A_428] {strides = array<i32>} : memref<256x128xf32, #tpu.memory_space<vmem>>, vector<16xf32>,
        %mul3A_430 = arith.mulf %get3A_429, %gather3A_412 : vector<16xf32>
        %swap3A_431 = arith.index_cast %scan3A_408 : i32 to index
        %swap3A_432 = arith.constant 32 : index
        %swap3A_433 = tpu.vector_load %arg15[%swap3A_431, %swap3A_432] {strides = array<i32>} : memref<256x128xf32, #tpu.memory_space<vmem>>, vector<16xf32>,
        tpu.vector_store %arg15[%swap3A_431, %swap3A_432], %mul3A_430 {strides = array<i32>} : memref<256x128xf32, #tpu.memory_space<vmem>>, vector<16xf32>,
        %get3A_434 = arith.index_cast %scan3A_408 : i32 to index
        %get3A_435 = arith.constant 48 : index
        %get3A_436 = tpu.vector_load %arg15[%get3A_434, %get3A_435] {strides = array<i32>} : memref<256x128xf32, #tpu.memory_space<vmem>>, vector<16xf32>,
        %mul3A_437 = arith.mulf %get3A_436, %gather3A_412 : vector<16xf32>
        %swap3A_438 = arith.index_cast %scan3A_408 : i32 to index
        %swap3A_439 = arith.constant 48 : index
        %swap3A_440 = tpu.vector_load %arg15[%swap3A_438, %swap3A_439] {strides = array<i32>} : memref<256x128xf32, #tpu.memory_space<vmem>>, vector<16xf32>,
        tpu.vector_store %arg15[%swap3A_438, %swap3A_439], %mul3A_437 {strides = array<i32>} : memref<256x128xf32, #tpu.memory_space<vmem>>, vector<16xf32>,
        %get3A_441 = arith.index_cast %scan3A_408 : i32 to index
        %get3A_442 = arith.constant 64 : index
        %get3A_443 = tpu.vector_load %arg15[%get3A_441, %get3A_442] {strides = array<i32>} : memref<256x128xf32, #tpu.memory_space<vmem>>, vector<16xf32>,
        %mul3A_444 = arith.mulf %get3A_443, %gather3A_412 : vector<16xf32>
        %swap3A_445 = arith.index_cast %scan3A_408 : i32 to index
        %swap3A_446 = arith.constant 64 : index
        %swap3A_447 = tpu.vector_load %arg15[%swap3A_445, %swap3A_446] {strides = array<i32>} : memref<256x128xf32, #tpu.memory_space<vmem>>, vector<16xf32>,
        tpu.vector_store %arg15[%swap3A_445, %swap3A_446], %mul3A_444 {strides = array<i32>} : memref<256x128xf32, #tpu.memory_space<vmem>>, vector<16xf32>,
        %get3A_448 = arith.index_cast %scan3A_408 : i32 to index
        %get3A_449 = arith.constant 80 : index
        %get3A_450 = tpu.vector_load %arg15[%get3A_448, %get3A_449] {strides = array<i32>} : memref<256x128xf32, #tpu.memory_space<vmem>>, vector<16xf32>,
        %mul3A_451 = arith.mulf %get3A_450, %gather3A_412 : vector<16xf32>
        %swap3A_452 = arith.index_cast %scan3A_408 : i32 to index
        %swap3A_453 = arith.constant 80 : index
        %swap3A_454 = tpu.vector_load %arg15[%swap3A_452, %swap3A_453] {strides = array<i32>} : memref<256x128xf32, #tpu.memory_space<vmem>>, vector<16xf32>,
        tpu.vector_store %arg15[%swap3A_452, %swap3A_453], %mul3A_451 {strides = array<i32>} : memref<256x128xf32, #tpu.memory_space<vmem>>, vector<16xf32>,
        %get3A_455 = arith.index_cast %scan3A_408 : i32 to index
        %get3A_456 = arith.constant 96 : index
        %get3A_457 = tpu.vector_load %arg15[%get3A_455, %get3A_456] {strides = array<i32>} : memref<256x128xf32, #tpu.memory_space<vmem>>, vector<16xf32>,
        %mul3A_458 = arith.mulf %get3A_457, %gather3A_412 : vector<16xf32>
        %swap3A_459 = arith.index_cast %scan3A_408 : i32 to index
        %swap3A_460 = arith.constant 96 : index
        %swap3A_461 = tpu.vector_load %arg15[%swap3A_459, %swap3A_460] {strides = array<i32>} : memref<256x128xf32, #tpu.memory_space<vmem>>, vector<16xf32>,
        tpu.vector_store %arg15[%swap3A_459, %swap3A_460], %mul3A_458 {strides = array<i32>} : memref<256x128xf32, #tpu.memory_space<vmem>>, vector<16xf32>,
        %get3A_462 = arith.index_cast %scan3A_408 : i32 to index
        %get3A_463 = arith.constant 112 : index
        %get3A_464 = tpu.vector_load %arg15[%get3A_462, %get3A_463] {strides = array<i32>} : memref<256x128xf32, #tpu.memory_space<vmem>>, vector<16xf32>,
        %mul3A_465 = arith.mulf %get3A_464, %gather3A_412 : vector<16xf32>
        %swap3A_466 = arith.index_cast %scan3A_408 : i32 to index
        %swap3A_467 = arith.constant 112 : index
        %swap3A_468 = tpu.vector_load %arg15[%swap3A_466, %swap3A_467] {strides = array<i32>} : memref<256x128xf32, #tpu.memory_space<vmem>>, vector<16xf32>,
        tpu.vector_store %arg15[%swap3A_466, %swap3A_467], %mul3A_465 {strides = array<i32>} : memref<256x128xf32, #tpu.memory_space<vmem>>, vector<16xf32>,
      }
      %scan3A_405 = arith.constant 256 : i32
      "tpu.region"() ({
        %run_scoped3A_408 = tpu.sem_alloc : memref<!tpu.dma_semaphore, #tpu.memory_space<semaphore_mem>>
        %dma_start3A_409 = arith.constant 0 : i32
        %dma_start3A_410 = tpu.memref_slice %arg7[%add3A_37, %dma_start3A_409] : memref<2560x128xf32, #tpu.memory_space<hbm>> -> memref<2x128xf32, #tpu.memory_space<hbm>>
        %dma_start3A_411 = arith.constant 0 : i32
        %dma_start3A_412 = tpu.memref_slice %arg7[%add3A_37, %dma_start3A_411] : memref<2560x128xf32, #tpu.memory_space<hbm>> -> memref<2x128xf32, #tpu.memory_space<hbm>>
        tpu.enqueue_dma source(%arg13 : memref<2x128xf32, #tpu.memory_space<vmem>>) target(%dma_start3A_412 : memref<2x128xf32, #tpu.memory_space<hbm>>) target_semaphore(%run_scoped3A_408 : memref<!tpu.dma_semaphore, #tpu.memory_space<semaphore_mem>>)
        %dma_wait3A_413 = arith.constant 0 : i32
        %dma_wait3A_414 = tpu.memref_slice %arg7[%add3A_37, %dma_wait3A_413] : memref<2560x128xf32, #tpu.memory_space<hbm>> -> memref<2x128xf32, #tpu.memory_space<hbm>>
        %dma_wait3A_415 = arith.constant 0 : i32
        %dma_wait3A_416 = tpu.memref_slice %arg7[%add3A_37, %dma_wait3A_415] : memref<2560x128xf32, #tpu.memory_space<hbm>> -> memref<2x128xf32, #tpu.memory_space<hbm>>
        tpu.wait_dma2 semaphore(%run_scoped3A_408 : memref<!tpu.dma_semaphore, #tpu.memory_space<semaphore_mem>>) src(%arg13 : memref<2x128xf32, #tpu.memory_space<vmem>>) dst(%dma_wait3A_416 : memref<2x128xf32, #tpu.memory_space<hbm>>)
        tpu.yield
      }) : () -> ()
      %run_scoped3A_406 = arith.constant 0 : i32
      "tpu.region"() ({
        %run_scoped3A_408 = tpu.sem_alloc : memref<!tpu.dma_semaphore, #tpu.memory_space<semaphore_mem>>
        %dma_start3A_409 = arith.constant 0 : i32
        %dma_start3A_410 = arith.constant 0 : i32
        %dma_start3A_411 = tpu.memref_slice %arg15[%dma_start3A_409, %dma_start3A_410] : memref<256x128xf32, #tpu.memory_space<vmem>> -> memref<128x128xf32, #tpu.memory_space<vmem>>
        %dma_start3A_412 = arith.constant 0 : i32
        %dma_start3A_413 = tpu.memref_slice %arg11[%run_scoped3A_406, %dma_start3A_412] : memref<2x128xi32, #tpu.memory_space<vmem>> -> memref<1x128xi32, #tpu.memory_space<vmem>>
        %dma_start3A_414 = tpu.memref_squeeze %dma_start3A_413 : memref<1x128xi32, #tpu.memory_space<vmem>> -> memref<128xi32, #tpu.memory_space<vmem>>
        %dma_start3A_415 = arith.constant 0 : i32
        %dma_start3A_416 = arith.constant 0 : i32
        %dma_start3A_417 = tpu.memref_slice %arg16[%dma_start3A_415, %dma_start3A_416] : memref<10000x128xf32, #tpu.memory_space<vmem_shared>> -> memref<10000x128xf32, #tpu.memory_space<vmem_shared>>
        tpu.enqueue_indirect_dma source(%dma_start3A_411 : memref<128x128xf32, #tpu.memory_space<vmem>>) target(%dma_start3A_417 : memref<10000x128xf32, #tpu.memory_space<vmem_shared>>) offsets(%dma_start3A_414 : memref<128xi32, #tpu.memory_space<vmem>>) semaphore(%run_scoped3A_408 : memref<!tpu.dma_semaphore, #tpu.memory_space<semaphore_mem>>) {add = true}
        %dma_wait3A_418 = arith.constant 0 : i32
        %dma_wait3A_419 = arith.constant 0 : i32
        %dma_wait3A_420 = tpu.memref_slice %arg15[%dma_wait3A_418, %dma_wait3A_419] : memref<256x128xf32, #tpu.memory_space<vmem>> -> memref<128x128xf32, #tpu.memory_space<vmem>>
        %dma_wait3A_421 = arith.constant 0 : i32
        %dma_wait3A_422 = tpu.memref_slice %arg11[%run_scoped3A_406, %dma_wait3A_421] : memref<2x128xi32, #tpu.memory_space<vmem>> -> memref<1x128xi32, #tpu.memory_space<vmem>>
        %dma_wait3A_423 = tpu.memref_squeeze %dma_wait3A_422 : memref<1x128xi32, #tpu.memory_space<vmem>> -> memref<128xi32, #tpu.memory_space<vmem>>
        %dma_wait3A_424 = arith.constant 0 : i32
        %dma_wait3A_425 = arith.constant 0 : i32
        %dma_wait3A_426 = tpu.memref_slice %arg16[%dma_wait3A_424, %dma_wait3A_425] : memref<10000x128xf32, #tpu.memory_space<vmem_shared>> -> memref<10000x128xf32, #tpu.memory_space<vmem_shared>>
        tpu.wait_indirect_dma semaphore(%run_scoped3A_408 : memref<!tpu.dma_semaphore, #tpu.memory_space<semaphore_mem>>) src(%dma_wait3A_420 : memref<128x128xf32, #tpu.memory_space<vmem>>) dst(%dma_wait3A_426 : memref<10000x128xf32, #tpu.memory_space<vmem_shared>>)
        tpu.yield
      }) : () -> ()
      %run_scoped3A_407 = arith.constant 1 : i32
      "tpu.region"() ({
        %run_scoped3A_408 = tpu.sem_alloc : memref<!tpu.dma_semaphore, #tpu.memory_space<semaphore_mem>>
        %dma_start3A_409 = arith.constant 128 : i32
        %dma_start3A_410 = arith.constant 0 : i32
        %dma_start3A_411 = tpu.memref_slice %arg15[%dma_start3A_409, %dma_start3A_410] : memref<256x128xf32, #tpu.memory_space<vmem>> -> memref<128x128xf32, #tpu.memory_space<vmem>>
        %dma_start3A_412 = arith.constant 0 : i32
        %dma_start3A_413 = tpu.memref_slice %arg11[%run_scoped3A_407, %dma_start3A_412] : memref<2x128xi32, #tpu.memory_space<vmem>> -> memref<1x128xi32, #tpu.memory_space<vmem>>
        %dma_start3A_414 = tpu.memref_squeeze %dma_start3A_413 : memref<1x128xi32, #tpu.memory_space<vmem>> -> memref<128xi32, #tpu.memory_space<vmem>>
        %dma_start3A_415 = arith.constant 0 : i32
        %dma_start3A_416 = arith.constant 0 : i32
        %dma_start3A_417 = tpu.memref_slice %arg16[%dma_start3A_415, %dma_start3A_416] : memref<10000x128xf32, #tpu.memory_space<vmem_shared>> -> memref<10000x128xf32, #tpu.memory_space<vmem_shared>>
        tpu.enqueue_indirect_dma source(%dma_start3A_411 : memref<128x128xf32, #tpu.memory_space<vmem>>) target(%dma_start3A_417 : memref<10000x128xf32, #tpu.memory_space<vmem_shared>>) offsets(%dma_start3A_414 : memref<128xi32, #tpu.memory_space<vmem>>) semaphore(%run_scoped3A_408 : memref<!tpu.dma_semaphore, #tpu.memory_space<semaphore_mem>>) {add = true}
        %dma_wait3A_418 = arith.constant 128 : i32
        %dma_wait3A_419 = arith.constant 0 : i32
        %dma_wait3A_420 = tpu.memref_slice %arg15[%dma_wait3A_418, %dma_wait3A_419] : memref<256x128xf32, #tpu.memory_space<vmem>> -> memref<128x128xf32, #tpu.memory_space<vmem>>
        %dma_wait3A_421 = arith.constant 0 : i32
        %dma_wait3A_422 = tpu.memref_slice %arg11[%run_scoped3A_407, %dma_wait3A_421] : memref<2x128xi32, #tpu.memory_space<vmem>> -> memref<1x128xi32, #tpu.memory_space<vmem>>
        %dma_wait3A_423 = tpu.memref_squeeze %dma_wait3A_422 : memref<1x128xi32, #tpu.memory_space<vmem>> -> memref<128xi32, #tpu.memory_space<vmem>>
        %dma_wait3A_424 = arith.constant 0 : i32
        %dma_wait3A_425 = arith.constant 0 : i32
        %dma_wait3A_426 = tpu.memref_slice %arg16[%dma_wait3A_424, %dma_wait3A_425] : memref<10000x128xf32, #tpu.memory_space<vmem_shared>> -> memref<10000x128xf32, #tpu.memory_space<vmem_shared>>
        tpu.wait_indirect_dma semaphore(%run_scoped3A_408 : memref<!tpu.dma_semaphore, #tpu.memory_space<semaphore_mem>>) src(%dma_wait3A_420 : memref<128x128xf32, #tpu.memory_space<vmem>>) dst(%dma_wait3A_426 : memref<10000x128xf32, #tpu.memory_space<vmem_shared>>)
        tpu.yield
      }) : () -> ()
    }
    %barrier3A_31 = arith.constant 0 : index
    tpu.barrier barrier_id(%barrier3A_31)
    %lt3A = arith.constant 10 : i32
    %lt3A_32 = arith.cmpi slt, %arg1, %lt3A : i32
    %convert_element_type3A = arith.extui %lt3A_32 : i1 to i32
    %cond3A = arith.constant 0 : i32
    %cond3A_33 = arith.cmpi ne, %convert_element_type3A, %cond3A : i32
    scf.if %cond3A_33 {
      %mul3A_34 = arith.constant 1000 : i32
      %mul3A_35 = arith.muli %arg1, %mul3A_34 : i32
      %mul3A_36 = arith.constant 1000 : i32
      %mul3A_37 = arith.muli %arg1, %mul3A_36 : i32
      "tpu.region"() ({
        %run_scoped3A_38 = tpu.sem_alloc : memref<!tpu.dma_semaphore, #tpu.memory_space<semaphore_mem>>
        %dma_start3A = arith.constant 0 : i32
        %dma_start3A_39 = tpu.memref_slice %arg8[%arg0, %mul3A_37, %dma_start3A] : memref<2x10000x128xf32, #tpu.memory_space<hbm>> -> memref<1x1000x128xf32, #tpu.memory_space<hbm>>
        %dma_start3A_40 = tpu.memref_squeeze %dma_start3A_39 : memref<1x1000x128xf32, #tpu.memory_space<hbm>> -> memref<1000x128xf32, #tpu.memory_space<hbm>>
        %dma_start3A_41 = arith.constant 0 : i32
        %dma_start3A_42 = tpu.memref_slice %arg16[%mul3A_35, %dma_start3A_41] : memref<10000x128xf32, #tpu.memory_space<vmem_shared>> -> memref<1000x128xf32, #tpu.memory_space<vmem_shared>>
        tpu.enqueue_dma source(%dma_start3A_42 : memref<1000x128xf32, #tpu.memory_space<vmem_shared>>) target(%dma_start3A_40 : memref<1000x128xf32, #tpu.memory_space<hbm>>) target_semaphore(%run_scoped3A_38 : memref<!tpu.dma_semaphore, #tpu.memory_space<semaphore_mem>>)
        %dma_wait3A = arith.constant 0 : i32
        %dma_wait3A_43 = tpu.memref_slice %arg8[%arg0, %mul3A_37, %dma_wait3A] : memref<2x10000x128xf32, #tpu.memory_space<hbm>> -> memref<1x1000x128xf32, #tpu.memory_space<hbm>>
        %dma_wait3A_44 = tpu.memref_squeeze %dma_wait3A_43 : memref<1x1000x128xf32, #tpu.memory_space<hbm>> -> memref<1000x128xf32, #tpu.memory_space<hbm>>
        %dma_wait3A_45 = arith.constant 0 : i32
        %dma_wait3A_46 = tpu.memref_slice %arg16[%mul3A_35, %dma_wait3A_45] : memref<10000x128xf32, #tpu.memory_space<vmem_shared>> -> memref<1000x128xf32, #tpu.memory_space<vmem_shared>>
        tpu.wait_dma2 semaphore(%run_scoped3A_38 : memref<!tpu.dma_semaphore, #tpu.memory_space<semaphore_mem>>) src(%dma_wait3A_46 : memref<1000x128xf32, #tpu.memory_space<vmem_shared>>) dst(%dma_wait3A_44 : memref<1000x128xf32, #tpu.memory_space<hbm>>)
        tpu.yield
      }) : () -> ()
    } else {
    }
    return
  }
}

module attributes {stable_mosaic.version = 14 : i64} {
  func.func @_edge_mlp_body(%arg0: i32, %arg1: memref<4x8192xf32, #tpu.memory_space<vmem>>, %arg2: memref<128x4xf32, #tpu.memory_space<vmem>>, %arg3: memref<128x1xf32, #tpu.memory_space<vmem>>, %arg4: memref<1x128xf32, #tpu.memory_space<vmem>>, %arg5: memref<1x1xf32, #tpu.memory_space<vmem>>, %arg6: memref<1x4xf32, #tpu.memory_space<vmem>>, %arg7: memref<1x1xf32, #tpu.memory_space<vmem>>, %arg8: memref<8x8192xf32, #tpu.memory_space<vmem>>) attributes {dimension_semantics = [#tpu.dimension_semantics<arbitrary>], iteration_bounds = array<i64: 40>, scalar_prefetch = 0 : i64, scratch_operands = 0 : i64, tpu.core_type = #tpu.core_type<tc>, window_params = [{transform_indices = @transform_0, window_bounds = array<i64: 4, 8192>}, {pipeline_mode = #tpu.pipeline_mode<synchronous>, transform_indices = @transform_1, window_bounds = array<i64: 128, 4>}, {pipeline_mode = #tpu.pipeline_mode<synchronous>, transform_indices = @transform_2, window_bounds = array<i64: 128, 1>}, {pipeline_mode = #tpu.pipeline_mode<synchronous>, transform_indices = @transform_3, window_bounds = array<i64: 1, 128>}, {pipeline_mode = #tpu.pipeline_mode<synchronous>, transform_indices = @transform_4, window_bounds = array<i64: 1, 1>}, {pipeline_mode = #tpu.pipeline_mode<synchronous>, transform_indices = @transform_5, window_bounds = array<i64: 1, 4>}, {pipeline_mode = #tpu.pipeline_mode<synchronous>, transform_indices = @transform_6, window_bounds = array<i64: 1, 1>}, {transform_indices = @transform_7, window_bounds = array<i64: 8, 8192>}]} {
    %get3A = arith.constant 0 : index
    %get3A_0 = arith.constant 0 : index
    %get3A_1 = vector.load %arg1[%get3A, %get3A_0] : memref<4x8192xf32, #tpu.memory_space<vmem>>, vector<4x8192xf32>
    %get3A_2 = arith.constant 0 : index
    %get3A_3 = arith.constant 0 : index
    %get3A_4 = vector.load %arg2[%get3A_2, %get3A_3] : memref<128x4xf32, #tpu.memory_space<vmem>>, vector<128x4xf32>
    %dot_general3A = arith.constant dense<0.000000e+00> : vector<128x8192xf32>
    %dot_general3A_5 = tpu.matmul %get3A_4, %get3A_1, %dot_general3A {dimension_numbers = #tpu.dot_dimension_numbers<[1], [0], [0], [1], [0, 0, 1, 1], [], []>, transpose_lhs_hint = false} : vector<128x4xf32>, vector<4x8192xf32>, vector<128x8192xf32> -> vector<128x8192xf32>
    %get3A_6 = arith.constant 0 : index
    %get3A_7 = arith.constant 0 : index
    %get3A_8 = vector.load %arg3[%get3A_6, %get3A_7] : memref<128x1xf32, #tpu.memory_space<vmem>>, vector<128x1xf32>
    %add3A = vector.broadcast %get3A_8 : vector<128x1xf32> to vector<128x8192xf32>
    %add3A_9 = arith.addf %dot_general3A_5, %add3A : vector<128x8192xf32>
    %max3A = arith.constant 0.000000e+00 : f32
    %max3A_10 = vector.broadcast %max3A : f32 to vector<128x8192xf32>
    %max3A_11 = arith.maximumf %add3A_9, %max3A_10 : vector<128x8192xf32>
    %get3A_12 = arith.constant 0 : index
    %get3A_13 = arith.constant 0 : index
    %get3A_14 = vector.load %arg4[%get3A_12, %get3A_13] : memref<1x128xf32, #tpu.memory_space<vmem>>, vector<1x128xf32>
    %dot_general3A_15 = arith.constant dense<0.000000e+00> : vector<1x8192xf32>
    %dot_general3A_16 = tpu.matmul %get3A_14, %max3A_11, %dot_general3A_15 {dimension_numbers = #tpu.dot_dimension_numbers<[1], [0], [0], [1], [0, 0, 1, 1], [], []>, transpose_lhs_hint = false} : vector<1x128xf32>, vector<128x8192xf32>, vector<1x8192xf32> -> vector<1x8192xf32>
    %get3A_17 = arith.constant 0 : index
    %get3A_18 = arith.constant 0 : index
    %get3A_19 = vector.load %arg5[%get3A_17, %get3A_18] : memref<1x1xf32, #tpu.memory_space<vmem>>, vector<1x1xf32>
    %add3A_20 = vector.broadcast %get3A_19 : vector<1x1xf32> to vector<1x8192xf32>
    %add3A_21 = arith.addf %dot_general3A_16, %add3A_20 : vector<1x8192xf32>
    %get3A_22 = arith.constant 0 : index
    %get3A_23 = arith.constant 0 : index
    %get3A_24 = vector.load %arg6[%get3A_22, %get3A_23] : memref<1x4xf32, #tpu.memory_space<vmem>>, vector<1x4xf32>
    %dot_general3A_25 = arith.constant dense<0.000000e+00> : vector<1x8192xf32>
    %dot_general3A_26 = tpu.matmul %get3A_24, %get3A_1, %dot_general3A_25 {dimension_numbers = #tpu.dot_dimension_numbers<[1], [0], [0], [1], [0, 0, 1, 1], [], []>, transpose_lhs_hint = false} : vector<1x4xf32>, vector<4x8192xf32>, vector<1x8192xf32> -> vector<1x8192xf32>
    %get3A_27 = arith.constant 0 : index
    %get3A_28 = arith.constant 0 : index
    %get3A_29 = vector.load %arg7[%get3A_27, %get3A_28] : memref<1x1xf32, #tpu.memory_space<vmem>>, vector<1x1xf32>
    %add3A_30 = vector.broadcast %get3A_29 : vector<1x1xf32> to vector<1x8192xf32>
    %add3A_31 = arith.addf %dot_general3A_26, %add3A_30 : vector<1x8192xf32>
    %broadcast_in_dim3A = arith.constant 0.000000e+00 : f32
    %broadcast_in_dim3A_32 = vector.broadcast %broadcast_in_dim3A : f32 to vector<6x8192xf32>
    %concatenate3A = tpu.concatenate %add3A_21, %add3A_31, %broadcast_in_dim3A_32 in 0 : vector<1x8192xf32>, vector<1x8192xf32>, vector<6x8192xf32> -> vector<8x8192xf32>
    %swap3A = arith.constant 0 : index
    %swap3A_33 = arith.constant 0 : index
    %swap3A_34 = vector.load %arg8[%swap3A, %swap3A_33] : memref<8x8192xf32, #tpu.memory_space<vmem>>, vector<8x8192xf32>
    tpu.vector_store %arg8[%swap3A, %swap3A_33], %concatenate3A {strides = array<i32>} : memref<8x8192xf32, #tpu.memory_space<vmem>>, vector<8x8192xf32>,
    return
  }
  func.func @transform_0(%arg0: i32) -> (i32, i32) {
    %c0_i32 = arith.constant 0 : i32
    %c0_i32_0 = arith.constant 0 : i32
    return %c0_i32, %arg0 : i32, i32
  }
  func.func @transform_1(%arg0: i32) -> (i32, i32) {
    %c0_i32 = arith.constant 0 : i32
    %c0_i32_0 = arith.constant 0 : i32
    %c0_i32_1 = arith.constant 0 : i32
    return %c0_i32, %c0_i32_0 : i32, i32
  }
  func.func @transform_2(%arg0: i32) -> (i32, i32) {
    %c0_i32 = arith.constant 0 : i32
    %c0_i32_0 = arith.constant 0 : i32
    %c0_i32_1 = arith.constant 0 : i32
    return %c0_i32, %c0_i32_0 : i32, i32
  }
  func.func @transform_3(%arg0: i32) -> (i32, i32) {
    %c0_i32 = arith.constant 0 : i32
    %c0_i32_0 = arith.constant 0 : i32
    %c0_i32_1 = arith.constant 0 : i32
    return %c0_i32, %c0_i32_0 : i32, i32
  }
  func.func @transform_4(%arg0: i32) -> (i32, i32) {
    %c0_i32 = arith.constant 0 : i32
    %c0_i32_0 = arith.constant 0 : i32
    %c0_i32_1 = arith.constant 0 : i32
    return %c0_i32, %c0_i32_0 : i32, i32
  }
  func.func @transform_5(%arg0: i32) -> (i32, i32) {
    %c0_i32 = arith.constant 0 : i32
    %c0_i32_0 = arith.constant 0 : i32
    %c0_i32_1 = arith.constant 0 : i32
    return %c0_i32, %c0_i32_0 : i32, i32
  }
  func.func @transform_6(%arg0: i32) -> (i32, i32) {
    %c0_i32 = arith.constant 0 : i32
    %c0_i32_0 = arith.constant 0 : i32
    %c0_i32_1 = arith.constant 0 : i32
    return %c0_i32, %c0_i32_0 : i32, i32
  }
  func.func @transform_7(%arg0: i32) -> (i32, i32) {
    %c0_i32 = arith.constant 0 : i32
    %c0_i32_0 = arith.constant 0 : i32
    return %c0_i32, %arg0 : i32, i32
  }
}

module attributes {stable_mosaic.version = 14 : i64} {
  func.func @_node_tables_body(%arg0: i32, %arg1: memref<1000x128xf32, #tpu.memory_space<vmem>>, %arg2: memref<128x128xf32, #tpu.memory_space<vmem>>, %arg3: memref<1x128xf32, #tpu.memory_space<vmem>>, %arg4: memref<128x128xf32, #tpu.memory_space<vmem>>, %arg5: memref<1x128xf32, #tpu.memory_space<vmem>>, %arg6: memref<128x128xf32, #tpu.memory_space<vmem>>, %arg7: memref<1x128xf32, #tpu.memory_space<vmem>>, %arg8: memref<128x128xf32, #tpu.memory_space<vmem>>, %arg9: memref<1x128xf32, #tpu.memory_space<vmem>>, %arg10: memref<128x8xf32, #tpu.memory_space<vmem>>, %arg11: memref<128x8xf32, #tpu.memory_space<vmem>>, %arg12: memref<1000x128xf32, #tpu.memory_space<vmem>>, %arg13: memref<1000x8xf32, #tpu.memory_space<vmem>>) attributes {dimension_semantics = [#tpu.dimension_semantics<arbitrary>], iteration_bounds = array<i64: 10>, scalar_prefetch = 0 : i64, scratch_operands = 0 : i64, tpu.core_type = #tpu.core_type<tc>, window_params = [{transform_indices = @transform_0, window_bounds = array<i64: 1000, 128>}, {pipeline_mode = #tpu.pipeline_mode<synchronous>, transform_indices = @transform_1, window_bounds = array<i64: 128, 128>}, {pipeline_mode = #tpu.pipeline_mode<synchronous>, transform_indices = @transform_2, window_bounds = array<i64: 1, 128>}, {pipeline_mode = #tpu.pipeline_mode<synchronous>, transform_indices = @transform_3, window_bounds = array<i64: 128, 128>}, {pipeline_mode = #tpu.pipeline_mode<synchronous>, transform_indices = @transform_4, window_bounds = array<i64: 1, 128>}, {pipeline_mode = #tpu.pipeline_mode<synchronous>, transform_indices = @transform_5, window_bounds = array<i64: 128, 128>}, {pipeline_mode = #tpu.pipeline_mode<synchronous>, transform_indices = @transform_6, window_bounds = array<i64: 1, 128>}, {pipeline_mode = #tpu.pipeline_mode<synchronous>, transform_indices = @transform_7, window_bounds = array<i64: 128, 128>}, {pipeline_mode = #tpu.pipeline_mode<synchronous>, transform_indices = @transform_8, window_bounds = array<i64: 1, 128>}, {pipeline_mode = #tpu.pipeline_mode<synchronous>, transform_indices = @transform_9, window_bounds = array<i64: 128, 8>}, {pipeline_mode = #tpu.pipeline_mode<synchronous>, transform_indices = @transform_10, window_bounds = array<i64: 128, 8>}, {transform_indices = @transform_11, window_bounds = array<i64: 1000, 128>}, {transform_indices = @transform_12, window_bounds = array<i64: 1000, 8>}]} {
    %get3A = arith.constant 0 : index
    %get3A_0 = arith.constant 0 : index
    %get3A_1 = vector.load %arg1[%get3A, %get3A_0] : memref<1000x128xf32, #tpu.memory_space<vmem>>, vector<1000x128xf32>
    %get3A_2 = arith.constant 0 : index
    %get3A_3 = arith.constant 0 : index
    %get3A_4 = vector.load %arg4[%get3A_2, %get3A_3] : memref<128x128xf32, #tpu.memory_space<vmem>>, vector<128x128xf32>
    %dot_general3A = arith.constant dense<0.000000e+00> : vector<1000x128xf32>
    %dot_general3A_5 = tpu.matmul %get3A_1, %get3A_4, %dot_general3A {dimension_numbers = #tpu.dot_dimension_numbers<[1], [1], [0], [0], [0, 0, 1, 0], [], []>, transpose_lhs_hint = false} : vector<1000x128xf32>, vector<128x128xf32>, vector<1000x128xf32> -> vector<1000x128xf32>
    %get3A_6 = arith.constant 0 : index
    %get3A_7 = arith.constant 0 : index
    %get3A_8 = vector.load %arg5[%get3A_6, %get3A_7] : memref<1x128xf32, #tpu.memory_space<vmem>>, vector<1x128xf32>
    %add3A = vector.broadcast %get3A_8 : vector<1x128xf32> to vector<1000x128xf32>
    %add3A_9 = arith.addf %dot_general3A_5, %add3A : vector<1000x128xf32>
    %get3A_10 = arith.constant 0 : index
    %get3A_11 = arith.constant 0 : index
    %get3A_12 = vector.load %arg2[%get3A_10, %get3A_11] : memref<128x128xf32, #tpu.memory_space<vmem>>, vector<128x128xf32>
    %dot_general3A_13 = arith.constant dense<0.000000e+00> : vector<1000x128xf32>
    %dot_general3A_14 = tpu.matmul %get3A_1, %get3A_12, %dot_general3A_13 {dimension_numbers = #tpu.dot_dimension_numbers<[1], [1], [0], [0], [0, 0, 1, 0], [], []>, transpose_lhs_hint = false} : vector<1000x128xf32>, vector<128x128xf32>, vector<1000x128xf32> -> vector<1000x128xf32>
    %get3A_15 = arith.constant 0 : index
    %get3A_16 = arith.constant 0 : index
    %get3A_17 = vector.load %arg3[%get3A_15, %get3A_16] : memref<1x128xf32, #tpu.memory_space<vmem>>, vector<1x128xf32>
    %add3A_18 = vector.broadcast %get3A_17 : vector<1x128xf32> to vector<1000x128xf32>
    %add3A_19 = arith.addf %dot_general3A_14, %add3A_18 : vector<1000x128xf32>
    %get3A_20 = arith.constant 0 : index
    %get3A_21 = arith.constant 0 : index
    %get3A_22 = vector.load %arg6[%get3A_20, %get3A_21] : memref<128x128xf32, #tpu.memory_space<vmem>>, vector<128x128xf32>
    %dot_general3A_23 = arith.constant dense<0.000000e+00> : vector<1000x128xf32>
    %dot_general3A_24 = tpu.matmul %get3A_1, %get3A_22, %dot_general3A_23 {dimension_numbers = #tpu.dot_dimension_numbers<[1], [1], [0], [0], [0, 0, 1, 0], [], []>, transpose_lhs_hint = false} : vector<1000x128xf32>, vector<128x128xf32>, vector<1000x128xf32> -> vector<1000x128xf32>
    %get3A_25 = arith.constant 0 : index
    %get3A_26 = arith.constant 0 : index
    %get3A_27 = vector.load %arg7[%get3A_25, %get3A_26] : memref<1x128xf32, #tpu.memory_space<vmem>>, vector<1x128xf32>
    %add3A_28 = vector.broadcast %get3A_27 : vector<1x128xf32> to vector<1000x128xf32>
    %add3A_29 = arith.addf %dot_general3A_24, %add3A_28 : vector<1000x128xf32>
    %get3A_30 = arith.constant 0 : index
    %get3A_31 = arith.constant 0 : index
    %get3A_32 = vector.load %arg8[%get3A_30, %get3A_31] : memref<128x128xf32, #tpu.memory_space<vmem>>, vector<128x128xf32>
    %dot_general3A_33 = arith.constant dense<0.000000e+00> : vector<1000x128xf32>
    %dot_general3A_34 = tpu.matmul %add3A_29, %get3A_32, %dot_general3A_33 {dimension_numbers = #tpu.dot_dimension_numbers<[1], [1], [0], [0], [0, 0, 1, 0], [], []>, transpose_lhs_hint = false} : vector<1000x128xf32>, vector<128x128xf32>, vector<1000x128xf32> -> vector<1000x128xf32>
    %get3A_35 = arith.constant 0 : index
    %get3A_36 = arith.constant 0 : index
    %get3A_37 = vector.load %arg9[%get3A_35, %get3A_36] : memref<1x128xf32, #tpu.memory_space<vmem>>, vector<1x128xf32>
    %add3A_38 = vector.broadcast %get3A_37 : vector<1x128xf32> to vector<1000x128xf32>
    %add3A_39 = arith.addf %dot_general3A_34, %add3A_38 : vector<1000x128xf32>
    %swap3A = arith.constant 0 : index
    %swap3A_40 = arith.constant 0 : index
    %swap3A_41 = vector.load %arg12[%swap3A, %swap3A_40] : memref<1000x128xf32, #tpu.memory_space<vmem>>, vector<1000x128xf32>
    tpu.vector_store %arg12[%swap3A, %swap3A_40], %add3A_39 {strides = array<i32>} : memref<1000x128xf32, #tpu.memory_space<vmem>>, vector<1000x128xf32>,
    %get3A_42 = arith.constant 0 : index
    %get3A_43 = arith.constant 0 : index
    %get3A_44 = vector.load %arg10[%get3A_42, %get3A_43] : memref<128x8xf32, #tpu.memory_space<vmem>>, vector<128x8xf32>
    %dot_general3A_45 = arith.constant dense<0.000000e+00> : vector<1000x8xf32>
    %dot_general3A_46 = tpu.matmul %add3A_9, %get3A_44, %dot_general3A_45 {dimension_numbers = #tpu.dot_dimension_numbers<[1], [0], [0], [1], [0, 0, 1, 1], [], []>, transpose_lhs_hint = false} : vector<1000x128xf32>, vector<128x8xf32>, vector<1000x8xf32> -> vector<1000x8xf32>
    %get3A_47 = arith.constant 0 : index
    %get3A_48 = arith.constant 0 : index
    %get3A_49 = vector.load %arg11[%get3A_47, %get3A_48] : memref<128x8xf32, #tpu.memory_space<vmem>>, vector<128x8xf32>
    %dot_general3A_50 = arith.constant dense<0.000000e+00> : vector<1000x8xf32>
    %dot_general3A_51 = tpu.matmul %add3A_19, %get3A_49, %dot_general3A_50 {dimension_numbers = #tpu.dot_dimension_numbers<[1], [0], [0], [1], [0, 0, 1, 1], [], []>, transpose_lhs_hint = false} : vector<1000x128xf32>, vector<128x8xf32>, vector<1000x8xf32> -> vector<1000x8xf32>
    %add3A_52 = arith.addf %dot_general3A_46, %dot_general3A_51 : vector<1000x8xf32>
    %swap3A_53 = arith.constant 0 : index
    %swap3A_54 = arith.constant 0 : index
    %swap3A_55 = vector.load %arg13[%swap3A_53, %swap3A_54] : memref<1000x8xf32, #tpu.memory_space<vmem>>, vector<1000x8xf32>
    tpu.vector_store %arg13[%swap3A_53, %swap3A_54], %add3A_52 {strides = array<i32>} : memref<1000x8xf32, #tpu.memory_space<vmem>>, vector<1000x8xf32>,
    return
  }
  func.func @transform_0(%arg0: i32) -> (i32, i32) {
    %c0_i32 = arith.constant 0 : i32
    %c0_i32_0 = arith.constant 0 : i32
    return %arg0, %c0_i32 : i32, i32
  }
  func.func @transform_1(%arg0: i32) -> (i32, i32) {
    %c0_i32 = arith.constant 0 : i32
    %c0_i32_0 = arith.constant 0 : i32
    %c0_i32_1 = arith.constant 0 : i32
    return %c0_i32, %c0_i32_0 : i32, i32
  }
  func.func @transform_2(%arg0: i32) -> (i32, i32) {
    %c0_i32 = arith.constant 0 : i32
    %c0_i32_0 = arith.constant 0 : i32
    %c0_i32_1 = arith.constant 0 : i32
    return %c0_i32, %c0_i32_0 : i32, i32
  }
  func.func @transform_3(%arg0: i32) -> (i32, i32) {
    %c0_i32 = arith.constant 0 : i32
    %c0_i32_0 = arith.constant 0 : i32
    %c0_i32_1 = arith.constant 0 : i32
    return %c0_i32, %c0_i32_0 : i32, i32
  }
  func.func @transform_4(%arg0: i32) -> (i32, i32) {
    %c0_i32 = arith.constant 0 : i32
    %c0_i32_0 = arith.constant 0 : i32
    %c0_i32_1 = arith.constant 0 : i32
    return %c0_i32, %c0_i32_0 : i32, i32
  }
  func.func @transform_5(%arg0: i32) -> (i32, i32) {
    %c0_i32 = arith.constant 0 : i32
    %c0_i32_0 = arith.constant 0 : i32
    %c0_i32_1 = arith.constant 0 : i32
    return %c0_i32, %c0_i32_0 : i32, i32
  }
  func.func @transform_6(%arg0: i32) -> (i32, i32) {
    %c0_i32 = arith.constant 0 : i32
    %c0_i32_0 = arith.constant 0 : i32
    %c0_i32_1 = arith.constant 0 : i32
    return %c0_i32, %c0_i32_0 : i32, i32
  }
  func.func @transform_7(%arg0: i32) -> (i32, i32) {
    %c0_i32 = arith.constant 0 : i32
    %c0_i32_0 = arith.constant 0 : i32
    %c0_i32_1 = arith.constant 0 : i32
    return %c0_i32, %c0_i32_0 : i32, i32
  }
  func.func @transform_8(%arg0: i32) -> (i32, i32) {
    %c0_i32 = arith.constant 0 : i32
    %c0_i32_0 = arith.constant 0 : i32
    %c0_i32_1 = arith.constant 0 : i32
    return %c0_i32, %c0_i32_0 : i32, i32
  }
  func.func @transform_9(%arg0: i32) -> (i32, i32) {
    %c0_i32 = arith.constant 0 : i32
    %c0_i32_0 = arith.constant 0 : i32
    %c0_i32_1 = arith.constant 0 : i32
    return %c0_i32, %c0_i32_0 : i32, i32
  }
  func.func @transform_10(%arg0: i32) -> (i32, i32) {
    %c0_i32 = arith.constant 0 : i32
    %c0_i32_0 = arith.constant 0 : i32
    %c0_i32_1 = arith.constant 0 : i32
    return %c0_i32, %c0_i32_0 : i32, i32
  }
  func.func @transform_11(%arg0: i32) -> (i32, i32) {
    %c0_i32 = arith.constant 0 : i32
    %c0_i32_0 = arith.constant 0 : i32
    return %arg0, %c0_i32 : i32, i32
  }
  func.func @transform_12(%arg0: i32) -> (i32, i32) {
    %c0_i32 = arith.constant 0 : i32
    %c0_i32_0 = arith.constant 0 : i32
    return %arg0, %c0_i32 : i32, i32
  }
}

module attributes {stable_mosaic.version = 14 : i64} {
  func.func @_combine_body(%arg0: i32, %arg1: memref<2x1000x128xf32, #tpu.memory_space<vmem>>, %arg2: memref<1000x16xf32, #tpu.memory_space<vmem>>, %arg3: memref<1000x1xf32, #tpu.memory_space<vmem>>, %arg4: memref<16x128xf32, #tpu.memory_space<vmem>>, %arg5: memref<128x128xf32, #tpu.memory_space<vmem>>, %arg6: memref<1000x128xf32, #tpu.memory_space<vmem>>) attributes {dimension_semantics = [#tpu.dimension_semantics<arbitrary>], iteration_bounds = array<i64: 10>, scalar_prefetch = 0 : i64, scratch_operands = 0 : i64, tpu.core_type = #tpu.core_type<tc>, window_params = [{transform_indices = @transform_0, window_bounds = array<i64: 2, 1000, 128>}, {transform_indices = @transform_1, window_bounds = array<i64: 1000, 16>}, {transform_indices = @transform_2, window_bounds = array<i64: 1000, 1>}, {pipeline_mode = #tpu.pipeline_mode<synchronous>, transform_indices = @transform_3, window_bounds = array<i64: 16, 128>}, {pipeline_mode = #tpu.pipeline_mode<synchronous>, transform_indices = @transform_4, window_bounds = array<i64: 128, 128>}, {transform_indices = @transform_5, window_bounds = array<i64: 1000, 128>}]} {
    %get3A = arith.constant 0 : index
    %get3A_0 = arith.constant 0 : index
    %get3A_1 = vector.load %arg4[%get3A, %get3A_0] : memref<16x128xf32, #tpu.memory_space<vmem>>, vector<16x128xf32>
    %get3A_2 = arith.constant 0 : index
    %get3A_3 = arith.constant 0 : index
    %get3A_4 = vector.load %arg5[%get3A_2, %get3A_3] : memref<128x128xf32, #tpu.memory_space<vmem>>, vector<128x128xf32>
    %dot_general3A = arith.constant dense<0.000000e+00> : vector<16x128xf32>
    %dot_general3A_5 = tpu.matmul %get3A_1, %get3A_4, %dot_general3A {dimension_numbers = #tpu.dot_dimension_numbers<[1], [1], [0], [0], [0, 0, 1, 0], [], []>, transpose_lhs_hint = false} : vector<16x128xf32>, vector<128x128xf32>, vector<16x128xf32> -> vector<16x128xf32>
    %get3A_6 = arith.constant 0 : index
    %get3A_7 = arith.constant 0 : index
    %get3A_8 = vector.load %arg2[%get3A_6, %get3A_7] : memref<1000x16xf32, #tpu.memory_space<vmem>>, vector<1000x16xf32>
    %get3A_9 = arith.constant 0 : index
    %get3A_10 = arith.constant 0 : index
    %get3A_11 = vector.load %arg3[%get3A_9, %get3A_10] : memref<1000x1xf32, #tpu.memory_space<vmem>>, vector<1000x1xf32>
    %add3A = arith.constant 1.000000e-16 : f32
    %add3A_12 = vector.broadcast %add3A : f32 to vector<1000x1xf32>
    %add3A_13 = arith.addf %get3A_11, %add3A_12 : vector<1000x1xf32>
    %div3A = vector.broadcast %add3A_13 : vector<1000x1xf32> to vector<1000x16xf32>
    %div3A_14 = arith.divf %get3A_8, %div3A : vector<1000x16xf32>
    %get3A_15 = arith.constant 0 : index
    %get3A_16 = arith.constant 0 : index
    %get3A_17 = arith.constant 0 : index
    %get3A_18 = vector.load %arg1[%get3A_15, %get3A_16, %get3A_17] : memref<2x1000x128xf32, #tpu.memory_space<vmem>>, vector<2x1000x128xf32>
    %slice3A = vector.extract_strided_slice %get3A_18 {offsets = [0, 0, 0], sizes = [1, 1000, 128], strides = [1, 1, 1]} : vector<2x1000x128xf32> to vector<1x1000x128xf32>
    %squeeze3A = vector.shape_cast %slice3A : vector<1x1000x128xf32> to vector<1000x128xf32>
    %slice3A_19 = vector.extract_strided_slice %get3A_18 {offsets = [1, 0, 0], sizes = [1, 1000, 128], strides = [1, 1, 1]} : vector<2x1000x128xf32> to vector<1x1000x128xf32>
    %squeeze3A_20 = vector.shape_cast %slice3A_19 : vector<1x1000x128xf32> to vector<1000x128xf32>
    %add3A_21 = arith.addf %squeeze3A, %squeeze3A_20 : vector<1000x128xf32>
    %dot_general3A_22 = arith.constant dense<0.000000e+00> : vector<1000x128xf32>
    %dot_general3A_23 = tpu.matmul %div3A_14, %dot_general3A_5, %dot_general3A_22 {dimension_numbers = #tpu.dot_dimension_numbers<[1], [0], [0], [1], [0, 0, 1, 1], [], []>, transpose_lhs_hint = false} : vector<1000x16xf32>, vector<16x128xf32>, vector<1000x128xf32> -> vector<1000x128xf32>
    %add3A_24 = arith.addf %add3A_21, %dot_general3A_23 : vector<1000x128xf32>
    %swap3A = arith.constant 0 : index
    %swap3A_25 = arith.constant 0 : index
    %swap3A_26 = vector.load %arg6[%swap3A, %swap3A_25] : memref<1000x128xf32, #tpu.memory_space<vmem>>, vector<1000x128xf32>
    tpu.vector_store %arg6[%swap3A, %swap3A_25], %add3A_24 {strides = array<i32>} : memref<1000x128xf32, #tpu.memory_space<vmem>>, vector<1000x128xf32>,
    return
  }
  func.func @transform_0(%arg0: i32) -> (i32, i32, i32) {
    %c0_i32 = arith.constant 0 : i32
    %c0_i32_0 = arith.constant 0 : i32
    %c0_i32_1 = arith.constant 0 : i32
    return %c0_i32, %arg0, %c0_i32_0 : i32, i32, i32
  }
  func.func @transform_1(%arg0: i32) -> (i32, i32) {
    %c0_i32 = arith.constant 0 : i32
    %c0_i32_0 = arith.constant 0 : i32
    return %arg0, %c0_i32 : i32, i32
  }
  func.func @transform_2(%arg0: i32) -> (i32, i32) {
    %c0_i32 = arith.constant 0 : i32
    %c0_i32_0 = arith.constant 0 : i32
    return %arg0, %c0_i32 : i32, i32
  }
  func.func @transform_3(%arg0: i32) -> (i32, i32) {
    %c0_i32 = arith.constant 0 : i32
    %c0_i32_0 = arith.constant 0 : i32
    %c0_i32_1 = arith.constant 0 : i32
    return %c0_i32, %c0_i32_0 : i32, i32
  }
  func.func @transform_4(%arg0: i32) -> (i32, i32) {
    %c0_i32 = arith.constant 0 : i32
    %c0_i32_0 = arith.constant 0 : i32
    %c0_i32_1 = arith.constant 0 : i32
    return %c0_i32, %c0_i32_0 : i32, i32
  }
  func.func @transform_5(%arg0: i32) -> (i32, i32) {
    %c0_i32 = arith.constant 0 : i32
    %c0_i32_0 = arith.constant 0 : i32
    return %arg0, %c0_i32 : i32, i32
  }
}

</mosaic_0001>

<sc_bundles>
// kernel: kernel.10.cloned.1.call-start
scs
__scs_entry_jumppad:
0x0: {  	(pc) =	sbr.rel $0x88, $3  }
0x1: {  	(tag) =	ssettag $0x0;
	lr =	simm.s32 $0x1  }
0x2: {  	[smem:$0x3F8C] =	sst lr;
	_ =	strace $0xD0000000  }
0x3: {  	_ = 	snop  }
0x4: {  	_ = 	snop  }
0x5: {  	_ = 	snop  }
0x6: {  	_ = 	snop  }
0x7: {  	_ = 	snop  }
__scs_overlays_trampoline_lowered:
0x8: {  	[smem:$0x3F9B] =	sst s0  }
0x9: {  	[smem:$0x3F9C] =	sst s1  }
0xa: {  	[smem:$0x3F9D] =	sst s2  }
0xb: {  	[smem:$0x3F9E] =	sst s3  }
0xc: {  	[smem:$0x3F9F] =	sst s4  }
0xd: {  	[smem:$0x3FA0] =	sst s5  }
0xe: {  	[smem:$0x3FA1] =	sst s6  }
0xf: {  	[smem:$0x3FA2] =	sst s7  }
0x10: {  	[smem:$0x3FA3] =	sst s8  }
0x11: {  	[smem:$0x3FA4] =	sst s9;
	s0 =	simm.s32 @!p0 $0x0  }
0x12: {  	s1 =	sld [smem:$0x3F8A];
	s0 =	simm.s32 @p0 $0x1  }
0x13: {  	[smem:$0x3FA5] =	sst s0;
	s0 =	simm.s32 @!p1 $0x0  }
0x14: {  	s2 =	sld [smem:$0x3F89];
	s0 =	simm.s32 @p1 $0x1  }
0x15: {  	[smem:$0x3FA6] =	sst s0;
	s0 =	simm.s32 @!p2 $0x0  }
0x16: {  	s3 =	sld [smem:$0x3FDB];
	s0 =	simm.s32 @p2 $0x1  }
0x17: {  	s4 =	simm.s32 $0x1BF5;
	[smem:$0x3FA8] =	sst s0  }
0x18: {  	s0 =	sld [smem:$0x3F8B];
	_ =	swait.ge [sflag:s4], $0x0  }
0x19: {  	s7 =	sld [smem:$0x3F8C]  }
0x1a: {  	s8 =	sadd.s32 $0xFFFFE003, lr  }
0x1b: {  	s9 =	sadd.s32 $0xFFFFFEF7, lr;
	s5 =	simm.s32 $0xFFFFFFFF;
	p2 =	slt.u32 s8, $0xFFFFF086  }
0x1c: {  	p1 =	slt.u32 s9, $0xF7A;
	s5 =	simm.s32 @!p2 $0x0  }
0x1d: {  	s5 =	simm.s32 @p1 $0x1;
	p0 =	seq.s32 s7, s2  }
0x1e: {  	s7 =	smul.u32 @!p0 $0xF7A, s2;
	p2 =	seq.s32 @!p0 s5, $0x0  }
0x1f: {  	s9 =	smul.u32 $0xF7A, s1;
	s8 =	simm.s32 @!p0 $0x1BF5;
	p2 =	por !p2, p0  }
0x20: {  	[sflag:s8] =	ssyncset.s32 @!p0 $0xFFFFF086;
	s6 =	sadd.s32 @!p0 s3, s7;
	s7 =	simm.s32 @!p0 $0x108  }
0x21: {  	s3 =	sadd.s32 s3, s9;
	s6 =	sadd.s32 @!p0 $0x88, s6;
	s7 =	simm.s32 @p2 $0x1082  }
0x22: {  	[simem:s7], [sflag:s8] =	dma.local @!p0 [hbm:s6], $0xF7A  }
0x23: {  	s9 =	sor.u32 $0xD0000000, s2;
	s6 =	simm.s32 $0x108;
	_ =	swait.ge @!p0 [sflag:s8], $0x0  }
0x24: {  	s3 =	sadd.s32 $0x88, s3;
	s6 =	simm.s32 @!p1 $0x1082;
	[sflag:s4] =	ssyncset.s32 $0xFFFFF086  }
0x25: {  	[simem:s6], [sflag:s4] =	dma.local [hbm:s3], $0xF7A  }
0x26: {  	[smem:$0x3F8C] =	sst s1;
	(tag) =	ssettag s2;
	_ =	strace s9  }
0x27: {  	s1 =	sld [smem:$0x3F9C]  }
0x28: {  	s2 =	sld [smem:$0x3F9D]  }
0x29: {  	s4 =	sld [smem:$0x3F9F]  }
0x2a: {  	p0 =	seq.s32 s5, $0x0;
	s5 =	sld [smem:$0x3FA0]  }
0x2b: {  	s6 =	sld [smem:$0x3FA1]  }
0x2c: {  	s7 =	sld [smem:$0x3FA2]  }
0x2d: {  	s3 =	simm.s32 $0x108;
	s8 =	sld [smem:$0x3FA3]  }
0x2e: {  	s3 =	simm.s32 @!p0 $0x1082;
	s9 =	sld [smem:$0x3FA4]  }
0x2f: {  	lr =	sadd.s32 s0, s3;
	s0 =	sld [smem:$0x3F9B]  }
0x30: {  	s3 =	sld [smem:$0x3F9E]  }
0x31: {  	[smem:$0x3FA7] =	sst s10  }
0x32: {  	s10 =	sld [smem:$0x3FA5];
	_ =	sdelay $0x3  }
0x33: {  	p0 =	seq.s32 s10, $0x1;
	s10 =	sld [smem:$0x3FA7];
	_ =	sdelay $0x3  }
0x34: {  	[smem:$0x3FA7] =	sst s10  }
0x35: {  	s10 =	sld [smem:$0x3FA6];
	_ =	sdelay $0x3  }
0x36: {  	p1 =	seq.s32 s10, $0x1;
	s10 =	sld [smem:$0x3FA7];
	_ =	sdelay $0x3  }
0x37: {  	[smem:$0x3FA7] =	sst s10  }
0x38: {  	s10 =	sld [smem:$0x3FA8]  }
0x39: {  	_ = 	snop;
	(pc) =	sbr.ind lr, $3  }
0x3a: {  	_ = 	snop  }
0x3b: {  	_ = 	snop  }
0x3c: {  	p2 =	seq.s32 s10, $0x1;
	s10 =	sld [smem:$0x3FA7]  }
0x3d: {  	_ =	shalt  }
0x3e: {  	_ =	shalt  }
0x3f: {  	_ =	shalt  }
0x40: {  	_ =	shalt  }
0x41: {  	_ =	shalt  }
0x42: {  	_ =	shalt  }
0x43: {  	_ =	shalt  }
0x44: {  	_ =	shalt  }
0x45: {  	_ =	shalt  }
0x46: {  	_ =	shalt  }
0x47: {  	_ =	shalt  }
0x48: {  	_ =	shalt  }
0x49: {  	_ =	shalt  }
0x4a: {  	_ =	shalt  }
0x4b: {  	_ =	shalt  }
0x4c: {  	_ =	shalt  }
0x4d: {  	_ =	shalt  }
0x4e: {  	_ =	shalt  }
0x4f: {  	_ =	shalt  }
0x50: {  	_ =	shalt  }
0x51: {  	_ =	shalt  }
0x52: {  	_ =	shalt  }
0x53: {  	_ =	shalt  }
0x54: {  	_ =	shalt  }
0x55: {  	_ =	shalt  }
0x56: {  	_ =	shalt  }
0x57: {  	_ =	shalt  }
0x58: {  	_ =	shalt  }
0x59: {  	_ =	shalt  }
0x5a: {  	_ =	shalt  }
0x5b: {  	_ =	shalt  }
0x5c: {  	_ =	shalt  }
0x5d: {  	_ =	shalt  }
0x5e: {  	_ =	shalt  }
0x5f: {  	_ =	shalt  }
0x60: {  	_ =	shalt  }
0x61: {  	_ =	shalt  }
0x62: {  	_ =	shalt  }
0x63: {  	_ =	shalt  }
0x64: {  	_ =	shalt  }
0x65: {  	_ =	shalt  }
0x66: {  	_ =	shalt  }
0x67: {  	_ =	shalt  }
0x68: {  	_ =	shalt  }
0x69: {  	_ =	shalt  }
0x6a: {  	_ =	shalt  }
0x6b: {  	_ =	shalt  }
0x6c: {  	_ =	shalt  }
0x6d: {  	_ =	shalt  }
0x6e: {  	_ =	shalt  }
0x6f: {  	_ =	shalt  }
0x70: {  	_ =	shalt  }
0x71: {  	_ =	shalt  }
0x72: {  	_ =	shalt  }
0x73: {  	_ =	shalt  }
0x74: {  	_ =	shalt  }
0x75: {  	_ =	shalt  }
0x76: {  	_ =	shalt  }
0x77: {  	_ =	shalt  }
0x78: {  	_ =	shalt  }
0x79: {  	_ =	shalt  }
0x7a: {  	_ =	shalt  }
0x7b: {  	_ =	shalt  }
0x7c: {  	_ =	shalt  }
0x7d: {  	_ =	shalt  }
0x7e: {  	_ =	shalt  }
0x7f: {  	_ =	shalt  }
0x80: {  	_ =	shalt  }
0x81: {  	_ =	shalt  }
0x82: {  	_ =	shalt  }
0x83: {  	_ =	shalt  }
0x84: {  	_ =	shalt  }
0x85: {  	_ =	shalt  }
0x86: {  	_ =	shalt  }
0x87: {  	_ =	shalt  }
.Lfunc_end0:
.L_simem_size_0:
called_computation.1_lowered:
.L_overlay_start_0:
0x88: {  	s2 =	sld [smem:$0x3FD9]  }
0x89: {  	s3 =	sld [smem:$0x3FFE];
	_ =	sdelay $0x1  }
0x8a: {  	s1 =	srdreg.scid  }
0x8b: {  	s0 =	sand.u32 $0x1, s1  }
0x8c: {  	s14 =	sshll.u32 s0, $0xA;
	s2 =	sadd.s32 s3, s2  }
0x8d: {  	s2 =	sadd.s32 s2, s14  }
0x8e: {  	[smem:$0x3FB3] =	sst s2  }
0x8f: {  	_ = 	snop  }
0x90: {  	s2 =	sld [smem:$0x3FD0];
	_ =	sdelay $0x2  }
0x91: {  	s15 =	simm.s32 $0xA;
	s4 =	simm.s32 $0x10  }
0x92: {  	[smem:s4], [sflag:s15] =	dma.local [hbm:s2], $0x1  }
0x93: {  	_ =	swait.eq [sflag:s15], $0x1  }
0x94: {  	[sflag:s15] =	ssyncset.done $0x0  }
0x95: {  	[sflag:s15] =	ssyncadd.s32 $0xFFFFFFFF  }
0x96: {  	s16 =	sld [smem:$0x10];
	(tm) =	ssettm $0x1  }
0x97: {  	s17 =	sld [smem:$0x3FFB];
	_ =	sdelay $0x3  }
0x98: {  	_ =	strace s17  }
0x99: {  	s3 =	sld [smem:$0x3FFC];
	_ =	sdelay $0x3  }
0x9a: {  	_ =	strace s3  }
0x9b: {  	s3 =	sld [smem:$0x3FFD];
	_ =	sdelay $0x3  }
0x9c: {  	_ =	strace s3  }
0x9d: {  	_ =	strace $0x8FFFFFFF  }
0x9e: {  	s18 =	sld [smem:$0x3FDB];
	_ =	sdelay $0x1  }
0x9f: {  	s19 =	simm.s32 $_scs_section_size  }
0xa0: {  	s5 =	simm.s32 $_size__tile_overlayer_lowered;
	s6 =	simm.s32 $_tile_overlayer_lowered  }
0xa1: {  	s22 =	simm.s32 $0x1BFF;
	s21 =	sshll.u32 s6, $0x1;
	s3 =	sadd.s32 s19, s18  }
0xa2: {  	s7 =	simm.s32 $0x0;
	s20 =	sshll.u32 s5, $0x1;
	s5 =	sadd.s32 s21, s3  }
0xa3: {  	[timem:s7], [sflag:s22] =	dma.local [hbm:s5], s20  }
0xa4: {  	_ =	swait.ge [sflag:s22], s20  }
0xa5: {  	s4 =	ssub.s32 $0x0, s20;
	[sflag:s22] =	ssyncset.done $0x0  }
0xa6: {  	[sflag:s22] =	ssyncadd.s32 s4;
	_ =	sdelay $0x1  }
0xa7: {  	s23 =	simm.s32 $0x1B8B  }
0xa8: {  	_ =	swait.ge [sflag:s23], $0x1  }
0xa9: {  	[sflag:s23] =	ssyncset.done $0x0  }
0xaa: {  	s25 =	simm.s32 $0x1B8E;
	s24 =	sld [smem:$0x3FFE];
	[sflag:s23] =	ssyncadd.s32 $0xFFFFFFFF  }
0xab: {  	s26 =	simm.s32 $execute0_lowered;
	[smem:$0x3FD2] =	sst s25  }
0xac: {  	s5 =	sshll.u32 s26, $0x1;
	_ =	strace $0x80000049;
	[dreg:$0x1] =	wrdreg $0xFFFFFFFF  }
0xad: {  	s28 =	simm.s32 $_size_execute0_lowered;
	s3 =	sadd.s32 s3, s5;
	[dreg:$0x0] =	wrdreg $0x0  }
0xae: {  	s5 =	sshll.u32 s28, $0x1;
	[dreg:$0x2] =	wrdreg s3  }
0xaf: {  	[dreg:$0x3] =	wrdreg s5  }
0xb0: {  	[dreg:$0x4] =	wrdreg $0xC0  }
0xb1: {  	_ =	task [dreg:s7], $0x5FFFF  }
0xb2: {  	[dreg:$0x1] =	wrdreg $0xFFFFFFFF  }
0xb3: {  	[dreg:$0x0] =	wrdreg $0x60  }
0xb4: {  	[dreg:$0x2] =	wrdreg s24  }
0xb5: {  	[dreg:$0x3] =	wrdreg s16  }
0xb6: {  	[dreg:$0x4] =	wrdreg $0xAC800  }
0xb7: {  	[dreg:$0x5] =	wrdreg $0x9  }
0xb8: {  	_ =	task.clear_ibuf [dreg:s7], $0x6FFFF;
	_ =	strace $0x90000049  }
0xb9: {  	s29 =	simm.s32 $0x9;
	_ =	strace $0x8000004B  }
0xba: {  	_ =	swait.ge [sflag:s29], $0x1  }
0xbb: {  	[sflag:s29] =	ssyncadd.s32 $0xFFFFFFFF  }
0xbc: {  	_ =	strace $0x9000004B  }
0xbd: {  	_ =	sfence  }
0xbe: {  	s30 =	sld [smem:$0x0];
	_ =	sdelay $0x2  }
0xbf: {  	s31 =	sshll.u32 s1, $0xD;
	s1 =	sshrl.u32 s1, $0x2  }
0xc0: {  	s3 =	sand.u32 $0x4000, s31;
	s1 =	sadd.s32 s1, s30  }
0xc1: {  	s0 =	sor.u32 s3, s0;
	s1 =	sshll.u32 s1, $0x11  }
0xc2: {  	s0 =	sor.u32 s1, s0  }
0xc3: {  	s0 =	sadd.s32 $0x8F2B, s0  }
0xc4: {  	[sflag:s0] =	ssyncadd.remote.s32 $0x1  }
0xc5: {  	_ =	sfence.sel $0xFFFF  }
0xc6: {  	[dreg:$0x0] =	wrdreg $0xFFFFFFFF;
	(pc) =	sbr.abs _section_cstart, $3  }
0xc7: {  	[dreg:$0x1] =	wrdreg $0xFFFFFFFF  }
0xc8: {  	_ =	task.clear_ibuf [dreg:s7], $0x2FFFF;
	_ =	strace $0x9FFFFFFF  }
0xc9: {  	(tm) =	ssettm $0x7FFFFFFF  }
tec
execute0_lowered:
.L_overlay_start_1:
0x0: {  	(tag) =	ssettag $0x1  }
0x1: {  	s0 =	rddreg [dreg:$0x0]  }
0x2: {  	s1 =	rddreg [dreg:$0x1]  }
0x3: {  	s2 =	rddreg [dreg:$0x2];
	s4 =	simm.s32 $0x0  }
0x4: {  	s3 =	srdreg.scid;
	s15 =	stileid.u32;
	s17 =	simm.s32 $0x2  }
0x5: {  	s18 =	simm.s32 $0x2C80;
	s19 =	simm.s32 $0x2780;
	s20 =	simm.s32 $0x2880  }
0x6: {  	s28 =	simm.s32 $0x2B80;
	s29 =	simm.s32 $0x2A80;
	s10 =	smul.u32 $0x1F400, s15  }
0x7: {  	s30 =	simm.s32 $0x2900;
	s31 =	simm.s32 $0x0;
	s11 =	smul.u32 $0x5000, s15  }
0x8: {  	[smem:$0x7FF] =	sst s4;
	s3 =	sand.u32 $0x1, s3;
	s12 =	smul.u32 $0x4E200, s15  }
0x9: {  	s5 =	sadd.s32 $0x2B000, s0;
	s6 =	sadd.s32 $0x21000, s0;
	s14 =	smul.u32 $0x7D000, s15  }
0xa: {  	s7 =	sadd.s32 $0x3F600, s0;
	s9 =	sadd.s32 $0x35000, s0;
	s8 =	smul.u32 $0x138800, s3  }
0xb: {  	_ =	strace $0x8000004A;
	[dreg:$0x4] =	wrdreg s9;
	s9 =	sadd.s32 $0x1C00, s0  }
0xc: {  	s21 =	ssub.s32 $0x2, s3;
	s13 =	smul.u32 $0x3700, s3;
	p0 =	seq.s32 s3, $0x0  }
0xd: {  	s22 =	sshrl.u32 s21, $0x1;
	s23 =	sshrl.u32 s12, $0x2;
	s25 =	sshrl.u32 s14, $0x2  }
0xe: {  	s8 =	sadd.s32 s10, s8;
	s10 =	simm.s32 $0x37;
	s11 =	sadd.s32 s13, s11  }
0xf: {  	s12 =	sadd.s32 s23, s2;
	s23 =	simm.s32 $0x80;
	s8 =	sshrl.u32 s8, $0x3  }
0x10: {  	s10 =	simm.s32 @!p0 $0x19;
	s3 =	sadd.s32 $0x8000, s12;
	s24 =	sadd.s32 $0x10000, s12  }
0x11: {  	p0 =	sgt.u32 s15, $0x9;
	s0 =	sadd.s32 s8, s0;
	[dreg:$0x5] =	wrdreg s3  }
0x12: {  	s8 =	ssub.s32 s21, s22;
	[dreg:$0x6] =	wrdreg s24;
	s21 =	simm.s32 $0x2980  }
0x13: {  	s22 =	simm.s32 $0x1;
	s24 =	simm.s32 $0x2800;
	s0 =	sadd.s32 $0x49600, s0  }
0x14: {  	s26 =	smax.u32 s8, $0x1;
	[dreg:$0x7] =	wrdreg s0;
	s0 =	sadd.s32 s25, s2  }
0x15: {  	v0 =	vimm.f32 $0.0e+00;
	[dreg:$0x8] =	wrdreg s26;
	s26 =	simm.s32 $0x6C80;
	s25 =	sshrl.u32 @!p0 s0, $0x3  }
.LBB2_1:
0x16: {  	s0 =	rddreg [dreg:$0x4]  }
0x17: {  	[tilespmem:s4], [sflag:$0x2] =	stream.linear.gather [hbm4b:s0+s4], $0x2780, $0x38;
	[tilespmem:$0x1E500] =	vst v63  }
0x18: {  	_ =	swait.ge [sflag:s17], $0x2780  }
0x19: {  	[sflag:s17] =	ssyncset.done $0x0  }
0x1a: {  	s3 =	simm.s32 $0x200;
	s0 =	simm.s32 $0x0;
	[sflag:s17] =	ssyncadd.s32 $0xFFFFD880  }
.LBB2_2:
0x1b: {  	p1 =	sne.s32 s3, $0x1FE00;
	[tilespmem:s0+$0x2CF0] =	vst v0  }
0x1c: {  	[tilespmem:s0+$0x2C80] =	vst v0  }
0x1d: {  	[tilespmem:s0+$0x2C90] =	vst v0  }
.Ltmp0:
0x1e: {  	[tilespmem:s0+$0x2CA0] =	vst v0;
	(pc) =	sbr.rel @p1 .LBB2_2-.Ltmp0, $4  }
0x1f: {  	[tilespmem:s0+$0x2CB0] =	vst v0  }
0x20: {  	[tilespmem:s0+$0x2CC0] =	vst v0  }
0x21: {  	[tilespmem:s0+$0x2CD0] =	vst v0  }
0x22: {  	[tilespmem:s0+$0x2CE0] =	vst v0;
	s0 =	sshra.s32 s3, $0x2;
	s3 =	sadd.s32 $0x200, s3  }
0x23: {  	[tilespmem:s0+$0x2CF0] =	vst v0  }
0x24: {  	[tilespmem:s0+$0x2C80] =	vst v0  }
0x25: {  	[tilespmem:s0+$0x2C90] =	vst v0  }
0x26: {  	[tilespmem:s0+$0x2CA0] =	vst v0  }
0x27: {  	[tilespmem:s0+$0x2CB0] =	vst v0  }
0x28: {  	[tilespmem:s0+$0x2CC0] =	vst v0  }
0x29: {  	[tilespmem:s0+$0x2CD0] =	vst v0  }
0x2a: {  	[tilespmem:s0+$0x2CE0] =	vst v0  }
0x2b: {  	[spmem:s12] =	stream.linear.scatter [tilespmem:s18], [sflag:$0x2], $0x8000, $0x38;
	[tilespmem:$0x1E500] =	vst v63  }
0x2c: {  	_ =	swait.ge [sflag:s17], $0x8000  }
0x2d: {  	[sflag:s17] =	ssyncset.done $0x0  }
0x2e: {  	s15 =	rddreg [dreg:$0x5];
	[sflag:s17] =	ssyncadd.s32 $0xFFFF8000  }
0x2f: {  	[spmem:s15] =	stream.linear.scatter [tilespmem:s18], [sflag:$0x2], $0x8000, $0x38;
	[tilespmem:$0x1E500] =	vst v63  }
0x30: {  	_ =	swait.ge [sflag:s17], $0x8000  }
0x31: {  	[sflag:s17] =	ssyncset.done $0x0  }
0x32: {  	s16 =	rddreg [dreg:$0x6];
	[sflag:s17] =	ssyncadd.s32 $0xFFFF8000  }
0x33: {  	[spmem:s16] =	stream.linear.scatter [tilespmem:s18], [sflag:$0x2], $0x3880, $0x38;
	[tilespmem:$0x1E500] =	vst v63  }
0x34: {  	_ =	swait.ge [sflag:s17], $0x3880  }
0x35: {  	[sflag:s17] =	ssyncset.done $0x0  }
0x36: {  	[sflag:s17] =	ssyncadd.s32 $0xFFFFC780  }
0x37: {  	s0 =	simm.s32 $0x0;
	s3 =	simm.s32 $0x0;
	[bflag:$0x0] =	sbarrier.arrive $0xFFFF  }
.LBB2_4:
0x38: {  	s8 =	sshll.u32 s3, $0x8  }
0x39: {  	s8 =	sadd.s32 s11, s8  }
0x3a: {  	s8 =	sshrl.u32 s8, $0x3  }
0x3b: {  	s13 =	sadd.s32 s5, s8  }
0x3c: {  	[tilespmem:s19], [sflag:$0x1] =	stream.linear.gather [hbm4b:s13+s0], $0x100, $0x38;
	[tilespmem:$0x1E500] =	vst v63  }
0x3d: {  	s15 =	sadd.s32 s6, s8  }
0x3e: {  	[tilespmem:s20], [sflag:$0x1] =	stream.linear.gather [hbm4b:s15+s0], $0x100, $0x38;
	[tilespmem:$0x1E500] =	vst v63  }
0x3f: {  	s16 =	sadd.s32 s7, s8  }
0x40: {  	[tilespmem:s21], [sflag:$0x1] =	stream.linear.gather [hbm4b:s16+s0], $0x100, $0x38;
	[tilespmem:$0x1E500] =	vst v63  }
0x41: {  	_ =	swait.ge [sflag:s22], $0x100  }
0x42: {  	[sflag:s22] =	ssyncset.done $0x0  }
0x43: {  	[sflag:s22] =	ssyncadd.s32 $0xFFFFFF00  }
0x44: {  	_ =	swait.ge [sflag:s22], $0x100  }
0x45: {  	[sflag:s22] =	ssyncset.done $0x0  }
0x46: {  	[sflag:s22] =	ssyncadd.s32 $0xFFFFFF00  }
0x47: {  	_ =	swait.ge [sflag:s22], $0x100  }
0x48: {  	[sflag:s22] =	ssyncset.done $0x0  }
0x49: {  	[sflag:s22] =	ssyncadd.s32 $0xFFFFFF00  }
0x4a: {  	[tilespmem:s18], [sflag:$0x1] =	stream.indirect.gather [hbm4b:s1+s23], $0x80, s19, s23, $0xb8;
	[tilespmem:$0x1E500] =	vst v63  }
0x4b: {  	_ = 	snop  }
0x4c: {  	[tilespmem:s26], [sflag:$0x1] =	stream.indirect.gather [hbm4b:s1+s23], $0x80, s24, s23, $0xb8;
	[tilespmem:$0x1E500] =	vst v63  }
0x4d: {  	_ =	swait.ge [sflag:s22], $0x4000  }
0x4e: {  	[sflag:s22] =	ssyncset.done $0x0  }
0x4f: {  	[sflag:s22] =	ssyncadd.s32 $0xFFFFC000  }
0x50: {  	_ =	swait.ge [sflag:s22], $0x4000  }
0x51: {  	[sflag:s22] =	ssyncset.done $0x0  }
0x52: {  	[sflag:s22] =	ssyncadd.s32 $0xFFFFC000  }
0x53: {  	v1 =	vld [tilespmem:$0x2880];
	_ =	sdelay $0x7  }
0x54: {  	v1 =	vld.idx.msk [tilespmem:v1+s0+$0x0], $0xffff;
	_ =	sdelay $0x4  }
0x55: {  	v1 =	vadd.f32 $1.000000020e-16, v1;
	_ =	sdelay $0x1  }
0x56: {  	(erf) = vrcp.f32 v1;
	_ =	sdelay $0x4  }
0x57: {  	v1 =	vld [tilespmem:$0x2980]  }
0x58: {  	v2 =	vld [tilespmem:$0x2890];
	_ =	sdelay $0x2  }
0x59: {  	v3 =	vpop (erf)  }
0x5a: {  	v1 =	vmul.f32 v3, v1;
	_ =	sdelay $0x1  }
0x5b: {  	[tilespmem:$0x2A80] =	vst v1  }
0x5c: {  	[tilespmem:$0x2B80] =	vst v1  }
0x5d: {  	v1 =	vld.idx.msk [tilespmem:v2+s0+$0x0], $0xffff;
	_ =	sdelay $0x4  }
0x5e: {  	v1 =	vadd.f32 $1.000000020e-16, v1;
	_ =	sdelay $0x1  }
0x5f: {  	(erf) = vrcp.f32 v1;
	_ =	sdelay $0x4  }
0x60: {  	v1 =	vld [tilespmem:$0x2990]  }
0x61: {  	v2 =	vld [tilespmem:$0x28A0];
	_ =	sdelay $0x2  }
0x62: {  	v3 =	vpop (erf)  }
0x63: {  	v1 =	vmul.f32 v3, v1;
	_ =	sdelay $0x1  }
0x64: {  	[tilespmem:$0x2A90] =	vst v1  }
0x65: {  	[tilespmem:$0x2B90] =	vst v1  }
0x66: {  	v1 =	vld.idx.msk [tilespmem:v2+s0+$0x0], $0xffff;
	_ =	sdelay $0x4  }
0x67: {  	v1 =	vadd.f32 $1.000000020e-16, v1;
	_ =	sdelay $0x1  }
0x68: {  	(erf) = vrcp.f32 v1;
	_ =	sdelay $0x4  }
0x69: {  	v1 =	vld [tilespmem:$0x29A0]  }
0x6a: {  	v2 =	vld [tilespmem:$0x28B0];
	_ =	sdelay $0x2  }
0x6b: {  	v3 =	vpop (erf)  }
0x6c: {  	v1 =	vmul.f32 v3, v1;
	_ =	sdelay $0x1  }
0x6d: {  	[tilespmem:$0x2AA0] =	vst v1  }
0x6e: {  	[tilespmem:$0x2BA0] =	vst v1  }
0x6f: {  	v1 =	vld.idx.msk [tilespmem:v2+s0+$0x0], $0xffff;
	_ =	sdelay $0x4  }
0x70: {  	v1 =	vadd.f32 $1.000000020e-16, v1;
	_ =	sdelay $0x1  }
0x71: {  	(erf) = vrcp.f32 v1;
	_ =	sdelay $0x4  }
0x72: {  	v1 =	vld [tilespmem:$0x29B0]  }
0x73: {  	v2 =	vld [tilespmem:$0x28C0];
	_ =	sdelay $0x2  }
0x74: {  	v3 =	vpop (erf)  }
0x75: {  	v1 =	vmul.f32 v3, v1;
	_ =	sdelay $0x1  }
0x76: {  	[tilespmem:$0x2AB0] =	vst v1  }
0x77: {  	[tilespmem:$0x2BB0] =	vst v1  }
0x78: {  	v1 =	vld.idx.msk [tilespmem:v2+s0+$0x0], $0xffff;
	_ =	sdelay $0x4  }
0x79: {  	v1 =	vadd.f32 $1.000000020e-16, v1;
	_ =	sdelay $0x1  }
0x7a: {  	(erf) = vrcp.f32 v1;
	_ =	sdelay $0x4  }
0x7b: {  	v1 =	vld [tilespmem:$0x29C0]  }
0x7c: {  	v2 =	vld [tilespmem:$0x28D0];
	_ =	sdelay $0x2  }
0x7d: {  	v3 =	vpop (erf)  }
0x7e: {  	v1 =	vmul.f32 v3, v1;
	_ =	sdelay $0x1  }
0x7f: {  	[tilespmem:$0x2AC0] =	vst v1  }
0x80: {  	[tilespmem:$0x2BC0] =	vst v1  }
0x81: {  	v1 =	vld.idx.msk [tilespmem:v2+s0+$0x0], $0xffff;
	_ =	sdelay $0x4  }
0x82: {  	v1 =	vadd.f32 $1.000000020e-16, v1;
	_ =	sdelay $0x1  }
0x83: {  	(erf) = vrcp.f32 v1;
	_ =	sdelay $0x4  }
0x84: {  	v1 =	vld [tilespmem:$0x29D0]  }
0x85: {  	v2 =	vld [tilespmem:$0x28E0];
	_ =	sdelay $0x2  }
0x86: {  	v3 =	vpop (erf)  }
0x87: {  	v1 =	vmul.f32 v3, v1;
	_ =	sdelay $0x1  }
0x88: {  	[tilespmem:$0x2AD0] =	vst v1  }
0x89: {  	[tilespmem:$0x2BD0] =	vst v1  }
0x8a: {  	v1 =	vld.idx.msk [tilespmem:v2+s0+$0x0], $0xffff;
	_ =	sdelay $0x4  }
0x8b: {  	v1 =	vadd.f32 $1.000000020e-16, v1;
	_ =	sdelay $0x1  }
0x8c: {  	(erf) = vrcp.f32 v1;
	_ =	sdelay $0x4  }
0x8d: {  	v1 =	vld [tilespmem:$0x29E0]  }
0x8e: {  	v2 =	vld [tilespmem:$0x28F0];
	_ =	sdelay $0x2  }
0x8f: {  	v3 =	vpop (erf)  }
0x90: {  	v1 =	vmul.f32 v3, v1;
	_ =	sdelay $0x1  }
0x91: {  	[tilespmem:$0x2AE0] =	vst v1  }
0x92: {  	[tilespmem:$0x2BE0] =	vst v1  }
0x93: {  	v1 =	vld.idx.msk [tilespmem:v2+s0+$0x0], $0xffff;
	_ =	sdelay $0x4  }
0x94: {  	v1 =	vadd.f32 $1.000000020e-16, v1;
	_ =	sdelay $0x1  }
0x95: {  	(erf) = vrcp.f32 v1;
	_ =	sdelay $0x4  }
0x96: {  	v1 =	vld [tilespmem:$0x29F0]  }
0x97: {  	v2 =	vld [tilespmem:$0x2900];
	_ =	sdelay $0x2  }
0x98: {  	v3 =	vpop (erf)  }
0x99: {  	v1 =	vmul.f32 v3, v1;
	_ =	sdelay $0x1  }
0x9a: {  	[tilespmem:$0x2AF0] =	vst v1  }
0x9b: {  	[tilespmem:$0x2BF0] =	vst v1  }
0x9c: {  	v1 =	vld.idx.msk [tilespmem:v2+s0+$0x0], $0xffff;
	_ =	sdelay $0x4  }
0x9d: {  	v1 =	vadd.f32 $1.000000020e-16, v1;
	_ =	sdelay $0x1  }
0x9e: {  	(erf) = vrcp.f32 v1;
	_ =	sdelay $0x4  }
0x9f: {  	v1 =	vld [tilespmem:$0x2A00]  }
0xa0: {  	v2 =	vld [tilespmem:$0x2910];
	_ =	sdelay $0x2  }
0xa1: {  	v3 =	vpop (erf)  }
0xa2: {  	v1 =	vmul.f32 v3, v1;
	_ =	sdelay $0x1  }
0xa3: {  	[tilespmem:$0x2B00] =	vst v1  }
0xa4: {  	[tilespmem:$0x2C00] =	vst v1  }
0xa5: {  	v1 =	vld.idx.msk [tilespmem:v2+s0+$0x0], $0xffff;
	_ =	sdelay $0x4  }
0xa6: {  	v1 =	vadd.f32 $1.000000020e-16, v1;
	_ =	sdelay $0x1  }
0xa7: {  	(erf) = vrcp.f32 v1;
	_ =	sdelay $0x4  }
0xa8: {  	v1 =	vld [tilespmem:$0x2A10]  }
0xa9: {  	v2 =	vld [tilespmem:$0x2920];
	_ =	sdelay $0x2  }
0xaa: {  	v3 =	vpop (erf)  }
0xab: {  	v1 =	vmul.f32 v3, v1;
	_ =	sdelay $0x1  }
0xac: {  	[tilespmem:$0x2B10] =	vst v1  }
0xad: {  	[tilespmem:$0x2C10] =	vst v1  }
0xae: {  	v1 =	vld.idx.msk [tilespmem:v2+s0+$0x0], $0xffff;
	_ =	sdelay $0x4  }
0xaf: {  	v1 =	vadd.f32 $1.000000020e-16, v1;
	_ =	sdelay $0x1  }
0xb0: {  	(erf) = vrcp.f32 v1;
	_ =	sdelay $0x4  }
0xb1: {  	v1 =	vld [tilespmem:$0x2A20]  }
0xb2: {  	v2 =	vld [tilespmem:$0x2930];
	_ =	sdelay $0x2  }
0xb3: {  	v3 =	vpop (erf)  }
0xb4: {  	v1 =	vmul.f32 v3, v1;
	_ =	sdelay $0x1  }
0xb5: {  	[tilespmem:$0x2B20] =	vst v1  }
0xb6: {  	[tilespmem:$0x2C20] =	vst v1  }
0xb7: {  	v1 =	vld.idx.msk [tilespmem:v2+s0+$0x0], $0xffff;
	_ =	sdelay $0x4  }
0xb8: {  	v1 =	vadd.f32 $1.000000020e-16, v1;
	_ =	sdelay $0x1  }
0xb9: {  	(erf) = vrcp.f32 v1;
	_ =	sdelay $0x4  }
0xba: {  	v1 =	vld [tilespmem:$0x2A30]  }
0xbb: {  	v2 =	vld [tilespmem:$0x2940];
	_ =	sdelay $0x2  }
0xbc: {  	v3 =	vpop (erf)  }
0xbd: {  	v1 =	vmul.f32 v3, v1;
	_ =	sdelay $0x1  }
0xbe: {  	[tilespmem:$0x2B30] =	vst v1  }
0xbf: {  	[tilespmem:$0x2C30] =	vst v1  }
0xc0: {  	v1 =	vld.idx.msk [tilespmem:v2+s0+$0x0], $0xffff;
	_ =	sdelay $0x4  }
0xc1: {  	v1 =	vadd.f32 $1.000000020e-16, v1;
	_ =	sdelay $0x1  }
0xc2: {  	(erf) = vrcp.f32 v1;
	_ =	sdelay $0x4  }
0xc3: {  	v1 =	vld [tilespmem:$0x2A40]  }
0xc4: {  	v2 =	vld [tilespmem:$0x2950];
	_ =	sdelay $0x2  }
0xc5: {  	v3 =	vpop (erf)  }
0xc6: {  	v1 =	vmul.f32 v3, v1;
	_ =	sdelay $0x1  }
0xc7: {  	[tilespmem:$0x2B40] =	vst v1  }
0xc8: {  	[tilespmem:$0x2C40] =	vst v1  }
0xc9: {  	v1 =	vld.idx.msk [tilespmem:v2+s0+$0x0], $0xffff;
	_ =	sdelay $0x4  }
0xca: {  	v1 =	vadd.f32 $1.000000020e-16, v1;
	_ =	sdelay $0x1  }
0xcb: {  	(erf) = vrcp.f32 v1;
	_ =	sdelay $0x4  }
0xcc: {  	v1 =	vld [tilespmem:$0x2A50]  }
0xcd: {  	v2 =	vld [tilespmem:$0x2960];
	_ =	sdelay $0x2  }
0xce: {  	v3 =	vpop (erf)  }
0xcf: {  	v1 =	vmul.f32 v3, v1;
	_ =	sdelay $0x1  }
0xd0: {  	[tilespmem:$0x2B50] =	vst v1  }
0xd1: {  	[tilespmem:$0x2C50] =	vst v1  }
0xd2: {  	v1 =	vld.idx.msk [tilespmem:v2+s0+$0x0], $0xffff;
	_ =	sdelay $0x4  }
0xd3: {  	v1 =	vadd.f32 $1.000000020e-16, v1;
	_ =	sdelay $0x1  }
0xd4: {  	(erf) = vrcp.f32 v1;
	_ =	sdelay $0x4  }
0xd5: {  	v1 =	vld [tilespmem:$0x2A60]  }
0xd6: {  	v2 =	vld [tilespmem:$0x2970];
	_ =	sdelay $0x2  }
0xd7: {  	v3 =	vpop (erf)  }
0xd8: {  	v1 =	vmul.f32 v3, v1;
	_ =	sdelay $0x1  }
0xd9: {  	[tilespmem:$0x2B60] =	vst v1  }
0xda: {  	[tilespmem:$0x2C60] =	vst v1  }
0xdb: {  	v1 =	vld.idx.msk [tilespmem:v2+s0+$0x0], $0xffff;
	_ =	sdelay $0x4  }
0xdc: {  	v1 =	vadd.f32 $1.000000020e-16, v1;
	_ =	sdelay $0x1  }
0xdd: {  	(erf) = vrcp.f32 v1;
	_ =	sdelay $0x4  }
0xde: {  	v1 =	vld [tilespmem:$0x2A70];
	_ =	sdelay $0x3  }
0xdf: {  	v2 =	vpop (erf)  }
0xe0: {  	v1 =	vmul.f32 v2, v1;
	_ =	sdelay $0x1  }
0xe1: {  	v2 =	vmov s0;
	[tilespmem:$0x2B70] =	vst v1  }
0xe2: {  	s13 =	simm.s32 $0x2CC0;
	[tilespmem:$0x2C70] =	vst v1  }
0xe3: {  	v5 =	vld [tilespmem:s13+$0x30]  }
0xe4: {  	v8 =	vld [tilespmem:s13+$0x10]  }
0xe5: {  	v6 =	vld [tilespmem:s13+$0xFFFFFFC0]  }
0xe6: {  	v2 =	vld.idx.msk [tilespmem:v2+s28+$0x0], $0xffff  }
0xe7: {  	v10 =	vld [tilespmem:s13+$0xFFFFFFE0]  }
0xe8: {  	v1 =	vld [tilespmem:s13+$0xFFFFFFF0]  }
0xe9: {  	v3 =	vld [tilespmem:s13+$0x20]  }
0xea: {  	v4 =	vld [tilespmem:s13+$0xFFFFFFD0]  }
0xeb: {  	v9 =	vmul.f32 v5, v2;
	v5 =	vld [tilespmem:s13+$0x0]  }
0xec: {  	v7 =	vmul.f32 v6, v2  }
0xed: {  	s14 =	simm.s32 $0x1;
	s15 =	simm.s32 $0x2CC0;
	v6 =	vmul.f32 v10, v2;
	v8 =	vmul.f32 v8, v2  }
.LBB2_5:
0xee: {  	p1 =	sne.s32 s14, $0xFF  }
0xef: {  	v4 =	vmul.f32 v4, v2;
	v3 =	vmul.f32 v3, v2;
	[tilespmem:s13+$0x30] =	vst v9;
	s15 =	sadd.s32 $0x80, s15;
	s16 =	smov.u32 s14;
	s14 =	sadd.s32 $0x1, s14  }
0xf0: {  	[tilespmem:s13+$0xFFFFFFC0] =	vst v7;
	v7 =	vmul.f32 v1, v2;
	v2 =	vmul.f32 v5, v2  }
0xf1: {  	[tilespmem:s13+$0x10] =	vst v8  }
0xf2: {  	v5 =	vmov s16;
	[tilespmem:s13+$0xFFFFFFE0] =	vst v6  }
0xf3: {  	v1 =	vld [tilespmem:s15+$0xFFFFFFF0];
	[tilespmem:s13+$0xFFFFFFF0] =	vst v7  }
0xf4: {  	v6 =	vld [tilespmem:s15+$0x30];
	[tilespmem:s13+$0x0] =	vst v2  }
0xf5: {  	v8 =	vld [tilespmem:s15+$0x10];
	[tilespmem:s13+$0x20] =	vst v3  }
0xf6: {  	v7 =	vld [tilespmem:s15+$0xFFFFFFC0];
	[tilespmem:s13+$0xFFFFFFD0] =	vst v4;
	s13 =	smov.u32 s15  }
0xf7: {  	v2 =	vld.idx.msk [tilespmem:v5+s28+$0x0], $0xffff  }
0xf8: {  	v10 =	vld [tilespmem:s15+$0xFFFFFFE0]  }
0xf9: {  	v3 =	vld [tilespmem:s15+$0x20]  }
.Ltmp1:
0xfa: {  	v4 =	vld [tilespmem:s15+$0xFFFFFFD0];
	(pc) =	sbr.rel @p1 .LBB2_5-.Ltmp1, $3  }
0xfb: {  	v5 =	vld [tilespmem:s15+$0x0];
	_ =	sdelay $0x1  }
0xfc: {  	v7 =	vmul.f32 v7, v2;
	v9 =	vmul.f32 v6, v2  }
0xfd: {  	v8 =	vmul.f32 v8, v2;
	v6 =	vmul.f32 v10, v2  }
0xfe: {  	[tilespmem:s13+$0x30] =	vst v9  }
0xff: {  	[tilespmem:s13+$0xFFFFFFC0] =	vst v7  }
0x100: {  	v1 =	vmul.f32 v1, v2;
	[tilespmem:s13+$0x10] =	vst v8  }
0x101: {  	v3 =	vmul.f32 v3, v2;
	[tilespmem:s13+$0xFFFFFFE0] =	vst v6  }
0x102: {  	v5 =	vmul.f32 v5, v2;
	[tilespmem:s13+$0xFFFFFFF0] =	vst v1  }
0x103: {  	v1 =	vmul.f32 v4, v2;
	[tilespmem:s13+$0x20] =	vst v3  }
0x104: {  	[tilespmem:s13+$0x0] =	vst v5  }
0x105: {  	s8 =	sadd.s32 s9, s8;
	[tilespmem:s13+$0xFFFFFFD0] =	vst v1  }
0x106: {  	[hbm4b:s8+s4] =	stream.linear.scatter [tilespmem:s29], [sflag:$0x2], $0x100, $0x38;
	[tilespmem:$0x1E500] =	vst v63  }
0x107: {  	_ =	swait.ge [sflag:s17], $0x100  }
0x108: {  	[sflag:s17] =	ssyncset.done $0x0  }
0x109: {  	[sflag:s17] =	ssyncadd.s32 $0xFFFFFF00  }
0x10a: {  	[spmem:s2] =	stream.indirect.scatter.add.f32 [tilespmem:s18], [sflag:$0x2], $0x80, s20, s23, $0xb8;
	[tilespmem:$0x1E500] =	vst v63  }
0x10b: {  	s3 =	sadd.s32 $0x1, s3;
	_ =	swait.ge [sflag:s17], $0x4000  }
0x10c: {  	p1 =	sne.s32 s3, s10;
	[sflag:s17] =	ssyncset.done $0x0  }
.Ltmp2:
0x10d: {  	[sflag:s17] =	ssyncadd.s32 $0xFFFFC000;
	(pc) =	sbr.rel @p1 .LBB2_4-.Ltmp2, $4  }
0x10e: {  	[spmem:s2] =	stream.indirect.scatter.add.f32 [tilespmem:s26], [sflag:$0x2], $0x80, s30, s23, $0xb8;
	[tilespmem:$0x1E500] =	vst v63  }
0x10f: {  	_ =	swait.ge [sflag:s17], $0x4000  }
0x110: {  	[sflag:s17] =	ssyncset.done $0x0  }
0x111: {  	[sflag:s17] =	ssyncadd.s32 $0xFFFFC000  }
0x112: {  	s0 =	stileid.u32  }
0x113: {  	[bflag:$0x0] =	sbarrier.arrive $0xFFFF;
	s0 =	sshll.u32 @!p0 s0, $0x6  }
0x114: {  	s3 =	rddreg [dreg:$0x7];
	s0 =	sor.u32 @!p0 $0x1C02, s0  }
0x115: {  	[hbm:s3], [sflag:s0] =	dma.local @!p0 [spmem:s25], $0x3E80  }
0x116: {  	s0 =	simm.s32 @!p0 $0x2  }
0x117: {  	_ =	swait.ge @!p0 [sflag:s0], $0x3E80  }
0x118: {  	s31 =	sadd.s32 $0x1, s31;
	s16 =	rddreg [dreg:$0x8]  }
0x119: {  	p1 =	sne.s32 s31, s16  }
.Ltmp3:
0x11a: {  	_ = 	snop;
	(pc) =	sbr.rel @p1 .LBB2_1-.Ltmp3, $3  }
0x11b: {  	_ =	sdelay $0x1  }
0x11c: {  	[sflag:s0] =	ssyncset.done @!p0 $0x0  }
0x11d: {  	[sflag:s0] =	ssyncadd.s32 @!p0 $0xFFFFC180  }
0x11e: {  	_ =	sfence.sel $0x180000  }
0x11f: {  	[bflag:$0x0] =	sbarrier.arrive $0xFFFF  }
0x120: {  	_ =	strace $0x9000004A  }
0x121: {  	s0 =	stileid.u32;
	[bflag:$0x2] =	sbarrier.arrive $0xFFFF  }
0x122: {  	p0 =	sne.s32 s0, $0x0;
	s0 =	rddreg [dreg:$0x3]  }
0x123: {  	s0 =	sadd.s32 @!p0 $0x100000, s0  }
0x124: {  	[sflag:s0] =	ssyncadd.tile.s32 @!p0 $0x1;
	_ =	shalt  }
.Lfunc_end2:
_tile_overlayer_lowered:
.L_overlay_start_2:
0x125: {  	(tag) =	ssettag $0x2  }
0x126: {  	s0 =	rddreg [dreg:$0x0];
	s2 =	stileid.u32  }
0x127: {  	s1 =	rddreg [dreg:$0x1];
	p0 =	sne.s32 s2, $0x0  }
0x128: {  	s3 =	rddreg [dreg:$0x2];
	[bflag:$0x3] =	sbarrier.arrive $0xFFFF;
	s2 =	simm.s32 @!p0 $0x1C02  }
0x129: {  	[timem:s3], [sflag:s2] =	dma.local @!p0 [hbm:s0], s1  }
0x12a: {  	s0 =	simm.s32 @!p0 $0x2  }
0x12b: {  	_ =	swait.ge @!p0 [sflag:s0], s1  }
0x12c: {  	s1 =	ssub.s32 @!p0 $0x0, s1;
	[sflag:s0] =	ssyncset.done @!p0 $0x0  }
0x12d: {  	[sflag:s0] =	ssyncadd.s32 @!p0 s1  }
0x12e: {  	[bflag:$0x3] =	sbarrier.arrive $0xFFFF  }
0x12f: {  	_ =	shalt  }

// kernel: kernel.7.cloned.1.call-start
scs
__scs_entry_jumppad:
0x0: {  	(pc) =	sbr.rel $0x88, $3  }
0x1: {  	(tag) =	ssettag $0x0;
	lr =	simm.s32 $0x1  }
0x2: {  	[smem:$0x3F8C] =	sst lr;
	_ =	strace $0xD0000000  }
0x3: {  	_ = 	snop  }
0x4: {  	_ = 	snop  }
0x5: {  	_ = 	snop  }
0x6: {  	_ = 	snop  }
0x7: {  	_ = 	snop  }
__scs_overlays_trampoline_lowered:
0x8: {  	[smem:$0x3F9B] =	sst s0  }
0x9: {  	[smem:$0x3F9C] =	sst s1  }
0xa: {  	[smem:$0x3F9D] =	sst s2  }
0xb: {  	[smem:$0x3F9E] =	sst s3  }
0xc: {  	[smem:$0x3F9F] =	sst s4  }
0xd: {  	[smem:$0x3FA0] =	sst s5  }
0xe: {  	[smem:$0x3FA1] =	sst s6  }
0xf: {  	[smem:$0x3FA2] =	sst s7  }
0x10: {  	[smem:$0x3FA3] =	sst s8  }
0x11: {  	[smem:$0x3FA4] =	sst s9;
	s0 =	simm.s32 @!p0 $0x0  }
0x12: {  	s1 =	sld [smem:$0x3F8A];
	s0 =	simm.s32 @p0 $0x1  }
0x13: {  	[smem:$0x3FA5] =	sst s0;
	s0 =	simm.s32 @!p1 $0x0  }
0x14: {  	s2 =	sld [smem:$0x3F89];
	s0 =	simm.s32 @p1 $0x1  }
0x15: {  	[smem:$0x3FA6] =	sst s0;
	s0 =	simm.s32 @!p2 $0x0  }
0x16: {  	s3 =	sld [smem:$0x3FDB];
	s0 =	simm.s32 @p2 $0x1  }
0x17: {  	s4 =	simm.s32 $0x1BF5;
	[smem:$0x3FA8] =	sst s0  }
0x18: {  	s0 =	sld [smem:$0x3F8B];
	_ =	swait.ge [sflag:s4], $0x0  }
0x19: {  	s7 =	sld [smem:$0x3F8C]  }
0x1a: {  	s8 =	sadd.s32 $0xFFFFE003, lr  }
0x1b: {  	s9 =	sadd.s32 $0xFFFFFEF7, lr;
	s5 =	simm.s32 $0xFFFFFFFF;
	p2 =	slt.u32 s8, $0xFFFFF086  }
0x1c: {  	p1 =	slt.u32 s9, $0xF7A;
	s5 =	simm.s32 @!p2 $0x0  }
0x1d: {  	s5 =	simm.s32 @p1 $0x1;
	p0 =	seq.s32 s7, s2  }
0x1e: {  	s7 =	smul.u32 @!p0 $0xF7A, s2;
	p2 =	seq.s32 @!p0 s5, $0x0  }
0x1f: {  	s9 =	smul.u32 $0xF7A, s1;
	s8 =	simm.s32 @!p0 $0x1BF5;
	p2 =	por !p2, p0  }
0x20: {  	[sflag:s8] =	ssyncset.s32 @!p0 $0xFFFFF086;
	s6 =	sadd.s32 @!p0 s3, s7;
	s7 =	simm.s32 @!p0 $0x108  }
0x21: {  	s3 =	sadd.s32 s3, s9;
	s6 =	sadd.s32 @!p0 $0x88, s6;
	s7 =	simm.s32 @p2 $0x1082  }
0x22: {  	[simem:s7], [sflag:s8] =	dma.local @!p0 [hbm:s6], $0xF7A  }
0x23: {  	s9 =	sor.u32 $0xD0000000, s2;
	s6 =	simm.s32 $0x108;
	_ =	swait.ge @!p0 [sflag:s8], $0x0  }
0x24: {  	s3 =	sadd.s32 $0x88, s3;
	s6 =	simm.s32 @!p1 $0x1082;
	[sflag:s4] =	ssyncset.s32 $0xFFFFF086  }
0x25: {  	[simem:s6], [sflag:s4] =	dma.local [hbm:s3], $0xF7A  }
0x26: {  	[smem:$0x3F8C] =	sst s1;
	(tag) =	ssettag s2;
	_ =	strace s9  }
0x27: {  	s1 =	sld [smem:$0x3F9C]  }
0x28: {  	s2 =	sld [smem:$0x3F9D]  }
0x29: {  	s4 =	sld [smem:$0x3F9F]  }
0x2a: {  	p0 =	seq.s32 s5, $0x0;
	s5 =	sld [smem:$0x3FA0]  }
0x2b: {  	s6 =	sld [smem:$0x3FA1]  }
0x2c: {  	s7 =	sld [smem:$0x3FA2]  }
0x2d: {  	s3 =	simm.s32 $0x108;
	s8 =	sld [smem:$0x3FA3]  }
0x2e: {  	s3 =	simm.s32 @!p0 $0x1082;
	s9 =	sld [smem:$0x3FA4]  }
0x2f: {  	lr =	sadd.s32 s0, s3;
	s0 =	sld [smem:$0x3F9B]  }
0x30: {  	s3 =	sld [smem:$0x3F9E]  }
0x31: {  	[smem:$0x3FA7] =	sst s10  }
0x32: {  	s10 =	sld [smem:$0x3FA5];
	_ =	sdelay $0x3  }
0x33: {  	p0 =	seq.s32 s10, $0x1;
	s10 =	sld [smem:$0x3FA7];
	_ =	sdelay $0x3  }
0x34: {  	[smem:$0x3FA7] =	sst s10  }
0x35: {  	s10 =	sld [smem:$0x3FA6];
	_ =	sdelay $0x3  }
0x36: {  	p1 =	seq.s32 s10, $0x1;
	s10 =	sld [smem:$0x3FA7];
	_ =	sdelay $0x3  }
0x37: {  	[smem:$0x3FA7] =	sst s10  }
0x38: {  	s10 =	sld [smem:$0x3FA8]  }
0x39: {  	_ = 	snop;
	(pc) =	sbr.ind lr, $3  }
0x3a: {  	_ = 	snop  }
0x3b: {  	_ = 	snop  }
0x3c: {  	p2 =	seq.s32 s10, $0x1;
	s10 =	sld [smem:$0x3FA7]  }
0x3d: {  	_ =	shalt  }
0x3e: {  	_ =	shalt  }
0x3f: {  	_ =	shalt  }
0x40: {  	_ =	shalt  }
0x41: {  	_ =	shalt  }
0x42: {  	_ =	shalt  }
0x43: {  	_ =	shalt  }
0x44: {  	_ =	shalt  }
0x45: {  	_ =	shalt  }
0x46: {  	_ =	shalt  }
0x47: {  	_ =	shalt  }
0x48: {  	_ =	shalt  }
0x49: {  	_ =	shalt  }
0x4a: {  	_ =	shalt  }
0x4b: {  	_ =	shalt  }
0x4c: {  	_ =	shalt  }
0x4d: {  	_ =	shalt  }
0x4e: {  	_ =	shalt  }
0x4f: {  	_ =	shalt  }
0x50: {  	_ =	shalt  }
0x51: {  	_ =	shalt  }
0x52: {  	_ =	shalt  }
0x53: {  	_ =	shalt  }
0x54: {  	_ =	shalt  }
0x55: {  	_ =	shalt  }
0x56: {  	_ =	shalt  }
0x57: {  	_ =	shalt  }
0x58: {  	_ =	shalt  }
0x59: {  	_ =	shalt  }
0x5a: {  	_ =	shalt  }
0x5b: {  	_ =	shalt  }
0x5c: {  	_ =	shalt  }
0x5d: {  	_ =	shalt  }
0x5e: {  	_ =	shalt  }
0x5f: {  	_ =	shalt  }
0x60: {  	_ =	shalt  }
0x61: {  	_ =	shalt  }
0x62: {  	_ =	shalt  }
0x63: {  	_ =	shalt  }
0x64: {  	_ =	shalt  }
0x65: {  	_ =	shalt  }
0x66: {  	_ =	shalt  }
0x67: {  	_ =	shalt  }
0x68: {  	_ =	shalt  }
0x69: {  	_ =	shalt  }
0x6a: {  	_ =	shalt  }
0x6b: {  	_ =	shalt  }
0x6c: {  	_ =	shalt  }
0x6d: {  	_ =	shalt  }
0x6e: {  	_ =	shalt  }
0x6f: {  	_ =	shalt  }
0x70: {  	_ =	shalt  }
0x71: {  	_ =	shalt  }
0x72: {  	_ =	shalt  }
0x73: {  	_ =	shalt  }
0x74: {  	_ =	shalt  }
0x75: {  	_ =	shalt  }
0x76: {  	_ =	shalt  }
0x77: {  	_ =	shalt  }
0x78: {  	_ =	shalt  }
0x79: {  	_ =	shalt  }
0x7a: {  	_ =	shalt  }
0x7b: {  	_ =	shalt  }
0x7c: {  	_ =	shalt  }
0x7d: {  	_ =	shalt  }
0x7e: {  	_ =	shalt  }
0x7f: {  	_ =	shalt  }
0x80: {  	_ =	shalt  }
0x81: {  	_ =	shalt  }
0x82: {  	_ =	shalt  }
0x83: {  	_ =	shalt  }
0x84: {  	_ =	shalt  }
0x85: {  	_ =	shalt  }
0x86: {  	_ =	shalt  }
0x87: {  	_ =	shalt  }
.Lfunc_end0:
.L_simem_size_0:
called_computation_lowered:
.L_overlay_start_0:
0x88: {  	s2 =	sld [smem:$0x3FD9]  }
0x89: {  	s3 =	sld [smem:$0x3FFE];
	_ =	sdelay $0x1  }
0x8a: {  	s1 =	srdreg.scid  }
0x8b: {  	s0 =	sand.u32 $0x1, s1  }
0x8c: {  	s14 =	sshll.u32 s0, $0xA;
	s2 =	sadd.s32 s3, s2  }
0x8d: {  	s2 =	sadd.s32 s2, s14  }
0x8e: {  	[smem:$0x3FB3] =	sst s2  }
0x8f: {  	_ = 	snop  }
0x90: {  	s2 =	sld [smem:$0x3FD0];
	_ =	sdelay $0x2  }
0x91: {  	s15 =	simm.s32 $0xA;
	s4 =	simm.s32 $0x10  }
0x92: {  	[smem:s4], [sflag:s15] =	dma.local [hbm:s2], $0x1  }
0x93: {  	_ =	swait.eq [sflag:s15], $0x1  }
0x94: {  	s16 =	sld [smem:$0x11];
	[sflag:s15] =	ssyncset.done $0x0  }
0x95: {  	s17 =	sld [smem:$0x12];
	[sflag:s15] =	ssyncadd.s32 $0xFFFFFFFF  }
0x96: {  	s18 =	sld [smem:$0x13];
	(tm) =	ssettm $0x1  }
0x97: {  	s5 =	sld [smem:$0x3FFB];
	_ =	sdelay $0x3  }
0x98: {  	_ =	strace s5  }
0x99: {  	s5 =	sld [smem:$0x3FFC];
	_ =	sdelay $0x3  }
0x9a: {  	_ =	strace s5  }
0x9b: {  	s5 =	sld [smem:$0x3FFD];
	_ =	sdelay $0x3  }
0x9c: {  	_ =	strace s5  }
0x9d: {  	_ =	strace $0x8FFFFFFF  }
0x9e: {  	s19 =	sld [smem:$0x3FDB];
	_ =	sdelay $0x1  }
0x9f: {  	s6 =	simm.s32 $_scs_section_size  }
0xa0: {  	s7 =	simm.s32 $_size__tile_overlayer_lowered;
	s8 =	simm.s32 $_tile_overlayer_lowered  }
0xa1: {  	s22 =	simm.s32 $0x1BFF;
	s21 =	sshll.u32 s8, $0x1;
	s5 =	sadd.s32 s6, s19  }
0xa2: {  	s9 =	simm.s32 $0x0;
	s20 =	sshll.u32 s7, $0x1;
	s7 =	sadd.s32 s21, s5  }
0xa3: {  	[timem:s9], [sflag:s22] =	dma.local [hbm:s7], s20  }
0xa4: {  	_ =	swait.ge [sflag:s22], s20  }
0xa5: {  	s6 =	ssub.s32 $0x0, s20;
	[sflag:s22] =	ssyncset.done $0x0  }
0xa6: {  	[sflag:s22] =	ssyncadd.s32 s6;
	_ =	sdelay $0x1  }
0xa7: {  	s23 =	simm.s32 $0x1B8B  }
0xa8: {  	_ =	swait.ge [sflag:s23], $0x1  }
0xa9: {  	[sflag:s23] =	ssyncset.done $0x0  }
0xaa: {  	s25 =	simm.s32 $0x1B8E;
	s24 =	sld [smem:$0x3FFE];
	[sflag:s23] =	ssyncadd.s32 $0xFFFFFFFF  }
0xab: {  	s26 =	simm.s32 $execute0_lowered;
	[smem:$0x3FD2] =	sst s25  }
0xac: {  	s7 =	sshll.u32 s26, $0x1;
	_ =	strace $0x80000046;
	[dreg:$0x1] =	wrdreg $0xFFFFFFFF  }
0xad: {  	s28 =	simm.s32 $_size_execute0_lowered;
	s5 =	sadd.s32 s5, s7;
	[dreg:$0x0] =	wrdreg $0x0  }
0xae: {  	s7 =	sshll.u32 s28, $0x1;
	[dreg:$0x2] =	wrdreg s5  }
0xaf: {  	[dreg:$0x3] =	wrdreg s7  }
0xb0: {  	[dreg:$0x4] =	wrdreg $0xC0  }
0xb1: {  	_ =	task [dreg:s9], $0x5FFFF  }
0xb2: {  	[dreg:$0x1] =	wrdreg $0xFFFFFFFF  }
0xb3: {  	[dreg:$0x0] =	wrdreg $0x60  }
0xb4: {  	[dreg:$0x2] =	wrdreg s24  }
0xb5: {  	[dreg:$0x3] =	wrdreg s18  }
0xb6: {  	[dreg:$0x4] =	wrdreg s16  }
0xb7: {  	[dreg:$0x5] =	wrdreg s17  }
0xb8: {  	[dreg:$0x6] =	wrdreg $0x106000  }
0xb9: {  	[dreg:$0x7] =	wrdreg $0x108780  }
0xba: {  	[dreg:$0x8] =	wrdreg $0x9  }
0xbb: {  	_ =	task.clear_ibuf [dreg:s9], $0x9FFFF;
	_ =	strace $0x90000046  }
0xbc: {  	s29 =	simm.s32 $0x9;
	_ =	strace $0x80000048  }
0xbd: {  	_ =	swait.ge [sflag:s29], $0x1  }
0xbe: {  	[sflag:s29] =	ssyncadd.s32 $0xFFFFFFFF  }
0xbf: {  	_ =	strace $0x90000048  }
0xc0: {  	_ =	sfence  }
0xc1: {  	s30 =	sld [smem:$0x0];
	_ =	sdelay $0x2  }
0xc2: {  	s31 =	sshll.u32 s1, $0xD;
	s1 =	sshrl.u32 s1, $0x2  }
0xc3: {  	s3 =	sand.u32 $0x4000, s31;
	s1 =	sadd.s32 s1, s30  }
0xc4: {  	s0 =	sor.u32 s3, s0;
	s1 =	sshll.u32 s1, $0x11  }
0xc5: {  	s0 =	sor.u32 s1, s0  }
0xc6: {  	s0 =	sadd.s32 $0x8F2B, s0  }
0xc7: {  	[sflag:s0] =	ssyncadd.remote.s32 $0x1  }
0xc8: {  	_ =	sfence.sel $0xFFFF  }
0xc9: {  	[dreg:$0x0] =	wrdreg $0xFFFFFFFF;
	(pc) =	sbr.abs _section_cstart, $3  }
0xca: {  	[dreg:$0x1] =	wrdreg $0xFFFFFFFF  }
0xcb: {  	_ =	task.clear_ibuf [dreg:s9], $0x2FFFF;
	_ =	strace $0x9FFFFFFF  }
0xcc: {  	(tm) =	ssettm $0x7FFFFFFF  }
0xcd: {  	_ =	shalt  }
tec
execute0_lowered:
.L_overlay_start_1:
0x0: {  	(tag) =	ssettag $0x1  }
0x1: {  	s0 =	rddreg [dreg:$0x0]  }
0x2: {  	s1 =	rddreg [dreg:$0x2]  }
0x3: {  	s5 =	rddreg [dreg:$0x3]  }
0x4: {  	s2 =	rddreg [dreg:$0x4]  }
0x5: {  	s3 =	rddreg [dreg:$0x5];
	s4 =	simm.s32 $0x0  }
0x6: {  	[smem:$0x7FF] =	sst s4;
	s6 =	sadd.s32 $0x2B000, s0  }
0x7: {  	s13 =	sadd.s32 $0x21000, s0;
	_ =	strace $0x80000047;
	[dreg:$0x7] =	wrdreg s6  }
0x8: {  	s14 =	sadd.s32 $0x1E00, s0;
	[dreg:$0x8] =	wrdreg s13  }
0x9: {  	s15 =	sadd.s32 $0x15E00, s0;
	[dreg:$0x9] =	wrdreg s14  }
0xa: {  	s16 =	sadd.s32 $0xBE00, s0;
	[dreg:$0xa] =	wrdreg s15  }
0xb: {  	s17 =	sadd.s32 $0x20A00, s0;
	[dreg:$0xb] =	wrdreg s16  }
0xc: {  	s18 =	sadd.s32 $0x20400, s0;
	[dreg:$0xc] =	wrdreg s17  }
0xd: {  	s7 =	sadd.s32 $0x1FE00, s0;
	[dreg:$0xd] =	wrdreg s18  }
0xe: {  	s20 =	sadd.s32 $0x1C00, s0;
	[dreg:$0xe] =	wrdreg s7  }
0xf: {  	s21 =	sadd.s32 $0x35000, s0;
	[dreg:$0xf] =	wrdreg s20  }
0x10: {  	s22 =	sadd.s32 $0x35600, s0;
	[dreg:$0x10] =	wrdreg s21  }
0x11: {  	s24 =	stileid.u32;
	s0 =	sadd.s32 $0x3F600, s0;
	[dreg:$0x11] =	wrdreg s22  }
0x12: {  	s25 =	sshll.u32 s24, $0x1;
	s26 =	sadd.s32 $0x2710, s3;
	[dreg:$0x12] =	wrdreg s0  }
0x13: {  	s9 =	smul.u32 $0x5000, s24;
	s12 =	sadd.s32 $0x7530, s3;
	[dreg:$0x14] =	wrdreg s26  }
0x14: {  	p0 =	sne.s32 s24, $0x0;
	s24 =	sadd.s32 $0x1FBD0, s3;
	[dreg:$0x18] =	wrdreg s12  }
0x15: {  	s19 =	srdreg.scid;
	s13 =	sadd.s32 $0x9C40, s3;
	[smem:$0x7FB] =	sst s24  }
0x16: {  	s28 =	simm.s32 $0x2780;
	s16 =	sadd.s32 $0xC350, s3;
	[dreg:$0x19] =	wrdreg s13  }
0x17: {  	s29 =	simm.s32 $0x4F00;
	s17 =	sadd.s32 $0xEA60, s3;
	[dreg:$0x1c] =	wrdreg s16  }
0x18: {  	s30 =	simm.s32 $0x7680;
	s18 =	sadd.s32 $0x11170, s3;
	[dreg:$0x1d] =	wrdreg s17  }
0x19: {  	s6 =	sand.u32 $0x1, s19;
	s19 =	sadd.s32 $0x13880, s3;
	[dreg:$0x1e] =	wrdreg s18  }
0x1a: {  	s31 =	simm.s32 $0x9E00;
	s20 =	sadd.s32 $0x15F90, s3;
	[dreg:$0x1f] =	wrdreg s19  }
0x1b: {  	s21 =	sadd.s32 $0x186A0, s3;
	s22 =	sadd.s32 $0x1ADB0, s3;
	[smem:$0x7F7] =	sst s20  }
0x1c: {  	s26 =	sadd.s32 $0x249F0, s3;
	s12 =	simm.s32 $0x80;
	[smem:$0x7F8] =	sst s21  }
0x1d: {  	s24 =	simm.s32 $0xDA00;
	s23 =	ssub.s32 $0x2, s6;
	[smem:$0x7F9] =	sst s22  }
0x1e: {  	s10 =	sshll.u32 s6, $0x4;
	[smem:$0x7FD] =	sst s26;
	s26 =	simm.s32 $0x2  }
0x1f: {  	s22 =	simm.s32 $0xA680;
	s13 =	simm.s32 $0xD880;
	s21 =	simm.s32 $0xDB00  }
0x20: {  	s19 =	simm.s32 $0xDB80;
	s8 =	sshrl.u32 s23, $0x1;
	s1 =	sadd.s32 s1, s10  }
0x21: {  	s7 =	ssub.s32 s23, s8;
	s8 =	sor.u32 s6, s25;
	s6 =	smul.u32 $0x2800, s6  }
0x22: {  	[dreg:$0x15] =	wrdreg s1;
	s23 =	sadd.s32 $0x1D4C0, s3;
	s25 =	sadd.s32 $0x222E0, s3  }
0x23: {  	s1 =	simm.s32 $0x1;
	s8 =	smul.u32 $0x50, s8;
	[smem:$0x7FA] =	sst s23  }
0x24: {  	s14 =	smax.u32 s7, $0x1;
	[smem:$0x7FC] =	sst s25;
	s25 =	simm.s32 $0xD900  }
0x25: {  	s23 =	simm.s32 $0xD980;
	s7 =	simm.s32 $0xDD80;
	[dreg:$0x1a] =	wrdreg s14  }
0x26: {  	s11 =	sadd.s32 s6, s9;
	[dreg:$0x13] =	wrdreg s8;
	s8 =	sadd.s32 s5, s10  }
0x27: {  	s14 =	simm.s32 $0xDC00;
	s10 =	sadd.s32 $0x4E20, s3;
	[dreg:$0x16] =	wrdreg s8  }
0x28: {  	s6 =	simm.s32 $0xDD00;
	s15 =	sor.u32 $0x70, s11;
	[dreg:$0x17] =	wrdreg s10  }
0x29: {  	s11 =	simm.s32 $0xD680;
	s5 =	simm.s32 $0xDC80;
	[dreg:$0x1b] =	wrdreg s15  }
0x2a: {  	s10 =	simm.s32 $0xDA80;
	s8 =	simm.s32 $0xDE00;
	s15 =	simm.s32 $0x0  }
.LBB2_1:
0x2b: {  	s0 =	rddreg [dreg:$0xc]  }
0x2c: {  	[tilespmem:s4], [sflag:$0x2] =	stream.linear.gather [hbm4b:s0+s4], $0x2780, $0x38;
	[tilespmem:$0x12F88] =	vst v63  }
0x2d: {  	_ =	swait.ge [sflag:s26], $0x2780  }
0x2e: {  	[sflag:s26] =	ssyncset.done $0x0  }
0x2f: {  	s16 =	rddreg [dreg:$0xd];
	[sflag:s26] =	ssyncadd.s32 $0xFFFFD880  }
0x30: {  	[tilespmem:s28], [sflag:$0x2] =	stream.linear.gather [hbm4b:s16+s4], $0x2780, $0x38;
	[tilespmem:$0x12F88] =	vst v63  }
0x31: {  	_ =	swait.ge [sflag:s26], $0x2780  }
0x32: {  	[sflag:s26] =	ssyncset.done $0x0  }
0x33: {  	s17 =	rddreg [dreg:$0xe];
	[sflag:s26] =	ssyncadd.s32 $0xFFFFD880  }
0x34: {  	[tilespmem:s29], [sflag:$0x2] =	stream.linear.gather [hbm4b:s17+s4], $0x2780, $0x38;
	[tilespmem:$0x12F88] =	vst v63  }
0x35: {  	_ =	swait.ge [sflag:s26], $0x2780  }
0x36: {  	[sflag:s26] =	ssyncset.done $0x0  }
0x37: {  	[sflag:s26] =	ssyncadd.s32 $0xFFFFD880  }
0x38: {  	s18 =	rddreg [dreg:$0x1]  }
0x39: {  	[tilespmem:s30], [sflag:$0x2] =	stream.linear.gather [hbm4b:s18+s4], $0x2780, $0x38;
	[tilespmem:$0x12F88] =	vst v63  }
0x3a: {  	_ =	swait.ge [sflag:s26], $0x2780  }
0x3b: {  	[sflag:s26] =	ssyncset.done $0x0  }
.Ltmp0:
0x3c: {  	s20 =	rddreg [dreg:$0xf];
	[sflag:s26] =	ssyncadd.s32 $0xFFFFD880;
	(pc) =	sbr.rel @p0 .LBB2_3-.Ltmp0, $4  }
0x3d: {  	[tilespmem:s31], [sflag:$0x2] =	stream.linear.gather [hbm4b:s20+s4], $0x80, $0x38;
	[tilespmem:$0x12F88] =	vst v63  }
0x3e: {  	_ =	swait.ge [sflag:s26], $0x80  }
0x3f: {  	[sflag:s26] =	ssyncset.done $0x0  }
0x40: {  	[sflag:s26] =	ssyncadd.s32 $0xFFFFFF80  }
0x41: {  	s0 =	rddreg [dreg:$0x10];
	s9 =	simm.s32 $0xDE80  }
0x42: {  	[tilespmem:s9], [sflag:$0x2] =	stream.linear.gather [hbm4b:s0+s4], $0x2780, $0x38;
	[tilespmem:$0x12F88] =	vst v63  }
0x43: {  	_ =	swait.ge [sflag:s26], $0x2780  }
0x44: {  	[sflag:s26] =	ssyncset.done $0x0  }
0x45: {  	[sflag:s26] =	ssyncadd.s32 $0xFFFFD880  }
0x46: {  	[spmem:s2] =	stream.linear.scatter [tilespmem:s9], [sflag:$0x2], $0x2780, $0x38;
	[tilespmem:$0x12F88] =	vst v63  }
0x47: {  	_ =	swait.ge [sflag:s26], $0x2780  }
0x48: {  	[sflag:s26] =	ssyncset.done $0x0  }
0x49: {  	[sflag:s26] =	ssyncadd.s32 $0xFFFFD880  }
0x4a: {  	[spmem:s3] =	stream.linear.scatter [tilespmem:s9], [sflag:$0x2], $0x2710, $0x38;
	[tilespmem:$0x12F88] =	vst v63  }
0x4b: {  	_ =	swait.ge [sflag:s26], $0x2710  }
0x4c: {  	[sflag:s26] =	ssyncset.done $0x0  }
0x4d: {  	s17 =	rddreg [dreg:$0x14];
	[sflag:s26] =	ssyncadd.s32 $0xFFFFD8F0  }
0x4e: {  	[spmem:s17] =	stream.linear.scatter [tilespmem:s9], [sflag:$0x2], $0x2710, $0x38;
	[tilespmem:$0x12F88] =	vst v63  }
0x4f: {  	_ =	swait.ge [sflag:s26], $0x2710  }
0x50: {  	[sflag:s26] =	ssyncset.done $0x0  }
0x51: {  	s18 =	rddreg [dreg:$0x17];
	[sflag:s26] =	ssyncadd.s32 $0xFFFFD8F0  }
0x52: {  	[spmem:s18] =	stream.linear.scatter [tilespmem:s9], [sflag:$0x2], $0x2710, $0x38;
	[tilespmem:$0x12F88] =	vst v63  }
0x53: {  	_ =	swait.ge [sflag:s26], $0x2710  }
0x54: {  	[sflag:s26] =	ssyncset.done $0x0  }
0x55: {  	s20 =	rddreg [dreg:$0x18];
	[sflag:s26] =	ssyncadd.s32 $0xFFFFD8F0  }
0x56: {  	[spmem:s20] =	stream.linear.scatter [tilespmem:s9], [sflag:$0x2], $0x2710, $0x38;
	[tilespmem:$0x12F88] =	vst v63  }
0x57: {  	_ =	swait.ge [sflag:s26], $0x2710  }
0x58: {  	[sflag:s26] =	ssyncset.done $0x0  }
0x59: {  	s16 =	rddreg [dreg:$0x19];
	[sflag:s26] =	ssyncadd.s32 $0xFFFFD8F0  }
0x5a: {  	[spmem:s16] =	stream.linear.scatter [tilespmem:s9], [sflag:$0x2], $0x2710, $0x38;
	[tilespmem:$0x12F88] =	vst v63  }
0x5b: {  	_ =	swait.ge [sflag:s26], $0x2710  }
0x5c: {  	[sflag:s26] =	ssyncset.done $0x0  }
0x5d: {  	s17 =	rddreg [dreg:$0x1c];
	[sflag:s26] =	ssyncadd.s32 $0xFFFFD8F0  }
0x5e: {  	[spmem:s17] =	stream.linear.scatter [tilespmem:s9], [sflag:$0x2], $0x2710, $0x38;
	[tilespmem:$0x12F88] =	vst v63  }
0x5f: {  	_ =	swait.ge [sflag:s26], $0x2710  }
0x60: {  	[sflag:s26] =	ssyncset.done $0x0  }
0x61: {  	s18 =	rddreg [dreg:$0x1d];
	[sflag:s26] =	ssyncadd.s32 $0xFFFFD8F0  }
0x62: {  	[spmem:s18] =	stream.linear.scatter [tilespmem:s9], [sflag:$0x2], $0x2710, $0x38;
	[tilespmem:$0x12F88] =	vst v63  }
0x63: {  	_ =	swait.ge [sflag:s26], $0x2710  }
0x64: {  	[sflag:s26] =	ssyncset.done $0x0  }
0x65: {  	s20 =	rddreg [dreg:$0x1e];
	[sflag:s26] =	ssyncadd.s32 $0xFFFFD8F0  }
0x66: {  	[spmem:s20] =	stream.linear.scatter [tilespmem:s9], [sflag:$0x2], $0x2710, $0x38;
	[tilespmem:$0x12F88] =	vst v63  }
0x67: {  	_ =	swait.ge [sflag:s26], $0x2710  }
0x68: {  	[sflag:s26] =	ssyncset.done $0x0  }
0x69: {  	s16 =	rddreg [dreg:$0x1f];
	[sflag:s26] =	ssyncadd.s32 $0xFFFFD8F0  }
0x6a: {  	[spmem:s16] =	stream.linear.scatter [tilespmem:s9], [sflag:$0x2], $0x2710, $0x38;
	[tilespmem:$0x12F88] =	vst v63  }
0x6b: {  	_ =	swait.ge [sflag:s26], $0x2710  }
0x6c: {  	s17 =	sld [smem:$0x7F7]  }
0x6d: {  	[sflag:s26] =	ssyncset.done $0x0  }
0x6e: {  	[sflag:s26] =	ssyncadd.s32 $0xFFFFD8F0  }
0x6f: {  	[spmem:s17] =	stream.linear.scatter [tilespmem:s9], [sflag:$0x2], $0x2710, $0x38;
	[tilespmem:$0x12F88] =	vst v63  }
0x70: {  	_ =	swait.ge [sflag:s26], $0x2710  }
0x71: {  	s18 =	sld [smem:$0x7F8]  }
0x72: {  	[sflag:s26] =	ssyncset.done $0x0  }
0x73: {  	[sflag:s26] =	ssyncadd.s32 $0xFFFFD8F0  }
0x74: {  	[spmem:s18] =	stream.linear.scatter [tilespmem:s9], [sflag:$0x2], $0x2710, $0x38;
	[tilespmem:$0x12F88] =	vst v63  }
0x75: {  	_ =	swait.ge [sflag:s26], $0x2710  }
0x76: {  	s20 =	sld [smem:$0x7F9]  }
0x77: {  	[sflag:s26] =	ssyncset.done $0x0  }
0x78: {  	[sflag:s26] =	ssyncadd.s32 $0xFFFFD8F0  }
0x79: {  	[spmem:s20] =	stream.linear.scatter [tilespmem:s9], [sflag:$0x2], $0x2710, $0x38;
	[tilespmem:$0x12F88] =	vst v63  }
0x7a: {  	_ =	swait.ge [sflag:s26], $0x2710  }
0x7b: {  	s16 =	sld [smem:$0x7FA]  }
0x7c: {  	[sflag:s26] =	ssyncset.done $0x0  }
0x7d: {  	[sflag:s26] =	ssyncadd.s32 $0xFFFFD8F0  }
0x7e: {  	[spmem:s16] =	stream.linear.scatter [tilespmem:s9], [sflag:$0x2], $0x2710, $0x38;
	[tilespmem:$0x12F88] =	vst v63  }
0x7f: {  	_ =	swait.ge [sflag:s26], $0x2710  }
0x80: {  	s17 =	sld [smem:$0x7FB]  }
0x81: {  	[sflag:s26] =	ssyncset.done $0x0  }
0x82: {  	[sflag:s26] =	ssyncadd.s32 $0xFFFFD8F0  }
0x83: {  	[spmem:s17] =	stream.linear.scatter [tilespmem:s9], [sflag:$0x2], $0x2710, $0x38;
	[tilespmem:$0x12F88] =	vst v63  }
0x84: {  	_ =	swait.ge [sflag:s26], $0x2710  }
0x85: {  	s18 =	sld [smem:$0x7FC]  }
0x86: {  	[sflag:s26] =	ssyncset.done $0x0  }
0x87: {  	[sflag:s26] =	ssyncadd.s32 $0xFFFFD8F0  }
0x88: {  	[spmem:s18] =	stream.linear.scatter [tilespmem:s9], [sflag:$0x2], $0x2710, $0x38;
	[tilespmem:$0x12F88] =	vst v63  }
0x89: {  	_ =	swait.ge [sflag:s26], $0x2710  }
0x8a: {  	s20 =	sld [smem:$0x7FD]  }
0x8b: {  	[sflag:s26] =	ssyncset.done $0x0  }
0x8c: {  	[sflag:s26] =	ssyncadd.s32 $0xFFFFD8F0  }
0x8d: {  	[spmem:s20] =	stream.linear.scatter [tilespmem:s9], [sflag:$0x2], $0x2710, $0x38;
	[tilespmem:$0x12F88] =	vst v63  }
0x8e: {  	_ =	swait.ge [sflag:s26], $0x2710  }
0x8f: {  	[sflag:s26] =	ssyncset.done $0x0  }
0x90: {  	[sflag:s26] =	ssyncadd.s32 $0xFFFFD8F0  }
.LBB2_3:
0x91: {  	[smem:$0x7F6] =	sst s15  }
0x92: {  	[bflag:$0x0] =	sbarrier.arrive $0xFFFF  }
0x93: {  	s9 =	simm.s32 $0x0;
	s16 =	simm.s32 $0x0;
	s18 =	rddreg [dreg:$0x1b]  }
.LBB2_4:
0x94: {  	s0 =	sshll.u32 s16, $0x4;
	s15 =	rddreg [dreg:$0x13]  }
0x95: {  	s0 =	sadd.s32 s15, s0  }
0x96: {  	s15 =	rddreg [dreg:$0x7];
	s17 =	sshll.u32 s0, $0x4  }
0x97: {  	s20 =	simm.s32 $0x9E80;
	s0 =	sadd.s32 s15, s17;
	s15 =	rddreg [dreg:$0x8]  }
0x98: {  	[tilespmem:s20], [sflag:$0x1] =	stream.linear.gather [hbm4b:s0+s9], $0x800, $0x38;
	[tilespmem:$0x12F88] =	vst v63  }
0x99: {  	s0 =	sadd.s32 s15, s17;
	s20 =	rddreg [dreg:$0x9]  }
0x9a: {  	[tilespmem:s22], [sflag:$0x1] =	stream.linear.gather [hbm4b:s0+s9], $0x800, $0x38;
	[tilespmem:$0x12F88] =	vst v63  }
0x9b: {  	s0 =	sadd.s32 s20, s17;
	s22 =	simm.s32 $0xAE80;
	s20 =	rddreg [dreg:$0xa]  }
0x9c: {  	[tilespmem:s22], [sflag:$0x1] =	stream.linear.gather [hbm4b:s0+s9], $0x800, $0x38;
	[tilespmem:$0x12F88] =	vst v63  }
0x9d: {  	s0 =	sadd.s32 s20, s17;
	s22 =	simm.s32 $0xBE80;
	s20 =	rddreg [dreg:$0xb]  }
0x9e: {  	[tilespmem:s22], [sflag:$0x1] =	stream.linear.gather [hbm4b:s0+s9], $0x800, $0x38;
	[tilespmem:$0x12F88] =	vst v63  }
0x9f: {  	s0 =	sadd.s32 s20, s17;
	s22 =	simm.s32 $0xC680  }
0xa0: {  	[tilespmem:s22], [sflag:$0x1] =	stream.linear.gather [hbm4b:s0+s9], $0x800, $0x38;
	[tilespmem:$0x12F88] =	vst v63  }
0xa1: {  	_ =	swait.ge [sflag:s1], $0x800  }
0xa2: {  	[sflag:s1] =	ssyncset.done $0x0  }
0xa3: {  	[sflag:s1] =	ssyncadd.s32 $0xFFFFF800  }
0xa4: {  	_ =	swait.ge [sflag:s1], $0x800  }
0xa5: {  	[sflag:s1] =	ssyncset.done $0x0  }
0xa6: {  	[sflag:s1] =	ssyncadd.s32 $0xFFFFF800  }
0xa7: {  	_ =	swait.ge [sflag:s1], $0x800  }
0xa8: {  	[sflag:s1] =	ssyncset.done $0x0  }
0xa9: {  	[sflag:s1] =	ssyncadd.s32 $0xFFFFF800  }
0xaa: {  	_ =	swait.ge [sflag:s1], $0x800  }
0xab: {  	[sflag:s1] =	ssyncset.done $0x0  }
0xac: {  	[sflag:s1] =	ssyncadd.s32 $0xFFFFF800  }
0xad: {  	_ =	swait.ge [sflag:s1], $0x800  }
0xae: {  	[sflag:s1] =	ssyncset.done $0x0  }
0xaf: {  	s15 =	smov.u32 s18;
	s20 =	simm.s32 $0x0;
	[sflag:s1] =	ssyncadd.s32 $0xFFFFF800  }
.LBB2_5:
0xb0: {  	s0 =	sshra.s32 s20, $0x2  }
0xb1: {  	v0 =	vld [tilespmem:s0+$0x9E80];
	_ =	sdelay $0x1  }
0xb2: {  	v1 =	vld [tilespmem:s0+$0xA680];
	_ =	sdelay $0x4  }
0xb3: {  	v3 =	vld [tilespmem:s0+$0xC680]  }
0xb4: {  	v2 =	vld.idx.msk [tilespmem:v0+s29+$0x0], $0xffff;
	_ =	sdelay $0x1  }
0xb5: {  	v4 =	vld.idx.msk [tilespmem:v1+s30+$0x0], $0xffff;
	_ =	sdelay $0x2  }
0xb6: {  	v2 =	vadd.f32 v3, v2;
	_ =	sdelay $0x1  }
0xb7: {  	v2 =	vadd.f32 v2, v4;
	_ =	sdelay $0x1  }
0xb8: {  	v2 =	vsub.f32 $0.0e+00, v2;
	_ =	sdelay $0x1  }
0xb9: {  	v2 =	vmul.f32 $1.442695020e+00, v2;
	_ =	sdelay $0x1  }
0xba: {  	(erf) = vpow2.f32 v2;
	_ =	sdelay $0x5  }
0xbb: {  	v44 =	vld [tilespmem:s0+$0xAE80];
	_ =	sdelay $0x2  }
0xbc: {  	v45 =	vpop (erf)  }
0xbd: {  	v3 =	vadd.f32 $1.000000000e+00, v45  }
0xbe: {  	v0 =	vld.idx.msk [tilespmem:v0+s4+$0x0], $0xffff  }
0xbf: {  	v46 =	vld.idx.msk [tilespmem:v1+s28+$0x0], $0xffff;
	(erf) = vrcp.f32 v3;
	_ =	sdelay $0x1  }
0xc0: {  	v47 =	vld.idx.msk [tilespmem:v44+s31+$0x0], $0xffff;
	_ =	sdelay $0x2  }
0xc1: {  	v48 =	vld [tilespmem:s0+$0xBE80];
	v0 =	vadd.f32 v46, v0;
	_ =	sdelay $0x1  }
0xc2: {  	v0 =	vadd.f32 v47, v0;
	_ =	sdelay $0x1  }
0xc3: {  	v3 =	vmul.f32 $2.000000030e-01, v0;
	v5 =	vpop (erf)  }
0xc4: {  	vm0 =	vge.f32 v0, $0.0e+00;
	v4 =	vmul.f32 v5, v48  }
0xc5: {  	v0 =	vsel vm0, v0, v3  }
0xc6: {  	v0 =	vadd.f32 v4, v0;
	_ =	sdelay $0x1  }
0xc7: {  	v0 =	vmul.f32 $1.442695020e+00, v0;
	_ =	sdelay $0x1  }
0xc8: {  	(erf) = vpow2.f32 v0;
	_ =	sdelay $0x3  }
0xc9: {  	v49 =	vld [tilespmem:s0+$0x9E90];
	_ =	sdelay $0x1  }
0xca: {  	v50 =	vld [tilespmem:s0+$0xA690]  }
0xcb: {  	v1 =	vshll.u32 v1, $0x4  }
0xcc: {  	s22 =	sadd.s32 $0xFFFFFF90, s15;
	v1 =	vadd.s32 v44, v1  }
0xcd: {  	p1 =	slt.u32 s22, $0x4E200;
	[tilespmem:s0+$0xB680] =	vst v1;
	v51 =	vpop (erf)  }
0xce: {  	[tilespmem:s0+$0xCE80] =	vst v5;
	v4 =	vpsel !p1, $0x0, v51  }
0xcf: {  	v52 =	vld [tilespmem:s0+$0xC690];
	[tilespmem:s0+$0xD680] =	vst v4  }
0xd0: {  	v1 =	vld.idx.msk [tilespmem:v49+s29+$0x0], $0xffff;
	_ =	sdelay $0x1  }
0xd1: {  	v4 =	vld.idx.msk [tilespmem:v50+s30+$0x0], $0xffff;
	_ =	sdelay $0x2  }
0xd2: {  	v1 =	vadd.f32 v52, v1;
	_ =	sdelay $0x1  }
0xd3: {  	v1 =	vadd.f32 v1, v4;
	_ =	sdelay $0x1  }
0xd4: {  	v1 =	vsub.f32 $0.0e+00, v1;
	_ =	sdelay $0x1  }
0xd5: {  	v1 =	vmul.f32 $1.442695020e+00, v1;
	_ =	sdelay $0x1  }
0xd6: {  	(erf) = vpow2.f32 v1;
	_ =	sdelay $0x5  }
0xd7: {  	v53 =	vld [tilespmem:s0+$0xAE90];
	_ =	sdelay $0x2  }
0xd8: {  	v54 =	vpop (erf)  }
0xd9: {  	v2 =	vadd.f32 $1.000000000e+00, v54  }
0xda: {  	v0 =	vld.idx.msk [tilespmem:v49+s4+$0x0], $0xffff  }
0xdb: {  	v55 =	vld.idx.msk [tilespmem:v50+s28+$0x0], $0xffff;
	(erf) = vrcp.f32 v2;
	_ =	sdelay $0x1  }
0xdc: {  	v56 =	vld.idx.msk [tilespmem:v53+s31+$0x0], $0xffff;
	_ =	sdelay $0x2  }
0xdd: {  	v57 =	vld [tilespmem:s0+$0xBE90];
	v0 =	vadd.f32 v55, v0;
	_ =	sdelay $0x1  }
0xde: {  	v0 =	vadd.f32 v56, v0;
	_ =	sdelay $0x1  }
0xdf: {  	v2 =	vmul.f32 $2.000000030e-01, v0;
	v58 =	vpop (erf)  }
0xe0: {  	vm9 =	vge.f32 v0, $0.0e+00;
	v4 =	vmul.f32 v58, v57  }
0xe1: {  	v0 =	vsel vm9, v0, v2  }
0xe2: {  	v0 =	vadd.f32 v4, v0;
	_ =	sdelay $0x1  }
0xe3: {  	v0 =	vmul.f32 $1.442695020e+00, v0;
	_ =	sdelay $0x1  }
0xe4: {  	(erf) = vpow2.f32 v0;
	_ =	sdelay $0x3  }
0xe5: {  	v59 =	vld [tilespmem:s0+$0x9EA0];
	_ =	sdelay $0x1  }
0xe6: {  	v60 =	vld [tilespmem:s0+$0xA6A0]  }
0xe7: {  	v3 =	vshll.u32 v50, $0x4  }
0xe8: {  	s22 =	sadd.s32 $0xFFFFFFA0, s15;
	v1 =	vadd.s32 v53, v3  }
0xe9: {  	p5 =	slt.u32 s22, $0x4E200;
	[tilespmem:s0+$0xB690] =	vst v1;
	v61 =	vpop (erf)  }
0xea: {  	[tilespmem:s0+$0xCE90] =	vst v58;
	v4 =	vpsel !p5, $0x0, v61  }
0xeb: {  	v62 =	vld [tilespmem:s0+$0xC6A0];
	[tilespmem:s0+$0xD690] =	vst v4  }
0xec: {  	v1 =	vld.idx.msk [tilespmem:v59+s29+$0x0], $0xffff;
	_ =	sdelay $0x1  }
0xed: {  	v4 =	vld.idx.msk [tilespmem:v60+s30+$0x0], $0xffff;
	_ =	sdelay $0x2  }
0xee: {  	v1 =	vadd.f32 v62, v1;
	_ =	sdelay $0x1  }
0xef: {  	v1 =	vadd.f32 v1, v4;
	_ =	sdelay $0x1  }
0xf0: {  	v1 =	vsub.f32 $0.0e+00, v1;
	_ =	sdelay $0x1  }
0xf1: {  	v1 =	vmul.f32 $1.442695020e+00, v1;
	_ =	sdelay $0x1  }
0xf2: {  	(erf) = vpow2.f32 v1;
	_ =	sdelay $0x5  }
0xf3: {  	v63 =	vld [tilespmem:s0+$0xAEA0];
	_ =	sdelay $0x2  }
0xf4: {  	v7 =	vpop (erf)  }
0xf5: {  	v3 =	vadd.f32 $1.000000000e+00, v7  }
0xf6: {  	v0 =	vld.idx.msk [tilespmem:v59+s4+$0x0], $0xffff  }
0xf7: {  	v8 =	vld.idx.msk [tilespmem:v60+s28+$0x0], $0xffff;
	(erf) = vrcp.f32 v3;
	_ =	sdelay $0x1  }
0xf8: {  	v9 =	vld.idx.msk [tilespmem:v63+s31+$0x0], $0xffff;
	_ =	sdelay $0x2  }
0xf9: {  	v10 =	vld [tilespmem:s0+$0xBEA0];
	v0 =	vadd.f32 v8, v0;
	_ =	sdelay $0x1  }
0xfa: {  	v0 =	vadd.f32 v9, v0;
	_ =	sdelay $0x1  }
0xfb: {  	v3 =	vmul.f32 $2.000000030e-01, v0;
	v11 =	vpop (erf)  }
0xfc: {  	vm10 =	vge.f32 v0, $0.0e+00;
	v4 =	vmul.f32 v11, v10  }
0xfd: {  	v0 =	vsel vm10, v0, v3  }
0xfe: {  	v0 =	vadd.f32 v4, v0;
	_ =	sdelay $0x1  }
0xff: {  	v0 =	vmul.f32 $1.442695020e+00, v0;
	_ =	sdelay $0x1  }
0x100: {  	(erf) = vpow2.f32 v0;
	_ =	sdelay $0x3  }
0x101: {  	v12 =	vld [tilespmem:s0+$0x9EB0];
	_ =	sdelay $0x1  }
0x102: {  	v13 =	vld [tilespmem:s0+$0xA6B0]  }
0x103: {  	v2 =	vshll.u32 v60, $0x4  }
0x104: {  	s22 =	sadd.s32 $0xFFFFFFB0, s15;
	v1 =	vadd.s32 v63, v2  }
0x105: {  	p6 =	slt.u32 s22, $0x4E200;
	[tilespmem:s0+$0xB6A0] =	vst v1;
	v14 =	vpop (erf)  }
0x106: {  	[tilespmem:s0+$0xCEA0] =	vst v11;
	v4 =	vpsel !p6, $0x0, v14  }
0x107: {  	v15 =	vld [tilespmem:s0+$0xC6B0];
	[tilespmem:s0+$0xD6A0] =	vst v4  }
0x108: {  	v1 =	vld.idx.msk [tilespmem:v12+s29+$0x0], $0xffff;
	_ =	sdelay $0x1  }
0x109: {  	v4 =	vld.idx.msk [tilespmem:v13+s30+$0x0], $0xffff;
	_ =	sdelay $0x2  }
0x10a: {  	v1 =	vadd.f32 v15, v1;
	_ =	sdelay $0x1  }
0x10b: {  	v1 =	vadd.f32 v1, v4;
	_ =	sdelay $0x1  }
0x10c: {  	v1 =	vsub.f32 $0.0e+00, v1;
	_ =	sdelay $0x1  }
0x10d: {  	v1 =	vmul.f32 $1.442695020e+00, v1;
	_ =	sdelay $0x1  }
0x10e: {  	(erf) = vpow2.f32 v1;
	_ =	sdelay $0x5  }
0x10f: {  	v16 =	vld [tilespmem:s0+$0xAEB0];
	_ =	sdelay $0x2  }
0x110: {  	v17 =	vpop (erf)  }
0x111: {  	v2 =	vadd.f32 $1.000000000e+00, v17  }
0x112: {  	v0 =	vld.idx.msk [tilespmem:v12+s4+$0x0], $0xffff  }
0x113: {  	v18 =	vld.idx.msk [tilespmem:v13+s28+$0x0], $0xffff;
	(erf) = vrcp.f32 v2;
	_ =	sdelay $0x1  }
0x114: {  	v19 =	vld.idx.msk [tilespmem:v16+s31+$0x0], $0xffff;
	_ =	sdelay $0x2  }
0x115: {  	v20 =	vld [tilespmem:s0+$0xBEB0];
	v0 =	vadd.f32 v18, v0;
	_ =	sdelay $0x1  }
0x116: {  	v0 =	vadd.f32 v19, v0;
	_ =	sdelay $0x1  }
0x117: {  	v2 =	vmul.f32 $2.000000030e-01, v0;
	v21 =	vpop (erf)  }
0x118: {  	vm11 =	vge.f32 v0, $0.0e+00;
	v4 =	vmul.f32 v21, v20  }
0x119: {  	v0 =	vsel vm11, v0, v2  }
0x11a: {  	v0 =	vadd.f32 v4, v0;
	_ =	sdelay $0x1  }
0x11b: {  	v0 =	vmul.f32 $1.442695020e+00, v0;
	_ =	sdelay $0x1  }
0x11c: {  	(erf) = vpow2.f32 v0;
	_ =	sdelay $0x3  }
0x11d: {  	v22 =	vld [tilespmem:s0+$0x9EC0];
	_ =	sdelay $0x1  }
0x11e: {  	v23 =	vld [tilespmem:s0+$0xA6C0]  }
0x11f: {  	v3 =	vshll.u32 v13, $0x4  }
0x120: {  	s22 =	sadd.s32 $0xFFFFFFC0, s15;
	v1 =	vadd.s32 v16, v3  }
0x121: {  	p2 =	slt.u32 s22, $0x4E200;
	[tilespmem:s0+$0xB6B0] =	vst v1;
	v24 =	vpop (erf)  }
0x122: {  	[tilespmem:s0+$0xCEB0] =	vst v21;
	v4 =	vpsel !p2, $0x0, v24  }
0x123: {  	v25 =	vld [tilespmem:s0+$0xC6C0];
	[tilespmem:s0+$0xD6B0] =	vst v4  }
0x124: {  	v1 =	vld.idx.msk [tilespmem:v22+s29+$0x0], $0xffff;
	_ =	sdelay $0x1  }
0x125: {  	v4 =	vld.idx.msk [tilespmem:v23+s30+$0x0], $0xffff;
	_ =	sdelay $0x2  }
0x126: {  	v1 =	vadd.f32 v25, v1;
	_ =	sdelay $0x1  }
0x127: {  	v1 =	vadd.f32 v1, v4;
	_ =	sdelay $0x1  }
0x128: {  	v1 =	vsub.f32 $0.0e+00, v1;
	_ =	sdelay $0x1  }
0x129: {  	v1 =	vmul.f32 $1.442695020e+00, v1;
	_ =	sdelay $0x1  }
0x12a: {  	(erf) = vpow2.f32 v1;
	_ =	sdelay $0x5  }
0x12b: {  	v26 =	vld [tilespmem:s0+$0xAEC0];
	_ =	sdelay $0x2  }
0x12c: {  	v27 =	vpop (erf)  }
0x12d: {  	v3 =	vadd.f32 $1.000000000e+00, v27  }
0x12e: {  	v0 =	vld.idx.msk [tilespmem:v22+s4+$0x0], $0xffff  }
0x12f: {  	v28 =	vld.idx.msk [tilespmem:v23+s28+$0x0], $0xffff;
	(erf) = vrcp.f32 v3;
	_ =	sdelay $0x1  }
0x130: {  	v29 =	vld.idx.msk [tilespmem:v26+s31+$0x0], $0xffff;
	_ =	sdelay $0x2  }
0x131: {  	v30 =	vld [tilespmem:s0+$0xBEC0];
	v0 =	vadd.f32 v28, v0;
	_ =	sdelay $0x1  }
0x132: {  	v0 =	vadd.f32 v29, v0;
	_ =	sdelay $0x1  }
0x133: {  	v3 =	vmul.f32 $2.000000030e-01, v0;
	v31 =	vpop (erf)  }
0x134: {  	vm12 =	vge.f32 v0, $0.0e+00;
	v4 =	vmul.f32 v31, v30  }
0x135: {  	v0 =	vsel vm12, v0, v3  }
0x136: {  	v0 =	vadd.f32 v4, v0;
	_ =	sdelay $0x1  }
0x137: {  	v0 =	vmul.f32 $1.442695020e+00, v0;
	_ =	sdelay $0x1  }
0x138: {  	(erf) = vpow2.f32 v0;
	_ =	sdelay $0x3  }
0x139: {  	v32 =	vld [tilespmem:s0+$0x9ED0];
	_ =	sdelay $0x1  }
0x13a: {  	v33 =	vld [tilespmem:s0+$0xA6D0]  }
0x13b: {  	v2 =	vshll.u32 v23, $0x4  }
0x13c: {  	s22 =	sadd.s32 $0xFFFFFFD0, s15;
	v1 =	vadd.s32 v26, v2  }
0x13d: {  	p3 =	slt.u32 s22, $0x4E200;
	[tilespmem:s0+$0xB6C0] =	vst v1;
	v34 =	vpop (erf)  }
0x13e: {  	[tilespmem:s0+$0xCEC0] =	vst v31;
	v4 =	vpsel !p3, $0x0, v34  }
0x13f: {  	v35 =	vld [tilespmem:s0+$0xC6D0];
	[tilespmem:s0+$0xD6C0] =	vst v4  }
0x140: {  	v1 =	vld.idx.msk [tilespmem:v32+s29+$0x0], $0xffff;
	_ =	sdelay $0x1  }
0x141: {  	v4 =	vld.idx.msk [tilespmem:v33+s30+$0x0], $0xffff;
	_ =	sdelay $0x2  }
0x142: {  	v1 =	vadd.f32 v35, v1;
	_ =	sdelay $0x1  }
0x143: {  	v1 =	vadd.f32 v1, v4;
	_ =	sdelay $0x1  }
0x144: {  	v1 =	vsub.f32 $0.0e+00, v1;
	_ =	sdelay $0x1  }
0x145: {  	v1 =	vmul.f32 $1.442695020e+00, v1;
	_ =	sdelay $0x1  }
0x146: {  	(erf) = vpow2.f32 v1;
	_ =	sdelay $0x5  }
0x147: {  	v36 =	vld [tilespmem:s0+$0xAED0];
	_ =	sdelay $0x2  }
0x148: {  	v37 =	vpop (erf)  }
0x149: {  	v2 =	vadd.f32 $1.000000000e+00, v37  }
0x14a: {  	v0 =	vld.idx.msk [tilespmem:v32+s4+$0x0], $0xffff  }
0x14b: {  	v38 =	vld.idx.msk [tilespmem:v33+s28+$0x0], $0xffff;
	(erf) = vrcp.f32 v2;
	_ =	sdelay $0x1  }
0x14c: {  	v39 =	vld.idx.msk [tilespmem:v36+s31+$0x0], $0xffff;
	_ =	sdelay $0x2  }
0x14d: {  	v40 =	vld [tilespmem:s0+$0xBED0];
	v0 =	vadd.f32 v38, v0;
	_ =	sdelay $0x1  }
0x14e: {  	v0 =	vadd.f32 v39, v0;
	_ =	sdelay $0x1  }
0x14f: {  	v2 =	vmul.f32 $2.000000030e-01, v0;
	v41 =	vpop (erf)  }
0x150: {  	vm13 =	vge.f32 v0, $0.0e+00;
	v4 =	vmul.f32 v41, v40  }
0x151: {  	v0 =	vsel vm13, v0, v2  }
0x152: {  	v0 =	vadd.f32 v4, v0;
	_ =	sdelay $0x1  }
0x153: {  	v0 =	vmul.f32 $1.442695020e+00, v0;
	_ =	sdelay $0x1  }
0x154: {  	(erf) = vpow2.f32 v0;
	_ =	sdelay $0x3  }
0x155: {  	v42 =	vld [tilespmem:s0+$0x9EE0];
	_ =	sdelay $0x1  }
0x156: {  	v43 =	vld [tilespmem:s0+$0xA6E0]  }
0x157: {  	v3 =	vshll.u32 v33, $0x4  }
0x158: {  	s22 =	sadd.s32 $0xFFFFFFE0, s15;
	v1 =	vadd.s32 v36, v3  }
0x159: {  	p4 =	slt.u32 s22, $0x4E200;
	[tilespmem:s0+$0xB6D0] =	vst v1;
	v44 =	vpop (erf)  }
0x15a: {  	[tilespmem:s0+$0xCED0] =	vst v41;
	v4 =	vpsel !p4, $0x0, v44  }
0x15b: {  	v45 =	vld [tilespmem:s0+$0xC6E0];
	[tilespmem:s0+$0xD6D0] =	vst v4  }
0x15c: {  	v1 =	vld.idx.msk [tilespmem:v42+s29+$0x0], $0xffff;
	_ =	sdelay $0x1  }
0x15d: {  	v4 =	vld.idx.msk [tilespmem:v43+s30+$0x0], $0xffff;
	_ =	sdelay $0x2  }
0x15e: {  	v1 =	vadd.f32 v45, v1;
	_ =	sdelay $0x1  }
0x15f: {  	v1 =	vadd.f32 v1, v4;
	_ =	sdelay $0x1  }
0x160: {  	v1 =	vsub.f32 $0.0e+00, v1;
	_ =	sdelay $0x1  }
0x161: {  	v1 =	vmul.f32 $1.442695020e+00, v1;
	_ =	sdelay $0x1  }
0x162: {  	(erf) = vpow2.f32 v1;
	_ =	sdelay $0x5  }
0x163: {  	v46 =	vld [tilespmem:s0+$0xAEE0];
	_ =	sdelay $0x2  }
0x164: {  	v47 =	vpop (erf)  }
0x165: {  	v3 =	vadd.f32 $1.000000000e+00, v47  }
0x166: {  	v0 =	vld.idx.msk [tilespmem:v42+s4+$0x0], $0xffff  }
0x167: {  	v48 =	vld.idx.msk [tilespmem:v43+s28+$0x0], $0xffff;
	(erf) = vrcp.f32 v3;
	_ =	sdelay $0x1  }
0x168: {  	v49 =	vld.idx.msk [tilespmem:v46+s31+$0x0], $0xffff;
	_ =	sdelay $0x2  }
0x169: {  	v50 =	vld [tilespmem:s0+$0xBEE0];
	v0 =	vadd.f32 v48, v0;
	_ =	sdelay $0x1  }
0x16a: {  	v0 =	vadd.f32 v49, v0;
	_ =	sdelay $0x1  }
0x16b: {  	v3 =	vmul.f32 $2.000000030e-01, v0;
	v51 =	vpop (erf)  }
0x16c: {  	vm14 =	vge.f32 v0, $0.0e+00;
	v4 =	vmul.f32 v51, v50  }
0x16d: {  	v0 =	vsel vm14, v0, v3  }
0x16e: {  	v0 =	vadd.f32 v4, v0;
	_ =	sdelay $0x1  }
0x16f: {  	v0 =	vmul.f32 $1.442695020e+00, v0;
	_ =	sdelay $0x1  }
0x170: {  	(erf) = vpow2.f32 v0;
	_ =	sdelay $0x3  }
0x171: {  	v52 =	vld [tilespmem:s0+$0x9EF0];
	_ =	sdelay $0x1  }
0x172: {  	v53 =	vld [tilespmem:s0+$0xA6F0]  }
0x173: {  	v2 =	vshll.u32 v43, $0x4  }
0x174: {  	s22 =	sadd.s32 $0xFFFFFFF0, s15;
	v1 =	vadd.s32 v46, v2  }
0x175: {  	p5 =	slt.u32 s22, $0x4E200;
	[tilespmem:s0+$0xB6E0] =	vst v1;
	v54 =	vpop (erf)  }
0x176: {  	[tilespmem:s0+$0xCEE0] =	vst v51;
	v4 =	vpsel !p5, $0x0, v54  }
0x177: {  	v55 =	vld [tilespmem:s0+$0xC6F0];
	[tilespmem:s0+$0xD6E0] =	vst v4  }
0x178: {  	v1 =	vld.idx.msk [tilespmem:v52+s29+$0x0], $0xffff;
	_ =	sdelay $0x1  }
0x179: {  	v4 =	vld.idx.msk [tilespmem:v53+s30+$0x0], $0xffff;
	_ =	sdelay $0x2  }
0x17a: {  	v1 =	vadd.f32 v55, v1;
	_ =	sdelay $0x1  }
0x17b: {  	v1 =	vadd.f32 v1, v4;
	_ =	sdelay $0x1  }
0x17c: {  	v1 =	vsub.f32 $0.0e+00, v1;
	_ =	sdelay $0x1  }
0x17d: {  	v1 =	vmul.f32 $1.442695020e+00, v1;
	_ =	sdelay $0x1  }
0x17e: {  	(erf) = vpow2.f32 v1;
	_ =	sdelay $0x5  }
0x17f: {  	v56 =	vld [tilespmem:s0+$0xAEF0];
	_ =	sdelay $0x2  }
0x180: {  	v57 =	vpop (erf)  }
0x181: {  	v2 =	vadd.f32 $1.000000000e+00, v57  }
0x182: {  	v0 =	vld.idx.msk [tilespmem:v52+s4+$0x0], $0xffff  }
0x183: {  	v58 =	vld.idx.msk [tilespmem:v53+s28+$0x0], $0xffff;
	(erf) = vrcp.f32 v2;
	_ =	sdelay $0x1  }
0x184: {  	v59 =	vld.idx.msk [tilespmem:v56+s31+$0x0], $0xffff;
	_ =	sdelay $0x2  }
0x185: {  	v60 =	vld [tilespmem:s0+$0xBEF0];
	v0 =	vadd.f32 v58, v0;
	_ =	sdelay $0x1  }
0x186: {  	v0 =	vadd.f32 v59, v0;
	_ =	sdelay $0x1  }
0x187: {  	v2 =	vmul.f32 $2.000000030e-01, v0;
	v61 =	vpop (erf)  }
0x188: {  	vm15 =	vge.f32 v0, $0.0e+00;
	v4 =	vmul.f32 v61, v60  }
0x189: {  	v0 =	vsel vm15, v0, v2  }
0x18a: {  	v0 =	vadd.f32 v4, v0;
	_ =	sdelay $0x1  }
0x18b: {  	v0 =	vmul.f32 $1.442695020e+00, v0;
	_ =	sdelay $0x1  }
0x18c: {  	(erf) = vpow2.f32 v0;
	_ =	sdelay $0x5  }
0x18d: {  	p1 =	sne.s32 s20, $0x1E00  }
.Ltmp1:
0x18e: {  	v62 =	vshll.u32 v53, $0x4;
	(pc) =	sbr.rel @p1 .LBB2_5-.Ltmp1, $4  }
0x18f: {  	v63 =	vadd.s32 v56, v62  }
0x190: {  	p6 =	slt.u32 s15, $0x4E200;
	[tilespmem:s0+$0xB6F0] =	vst v63;
	v0 =	vpop (erf)  }
0x191: {  	[tilespmem:s0+$0xCEF0] =	vst v61;
	v0 =	vpsel !p6, $0x0, v0  }
0x192: {  	s20 =	sadd.s32 $0x200, s20;
	s15 =	sadd.s32 $0x80, s15;
	[tilespmem:s0+$0xD6F0] =	vst v0  }
0x193: {  	s0 =	rddreg [dreg:$0x11]  }
0x194: {  	s15 =	simm.s32 $0xCE80;
	s0 =	sadd.s32 s0, s17  }
0x195: {  	[hbm4b:s0+s4] =	stream.linear.scatter [tilespmem:s15], [sflag:$0x2], $0x800, $0x38;
	[tilespmem:$0x12F88] =	vst v63  }
0x196: {  	_ =	swait.ge [sflag:s26], $0x800  }
0x197: {  	[sflag:s26] =	ssyncset.done $0x0;
	s15 =	rddreg [dreg:$0x12]  }
0x198: {  	[sflag:s26] =	ssyncadd.s32 $0xFFFFF800;
	s0 =	sadd.s32 s15, s17  }
0x199: {  	[hbm4b:s0+s4] =	stream.linear.scatter [tilespmem:s11], [sflag:$0x2], $0x800, $0x38;
	[tilespmem:$0x12F88] =	vst v63  }
0x19a: {  	_ =	swait.ge [sflag:s26], $0x800  }
0x19b: {  	[sflag:s26] =	ssyncset.done $0x0  }
0x19c: {  	s22 =	simm.s32 $0xA680;
	[sflag:s26] =	ssyncadd.s32 $0xFFFFF800  }
0x19d: {  	[spmem:s2] =	stream.indirect.scatter.add.f32 [tilespmem:s11], [sflag:$0x2], $0x1, s22, s12, $0xb8;
	[tilespmem:$0x12F88] =	vst v63  }
0x19e: {  	_ =	swait.ge [sflag:s26], $0x80  }
0x19f: {  	[sflag:s26] =	ssyncset.done $0x0  }
0x1a0: {  	s20 =	simm.s32 $0xB680;
	[sflag:s26] =	ssyncadd.s32 $0xFFFFFF80  }
0x1a1: {  	[spmem:s3] =	stream.indirect.scatter.add.f32 [tilespmem:s11], [sflag:$0x2], $0x1, s20, s12, $0xb8;
	[tilespmem:$0x12F88] =	vst v63  }
0x1a2: {  	_ =	swait.ge [sflag:s26], $0x80  }
0x1a3: {  	[sflag:s26] =	ssyncset.done $0x0  }
0x1a4: {  	s15 =	simm.s32 $0xA700;
	s17 =	simm.s32 $0xD700;
	[sflag:s26] =	ssyncadd.s32 $0xFFFFFF80  }
0x1a5: {  	[spmem:s2] =	stream.indirect.scatter.add.f32 [tilespmem:s17], [sflag:$0x2], $0x1, s15, s12, $0xb8;
	[tilespmem:$0x12F88] =	vst v63  }
0x1a6: {  	_ =	swait.ge [sflag:s26], $0x80  }
0x1a7: {  	[sflag:s26] =	ssyncset.done $0x0  }
0x1a8: {  	s20 =	simm.s32 $0xB700;
	[sflag:s26] =	ssyncadd.s32 $0xFFFFFF80  }
0x1a9: {  	[spmem:s3] =	stream.indirect.scatter.add.f32 [tilespmem:s17], [sflag:$0x2], $0x1, s20, s12, $0xb8;
	[tilespmem:$0x12F88] =	vst v63  }
0x1aa: {  	_ =	swait.ge [sflag:s26], $0x80  }
0x1ab: {  	[sflag:s26] =	ssyncset.done $0x0  }
0x1ac: {  	s15 =	simm.s32 $0xA780;
	s17 =	simm.s32 $0xD780;
	[sflag:s26] =	ssyncadd.s32 $0xFFFFFF80  }
0x1ad: {  	[spmem:s2] =	stream.indirect.scatter.add.f32 [tilespmem:s17], [sflag:$0x2], $0x1, s15, s12, $0xb8;
	[tilespmem:$0x12F88] =	vst v63  }
0x1ae: {  	_ =	swait.ge [sflag:s26], $0x80  }
0x1af: {  	[sflag:s26] =	ssyncset.done $0x0  }
0x1b0: {  	s20 =	simm.s32 $0xB780;
	[sflag:s26] =	ssyncadd.s32 $0xFFFFFF80  }
0x1b1: {  	[spmem:s3] =	stream.indirect.scatter.add.f32 [tilespmem:s17], [sflag:$0x2], $0x1, s20, s12, $0xb8;
	[tilespmem:$0x12F88] =	vst v63  }
0x1b2: {  	_ =	swait.ge [sflag:s26], $0x80  }
0x1b3: {  	[sflag:s26] =	ssyncset.done $0x0  }
0x1b4: {  	s15 =	simm.s32 $0xA800;
	s17 =	simm.s32 $0xD800;
	[sflag:s26] =	ssyncadd.s32 $0xFFFFFF80  }
0x1b5: {  	[spmem:s2] =	stream.indirect.scatter.add.f32 [tilespmem:s17], [sflag:$0x2], $0x1, s15, s12, $0xb8;
	[tilespmem:$0x12F88] =	vst v63  }
0x1b6: {  	_ =	swait.ge [sflag:s26], $0x80  }
0x1b7: {  	[sflag:s26] =	ssyncset.done $0x0  }
0x1b8: {  	s20 =	simm.s32 $0xB800;
	[sflag:s26] =	ssyncadd.s32 $0xFFFFFF80  }
0x1b9: {  	[spmem:s3] =	stream.indirect.scatter.add.f32 [tilespmem:s17], [sflag:$0x2], $0x1, s20, s12, $0xb8;
	[tilespmem:$0x12F88] =	vst v63  }
0x1ba: {  	_ =	swait.ge [sflag:s26], $0x80  }
0x1bb: {  	[sflag:s26] =	ssyncset.done $0x0  }
0x1bc: {  	s15 =	simm.s32 $0xA880;
	[sflag:s26] =	ssyncadd.s32 $0xFFFFFF80  }
0x1bd: {  	[spmem:s2] =	stream.indirect.scatter.add.f32 [tilespmem:s13], [sflag:$0x2], $0x1, s15, s12, $0xb8;
	[tilespmem:$0x12F88] =	vst v63  }
0x1be: {  	_ =	swait.ge [sflag:s26], $0x80  }
0x1bf: {  	[sflag:s26] =	ssyncset.done $0x0  }
0x1c0: {  	s17 =	simm.s32 $0xB880;
	[sflag:s26] =	ssyncadd.s32 $0xFFFFFF80  }
0x1c1: {  	[spmem:s3] =	stream.indirect.scatter.add.f32 [tilespmem:s13], [sflag:$0x2], $0x1, s17, s12, $0xb8;
	[tilespmem:$0x12F88] =	vst v63  }
0x1c2: {  	_ =	swait.ge [sflag:s26], $0x80  }
0x1c3: {  	[sflag:s26] =	ssyncset.done $0x0  }
0x1c4: {  	s20 =	simm.s32 $0xA900;
	[sflag:s26] =	ssyncadd.s32 $0xFFFFFF80  }
0x1c5: {  	[spmem:s2] =	stream.indirect.scatter.add.f32 [tilespmem:s25], [sflag:$0x2], $0x1, s20, s12, $0xb8;
	[tilespmem:$0x12F88] =	vst v63  }
0x1c6: {  	_ =	swait.ge [sflag:s26], $0x80  }
0x1c7: {  	[sflag:s26] =	ssyncset.done $0x0  }
0x1c8: {  	s15 =	simm.s32 $0xB900;
	[sflag:s26] =	ssyncadd.s32 $0xFFFFFF80  }
0x1c9: {  	[spmem:s3] =	stream.indirect.scatter.add.f32 [tilespmem:s25], [sflag:$0x2], $0x1, s15, s12, $0xb8;
	[tilespmem:$0x12F88] =	vst v63  }
0x1ca: {  	_ =	swait.ge [sflag:s26], $0x80  }
0x1cb: {  	[sflag:s26] =	ssyncset.done $0x0  }
0x1cc: {  	s17 =	simm.s32 $0xA980;
	[sflag:s26] =	ssyncadd.s32 $0xFFFFFF80  }
0x1cd: {  	[spmem:s2] =	stream.indirect.scatter.add.f32 [tilespmem:s23], [sflag:$0x2], $0x1, s17, s12, $0xb8;
	[tilespmem:$0x12F88] =	vst v63  }
0x1ce: {  	_ =	swait.ge [sflag:s26], $0x80  }
0x1cf: {  	[sflag:s26] =	ssyncset.done $0x0  }
0x1d0: {  	s20 =	simm.s32 $0xB980;
	[sflag:s26] =	ssyncadd.s32 $0xFFFFFF80  }
0x1d1: {  	[spmem:s3] =	stream.indirect.scatter.add.f32 [tilespmem:s23], [sflag:$0x2], $0x1, s20, s12, $0xb8;
	[tilespmem:$0x12F88] =	vst v63  }
0x1d2: {  	_ =	swait.ge [sflag:s26], $0x80  }
0x1d3: {  	[sflag:s26] =	ssyncset.done $0x0  }
0x1d4: {  	s15 =	simm.s32 $0xAA00;
	[sflag:s26] =	ssyncadd.s32 $0xFFFFFF80  }
0x1d5: {  	[spmem:s2] =	stream.indirect.scatter.add.f32 [tilespmem:s24], [sflag:$0x2], $0x1, s15, s12, $0xb8;
	[tilespmem:$0x12F88] =	vst v63  }
0x1d6: {  	_ =	swait.ge [sflag:s26], $0x80  }
0x1d7: {  	[sflag:s26] =	ssyncset.done $0x0  }
0x1d8: {  	s17 =	simm.s32 $0xBA00;
	[sflag:s26] =	ssyncadd.s32 $0xFFFFFF80  }
0x1d9: {  	[spmem:s3] =	stream.indirect.scatter.add.f32 [tilespmem:s24], [sflag:$0x2], $0x1, s17, s12, $0xb8;
	[tilespmem:$0x12F88] =	vst v63  }
0x1da: {  	_ =	swait.ge [sflag:s26], $0x80  }
0x1db: {  	[sflag:s26] =	ssyncset.done $0x0  }
0x1dc: {  	s20 =	simm.s32 $0xAA80;
	[sflag:s26] =	ssyncadd.s32 $0xFFFFFF80  }
0x1dd: {  	[spmem:s2] =	stream.indirect.scatter.add.f32 [tilespmem:s10], [sflag:$0x2], $0x1, s20, s12, $0xb8;
	[tilespmem:$0x12F88] =	vst v63  }
0x1de: {  	_ =	swait.ge [sflag:s26], $0x80  }
0x1df: {  	[sflag:s26] =	ssyncset.done $0x0  }
0x1e0: {  	s15 =	simm.s32 $0xBA80;
	[sflag:s26] =	ssyncadd.s32 $0xFFFFFF80  }
0x1e1: {  	[spmem:s3] =	stream.indirect.scatter.add.f32 [tilespmem:s10], [sflag:$0x2], $0x1, s15, s12, $0xb8;
	[tilespmem:$0x12F88] =	vst v63  }
0x1e2: {  	_ =	swait.ge [sflag:s26], $0x80  }
0x1e3: {  	[sflag:s26] =	ssyncset.done $0x0  }
0x1e4: {  	s17 =	simm.s32 $0xAB00;
	[sflag:s26] =	ssyncadd.s32 $0xFFFFFF80  }
0x1e5: {  	[spmem:s2] =	stream.indirect.scatter.add.f32 [tilespmem:s21], [sflag:$0x2], $0x1, s17, s12, $0xb8;
	[tilespmem:$0x12F88] =	vst v63  }
0x1e6: {  	_ =	swait.ge [sflag:s26], $0x80  }
0x1e7: {  	[sflag:s26] =	ssyncset.done $0x0  }
0x1e8: {  	s20 =	simm.s32 $0xBB00;
	[sflag:s26] =	ssyncadd.s32 $0xFFFFFF80  }
0x1e9: {  	[spmem:s3] =	stream.indirect.scatter.add.f32 [tilespmem:s21], [sflag:$0x2], $0x1, s20, s12, $0xb8;
	[tilespmem:$0x12F88] =	vst v63  }
0x1ea: {  	_ =	swait.ge [sflag:s26], $0x80  }
0x1eb: {  	[sflag:s26] =	ssyncset.done $0x0  }
0x1ec: {  	s15 =	simm.s32 $0xAB80;
	[sflag:s26] =	ssyncadd.s32 $0xFFFFFF80  }
0x1ed: {  	[spmem:s2] =	stream.indirect.scatter.add.f32 [tilespmem:s19], [sflag:$0x2], $0x1, s15, s12, $0xb8;
	[tilespmem:$0x12F88] =	vst v63  }
0x1ee: {  	_ =	swait.ge [sflag:s26], $0x80  }
0x1ef: {  	[sflag:s26] =	ssyncset.done $0x0  }
0x1f0: {  	s17 =	simm.s32 $0xBB80;
	[sflag:s26] =	ssyncadd.s32 $0xFFFFFF80  }
0x1f1: {  	[spmem:s3] =	stream.indirect.scatter.add.f32 [tilespmem:s19], [sflag:$0x2], $0x1, s17, s12, $0xb8;
	[tilespmem:$0x12F88] =	vst v63  }
0x1f2: {  	_ =	swait.ge [sflag:s26], $0x80  }
0x1f3: {  	[sflag:s26] =	ssyncset.done $0x0  }
0x1f4: {  	s20 =	simm.s32 $0xAC00;
	[sflag:s26] =	ssyncadd.s32 $0xFFFFFF80  }
0x1f5: {  	[spmem:s2] =	stream.indirect.scatter.add.f32 [tilespmem:s14], [sflag:$0x2], $0x1, s20, s12, $0xb8;
	[tilespmem:$0x12F88] =	vst v63  }
0x1f6: {  	_ =	swait.ge [sflag:s26], $0x80  }
0x1f7: {  	[sflag:s26] =	ssyncset.done $0x0  }
0x1f8: {  	s15 =	simm.s32 $0xBC00;
	[sflag:s26] =	ssyncadd.s32 $0xFFFFFF80  }
0x1f9: {  	[spmem:s3] =	stream.indirect.scatter.add.f32 [tilespmem:s14], [sflag:$0x2], $0x1, s15, s12, $0xb8;
	[tilespmem:$0x12F88] =	vst v63  }
0x1fa: {  	_ =	swait.ge [sflag:s26], $0x80  }
0x1fb: {  	[sflag:s26] =	ssyncset.done $0x0  }
0x1fc: {  	s17 =	simm.s32 $0xAC80;
	[sflag:s26] =	ssyncadd.s32 $0xFFFFFF80  }
0x1fd: {  	[spmem:s2] =	stream.indirect.scatter.add.f32 [tilespmem:s5], [sflag:$0x2], $0x1, s17, s12, $0xb8;
	[tilespmem:$0x12F88] =	vst v63  }
0x1fe: {  	_ =	swait.ge [sflag:s26], $0x80  }
0x1ff: {  	[sflag:s26] =	ssyncset.done $0x0  }
0x200: {  	s20 =	simm.s32 $0xBC80;
	[sflag:s26] =	ssyncadd.s32 $0xFFFFFF80  }
0x201: {  	[spmem:s3] =	stream.indirect.scatter.add.f32 [tilespmem:s5], [sflag:$0x2], $0x1, s20, s12, $0xb8;
	[tilespmem:$0x12F88] =	vst v63  }
0x202: {  	_ =	swait.ge [sflag:s26], $0x80  }
0x203: {  	[sflag:s26] =	ssyncset.done $0x0  }
0x204: {  	s15 =	simm.s32 $0xAD00;
	[sflag:s26] =	ssyncadd.s32 $0xFFFFFF80  }
0x205: {  	[spmem:s2] =	stream.indirect.scatter.add.f32 [tilespmem:s6], [sflag:$0x2], $0x1, s15, s12, $0xb8;
	[tilespmem:$0x12F88] =	vst v63  }
0x206: {  	_ =	swait.ge [sflag:s26], $0x80  }
0x207: {  	[sflag:s26] =	ssyncset.done $0x0  }
0x208: {  	s17 =	simm.s32 $0xBD00;
	[sflag:s26] =	ssyncadd.s32 $0xFFFFFF80  }
0x209: {  	[spmem:s3] =	stream.indirect.scatter.add.f32 [tilespmem:s6], [sflag:$0x2], $0x1, s17, s12, $0xb8;
	[tilespmem:$0x12F88] =	vst v63  }
0x20a: {  	_ =	swait.ge [sflag:s26], $0x80  }
0x20b: {  	[sflag:s26] =	ssyncset.done $0x0  }
0x20c: {  	s20 =	simm.s32 $0xAD80;
	[sflag:s26] =	ssyncadd.s32 $0xFFFFFF80  }
0x20d: {  	[spmem:s2] =	stream.indirect.scatter.add.f32 [tilespmem:s7], [sflag:$0x2], $0x1, s20, s12, $0xb8;
	[tilespmem:$0x12F88] =	vst v63  }
0x20e: {  	_ =	swait.ge [sflag:s26], $0x80  }
0x20f: {  	[sflag:s26] =	ssyncset.done $0x0  }
0x210: {  	s15 =	simm.s32 $0xBD80;
	[sflag:s26] =	ssyncadd.s32 $0xFFFFFF80  }
0x211: {  	[spmem:s3] =	stream.indirect.scatter.add.f32 [tilespmem:s7], [sflag:$0x2], $0x1, s15, s12, $0xb8;
	[tilespmem:$0x12F88] =	vst v63  }
0x212: {  	_ =	swait.ge [sflag:s26], $0x80  }
0x213: {  	[sflag:s26] =	ssyncset.done $0x0  }
0x214: {  	s17 =	simm.s32 $0xAE00;
	[sflag:s26] =	ssyncadd.s32 $0xFFFFFF80  }
0x215: {  	[spmem:s2] =	stream.indirect.scatter.add.f32 [tilespmem:s8], [sflag:$0x2], $0x1, s17, s12, $0xb8;
	[tilespmem:$0x12F88] =	vst v63  }
0x216: {  	s16 =	sadd.s32 $0x1, s16;
	_ =	swait.ge [sflag:s26], $0x80  }
0x217: {  	p1 =	sne.s32 s16, $0x5;
	[sflag:s26] =	ssyncset.done $0x0  }
.Ltmp2:
0x218: {  	s20 =	simm.s32 $0xBE00;
	[sflag:s26] =	ssyncadd.s32 $0xFFFFFF80;
	(pc) =	sbr.rel @p1 .LBB2_4-.Ltmp2, $4  }
0x219: {  	[spmem:s3] =	stream.indirect.scatter.add.f32 [tilespmem:s8], [sflag:$0x2], $0x1, s20, s12, $0xb8;
	[tilespmem:$0x12F88] =	vst v63  }
0x21a: {  	_ =	swait.ge [sflag:s26], $0x80  }
0x21b: {  	[sflag:s26] =	ssyncset.done $0x0  }
0x21c: {  	s18 =	sadd.s32 $0x800, s18;
	[sflag:s26] =	ssyncadd.s32 $0xFFFFFF80  }
0x21d: {  	[bflag:$0x0] =	sbarrier.arrive $0xFFFF  }
0x21e: {  	s0 =	sshrl.u32 @!p0 s2, $0x3;
	s9 =	simm.s32 @!p0 $0x1;
	s15 =	simm.s32 @!p0 $0x20  }
0x21f: {  	s16 =	simm.s32 @!p0 $0x10;
	s17 =	simm.s32 @!p0 $0x1C02;
	s18 =	rddreg [dreg:$0x15]  }
0x220: {  	[hbm:s18@s15], [sflag:s17] =	dma.strided @!p0 [spmem:s0@s16], $0x4F0, s9, $0x10   }
0x221: {  	s0 =	simm.s32 @!p0 $0x2  }
0x222: {  	_ =	swait.ge @!p0 [sflag:s0], $0x4F0  }
0x223: {  	[sflag:s0] =	ssyncset.done @!p0 $0x0  }
0x224: {  	s18 =	sshrl.u32 @!p0 s3, $0x3;
	s20 =	rddreg [dreg:$0x16];
	[sflag:s0] =	ssyncadd.s32 @!p0 $0xFFFFFB10  }
0x225: {  	[hbm:s20@s15], [sflag:s17] =	dma.strided @!p0 [spmem:s18@s16], $0x4E20, s9, $0x10   }
0x226: {  	_ =	swait.ge @!p0 [sflag:s0], $0x4E20  }
0x227: {  	s18 =	sld [smem:$0x7F6];
	_ =	sdelay $0x2  }
0x228: {  	s20 =	rddreg [dreg:$0x1a];
	s15 =	sadd.s32 $0x1, s18  }
0x229: {  	p1 =	sne.s32 s15, s20  }
.Ltmp3:
0x22a: {  	_ = 	snop;
	(pc) =	sbr.rel @p1 .LBB2_1-.Ltmp3, $3  }
0x22b: {  	_ =	sdelay $0x1  }
0x22c: {  	[sflag:s0] =	ssyncset.done @!p0 $0x0  }
0x22d: {  	[sflag:s0] =	ssyncadd.s32 @!p0 $0xFFFFB1E0  }
0x22e: {  	_ =	sfence.sel $0x180000  }
0x22f: {  	[bflag:$0x0] =	sbarrier.arrive $0xFFFF  }
0x230: {  	_ =	strace $0x90000047  }
0x231: {  	[bflag:$0x2] =	sbarrier.arrive $0xFFFF  }
0x232: {  	s0 =	rddreg [dreg:$0x6]  }
0x233: {  	s0 =	sadd.s32 @!p0 $0x100000, s0  }
0x234: {  	[sflag:s0] =	ssyncadd.tile.s32 @!p0 $0x1;
	_ =	shalt  }
.Lfunc_end2:
_tile_overlayer_lowered:
.L_overlay_start_2:
0x235: {  	(tag) =	ssettag $0x2  }
0x236: {  	s0 =	rddreg [dreg:$0x0];
	s2 =	stileid.u32  }
0x237: {  	s1 =	rddreg [dreg:$0x1];
	p0 =	sne.s32 s2, $0x0  }
0x238: {  	s3 =	rddreg [dreg:$0x2];
	[bflag:$0x3] =	sbarrier.arrive $0xFFFF;
	s2 =	simm.s32 @!p0 $0x1C02  }
0x239: {  	[timem:s3], [sflag:s2] =	dma.local @!p0 [hbm:s0], s1  }
0x23a: {  	s0 =	simm.s32 @!p0 $0x2  }
0x23b: {  	_ =	swait.ge @!p0 [sflag:s0], s1  }
0x23c: {  	s1 =	ssub.s32 @!p0 $0x0, s1;
	[sflag:s0] =	ssyncset.done @!p0 $0x0  }
0x23d: {  	[sflag:s0] =	ssyncadd.s32 @!p0 s1  }
0x23e: {  	[bflag:$0x3] =	sbarrier.arrive $0xFFFF  }
0x23f: {  	_ =	shalt  }

</sc_bundles>
